<compile_context>
chip_gen: v7x
topology: tpu7x:2x2x1
jax: 0.10.2.dev20260603
libtpu: 0.0.44.dev20260713+nightly
codegen_flags: <defaults>
</compile_context>

<pallas_src>
import jax
import jax.numpy as jnp
from jax import lax
from jax.experimental import pallas as pl
from jax.experimental.pallas import tpu as pltpu
from jax.experimental.pallas import tpu_sc as plsc

N = 10000
E = 320000
D_IN = 128
D_H = 256
D_OUT = 128

_NSUB = 16
_H = 128
_C2 = 64
_EPAD = 327680
_EROWS2 = _EPAD // _C2
_RPS2 = _EROWS2 // _NSUB
_SLAB = 32
_NSLAB = _RPS2 // _SLAB
_NACC = N + 8
_NODE_ROWS = 624
_NODE_EXTRA = N - _NSUB * _NODE_ROWS
_ZC = 52
_CCHUNK = 128
_CEROWS = _EPAD // _CCHUNK
_CROWS = _CEROWS // 32
_PREC = lax.Precision.HIGHEST



def _make_sc_scatter():
    out_type = tuple([jax.ShapeDtypeStruct((N, _H), jnp.float32)] * 2)

    scratch = [
        pltpu.VMEM((2, _SLAB, _C2), jnp.int32),
        pltpu.VMEM((2, _SLAB, _C2), jnp.int32),
        pltpu.VMEM((5, _C2, _H), jnp.float32),
        pltpu.VMEM_SHARED((_NACC, _H), jnp.float32),
        pltpu.SemaphoreType.DMA,
        pltpu.SemaphoreType.DMA,
        pltpu.SemaphoreType.DMA,
    ]

    mesh = plsc.VectorSubcoreMesh(core_axis_name="c", subcore_axis_name="s")

    def body(tA, tB, src2d, dst2d,
             oA, oB, srcsl, dstsl, rb, acc, semg, sems, semi):
        cid = lax.axis_index("c")
        sid = lax.axis_index("s")
        last = sid == _NSUB - 1
        r0 = sid * _NODE_ROWS
        base = sid * _RPS2

        def run_core(t_ref, out_ref):
            _fill_rows(rb.at[0], _ZC, _H, 0.0)
            _zero_shared(acc, rb.at[0], r0, last)
            plsc.subcore_barrier()

            dummy_g = t_ref.at[pl.ds(0, _C2)]
            dummy_i = src2d.at[pl.ds(0, _SLAB)]

            def drain_g():
                pltpu.make_async_copy(dummy_g, rb.at[0], semg).wait()

            def drain_s():
                pltpu.make_async_copy(dummy_g, rb.at[0], sems).wait()

            def drain_i():
                pltpu.make_async_copy(dummy_i, srcsl.at[0], semi).wait()

            pltpu.sync_copy(src2d.at[pl.ds(base, _SLAB)], srcsl.at[0])
            pltpu.sync_copy(dst2d.at[pl.ds(base, _SLAB)], dstsl.at[0])
            for p in range(3):
                pltpu.async_copy(t_ref.at[srcsl.at[0, p]], rb.at[p], semg)

            def slab_loop(k, _):
                kb = lax.rem(k, 2)
                nb = lax.rem(k + 1, 2)

                @pl.when(k + 1 < _NSLAB)
                def _():
                    off = base + (k + 1) * _SLAB
                    pltpu.async_copy(src2d.at[pl.ds(off, _SLAB)],
                                     srcsl.at[nb], semi)
                    pltpu.async_copy(dst2d.at[pl.ds(off, _SLAB)],
                                     dstsl.at[nb], semi)

                def step(i, _):
                    j = k * _SLAB + i
                    b = lax.rem(j, 5)
                    drain_g()
                    pltpu.async_copy(rb.at[b], acc.at[dstsl.at[kb, i]],
                                     sems, add=True)
                    @pl.when(j >= 2)
                    def _():
                        drain_s()
                    @pl.when(jnp.logical_and(i == _SLAB - 3,
                                             k + 1 < _NSLAB))
                    def _():
                        drain_i()
                        drain_i()
                    @pl.when(j + 3 < _RPS2)
                    def _():
                        bn = rb.at[lax.rem(j + 3, 5)]
                        @pl.when(i < _SLAB - 3)
                        def _():
                            pltpu.async_copy(t_ref.at[srcsl.at[kb, i + 3]],
                                             bn, semg)
                        @pl.when(i >= _SLAB - 3)
                        def _():
                            pltpu.async_copy(
                                t_ref.at[srcsl.at[nb, i + 3 - _SLAB]],
                                bn, semg)
                    return 0
                lax.fori_loop(0, _SLAB, step, 0)
                return 0
            lax.fori_loop(0, _NSLAB, slab_loop, 0)
            for p in range(2):
                drain_s()
            plsc.subcore_barrier()

            _writeback(acc, out_ref, r0, last)
            plsc.subcore_barrier()

        @pl.when(cid == 0)
        def _():
            run_core(tA, oA)

        @pl.when(cid == 1)
        def _():
            run_core(tB, oB)

    return pl.kernel(
        body, out_type=out_type, mesh=mesh, scratch_types=scratch,
        compiler_params=pltpu.CompilerParams(use_tc_tiling_on_sc=False))


def _fill_rows(ref, nrows, ncols, val):
    v = jnp.full((16,), val, jnp.float32)
    def fi(i, _):
        def fj(j, _):
            ref[i, pl.ds(j * 16, 16)] = v
            return 0
        return lax.fori_loop(0, ncols // 16, fj, 0)
    lax.fori_loop(0, nrows, fi, 0)


def _zero_shared(a_ref, src_ref, r0, last):
    def zk(k, _):
        pltpu.sync_copy(src_ref.at[pl.ds(0, _ZC)],
                        a_ref.at[pl.ds(r0 + k * _ZC, _ZC)])
        return 0
    lax.fori_loop(0, _NODE_ROWS // _ZC, zk, 0)
    @pl.when(last)
    def _():
        pltpu.sync_copy(src_ref.at[pl.ds(0, _NODE_EXTRA)],
                        a_ref.at[pl.ds(_NSUB * _NODE_ROWS, _NODE_EXTRA)])


def _writeback(a_ref, out_ref, r0, last):
    pltpu.sync_copy(a_ref.at[pl.ds(r0, _NODE_ROWS)],
                    out_ref.at[pl.ds(r0, _NODE_ROWS)])
    @pl.when(last)
    def _():
        es = pl.ds(_NSUB * _NODE_ROWS, _NODE_EXTRA)
        pltpu.sync_copy(a_ref.at[es], out_ref.at[es])


def _make_sc_count():
    out_type = tuple([jax.ShapeDtypeStruct((N, 16), jnp.float32)] * 2)
    scratch = [
        pltpu.VMEM((_CROWS, _CCHUNK), jnp.int32),
        pltpu.VMEM((_CCHUNK, 16), jnp.float32),
        pltpu.VMEM((_ZC, 16), jnp.float32),
        pltpu.VMEM_SHARED((_NACC, 16), jnp.float32),
        pltpu.SemaphoreType.DMA,
    ]
    mesh = plsc.VectorSubcoreMesh(core_axis_name="c", subcore_axis_name="s")

    def body(dst2d, o0, o1, dstbuf, ones16, zc16, cacc, semc):
        cid = lax.axis_index("c")
        sid = lax.axis_index("s")
        last = sid == _NSUB - 1
        r0 = sid * _NODE_ROWS

        def drain_c(out_ref):
            pltpu.make_async_copy(out_ref.at[pl.ds(0, _CCHUNK)], ones16,
                                  semc).wait()

        def run_core(out_ref):
            _fill_rows(ones16, _CCHUNK, 16, 1.0)
            _fill_rows(zc16, _ZC, 16, 0.0)
            base = (cid * _NSUB + sid) * _CROWS
            pltpu.sync_copy(dst2d.at[pl.ds(base, _CROWS)], dstbuf)
            _zero_shared(cacc, zc16, r0, last)
            plsc.subcore_barrier()

            def step(j, _):
                pltpu.async_copy(ones16, cacc.at[dstbuf.at[j]], semc,
                                 add=True)
                @pl.when(j >= 8)
                def _():
                    drain_c(out_ref)
                return 0
            lax.fori_loop(0, _CROWS, step, 0)
            def tail(j, _):
                drain_c(out_ref)
                return 0
            lax.fori_loop(0, 8, tail, 0)
            plsc.subcore_barrier()
            _writeback(cacc, out_ref, r0, last)

        @pl.when(cid == 0)
        def _():
            run_core(o0)

        @pl.when(cid == 1)
        def _():
            run_core(o1)

    return pl.kernel(
        body, out_type=out_type, mesh=mesh, scratch_types=scratch,
        compiler_params=pltpu.CompilerParams(use_tc_tiling_on_sc=False))


_sc_scatter = _make_sc_scatter()
_sc_count = _make_sc_count()



_BN = 1000


def _split_store(t, refs):
    for g, r in enumerate(refs):
        r[...] = t[:, g * _H:(g + 1) * _H]


def _tc_enc_body(x_ref, we_ref, be_ref, w1_ref, b1_ref, *t_refs):
    h = jnp.dot(x_ref[...], we_ref[...], precision=_PREC,
                preferred_element_type=jnp.float32) + be_ref[...]
    t = jnp.maximum(jnp.dot(h, w1_ref[...], precision=_PREC,
                            preferred_element_type=jnp.float32) + b1_ref[...],
                    0.0)
    _split_store(t, t_refs)


def _agg_matmul(s_refs, cnt0_ref, cnt1_ref, w2_ref, b2_ref):
    inv = 1.0 / jnp.maximum(cnt0_ref[:, 0:1] + cnt1_ref[:, 0:1], 1.0)
    h = b2_ref[...]
    for g in range(2):
        h = h + jnp.dot(s_refs[g][...] * inv, w2_ref[g * _H:(g + 1) * _H, :],
                        precision=_PREC, preferred_element_type=jnp.float32)
    return h


def _tc_mid_body(s0, s1, cnt0_ref, cnt1_ref, w2_ref, b2_ref,
                 w1_ref, b1_ref, *t_refs):
    h = _agg_matmul((s0, s1), cnt0_ref, cnt1_ref, w2_ref, b2_ref)
    t = jnp.maximum(jnp.dot(h, w1_ref[...], precision=_PREC,
                            preferred_element_type=jnp.float32) + b1_ref[...],
                    0.0)
    _split_store(t, t_refs)


def _tc_dec_body(s0, s1, cnt0_ref, cnt1_ref, w2_ref, b2_ref,
                 wd_ref, bd_ref, out_ref):
    h = _agg_matmul((s0, s1), cnt0_ref, cnt1_ref, w2_ref, b2_ref)
    out_ref[...] = (jnp.dot(h, wd_ref[...], precision=_PREC,
                            preferred_element_type=jnp.float32) + bd_ref[...])


def _row_spec(w):
    return pl.BlockSpec((_BN, w), lambda i: (i, 0))


def _full_spec(shape):
    return pl.BlockSpec(shape, lambda i: tuple(0 for _ in shape))


_half_out = [jax.ShapeDtypeStruct((N, _H), jnp.float32)] * 2
_half_specs = [_row_spec(_H)] * 2

_tc_enc = pl.pallas_call(
    _tc_enc_body,
    grid=(N // _BN,),
    in_specs=[_row_spec(D_IN), _full_spec((D_IN, D_H)), _full_spec((1, D_H)),
              _full_spec((D_H, D_H)), _full_spec((1, D_H))],
    out_specs=_half_specs,
    out_shape=_half_out,
)

_tc_mid = pl.pallas_call(
    _tc_mid_body,
    grid=(N // _BN,),
    in_specs=_half_specs + [_row_spec(16), _row_spec(16),
              _full_spec((D_H, D_H)), _full_spec((1, D_H)),
              _full_spec((D_H, D_H)), _full_spec((1, D_H))],
    out_specs=_half_specs,
    out_shape=_half_out,
)

_tc_dec = pl.pallas_call(
    _tc_dec_body,
    grid=(N // _BN,),
    in_specs=_half_specs + [_row_spec(16), _row_spec(16),
              _full_spec((D_H, D_H)), _full_spec((1, D_H)),
              _full_spec((D_H, D_OUT)), _full_spec((1, D_OUT))],
    out_specs=_row_spec(D_OUT),
    out_shape=jax.ShapeDtypeStruct((N, D_OUT), jnp.float32),
)



def kernel(x, edge_index, W_enc, b_enc, W1, b1, W2, b2, W_dec, b_dec):
    pad = _EPAD - E
    src_p = jnp.concatenate([edge_index[0], jnp.zeros((pad,), jnp.int32)])
    dst_p = jnp.concatenate([edge_index[1], jnp.full((pad,), N, jnp.int32)])
    src2e = src_p.reshape(_EROWS2, _C2)
    dst2e = dst_p.reshape(_EROWS2, _C2)
    dst2c = dst_p.reshape(_CEROWS, _CCHUNK)
    be = b_enc.reshape(1, D_H)
    b1r = b1.reshape(1, D_H)
    b2r = b2.reshape(1, D_H)
    bdr = b_dec.reshape(1, D_OUT)

    cnt0, cnt1 = _sc_count(dst2c)
    t = _tc_enc(x, W_enc, be, W1, b1r)
    s0, s1 = _sc_scatter(t[0], t[1], src2e, dst2e)
    u = _tc_mid(s0, s1, cnt0, cnt1, W2, b2r, W1, b1r)
    v0, v1 = _sc_scatter(u[0], u[1], src2e, dst2e)
    return _tc_dec(v0, v1, cnt0, cnt1, W2, b2r, W_dec, bdr)

# --- scband reference (transcript-rebuilt; emitter-appended) ---
"""Pipeline reference for scband-mygnn-74706661146646 (READ-ONLY COPY).

The authoritative reference and input builder live on the scoring server;
editing this copy changes nothing except your own understanding.
"""

import jax
import jax.numpy as jnp
import numpy as np

N = 10000
E = 320000
D_IN = 128
D_H = 256
D_OUT = 128
LAYERS = 2


def setup_inputs(seed: int = 0) -> dict:
    key = jax.random.key(seed)
    ks = jax.random.split(key, 12)
    x = jax.random.normal(ks[0], (N, D_IN), dtype=jnp.float32)
    edge_index = jax.random.randint(ks[1], (2, E), 0, N, dtype=jnp.int32)
    W_enc = jax.random.normal(ks[2], (D_IN, D_H), dtype=jnp.float32) / np.sqrt(D_IN)
    b_enc = jnp.zeros((D_H,), dtype=jnp.float32)
    W1 = jax.random.normal(ks[3], (D_H, D_H), dtype=jnp.float32) / np.sqrt(D_H)
    b1 = jnp.zeros((D_H,), dtype=jnp.float32)
    W2 = jax.random.normal(ks[4], (D_H, D_H), dtype=jnp.float32) / np.sqrt(D_H)
    b2 = jnp.zeros((D_H,), dtype=jnp.float32)
    W_dec = jax.random.normal(ks[5], (D_H, D_OUT), dtype=jnp.float32) / np.sqrt(D_H)
    b_dec = jnp.zeros((D_OUT,), dtype=jnp.float32)
    return {"x": x, "edge_index": edge_index, "W_enc": W_enc, "b_enc": b_enc,
            "W1": W1, "b1": b1, "W2": W2, "b2": b2, "W_dec": W_dec, "b_dec": b_dec}


def _mp_layer(h, src, dst, W1, b1, W2, b2):
    # message: transform source-node features
    msg = jax.nn.relu(jnp.take(h, src, axis=0) @ W1 + b1)
    # aggregate: mean over incoming edges per destination node
    summed = jax.ops.segment_sum(msg, dst, num_segments=N)
    cnt = jax.ops.segment_sum(jnp.ones((msg.shape[0], 1), dtype=msg.dtype), dst, num_segments=N)
    agg = summed / jnp.maximum(cnt, 1.0)
    # update
    return agg @ W2 + b2


def reference(x, edge_index, W_enc, b_enc, W1, b1, W2, b2, W_dec, b_dec):
    src = edge_index[0]
    dst = edge_index[1]
    h = x @ W_enc + b_enc
    for _ in range(LAYERS):
        h = _mp_layer(h, src, dst, W1, b1, W2, b2)
    node_out = h @ W_dec + b_dec
    return node_out

if __name__ == "__main__":
    import jax
    _d = setup_inputs()
    print(jax.jit(kernel)(*tuple(_d.values())))

</pallas_src>

<mosaic_0001>
#map = affine_map<(d0, d1) -> (0, 0)>
module attributes {stable_mosaic.version = 14 : i64} {
  func.func @body(%arg0: i32, %arg1: i32, %arg2: memref<2560x128xi32, #tpu.memory_space<hbm>>, %arg3: memref<10000x16xf32, #tpu.memory_space<hbm>>, %arg4: memref<10000x16xf32, #tpu.memory_space<hbm>>, %arg5: memref<80x128xi32, #tpu.memory_space<vmem>>, %arg6: memref<128x16xf32, #tpu.memory_space<vmem>>, %arg7: memref<52x16xf32, #tpu.memory_space<vmem>>, %arg8: memref<10008x16xf32, #tpu.memory_space<vmem_shared>>, %arg9: memref<!tpu.dma_semaphore, #tpu.memory_space<semaphore_mem>>) attributes {dimension_semantics = [#tpu.dimension_semantics<core_parallel>, #tpu.dimension_semantics<subcore_parallel>], iteration_bounds = array<i64: 2, 16>, scalar_prefetch = 0 : i64, scratch_operands = 5 : i64, tpu.core_type = #tpu.core_type<sc_vector_subcore>, window_params = [{transform_indices = #map}, {transform_indices = #map}, {transform_indices = #map}]} {
    %eq3A = arith.constant 15 : i32
    %eq3A_0 = arith.cmpi eq, %arg1, %eq3A : i32
    %mul3A = arith.constant 624 : i32
    %mul3A_1 = arith.muli %arg1, %mul3A : i32
    %eq3A_2 = arith.constant 0 : i32
    %eq3A_3 = arith.cmpi eq, %arg0, %eq3A_2 : i32
    %convert_element_type3A = arith.extui %eq3A_3 : i1 to i32
    %cond3A = arith.constant 0 : i32
    %cond3A_4 = arith.cmpi ne, %convert_element_type3A, %cond3A : i32
    scf.if %cond3A_4 {
      %broadcast_in_dim3A = arith.constant 1.000000e+00 : f32
      %broadcast_in_dim3A_10 = vector.broadcast %broadcast_in_dim3A : f32 to vector<16xf32>
      %scan3A = arith.constant 0 : i32
      %scan3A_11 = arith.constant 0 : i32
      %scan3A_12 = arith.constant 128 : i32
      %scan3A_13 = arith.addi %scan3A_11, %scan3A_12 : i32
      %scan3A_14 = arith.constant 1 : i32
      %scan3A_15 = scf.for %scan3A_58 = %scan3A_11 to %scan3A_13 step %scan3A_14 iter_args(%scan3A_59 = %scan3A) -> (i32)  : i32 {
        %scan3A_60 = arith.constant 0 : i32
        %scan3A_61 = arith.constant 0 : i32
        %mul3A_62 = arith.constant 16 : i32
        %mul3A_63 = arith.muli %scan3A_61, %mul3A_62 : i32
        %swap3A = arith.index_cast %scan3A_58 : i32 to index
        %swap3A_64 = arith.index_cast %mul3A_63 : i32 to index
        %swap3A_65 = tpu.vector_load %arg6[%swap3A, %swap3A_64] {strides = array<i32>} : memref<128x16xf32, #tpu.memory_space<vmem>>, vector<1x16xf32>,
        %swap3A_66 = vector.shape_cast %swap3A_65 : vector<1x16xf32> to vector<16xf32>
        %swap3A_67 = vector.shape_cast %broadcast_in_dim3A_10 : vector<16xf32> to vector<1x16xf32>
        tpu.vector_store %arg6[%swap3A, %swap3A_64], %swap3A_67 {strides = array<i32>} : memref<128x16xf32, #tpu.memory_space<vmem>>, vector<1x16xf32>,
        %scan3A_68 = arith.constant 0 : i32
        %scan3A_69 = arith.constant 1 : i32
        scf.yield %scan3A_68 : i32
      }
      %scan3A_16 = arith.constant 128 : i32
      %broadcast_in_dim3A_17 = arith.constant 0.000000e+00 : f32
      %broadcast_in_dim3A_18 = vector.broadcast %broadcast_in_dim3A_17 : f32 to vector<16xf32>
      %scan3A_19 = arith.constant 0 : i32
      %scan3A_20 = arith.constant 0 : i32
      %scan3A_21 = arith.constant 52 : i32
      %scan3A_22 = arith.addi %scan3A_20, %scan3A_21 : i32
      %scan3A_23 = arith.constant 1 : i32
      %scan3A_24 = scf.for %scan3A_58 = %scan3A_20 to %scan3A_22 step %scan3A_23 iter_args(%scan3A_59 = %scan3A_19) -> (i32)  : i32 {
        %scan3A_60 = arith.constant 0 : i32
        %scan3A_61 = arith.constant 0 : i32
        %mul3A_62 = arith.constant 16 : i32
        %mul3A_63 = arith.muli %scan3A_61, %mul3A_62 : i32
        %swap3A = arith.index_cast %scan3A_58 : i32 to index
        %swap3A_64 = arith.index_cast %mul3A_63 : i32 to index
        %swap3A_65 = tpu.vector_load %arg7[%swap3A, %swap3A_64] {strides = array<i32>} : memref<52x16xf32, #tpu.memory_space<vmem>>, vector<1x16xf32>,
        %swap3A_66 = vector.shape_cast %swap3A_65 : vector<1x16xf32> to vector<16xf32>
        %swap3A_67 = vector.shape_cast %broadcast_in_dim3A_18 : vector<16xf32> to vector<1x16xf32>
        tpu.vector_store %arg7[%swap3A, %swap3A_64], %swap3A_67 {strides = array<i32>} : memref<52x16xf32, #tpu.memory_space<vmem>>, vector<1x16xf32>,
        %scan3A_68 = arith.constant 0 : i32
        %scan3A_69 = arith.constant 1 : i32
        scf.yield %scan3A_68 : i32
      }
      %scan3A_25 = arith.constant 52 : i32
      %mul3A_26 = arith.constant 16 : i32
      %mul3A_27 = arith.muli %arg0, %mul3A_26 : i32
      %add3A = arith.addi %mul3A_27, %arg1 : i32
      %mul3A_28 = arith.constant 80 : i32
      %mul3A_29 = arith.muli %add3A, %mul3A_28 : i32
      "tpu.region"() ({
        %run_scoped3A = tpu.sem_alloc : memref<!tpu.dma_semaphore, #tpu.memory_space<semaphore_mem>>
        %dma_start3A = arith.constant 0 : i32
        %dma_start3A_58 = tpu.memref_slice %arg2[%mul3A_29, %dma_start3A] : memref<2560x128xi32, #tpu.memory_space<hbm>> -> memref<80x128xi32, #tpu.memory_space<hbm>>
        %dma_start3A_59 = arith.constant 0 : i32
        %dma_start3A_60 = tpu.memref_slice %arg2[%mul3A_29, %dma_start3A_59] : memref<2560x128xi32, #tpu.memory_space<hbm>> -> memref<80x128xi32, #tpu.memory_space<hbm>>
        tpu.enqueue_dma source(%dma_start3A_60 : memref<80x128xi32, #tpu.memory_space<hbm>>) target(%arg5 : memref<80x128xi32, #tpu.memory_space<vmem>>) target_semaphore(%run_scoped3A : memref<!tpu.dma_semaphore, #tpu.memory_space<semaphore_mem>>)
        %dma_wait3A = arith.constant 0 : i32
        %dma_wait3A_61 = tpu.memref_slice %arg2[%mul3A_29, %dma_wait3A] : memref<2560x128xi32, #tpu.memory_space<hbm>> -> memref<80x128xi32, #tpu.memory_space<hbm>>
        %dma_wait3A_62 = arith.constant 0 : i32
        %dma_wait3A_63 = tpu.memref_slice %arg2[%mul3A_29, %dma_wait3A_62] : memref<2560x128xi32, #tpu.memory_space<hbm>> -> memref<80x128xi32, #tpu.memory_space<hbm>>
        tpu.wait_dma2 semaphore(%run_scoped3A : memref<!tpu.dma_semaphore, #tpu.memory_space<semaphore_mem>>) src(%dma_wait3A_63 : memref<80x128xi32, #tpu.memory_space<hbm>>) dst(%arg5 : memref<80x128xi32, #tpu.memory_space<vmem>>)
        tpu.yield
      }) : () -> ()
      %scan3A_30 = arith.constant 0 : i32
      %scan3A_31 = arith.constant 0 : i32
      %scan3A_32 = arith.constant 12 : i32
      %scan3A_33 = arith.addi %scan3A_31, %scan3A_32 : i32
      %scan3A_34 = arith.constant 1 : i32
      %scan3A_35 = scf.for %scan3A_58 = %scan3A_31 to %scan3A_33 step %scan3A_34 iter_args(%scan3A_59 = %scan3A_30) -> (i32)  : i32 {
        %mul3A_60 = arith.constant 52 : i32
        %mul3A_61 = arith.muli %scan3A_58, %mul3A_60 : i32
        %add3A_62 = arith.addi %mul3A_1, %mul3A_61 : i32
        "tpu.region"() ({
          %run_scoped3A = tpu.sem_alloc : memref<!tpu.dma_semaphore, #tpu.memory_space<semaphore_mem>>
          %dma_start3A = arith.constant 0 : i32
          %dma_start3A_64 = arith.constant 0 : i32
          %dma_start3A_65 = tpu.memref_slice %arg7[%dma_start3A, %dma_start3A_64] : memref<52x16xf32, #tpu.memory_space<vmem>> -> memref<52x16xf32, #tpu.memory_space<vmem>>
          %dma_start3A_66 = arith.constant 0 : i32
          %dma_start3A_67 = tpu.memref_slice %arg8[%add3A_62, %dma_start3A_66] : memref<10008x16xf32, #tpu.memory_space<vmem_shared>> -> memref<52x16xf32, #tpu.memory_space<vmem_shared>>
          %dma_start3A_68 = arith.constant 0 : i32
          %dma_start3A_69 = tpu.memref_slice %arg8[%add3A_62, %dma_start3A_68] : memref<10008x16xf32, #tpu.memory_space<vmem_shared>> -> memref<52x16xf32, #tpu.memory_space<vmem_shared>>
          %dma_start3A_70 = arith.constant 0 : i32
          %dma_start3A_71 = arith.constant 0 : i32
          %dma_start3A_72 = tpu.memref_slice %arg7[%dma_start3A_70, %dma_start3A_71] : memref<52x16xf32, #tpu.memory_space<vmem>> -> memref<52x16xf32, #tpu.memory_space<vmem>>
          tpu.enqueue_dma source(%dma_start3A_72 : memref<52x16xf32, #tpu.memory_space<vmem>>) target(%dma_start3A_69 : memref<52x16xf32, #tpu.memory_space<vmem_shared>>) target_semaphore(%run_scoped3A : memref<!tpu.dma_semaphore, #tpu.memory_space<semaphore_mem>>)
          %dma_wait3A = arith.constant 0 : i32
          %dma_wait3A_73 = arith.constant 0 : i32
          %dma_wait3A_74 = tpu.memref_slice %arg7[%dma_wait3A, %dma_wait3A_73] : memref<52x16xf32, #tpu.memory_space<vmem>> -> memref<52x16xf32, #tpu.memory_space<vmem>>
          %dma_wait3A_75 = arith.constant 0 : i32
          %dma_wait3A_76 = tpu.memref_slice %arg8[%add3A_62, %dma_wait3A_75] : memref<10008x16xf32, #tpu.memory_space<vmem_shared>> -> memref<52x16xf32, #tpu.memory_space<vmem_shared>>
          %dma_wait3A_77 = arith.constant 0 : i32
          %dma_wait3A_78 = tpu.memref_slice %arg8[%add3A_62, %dma_wait3A_77] : memref<10008x16xf32, #tpu.memory_space<vmem_shared>> -> memref<52x16xf32, #tpu.memory_space<vmem_shared>>
          %dma_wait3A_79 = arith.constant 0 : i32
          %dma_wait3A_80 = arith.constant 0 : i32
          %dma_wait3A_81 = tpu.memref_slice %arg7[%dma_wait3A_79, %dma_wait3A_80] : memref<52x16xf32, #tpu.memory_space<vmem>> -> memref<52x16xf32, #tpu.memory_space<vmem>>
          tpu.wait_dma2 semaphore(%run_scoped3A : memref<!tpu.dma_semaphore, #tpu.memory_space<semaphore_mem>>) src(%dma_wait3A_81 : memref<52x16xf32, #tpu.memory_space<vmem>>) dst(%dma_wait3A_78 : memref<52x16xf32, #tpu.memory_space<vmem_shared>>)
          tpu.yield
        }) : () -> ()
        %scan3A_63 = arith.constant 0 : i32
        scf.yield %scan3A_63 : i32
      }
      %scan3A_36 = arith.constant 12 : i32
      %convert_element_type3A_37 = arith.extui %eq3A_0 : i1 to i32
      %cond3A_38 = arith.constant 0 : i32
      %cond3A_39 = arith.cmpi ne, %convert_element_type3A_37, %cond3A_38 : i32
      scf.if %cond3A_39 {
        "tpu.region"() ({
          %run_scoped3A = tpu.sem_alloc : memref<!tpu.dma_semaphore, #tpu.memory_space<semaphore_mem>>
          %dma_start3A = arith.constant 0 : i32
          %dma_start3A_58 = arith.constant 0 : i32
          %dma_start3A_59 = tpu.memref_slice %arg7[%dma_start3A, %dma_start3A_58] : memref<52x16xf32, #tpu.memory_space<vmem>> -> memref<16x16xf32, #tpu.memory_space<vmem>>
          %dma_start3A_60 = arith.constant 9984 : i32
          %dma_start3A_61 = arith.constant 0 : i32
          %dma_start3A_62 = tpu.memref_slice %arg8[%dma_start3A_60, %dma_start3A_61] : memref<10008x16xf32, #tpu.memory_space<vmem_shared>> -> memref<16x16xf32, #tpu.memory_space<vmem_shared>>
          %dma_start3A_63 = arith.constant 9984 : i32
          %dma_start3A_64 = arith.constant 0 : i32
          %dma_start3A_65 = tpu.memref_slice %arg8[%dma_start3A_63, %dma_start3A_64] : memref<10008x16xf32, #tpu.memory_space<vmem_shared>> -> memref<16x16xf32, #tpu.memory_space<vmem_shared>>
          %dma_start3A_66 = arith.constant 0 : i32
          %dma_start3A_67 = arith.constant 0 : i32
          %dma_start3A_68 = tpu.memref_slice %arg7[%dma_start3A_66, %dma_start3A_67] : memref<52x16xf32, #tpu.memory_space<vmem>> -> memref<16x16xf32, #tpu.memory_space<vmem>>
          tpu.enqueue_dma source(%dma_start3A_68 : memref<16x16xf32, #tpu.memory_space<vmem>>) target(%dma_start3A_65 : memref<16x16xf32, #tpu.memory_space<vmem_shared>>) target_semaphore(%run_scoped3A : memref<!tpu.dma_semaphore, #tpu.memory_space<semaphore_mem>>)
          %dma_wait3A = arith.constant 0 : i32
          %dma_wait3A_69 = arith.constant 0 : i32
          %dma_wait3A_70 = tpu.memref_slice %arg7[%dma_wait3A, %dma_wait3A_69] : memref<52x16xf32, #tpu.memory_space<vmem>> -> memref<16x16xf32, #tpu.memory_space<vmem>>
          %dma_wait3A_71 = arith.constant 9984 : i32
          %dma_wait3A_72 = arith.constant 0 : i32
          %dma_wait3A_73 = tpu.memref_slice %arg8[%dma_wait3A_71, %dma_wait3A_72] : memref<10008x16xf32, #tpu.memory_space<vmem_shared>> -> memref<16x16xf32, #tpu.memory_space<vmem_shared>>
          %dma_wait3A_74 = arith.constant 9984 : i32
          %dma_wait3A_75 = arith.constant 0 : i32
          %dma_wait3A_76 = tpu.memref_slice %arg8[%dma_wait3A_74, %dma_wait3A_75] : memref<10008x16xf32, #tpu.memory_space<vmem_shared>> -> memref<16x16xf32, #tpu.memory_space<vmem_shared>>
          %dma_wait3A_77 = arith.constant 0 : i32
          %dma_wait3A_78 = arith.constant 0 : i32
          %dma_wait3A_79 = tpu.memref_slice %arg7[%dma_wait3A_77, %dma_wait3A_78] : memref<52x16xf32, #tpu.memory_space<vmem>> -> memref<16x16xf32, #tpu.memory_space<vmem>>
          tpu.wait_dma2 semaphore(%run_scoped3A : memref<!tpu.dma_semaphore, #tpu.memory_space<semaphore_mem>>) src(%dma_wait3A_79 : memref<16x16xf32, #tpu.memory_space<vmem>>) dst(%dma_wait3A_76 : memref<16x16xf32, #tpu.memory_space<vmem_shared>>)
          tpu.yield
        }) : () -> ()
      } else {
      }
      %barrier3A = arith.constant 0 : index
      tpu.barrier barrier_id(%barrier3A)
      %scan3A_40 = arith.constant 0 : i32
      %scan3A_41 = arith.constant 0 : i32
      %scan3A_42 = arith.constant 80 : i32
      %scan3A_43 = arith.addi %scan3A_41, %scan3A_42 : i32
      %scan3A_44 = arith.constant 1 : i32
      %scan3A_45 = scf.for %scan3A_58 = %scan3A_41 to %scan3A_43 step %scan3A_44 iter_args(%scan3A_59 = %scan3A_40) -> (i32)  : i32 {
        %dma_start3A = arith.constant 0 : i32
        %dma_start3A_60 = tpu.memref_slice %arg5[%scan3A_58, %dma_start3A] : memref<80x128xi32, #tpu.memory_space<vmem>> -> memref<1x128xi32, #tpu.memory_space<vmem>>
        %dma_start3A_61 = tpu.memref_squeeze %dma_start3A_60 : memref<1x128xi32, #tpu.memory_space<vmem>> -> memref<128xi32, #tpu.memory_space<vmem>>
        %dma_start3A_62 = arith.constant 0 : i32
        %dma_start3A_63 = arith.constant 0 : i32
        %dma_start3A_64 = tpu.memref_slice %arg8[%dma_start3A_62, %dma_start3A_63] : memref<10008x16xf32, #tpu.memory_space<vmem_shared>> -> memref<10008x16xf32, #tpu.memory_space<vmem_shared>>
        tpu.enqueue_indirect_dma source(%arg6 : memref<128x16xf32, #tpu.memory_space<vmem>>) target(%dma_start3A_64 : memref<10008x16xf32, #tpu.memory_space<vmem_shared>>) offsets(%dma_start3A_61 : memref<128xi32, #tpu.memory_space<vmem>>) semaphore(%arg9 : memref<!tpu.dma_semaphore, #tpu.memory_space<semaphore_mem>>) {add = true}
        %ge3A = arith.constant 8 : i32
        %ge3A_65 = arith.cmpi sge, %scan3A_58, %ge3A : i32
        %convert_element_type3A_66 = arith.extui %ge3A_65 : i1 to i32
        %cond3A_67 = arith.constant 0 : i32
        %cond3A_68 = arith.cmpi ne, %convert_element_type3A_66, %cond3A_67 : i32
        scf.if %cond3A_68 {
          %dma_wait3A = arith.constant 0 : i32
          %dma_wait3A_70 = arith.constant 0 : i32
          %dma_wait3A_71 = tpu.memref_slice %arg3[%dma_wait3A, %dma_wait3A_70] : memref<10000x16xf32, #tpu.memory_space<hbm>> -> memref<128x16xf32, #tpu.memory_space<hbm>>
          %dma_wait3A_72 = arith.constant 0 : i32
          %dma_wait3A_73 = arith.constant 0 : i32
          %dma_wait3A_74 = tpu.memref_slice %arg3[%dma_wait3A_72, %dma_wait3A_73] : memref<10000x16xf32, #tpu.memory_space<hbm>> -> memref<128x16xf32, #tpu.memory_space<hbm>>
          tpu.wait_dma2 semaphore(%arg9 : memref<!tpu.dma_semaphore, #tpu.memory_space<semaphore_mem>>) src(%dma_wait3A_74 : memref<128x16xf32, #tpu.memory_space<hbm>>) dst(%arg6 : memref<128x16xf32, #tpu.memory_space<vmem>>)
        } else {
        }
        %scan3A_69 = arith.constant 0 : i32
        scf.yield %scan3A_69 : i32
      }
      %scan3A_46 = arith.constant 80 : i32
      %scan3A_47 = arith.constant 0 : i32
      %scan3A_48 = arith.constant 0 : i32
      %scan3A_49 = arith.constant 8 : i32
      %scan3A_50 = arith.addi %scan3A_48, %scan3A_49 : i32
      %scan3A_51 = arith.constant 1 : i32
      %scan3A_52 = scf.for %scan3A_58 = %scan3A_48 to %scan3A_50 step %scan3A_51 iter_args(%scan3A_59 = %scan3A_47) -> (i32)  : i32 {
        %dma_wait3A = arith.constant 0 : i32
        %dma_wait3A_60 = arith.constant 0 : i32
        %dma_wait3A_61 = tpu.memref_slice %arg3[%dma_wait3A, %dma_wait3A_60] : memref<10000x16xf32, #tpu.memory_space<hbm>> -> memref<128x16xf32, #tpu.memory_space<hbm>>
        %dma_wait3A_62 = arith.constant 0 : i32
        %dma_wait3A_63 = arith.constant 0 : i32
        %dma_wait3A_64 = tpu.memref_slice %arg3[%dma_wait3A_62, %dma_wait3A_63] : memref<10000x16xf32, #tpu.memory_space<hbm>> -> memref<128x16xf32, #tpu.memory_space<hbm>>
        tpu.wait_dma2 semaphore(%arg9 : memref<!tpu.dma_semaphore, #tpu.memory_space<semaphore_mem>>) src(%dma_wait3A_64 : memref<128x16xf32, #tpu.memory_space<hbm>>) dst(%arg6 : memref<128x16xf32, #tpu.memory_space<vmem>>)
        %scan3A_65 = arith.constant 0 : i32
        scf.yield %scan3A_65 : i32
      }
      %scan3A_53 = arith.constant 8 : i32
      %barrier3A_54 = arith.constant 0 : index
      tpu.barrier barrier_id(%barrier3A_54)
      "tpu.region"() ({
        %run_scoped3A = tpu.sem_alloc : memref<!tpu.dma_semaphore, #tpu.memory_space<semaphore_mem>>
        %dma_start3A = arith.constant 0 : i32
        %dma_start3A_58 = tpu.memref_slice %arg3[%mul3A_1, %dma_start3A] : memref<10000x16xf32, #tpu.memory_space<hbm>> -> memref<624x16xf32, #tpu.memory_space<hbm>>
        %dma_start3A_59 = arith.constant 0 : i32
        %dma_start3A_60 = tpu.memref_slice %arg8[%mul3A_1, %dma_start3A_59] : memref<10008x16xf32, #tpu.memory_space<vmem_shared>> -> memref<624x16xf32, #tpu.memory_space<vmem_shared>>
        tpu.enqueue_dma source(%dma_start3A_60 : memref<624x16xf32, #tpu.memory_space<vmem_shared>>) target(%dma_start3A_58 : memref<624x16xf32, #tpu.memory_space<hbm>>) target_semaphore(%run_scoped3A : memref<!tpu.dma_semaphore, #tpu.memory_space<semaphore_mem>>)
        %dma_wait3A = arith.constant 0 : i32
        %dma_wait3A_61 = tpu.memref_slice %arg3[%mul3A_1, %dma_wait3A] : memref<10000x16xf32, #tpu.memory_space<hbm>> -> memref<624x16xf32, #tpu.memory_space<hbm>>
        %dma_wait3A_62 = arith.constant 0 : i32
        %dma_wait3A_63 = tpu.memref_slice %arg8[%mul3A_1, %dma_wait3A_62] : memref<10008x16xf32, #tpu.memory_space<vmem_shared>> -> memref<624x16xf32, #tpu.memory_space<vmem_shared>>
        tpu.wait_dma2 semaphore(%run_scoped3A : memref<!tpu.dma_semaphore, #tpu.memory_space<semaphore_mem>>) src(%dma_wait3A_63 : memref<624x16xf32, #tpu.memory_space<vmem_shared>>) dst(%dma_wait3A_61 : memref<624x16xf32, #tpu.memory_space<hbm>>)
        tpu.yield
      }) : () -> ()
      %convert_element_type3A_55 = arith.extui %eq3A_0 : i1 to i32
      %cond3A_56 = arith.constant 0 : i32
      %cond3A_57 = arith.cmpi ne, %convert_element_type3A_55, %cond3A_56 : i32
      scf.if %cond3A_57 {
        "tpu.region"() ({
          %run_scoped3A = tpu.sem_alloc : memref<!tpu.dma_semaphore, #tpu.memory_space<semaphore_mem>>
          %dma_start3A = arith.constant 9984 : i32
          %dma_start3A_58 = arith.constant 0 : i32
          %dma_start3A_59 = tpu.memref_slice %arg3[%dma_start3A, %dma_start3A_58] : memref<10000x16xf32, #tpu.memory_space<hbm>> -> memref<16x16xf32, #tpu.memory_space<hbm>>
          %dma_start3A_60 = arith.constant 9984 : i32
          %dma_start3A_61 = arith.constant 0 : i32
          %dma_start3A_62 = tpu.memref_slice %arg8[%dma_start3A_60, %dma_start3A_61] : memref<10008x16xf32, #tpu.memory_space<vmem_shared>> -> memref<16x16xf32, #tpu.memory_space<vmem_shared>>
          tpu.enqueue_dma source(%dma_start3A_62 : memref<16x16xf32, #tpu.memory_space<vmem_shared>>) target(%dma_start3A_59 : memref<16x16xf32, #tpu.memory_space<hbm>>) target_semaphore(%run_scoped3A : memref<!tpu.dma_semaphore, #tpu.memory_space<semaphore_mem>>)
          %dma_wait3A = arith.constant 9984 : i32
          %dma_wait3A_63 = arith.constant 0 : i32
          %dma_wait3A_64 = tpu.memref_slice %arg3[%dma_wait3A, %dma_wait3A_63] : memref<10000x16xf32, #tpu.memory_space<hbm>> -> memref<16x16xf32, #tpu.memory_space<hbm>>
          %dma_wait3A_65 = arith.constant 9984 : i32
          %dma_wait3A_66 = arith.constant 0 : i32
          %dma_wait3A_67 = tpu.memref_slice %arg8[%dma_wait3A_65, %dma_wait3A_66] : memref<10008x16xf32, #tpu.memory_space<vmem_shared>> -> memref<16x16xf32, #tpu.memory_space<vmem_shared>>
          tpu.wait_dma2 semaphore(%run_scoped3A : memref<!tpu.dma_semaphore, #tpu.memory_space<semaphore_mem>>) src(%dma_wait3A_67 : memref<16x16xf32, #tpu.memory_space<vmem_shared>>) dst(%dma_wait3A_64 : memref<16x16xf32, #tpu.memory_space<hbm>>)
          tpu.yield
        }) : () -> ()
      } else {
      }
    } else {
    }
    %eq3A_5 = arith.constant 1 : i32
    %eq3A_6 = arith.cmpi eq, %arg0, %eq3A_5 : i32
    %convert_element_type3A_7 = arith.extui %eq3A_6 : i1 to i32
    %cond3A_8 = arith.constant 0 : i32
    %cond3A_9 = arith.cmpi ne, %convert_element_type3A_7, %cond3A_8 : i32
    scf.if %cond3A_9 {
      %broadcast_in_dim3A = arith.constant 1.000000e+00 : f32
      %broadcast_in_dim3A_10 = vector.broadcast %broadcast_in_dim3A : f32 to vector<16xf32>
      %scan3A = arith.constant 0 : i32
      %scan3A_11 = arith.constant 0 : i32
      %scan3A_12 = arith.constant 128 : i32
      %scan3A_13 = arith.addi %scan3A_11, %scan3A_12 : i32
      %scan3A_14 = arith.constant 1 : i32
      %scan3A_15 = scf.for %scan3A_58 = %scan3A_11 to %scan3A_13 step %scan3A_14 iter_args(%scan3A_59 = %scan3A) -> (i32)  : i32 {
        %scan3A_60 = arith.constant 0 : i32
        %scan3A_61 = arith.constant 0 : i32
        %mul3A_62 = arith.constant 16 : i32
        %mul3A_63 = arith.muli %scan3A_61, %mul3A_62 : i32
        %swap3A = arith.index_cast %scan3A_58 : i32 to index
        %swap3A_64 = arith.index_cast %mul3A_63 : i32 to index
        %swap3A_65 = tpu.vector_load %arg6[%swap3A, %swap3A_64] {strides = array<i32>} : memref<128x16xf32, #tpu.memory_space<vmem>>, vector<1x16xf32>,
        %swap3A_66 = vector.shape_cast %swap3A_65 : vector<1x16xf32> to vector<16xf32>
        %swap3A_67 = vector.shape_cast %broadcast_in_dim3A_10 : vector<16xf32> to vector<1x16xf32>
        tpu.vector_store %arg6[%swap3A, %swap3A_64], %swap3A_67 {strides = array<i32>} : memref<128x16xf32, #tpu.memory_space<vmem>>, vector<1x16xf32>,
        %scan3A_68 = arith.constant 0 : i32
        %scan3A_69 = arith.constant 1 : i32
        scf.yield %scan3A_68 : i32
      }
      %scan3A_16 = arith.constant 128 : i32
      %broadcast_in_dim3A_17 = arith.constant 0.000000e+00 : f32
      %broadcast_in_dim3A_18 = vector.broadcast %broadcast_in_dim3A_17 : f32 to vector<16xf32>
      %scan3A_19 = arith.constant 0 : i32
      %scan3A_20 = arith.constant 0 : i32
      %scan3A_21 = arith.constant 52 : i32
      %scan3A_22 = arith.addi %scan3A_20, %scan3A_21 : i32
      %scan3A_23 = arith.constant 1 : i32
      %scan3A_24 = scf.for %scan3A_58 = %scan3A_20 to %scan3A_22 step %scan3A_23 iter_args(%scan3A_59 = %scan3A_19) -> (i32)  : i32 {
        %scan3A_60 = arith.constant 0 : i32
        %scan3A_61 = arith.constant 0 : i32
        %mul3A_62 = arith.constant 16 : i32
        %mul3A_63 = arith.muli %scan3A_61, %mul3A_62 : i32
        %swap3A = arith.index_cast %scan3A_58 : i32 to index
        %swap3A_64 = arith.index_cast %mul3A_63 : i32 to index
        %swap3A_65 = tpu.vector_load %arg7[%swap3A, %swap3A_64] {strides = array<i32>} : memref<52x16xf32, #tpu.memory_space<vmem>>, vector<1x16xf32>,
        %swap3A_66 = vector.shape_cast %swap3A_65 : vector<1x16xf32> to vector<16xf32>
        %swap3A_67 = vector.shape_cast %broadcast_in_dim3A_18 : vector<16xf32> to vector<1x16xf32>
        tpu.vector_store %arg7[%swap3A, %swap3A_64], %swap3A_67 {strides = array<i32>} : memref<52x16xf32, #tpu.memory_space<vmem>>, vector<1x16xf32>,
        %scan3A_68 = arith.constant 0 : i32
        %scan3A_69 = arith.constant 1 : i32
        scf.yield %scan3A_68 : i32
      }
      %scan3A_25 = arith.constant 52 : i32
      %mul3A_26 = arith.constant 16 : i32
      %mul3A_27 = arith.muli %arg0, %mul3A_26 : i32
      %add3A = arith.addi %mul3A_27, %arg1 : i32
      %mul3A_28 = arith.constant 80 : i32
      %mul3A_29 = arith.muli %add3A, %mul3A_28 : i32
      "tpu.region"() ({
        %run_scoped3A = tpu.sem_alloc : memref<!tpu.dma_semaphore, #tpu.memory_space<semaphore_mem>>
        %dma_start3A = arith.constant 0 : i32
        %dma_start3A_58 = tpu.memref_slice %arg2[%mul3A_29, %dma_start3A] : memref<2560x128xi32, #tpu.memory_space<hbm>> -> memref<80x128xi32, #tpu.memory_space<hbm>>
        %dma_start3A_59 = arith.constant 0 : i32
        %dma_start3A_60 = tpu.memref_slice %arg2[%mul3A_29, %dma_start3A_59] : memref<2560x128xi32, #tpu.memory_space<hbm>> -> memref<80x128xi32, #tpu.memory_space<hbm>>
        tpu.enqueue_dma source(%dma_start3A_60 : memref<80x128xi32, #tpu.memory_space<hbm>>) target(%arg5 : memref<80x128xi32, #tpu.memory_space<vmem>>) target_semaphore(%run_scoped3A : memref<!tpu.dma_semaphore, #tpu.memory_space<semaphore_mem>>)
        %dma_wait3A = arith.constant 0 : i32
        %dma_wait3A_61 = tpu.memref_slice %arg2[%mul3A_29, %dma_wait3A] : memref<2560x128xi32, #tpu.memory_space<hbm>> -> memref<80x128xi32, #tpu.memory_space<hbm>>
        %dma_wait3A_62 = arith.constant 0 : i32
        %dma_wait3A_63 = tpu.memref_slice %arg2[%mul3A_29, %dma_wait3A_62] : memref<2560x128xi32, #tpu.memory_space<hbm>> -> memref<80x128xi32, #tpu.memory_space<hbm>>
        tpu.wait_dma2 semaphore(%run_scoped3A : memref<!tpu.dma_semaphore, #tpu.memory_space<semaphore_mem>>) src(%dma_wait3A_63 : memref<80x128xi32, #tpu.memory_space<hbm>>) dst(%arg5 : memref<80x128xi32, #tpu.memory_space<vmem>>)
        tpu.yield
      }) : () -> ()
      %scan3A_30 = arith.constant 0 : i32
      %scan3A_31 = arith.constant 0 : i32
      %scan3A_32 = arith.constant 12 : i32
      %scan3A_33 = arith.addi %scan3A_31, %scan3A_32 : i32
      %scan3A_34 = arith.constant 1 : i32
      %scan3A_35 = scf.for %scan3A_58 = %scan3A_31 to %scan3A_33 step %scan3A_34 iter_args(%scan3A_59 = %scan3A_30) -> (i32)  : i32 {
        %mul3A_60 = arith.constant 52 : i32
        %mul3A_61 = arith.muli %scan3A_58, %mul3A_60 : i32
        %add3A_62 = arith.addi %mul3A_1, %mul3A_61 : i32
        "tpu.region"() ({
          %run_scoped3A = tpu.sem_alloc : memref<!tpu.dma_semaphore, #tpu.memory_space<semaphore_mem>>
          %dma_start3A = arith.constant 0 : i32
          %dma_start3A_64 = arith.constant 0 : i32
          %dma_start3A_65 = tpu.memref_slice %arg7[%dma_start3A, %dma_start3A_64] : memref<52x16xf32, #tpu.memory_space<vmem>> -> memref<52x16xf32, #tpu.memory_space<vmem>>
          %dma_start3A_66 = arith.constant 0 : i32
          %dma_start3A_67 = tpu.memref_slice %arg8[%add3A_62, %dma_start3A_66] : memref<10008x16xf32, #tpu.memory_space<vmem_shared>> -> memref<52x16xf32, #tpu.memory_space<vmem_shared>>
          %dma_start3A_68 = arith.constant 0 : i32
          %dma_start3A_69 = tpu.memref_slice %arg8[%add3A_62, %dma_start3A_68] : memref<10008x16xf32, #tpu.memory_space<vmem_shared>> -> memref<52x16xf32, #tpu.memory_space<vmem_shared>>
          %dma_start3A_70 = arith.constant 0 : i32
          %dma_start3A_71 = arith.constant 0 : i32
          %dma_start3A_72 = tpu.memref_slice %arg7[%dma_start3A_70, %dma_start3A_71] : memref<52x16xf32, #tpu.memory_space<vmem>> -> memref<52x16xf32, #tpu.memory_space<vmem>>
          tpu.enqueue_dma source(%dma_start3A_72 : memref<52x16xf32, #tpu.memory_space<vmem>>) target(%dma_start3A_69 : memref<52x16xf32, #tpu.memory_space<vmem_shared>>) target_semaphore(%run_scoped3A : memref<!tpu.dma_semaphore, #tpu.memory_space<semaphore_mem>>)
          %dma_wait3A = arith.constant 0 : i32
          %dma_wait3A_73 = arith.constant 0 : i32
          %dma_wait3A_74 = tpu.memref_slice %arg7[%dma_wait3A, %dma_wait3A_73] : memref<52x16xf32, #tpu.memory_space<vmem>> -> memref<52x16xf32, #tpu.memory_space<vmem>>
          %dma_wait3A_75 = arith.constant 0 : i32
          %dma_wait3A_76 = tpu.memref_slice %arg8[%add3A_62, %dma_wait3A_75] : memref<10008x16xf32, #tpu.memory_space<vmem_shared>> -> memref<52x16xf32, #tpu.memory_space<vmem_shared>>
          %dma_wait3A_77 = arith.constant 0 : i32
          %dma_wait3A_78 = tpu.memref_slice %arg8[%add3A_62, %dma_wait3A_77] : memref<10008x16xf32, #tpu.memory_space<vmem_shared>> -> memref<52x16xf32, #tpu.memory_space<vmem_shared>>
          %dma_wait3A_79 = arith.constant 0 : i32
          %dma_wait3A_80 = arith.constant 0 : i32
          %dma_wait3A_81 = tpu.memref_slice %arg7[%dma_wait3A_79, %dma_wait3A_80] : memref<52x16xf32, #tpu.memory_space<vmem>> -> memref<52x16xf32, #tpu.memory_space<vmem>>
          tpu.wait_dma2 semaphore(%run_scoped3A : memref<!tpu.dma_semaphore, #tpu.memory_space<semaphore_mem>>) src(%dma_wait3A_81 : memref<52x16xf32, #tpu.memory_space<vmem>>) dst(%dma_wait3A_78 : memref<52x16xf32, #tpu.memory_space<vmem_shared>>)
          tpu.yield
        }) : () -> ()
        %scan3A_63 = arith.constant 0 : i32
        scf.yield %scan3A_63 : i32
      }
      %scan3A_36 = arith.constant 12 : i32
      %convert_element_type3A_37 = arith.extui %eq3A_0 : i1 to i32
      %cond3A_38 = arith.constant 0 : i32
      %cond3A_39 = arith.cmpi ne, %convert_element_type3A_37, %cond3A_38 : i32
      scf.if %cond3A_39 {
        "tpu.region"() ({
          %run_scoped3A = tpu.sem_alloc : memref<!tpu.dma_semaphore, #tpu.memory_space<semaphore_mem>>
          %dma_start3A = arith.constant 0 : i32
          %dma_start3A_58 = arith.constant 0 : i32
          %dma_start3A_59 = tpu.memref_slice %arg7[%dma_start3A, %dma_start3A_58] : memref<52x16xf32, #tpu.memory_space<vmem>> -> memref<16x16xf32, #tpu.memory_space<vmem>>
          %dma_start3A_60 = arith.constant 9984 : i32
          %dma_start3A_61 = arith.constant 0 : i32
          %dma_start3A_62 = tpu.memref_slice %arg8[%dma_start3A_60, %dma_start3A_61] : memref<10008x16xf32, #tpu.memory_space<vmem_shared>> -> memref<16x16xf32, #tpu.memory_space<vmem_shared>>
          %dma_start3A_63 = arith.constant 9984 : i32
          %dma_start3A_64 = arith.constant 0 : i32
          %dma_start3A_65 = tpu.memref_slice %arg8[%dma_start3A_63, %dma_start3A_64] : memref<10008x16xf32, #tpu.memory_space<vmem_shared>> -> memref<16x16xf32, #tpu.memory_space<vmem_shared>>
          %dma_start3A_66 = arith.constant 0 : i32
          %dma_start3A_67 = arith.constant 0 : i32
          %dma_start3A_68 = tpu.memref_slice %arg7[%dma_start3A_66, %dma_start3A_67] : memref<52x16xf32, #tpu.memory_space<vmem>> -> memref<16x16xf32, #tpu.memory_space<vmem>>
          tpu.enqueue_dma source(%dma_start3A_68 : memref<16x16xf32, #tpu.memory_space<vmem>>) target(%dma_start3A_65 : memref<16x16xf32, #tpu.memory_space<vmem_shared>>) target_semaphore(%run_scoped3A : memref<!tpu.dma_semaphore, #tpu.memory_space<semaphore_mem>>)
          %dma_wait3A = arith.constant 0 : i32
          %dma_wait3A_69 = arith.constant 0 : i32
          %dma_wait3A_70 = tpu.memref_slice %arg7[%dma_wait3A, %dma_wait3A_69] : memref<52x16xf32, #tpu.memory_space<vmem>> -> memref<16x16xf32, #tpu.memory_space<vmem>>
          %dma_wait3A_71 = arith.constant 9984 : i32
          %dma_wait3A_72 = arith.constant 0 : i32
          %dma_wait3A_73 = tpu.memref_slice %arg8[%dma_wait3A_71, %dma_wait3A_72] : memref<10008x16xf32, #tpu.memory_space<vmem_shared>> -> memref<16x16xf32, #tpu.memory_space<vmem_shared>>
          %dma_wait3A_74 = arith.constant 9984 : i32
          %dma_wait3A_75 = arith.constant 0 : i32
          %dma_wait3A_76 = tpu.memref_slice %arg8[%dma_wait3A_74, %dma_wait3A_75] : memref<10008x16xf32, #tpu.memory_space<vmem_shared>> -> memref<16x16xf32, #tpu.memory_space<vmem_shared>>
          %dma_wait3A_77 = arith.constant 0 : i32
          %dma_wait3A_78 = arith.constant 0 : i32
          %dma_wait3A_79 = tpu.memref_slice %arg7[%dma_wait3A_77, %dma_wait3A_78] : memref<52x16xf32, #tpu.memory_space<vmem>> -> memref<16x16xf32, #tpu.memory_space<vmem>>
          tpu.wait_dma2 semaphore(%run_scoped3A : memref<!tpu.dma_semaphore, #tpu.memory_space<semaphore_mem>>) src(%dma_wait3A_79 : memref<16x16xf32, #tpu.memory_space<vmem>>) dst(%dma_wait3A_76 : memref<16x16xf32, #tpu.memory_space<vmem_shared>>)
          tpu.yield
        }) : () -> ()
      } else {
      }
      %barrier3A = arith.constant 0 : index
      tpu.barrier barrier_id(%barrier3A)
      %scan3A_40 = arith.constant 0 : i32
      %scan3A_41 = arith.constant 0 : i32
      %scan3A_42 = arith.constant 80 : i32
      %scan3A_43 = arith.addi %scan3A_41, %scan3A_42 : i32
      %scan3A_44 = arith.constant 1 : i32
      %scan3A_45 = scf.for %scan3A_58 = %scan3A_41 to %scan3A_43 step %scan3A_44 iter_args(%scan3A_59 = %scan3A_40) -> (i32)  : i32 {
        %dma_start3A = arith.constant 0 : i32
        %dma_start3A_60 = tpu.memref_slice %arg5[%scan3A_58, %dma_start3A] : memref<80x128xi32, #tpu.memory_space<vmem>> -> memref<1x128xi32, #tpu.memory_space<vmem>>
        %dma_start3A_61 = tpu.memref_squeeze %dma_start3A_60 : memref<1x128xi32, #tpu.memory_space<vmem>> -> memref<128xi32, #tpu.memory_space<vmem>>
        %dma_start3A_62 = arith.constant 0 : i32
        %dma_start3A_63 = arith.constant 0 : i32
        %dma_start3A_64 = tpu.memref_slice %arg8[%dma_start3A_62, %dma_start3A_63] : memref<10008x16xf32, #tpu.memory_space<vmem_shared>> -> memref<10008x16xf32, #tpu.memory_space<vmem_shared>>
        tpu.enqueue_indirect_dma source(%arg6 : memref<128x16xf32, #tpu.memory_space<vmem>>) target(%dma_start3A_64 : memref<10008x16xf32, #tpu.memory_space<vmem_shared>>) offsets(%dma_start3A_61 : memref<128xi32, #tpu.memory_space<vmem>>) semaphore(%arg9 : memref<!tpu.dma_semaphore, #tpu.memory_space<semaphore_mem>>) {add = true}
        %ge3A = arith.constant 8 : i32
        %ge3A_65 = arith.cmpi sge, %scan3A_58, %ge3A : i32
        %convert_element_type3A_66 = arith.extui %ge3A_65 : i1 to i32
        %cond3A_67 = arith.constant 0 : i32
        %cond3A_68 = arith.cmpi ne, %convert_element_type3A_66, %cond3A_67 : i32
        scf.if %cond3A_68 {
          %dma_wait3A = arith.constant 0 : i32
          %dma_wait3A_70 = arith.constant 0 : i32
          %dma_wait3A_71 = tpu.memref_slice %arg4[%dma_wait3A, %dma_wait3A_70] : memref<10000x16xf32, #tpu.memory_space<hbm>> -> memref<128x16xf32, #tpu.memory_space<hbm>>
          %dma_wait3A_72 = arith.constant 0 : i32
          %dma_wait3A_73 = arith.constant 0 : i32
          %dma_wait3A_74 = tpu.memref_slice %arg4[%dma_wait3A_72, %dma_wait3A_73] : memref<10000x16xf32, #tpu.memory_space<hbm>> -> memref<128x16xf32, #tpu.memory_space<hbm>>
          tpu.wait_dma2 semaphore(%arg9 : memref<!tpu.dma_semaphore, #tpu.memory_space<semaphore_mem>>) src(%dma_wait3A_74 : memref<128x16xf32, #tpu.memory_space<hbm>>) dst(%arg6 : memref<128x16xf32, #tpu.memory_space<vmem>>)
        } else {
        }
        %scan3A_69 = arith.constant 0 : i32
        scf.yield %scan3A_69 : i32
      }
      %scan3A_46 = arith.constant 80 : i32
      %scan3A_47 = arith.constant 0 : i32
      %scan3A_48 = arith.constant 0 : i32
      %scan3A_49 = arith.constant 8 : i32
      %scan3A_50 = arith.addi %scan3A_48, %scan3A_49 : i32
      %scan3A_51 = arith.constant 1 : i32
      %scan3A_52 = scf.for %scan3A_58 = %scan3A_48 to %scan3A_50 step %scan3A_51 iter_args(%scan3A_59 = %scan3A_47) -> (i32)  : i32 {
        %dma_wait3A = arith.constant 0 : i32
        %dma_wait3A_60 = arith.constant 0 : i32
        %dma_wait3A_61 = tpu.memref_slice %arg4[%dma_wait3A, %dma_wait3A_60] : memref<10000x16xf32, #tpu.memory_space<hbm>> -> memref<128x16xf32, #tpu.memory_space<hbm>>
        %dma_wait3A_62 = arith.constant 0 : i32
        %dma_wait3A_63 = arith.constant 0 : i32
        %dma_wait3A_64 = tpu.memref_slice %arg4[%dma_wait3A_62, %dma_wait3A_63] : memref<10000x16xf32, #tpu.memory_space<hbm>> -> memref<128x16xf32, #tpu.memory_space<hbm>>
        tpu.wait_dma2 semaphore(%arg9 : memref<!tpu.dma_semaphore, #tpu.memory_space<semaphore_mem>>) src(%dma_wait3A_64 : memref<128x16xf32, #tpu.memory_space<hbm>>) dst(%arg6 : memref<128x16xf32, #tpu.memory_space<vmem>>)
        %scan3A_65 = arith.constant 0 : i32
        scf.yield %scan3A_65 : i32
      }
      %scan3A_53 = arith.constant 8 : i32
      %barrier3A_54 = arith.constant 0 : index
      tpu.barrier barrier_id(%barrier3A_54)
      "tpu.region"() ({
        %run_scoped3A = tpu.sem_alloc : memref<!tpu.dma_semaphore, #tpu.memory_space<semaphore_mem>>
        %dma_start3A = arith.constant 0 : i32
        %dma_start3A_58 = tpu.memref_slice %arg4[%mul3A_1, %dma_start3A] : memref<10000x16xf32, #tpu.memory_space<hbm>> -> memref<624x16xf32, #tpu.memory_space<hbm>>
        %dma_start3A_59 = arith.constant 0 : i32
        %dma_start3A_60 = tpu.memref_slice %arg8[%mul3A_1, %dma_start3A_59] : memref<10008x16xf32, #tpu.memory_space<vmem_shared>> -> memref<624x16xf32, #tpu.memory_space<vmem_shared>>
        tpu.enqueue_dma source(%dma_start3A_60 : memref<624x16xf32, #tpu.memory_space<vmem_shared>>) target(%dma_start3A_58 : memref<624x16xf32, #tpu.memory_space<hbm>>) target_semaphore(%run_scoped3A : memref<!tpu.dma_semaphore, #tpu.memory_space<semaphore_mem>>)
        %dma_wait3A = arith.constant 0 : i32
        %dma_wait3A_61 = tpu.memref_slice %arg4[%mul3A_1, %dma_wait3A] : memref<10000x16xf32, #tpu.memory_space<hbm>> -> memref<624x16xf32, #tpu.memory_space<hbm>>
        %dma_wait3A_62 = arith.constant 0 : i32
        %dma_wait3A_63 = tpu.memref_slice %arg8[%mul3A_1, %dma_wait3A_62] : memref<10008x16xf32, #tpu.memory_space<vmem_shared>> -> memref<624x16xf32, #tpu.memory_space<vmem_shared>>
        tpu.wait_dma2 semaphore(%run_scoped3A : memref<!tpu.dma_semaphore, #tpu.memory_space<semaphore_mem>>) src(%dma_wait3A_63 : memref<624x16xf32, #tpu.memory_space<vmem_shared>>) dst(%dma_wait3A_61 : memref<624x16xf32, #tpu.memory_space<hbm>>)
        tpu.yield
      }) : () -> ()
      %convert_element_type3A_55 = arith.extui %eq3A_0 : i1 to i32
      %cond3A_56 = arith.constant 0 : i32
      %cond3A_57 = arith.cmpi ne, %convert_element_type3A_55, %cond3A_56 : i32
      scf.if %cond3A_57 {
        "tpu.region"() ({
          %run_scoped3A = tpu.sem_alloc : memref<!tpu.dma_semaphore, #tpu.memory_space<semaphore_mem>>
          %dma_start3A = arith.constant 9984 : i32
          %dma_start3A_58 = arith.constant 0 : i32
          %dma_start3A_59 = tpu.memref_slice %arg4[%dma_start3A, %dma_start3A_58] : memref<10000x16xf32, #tpu.memory_space<hbm>> -> memref<16x16xf32, #tpu.memory_space<hbm>>
          %dma_start3A_60 = arith.constant 9984 : i32
          %dma_start3A_61 = arith.constant 0 : i32
          %dma_start3A_62 = tpu.memref_slice %arg8[%dma_start3A_60, %dma_start3A_61] : memref<10008x16xf32, #tpu.memory_space<vmem_shared>> -> memref<16x16xf32, #tpu.memory_space<vmem_shared>>
          tpu.enqueue_dma source(%dma_start3A_62 : memref<16x16xf32, #tpu.memory_space<vmem_shared>>) target(%dma_start3A_59 : memref<16x16xf32, #tpu.memory_space<hbm>>) target_semaphore(%run_scoped3A : memref<!tpu.dma_semaphore, #tpu.memory_space<semaphore_mem>>)
          %dma_wait3A = arith.constant 9984 : i32
          %dma_wait3A_63 = arith.constant 0 : i32
          %dma_wait3A_64 = tpu.memref_slice %arg4[%dma_wait3A, %dma_wait3A_63] : memref<10000x16xf32, #tpu.memory_space<hbm>> -> memref<16x16xf32, #tpu.memory_space<hbm>>
          %dma_wait3A_65 = arith.constant 9984 : i32
          %dma_wait3A_66 = arith.constant 0 : i32
          %dma_wait3A_67 = tpu.memref_slice %arg8[%dma_wait3A_65, %dma_wait3A_66] : memref<10008x16xf32, #tpu.memory_space<vmem_shared>> -> memref<16x16xf32, #tpu.memory_space<vmem_shared>>
          tpu.wait_dma2 semaphore(%run_scoped3A : memref<!tpu.dma_semaphore, #tpu.memory_space<semaphore_mem>>) src(%dma_wait3A_67 : memref<16x16xf32, #tpu.memory_space<vmem_shared>>) dst(%dma_wait3A_64 : memref<16x16xf32, #tpu.memory_space<hbm>>)
          tpu.yield
        }) : () -> ()
      } else {
      }
    } else {
    }
    return
  }
}

#map = affine_map<(d0, d1) -> (0, 0)>
module attributes {stable_mosaic.version = 14 : i64} {
  func.func @body(%arg0: i32, %arg1: i32, %arg2: memref<10000x128xf32, #tpu.memory_space<hbm>>, %arg3: memref<10000x128xf32, #tpu.memory_space<hbm>>, %arg4: memref<5120x64xi32, #tpu.memory_space<hbm>>, %arg5: memref<5120x64xi32, #tpu.memory_space<hbm>>, %arg6: memref<10000x128xf32, #tpu.memory_space<hbm>>, %arg7: memref<10000x128xf32, #tpu.memory_space<hbm>>, %arg8: memref<2x32x64xi32, #tpu.memory_space<vmem>>, %arg9: memref<2x32x64xi32, #tpu.memory_space<vmem>>, %arg10: memref<5x64x128xf32, #tpu.memory_space<vmem>>, %arg11: memref<10008x128xf32, #tpu.memory_space<vmem_shared>>, %arg12: memref<!tpu.dma_semaphore, #tpu.memory_space<semaphore_mem>>, %arg13: memref<!tpu.dma_semaphore, #tpu.memory_space<semaphore_mem>>, %arg14: memref<!tpu.dma_semaphore, #tpu.memory_space<semaphore_mem>>) attributes {dimension_semantics = [#tpu.dimension_semantics<core_parallel>, #tpu.dimension_semantics<subcore_parallel>], iteration_bounds = array<i64: 2, 16>, scalar_prefetch = 0 : i64, scratch_operands = 7 : i64, tpu.core_type = #tpu.core_type<sc_vector_subcore>, window_params = [{transform_indices = #map}, {transform_indices = #map}, {transform_indices = #map}, {transform_indices = #map}, {transform_indices = #map}, {transform_indices = #map}]} {
    %eq3A = arith.constant 15 : i32
    %eq3A_0 = arith.cmpi eq, %arg1, %eq3A : i32
    %mul3A = arith.constant 624 : i32
    %mul3A_1 = arith.muli %arg1, %mul3A : i32
    %mul3A_2 = arith.constant 320 : i32
    %mul3A_3 = arith.muli %arg1, %mul3A_2 : i32
    %eq3A_4 = arith.constant 0 : i32
    %eq3A_5 = arith.cmpi eq, %arg0, %eq3A_4 : i32
    %convert_element_type3A = arith.extui %eq3A_5 : i1 to i32
    %cond3A = arith.constant 0 : i32
    %cond3A_6 = arith.cmpi ne, %convert_element_type3A, %cond3A : i32
    scf.if %cond3A_6 {
      %broadcast_in_dim3A = arith.constant 0.000000e+00 : f32
      %broadcast_in_dim3A_12 = vector.broadcast %broadcast_in_dim3A : f32 to vector<16xf32>
      %scan3A = arith.constant 0 : i32
      %scan3A_13 = arith.constant 0 : i32
      %scan3A_14 = arith.constant 0 : i32
      %scan3A_15 = arith.constant 52 : i32
      %scan3A_16 = arith.addi %scan3A_14, %scan3A_15 : i32
      %scan3A_17 = arith.constant 1 : i32
      %scan3A_18 = scf.for %scan3A_112 = %scan3A_14 to %scan3A_16 step %scan3A_17 iter_args(%scan3A_113 = %scan3A_13) -> (i32)  : i32 {
        %scan3A_114 = arith.constant 0 : i32
        %scan3A_115 = arith.constant 0 : i32
        %scan3A_116 = arith.constant 8 : i32
        %scan3A_117 = arith.addi %scan3A_115, %scan3A_116 : i32
        %scan3A_118 = arith.constant 1 : i32
        %scan3A_119 = scf.for %scan3A_121 = %scan3A_115 to %scan3A_117 step %scan3A_118 iter_args(%scan3A_122 = %scan3A_114) -> (i32)  : i32 {
          %mul3A_123 = arith.constant 16 : i32
          %mul3A_124 = arith.muli %scan3A_121, %mul3A_123 : i32
          %swap3A = arith.constant 0 : i32
          %swap3A_125 = arith.constant 0 : i32
          %swap3A_126 = tpu.memref_slice %arg10[%scan3A, %swap3A, %swap3A_125] : memref<5x64x128xf32, #tpu.memory_space<vmem>> -> memref<1x64x128xf32, #tpu.memory_space<vmem>>
          %swap3A_127 = tpu.memref_squeeze %swap3A_126 : memref<1x64x128xf32, #tpu.memory_space<vmem>> -> memref<64x128xf32, #tpu.memory_space<vmem>>
          %swap3A_128 = arith.index_cast %scan3A_112 : i32 to index
          %swap3A_129 = arith.index_cast %mul3A_124 : i32 to index
          %swap3A_130 = tpu.vector_load %swap3A_127[%swap3A_128, %swap3A_129] {strides = array<i32>} : memref<64x128xf32, #tpu.memory_space<vmem>>, vector<1x16xf32>,
          %swap3A_131 = vector.shape_cast %swap3A_130 : vector<1x16xf32> to vector<16xf32>
          %swap3A_132 = vector.shape_cast %broadcast_in_dim3A_12 : vector<16xf32> to vector<1x16xf32>
          tpu.vector_store %swap3A_127[%swap3A_128, %swap3A_129], %swap3A_132 {strides = array<i32>} : memref<64x128xf32, #tpu.memory_space<vmem>>, vector<1x16xf32>,
          %scan3A_133 = arith.constant 0 : i32
          scf.yield %scan3A_133 : i32
        }
        %scan3A_120 = arith.constant 8 : i32
        scf.yield %scan3A_119 : i32
      }
      %scan3A_19 = arith.constant 52 : i32
      %scan3A_20 = arith.constant 0 : i32
      %scan3A_21 = arith.constant 0 : i32
      %scan3A_22 = arith.constant 0 : i32
      %scan3A_23 = arith.constant 12 : i32
      %scan3A_24 = arith.addi %scan3A_22, %scan3A_23 : i32
      %scan3A_25 = arith.constant 1 : i32
      %scan3A_26 = scf.for %scan3A_112 = %scan3A_22 to %scan3A_24 step %scan3A_25 iter_args(%scan3A_113 = %scan3A_21) -> (i32)  : i32 {
        %mul3A_114 = arith.constant 52 : i32
        %mul3A_115 = arith.muli %scan3A_112, %mul3A_114 : i32
        %add3A = arith.addi %mul3A_1, %mul3A_115 : i32
        "tpu.region"() ({
          %run_scoped3A_117 = tpu.sem_alloc : memref<!tpu.dma_semaphore, #tpu.memory_space<semaphore_mem>>
          %dma_start3A_118 = arith.constant 0 : i32
          %dma_start3A_119 = arith.constant 0 : i32
          %dma_start3A_120 = tpu.memref_slice %arg10[%scan3A_20, %dma_start3A_118, %dma_start3A_119] : memref<5x64x128xf32, #tpu.memory_space<vmem>> -> memref<1x64x128xf32, #tpu.memory_space<vmem>>
          %dma_start3A_121 = tpu.memref_squeeze %dma_start3A_120 : memref<1x64x128xf32, #tpu.memory_space<vmem>> -> memref<64x128xf32, #tpu.memory_space<vmem>>
          %dma_start3A_122 = arith.constant 0 : i32
          %dma_start3A_123 = arith.constant 0 : i32
          %dma_start3A_124 = tpu.memref_slice %dma_start3A_121[%dma_start3A_122, %dma_start3A_123] : memref<64x128xf32, #tpu.memory_space<vmem>> -> memref<52x128xf32, #tpu.memory_space<vmem>>
          %dma_start3A_125 = arith.constant 0 : i32
          %dma_start3A_126 = tpu.memref_slice %arg11[%add3A, %dma_start3A_125] : memref<10008x128xf32, #tpu.memory_space<vmem_shared>> -> memref<52x128xf32, #tpu.memory_space<vmem_shared>>
          %dma_start3A_127 = arith.constant 0 : i32
          %dma_start3A_128 = tpu.memref_slice %arg11[%add3A, %dma_start3A_127] : memref<10008x128xf32, #tpu.memory_space<vmem_shared>> -> memref<52x128xf32, #tpu.memory_space<vmem_shared>>
          %dma_start3A_129 = arith.constant 0 : i32
          %dma_start3A_130 = arith.constant 0 : i32
          %dma_start3A_131 = tpu.memref_slice %arg10[%scan3A_20, %dma_start3A_129, %dma_start3A_130] : memref<5x64x128xf32, #tpu.memory_space<vmem>> -> memref<1x64x128xf32, #tpu.memory_space<vmem>>
          %dma_start3A_132 = tpu.memref_squeeze %dma_start3A_131 : memref<1x64x128xf32, #tpu.memory_space<vmem>> -> memref<64x128xf32, #tpu.memory_space<vmem>>
          %dma_start3A_133 = arith.constant 0 : i32
          %dma_start3A_134 = arith.constant 0 : i32
          %dma_start3A_135 = tpu.memref_slice %dma_start3A_132[%dma_start3A_133, %dma_start3A_134] : memref<64x128xf32, #tpu.memory_space<vmem>> -> memref<52x128xf32, #tpu.memory_space<vmem>>
          tpu.enqueue_dma source(%dma_start3A_135 : memref<52x128xf32, #tpu.memory_space<vmem>>) target(%dma_start3A_128 : memref<52x128xf32, #tpu.memory_space<vmem_shared>>) target_semaphore(%run_scoped3A_117 : memref<!tpu.dma_semaphore, #tpu.memory_space<semaphore_mem>>)
          %dma_wait3A_136 = arith.constant 0 : i32
          %dma_wait3A_137 = arith.constant 0 : i32
          %dma_wait3A_138 = tpu.memref_slice %arg10[%scan3A_20, %dma_wait3A_136, %dma_wait3A_137] : memref<5x64x128xf32, #tpu.memory_space<vmem>> -> memref<1x64x128xf32, #tpu.memory_space<vmem>>
          %dma_wait3A_139 = tpu.memref_squeeze %dma_wait3A_138 : memref<1x64x128xf32, #tpu.memory_space<vmem>> -> memref<64x128xf32, #tpu.memory_space<vmem>>
          %dma_wait3A_140 = arith.constant 0 : i32
          %dma_wait3A_141 = arith.constant 0 : i32
          %dma_wait3A_142 = tpu.memref_slice %dma_wait3A_139[%dma_wait3A_140, %dma_wait3A_141] : memref<64x128xf32, #tpu.memory_space<vmem>> -> memref<52x128xf32, #tpu.memory_space<vmem>>
          %dma_wait3A_143 = arith.constant 0 : i32
          %dma_wait3A_144 = tpu.memref_slice %arg11[%add3A, %dma_wait3A_143] : memref<10008x128xf32, #tpu.memory_space<vmem_shared>> -> memref<52x128xf32, #tpu.memory_space<vmem_shared>>
          %dma_wait3A_145 = arith.constant 0 : i32
          %dma_wait3A_146 = tpu.memref_slice %arg11[%add3A, %dma_wait3A_145] : memref<10008x128xf32, #tpu.memory_space<vmem_shared>> -> memref<52x128xf32, #tpu.memory_space<vmem_shared>>
          %dma_wait3A_147 = arith.constant 0 : i32
          %dma_wait3A_148 = arith.constant 0 : i32
          %dma_wait3A_149 = tpu.memref_slice %arg10[%scan3A_20, %dma_wait3A_147, %dma_wait3A_148] : memref<5x64x128xf32, #tpu.memory_space<vmem>> -> memref<1x64x128xf32, #tpu.memory_space<vmem>>
          %dma_wait3A_150 = tpu.memref_squeeze %dma_wait3A_149 : memref<1x64x128xf32, #tpu.memory_space<vmem>> -> memref<64x128xf32, #tpu.memory_space<vmem>>
          %dma_wait3A_151 = arith.constant 0 : i32
          %dma_wait3A_152 = arith.constant 0 : i32
          %dma_wait3A_153 = tpu.memref_slice %dma_wait3A_150[%dma_wait3A_151, %dma_wait3A_152] : memref<64x128xf32, #tpu.memory_space<vmem>> -> memref<52x128xf32, #tpu.memory_space<vmem>>
          tpu.wait_dma2 semaphore(%run_scoped3A_117 : memref<!tpu.dma_semaphore, #tpu.memory_space<semaphore_mem>>) src(%dma_wait3A_153 : memref<52x128xf32, #tpu.memory_space<vmem>>) dst(%dma_wait3A_146 : memref<52x128xf32, #tpu.memory_space<vmem_shared>>)
          tpu.yield
        }) : () -> ()
        %scan3A_116 = arith.constant 0 : i32
        scf.yield %scan3A_116 : i32
      }
      %scan3A_27 = arith.constant 12 : i32
      %convert_element_type3A_28 = arith.extui %eq3A_0 : i1 to i32
      %cond3A_29 = arith.constant 0 : i32
      %cond3A_30 = arith.constant 0 : i32
      %cond3A_31 = arith.cmpi ne, %convert_element_type3A_28, %cond3A_30 : i32
      scf.if %cond3A_31 {
        "tpu.region"() ({
          %run_scoped3A_112 = tpu.sem_alloc : memref<!tpu.dma_semaphore, #tpu.memory_space<semaphore_mem>>
          %dma_start3A_113 = arith.constant 0 : i32
          %dma_start3A_114 = arith.constant 0 : i32
          %dma_start3A_115 = tpu.memref_slice %arg10[%cond3A_29, %dma_start3A_113, %dma_start3A_114] : memref<5x64x128xf32, #tpu.memory_space<vmem>> -> memref<1x64x128xf32, #tpu.memory_space<vmem>>
          %dma_start3A_116 = tpu.memref_squeeze %dma_start3A_115 : memref<1x64x128xf32, #tpu.memory_space<vmem>> -> memref<64x128xf32, #tpu.memory_space<vmem>>
          %dma_start3A_117 = arith.constant 0 : i32
          %dma_start3A_118 = arith.constant 0 : i32
          %dma_start3A_119 = tpu.memref_slice %dma_start3A_116[%dma_start3A_117, %dma_start3A_118] : memref<64x128xf32, #tpu.memory_space<vmem>> -> memref<16x128xf32, #tpu.memory_space<vmem>>
          %dma_start3A_120 = arith.constant 9984 : i32
          %dma_start3A_121 = arith.constant 0 : i32
          %dma_start3A_122 = tpu.memref_slice %arg11[%dma_start3A_120, %dma_start3A_121] : memref<10008x128xf32, #tpu.memory_space<vmem_shared>> -> memref<16x128xf32, #tpu.memory_space<vmem_shared>>
          %dma_start3A_123 = arith.constant 9984 : i32
          %dma_start3A_124 = arith.constant 0 : i32
          %dma_start3A_125 = tpu.memref_slice %arg11[%dma_start3A_123, %dma_start3A_124] : memref<10008x128xf32, #tpu.memory_space<vmem_shared>> -> memref<16x128xf32, #tpu.memory_space<vmem_shared>>
          %dma_start3A_126 = arith.constant 0 : i32
          %dma_start3A_127 = arith.constant 0 : i32
          %dma_start3A_128 = tpu.memref_slice %arg10[%cond3A_29, %dma_start3A_126, %dma_start3A_127] : memref<5x64x128xf32, #tpu.memory_space<vmem>> -> memref<1x64x128xf32, #tpu.memory_space<vmem>>
          %dma_start3A_129 = tpu.memref_squeeze %dma_start3A_128 : memref<1x64x128xf32, #tpu.memory_space<vmem>> -> memref<64x128xf32, #tpu.memory_space<vmem>>
          %dma_start3A_130 = arith.constant 0 : i32
          %dma_start3A_131 = arith.constant 0 : i32
          %dma_start3A_132 = tpu.memref_slice %dma_start3A_129[%dma_start3A_130, %dma_start3A_131] : memref<64x128xf32, #tpu.memory_space<vmem>> -> memref<16x128xf32, #tpu.memory_space<vmem>>
          tpu.enqueue_dma source(%dma_start3A_132 : memref<16x128xf32, #tpu.memory_space<vmem>>) target(%dma_start3A_125 : memref<16x128xf32, #tpu.memory_space<vmem_shared>>) target_semaphore(%run_scoped3A_112 : memref<!tpu.dma_semaphore, #tpu.memory_space<semaphore_mem>>)
          %dma_wait3A_133 = arith.constant 0 : i32
          %dma_wait3A_134 = arith.constant 0 : i32
          %dma_wait3A_135 = tpu.memref_slice %arg10[%cond3A_29, %dma_wait3A_133, %dma_wait3A_134] : memref<5x64x128xf32, #tpu.memory_space<vmem>> -> memref<1x64x128xf32, #tpu.memory_space<vmem>>
          %dma_wait3A_136 = tpu.memref_squeeze %dma_wait3A_135 : memref<1x64x128xf32, #tpu.memory_space<vmem>> -> memref<64x128xf32, #tpu.memory_space<vmem>>
          %dma_wait3A_137 = arith.constant 0 : i32
          %dma_wait3A_138 = arith.constant 0 : i32
          %dma_wait3A_139 = tpu.memref_slice %dma_wait3A_136[%dma_wait3A_137, %dma_wait3A_138] : memref<64x128xf32, #tpu.memory_space<vmem>> -> memref<16x128xf32, #tpu.memory_space<vmem>>
          %dma_wait3A_140 = arith.constant 9984 : i32
          %dma_wait3A_141 = arith.constant 0 : i32
          %dma_wait3A_142 = tpu.memref_slice %arg11[%dma_wait3A_140, %dma_wait3A_141] : memref<10008x128xf32, #tpu.memory_space<vmem_shared>> -> memref<16x128xf32, #tpu.memory_space<vmem_shared>>
          %dma_wait3A_143 = arith.constant 9984 : i32
          %dma_wait3A_144 = arith.constant 0 : i32
          %dma_wait3A_145 = tpu.memref_slice %arg11[%dma_wait3A_143, %dma_wait3A_144] : memref<10008x128xf32, #tpu.memory_space<vmem_shared>> -> memref<16x128xf32, #tpu.memory_space<vmem_shared>>
          %dma_wait3A_146 = arith.constant 0 : i32
          %dma_wait3A_147 = arith.constant 0 : i32
          %dma_wait3A_148 = tpu.memref_slice %arg10[%cond3A_29, %dma_wait3A_146, %dma_wait3A_147] : memref<5x64x128xf32, #tpu.memory_space<vmem>> -> memref<1x64x128xf32, #tpu.memory_space<vmem>>
          %dma_wait3A_149 = tpu.memref_squeeze %dma_wait3A_148 : memref<1x64x128xf32, #tpu.memory_space<vmem>> -> memref<64x128xf32, #tpu.memory_space<vmem>>
          %dma_wait3A_150 = arith.constant 0 : i32
          %dma_wait3A_151 = arith.constant 0 : i32
          %dma_wait3A_152 = tpu.memref_slice %dma_wait3A_149[%dma_wait3A_150, %dma_wait3A_151] : memref<64x128xf32, #tpu.memory_space<vmem>> -> memref<16x128xf32, #tpu.memory_space<vmem>>
          tpu.wait_dma2 semaphore(%run_scoped3A_112 : memref<!tpu.dma_semaphore, #tpu.memory_space<semaphore_mem>>) src(%dma_wait3A_152 : memref<16x128xf32, #tpu.memory_space<vmem>>) dst(%dma_wait3A_145 : memref<16x128xf32, #tpu.memory_space<vmem_shared>>)
          tpu.yield
        }) : () -> ()
      } else {
      }
      %barrier3A = arith.constant 0 : index
      tpu.barrier barrier_id(%barrier3A)
      %run_scoped3A = arith.constant 0 : i32
      "tpu.region"() ({
        %run_scoped3A_112 = tpu.sem_alloc : memref<!tpu.dma_semaphore, #tpu.memory_space<semaphore_mem>>
        %dma_start3A_113 = arith.constant 0 : i32
        %dma_start3A_114 = arith.constant 0 : i32
        %dma_start3A_115 = tpu.memref_slice %arg8[%run_scoped3A, %dma_start3A_113, %dma_start3A_114] : memref<2x32x64xi32, #tpu.memory_space<vmem>> -> memref<1x32x64xi32, #tpu.memory_space<vmem>>
        %dma_start3A_116 = tpu.memref_squeeze %dma_start3A_115 : memref<1x32x64xi32, #tpu.memory_space<vmem>> -> memref<32x64xi32, #tpu.memory_space<vmem>>
        %dma_start3A_117 = arith.constant 0 : i32
        %dma_start3A_118 = tpu.memref_slice %arg4[%mul3A_3, %dma_start3A_117] : memref<5120x64xi32, #tpu.memory_space<hbm>> -> memref<32x64xi32, #tpu.memory_space<hbm>>
        %dma_start3A_119 = arith.constant 0 : i32
        %dma_start3A_120 = arith.constant 0 : i32
        %dma_start3A_121 = tpu.memref_slice %arg8[%run_scoped3A, %dma_start3A_119, %dma_start3A_120] : memref<2x32x64xi32, #tpu.memory_space<vmem>> -> memref<1x32x64xi32, #tpu.memory_space<vmem>>
        %dma_start3A_122 = tpu.memref_squeeze %dma_start3A_121 : memref<1x32x64xi32, #tpu.memory_space<vmem>> -> memref<32x64xi32, #tpu.memory_space<vmem>>
        %dma_start3A_123 = arith.constant 0 : i32
        %dma_start3A_124 = tpu.memref_slice %arg4[%mul3A_3, %dma_start3A_123] : memref<5120x64xi32, #tpu.memory_space<hbm>> -> memref<32x64xi32, #tpu.memory_space<hbm>>
        tpu.enqueue_dma source(%dma_start3A_124 : memref<32x64xi32, #tpu.memory_space<hbm>>) target(%dma_start3A_122 : memref<32x64xi32, #tpu.memory_space<vmem>>) target_semaphore(%run_scoped3A_112 : memref<!tpu.dma_semaphore, #tpu.memory_space<semaphore_mem>>)
        %dma_wait3A_125 = arith.constant 0 : i32
        %dma_wait3A_126 = arith.constant 0 : i32
        %dma_wait3A_127 = tpu.memref_slice %arg8[%run_scoped3A, %dma_wait3A_125, %dma_wait3A_126] : memref<2x32x64xi32, #tpu.memory_space<vmem>> -> memref<1x32x64xi32, #tpu.memory_space<vmem>>
        %dma_wait3A_128 = tpu.memref_squeeze %dma_wait3A_127 : memref<1x32x64xi32, #tpu.memory_space<vmem>> -> memref<32x64xi32, #tpu.memory_space<vmem>>
        %dma_wait3A_129 = arith.constant 0 : i32
        %dma_wait3A_130 = tpu.memref_slice %arg4[%mul3A_3, %dma_wait3A_129] : memref<5120x64xi32, #tpu.memory_space<hbm>> -> memref<32x64xi32, #tpu.memory_space<hbm>>
        %dma_wait3A_131 = arith.constant 0 : i32
        %dma_wait3A_132 = arith.constant 0 : i32
        %dma_wait3A_133 = tpu.memref_slice %arg8[%run_scoped3A, %dma_wait3A_131, %dma_wait3A_132] : memref<2x32x64xi32, #tpu.memory_space<vmem>> -> memref<1x32x64xi32, #tpu.memory_space<vmem>>
        %dma_wait3A_134 = tpu.memref_squeeze %dma_wait3A_133 : memref<1x32x64xi32, #tpu.memory_space<vmem>> -> memref<32x64xi32, #tpu.memory_space<vmem>>
        %dma_wait3A_135 = arith.constant 0 : i32
        %dma_wait3A_136 = tpu.memref_slice %arg4[%mul3A_3, %dma_wait3A_135] : memref<5120x64xi32, #tpu.memory_space<hbm>> -> memref<32x64xi32, #tpu.memory_space<hbm>>
        tpu.wait_dma2 semaphore(%run_scoped3A_112 : memref<!tpu.dma_semaphore, #tpu.memory_space<semaphore_mem>>) src(%dma_wait3A_136 : memref<32x64xi32, #tpu.memory_space<hbm>>) dst(%dma_wait3A_134 : memref<32x64xi32, #tpu.memory_space<vmem>>)
        tpu.yield
      }) : () -> ()
      %run_scoped3A_32 = arith.constant 0 : i32
      "tpu.region"() ({
        %run_scoped3A_112 = tpu.sem_alloc : memref<!tpu.dma_semaphore, #tpu.memory_space<semaphore_mem>>
        %dma_start3A_113 = arith.constant 0 : i32
        %dma_start3A_114 = arith.constant 0 : i32
        %dma_start3A_115 = tpu.memref_slice %arg9[%run_scoped3A_32, %dma_start3A_113, %dma_start3A_114] : memref<2x32x64xi32, #tpu.memory_space<vmem>> -> memref<1x32x64xi32, #tpu.memory_space<vmem>>
        %dma_start3A_116 = tpu.memref_squeeze %dma_start3A_115 : memref<1x32x64xi32, #tpu.memory_space<vmem>> -> memref<32x64xi32, #tpu.memory_space<vmem>>
        %dma_start3A_117 = arith.constant 0 : i32
        %dma_start3A_118 = tpu.memref_slice %arg5[%mul3A_3, %dma_start3A_117] : memref<5120x64xi32, #tpu.memory_space<hbm>> -> memref<32x64xi32, #tpu.memory_space<hbm>>
        %dma_start3A_119 = arith.constant 0 : i32
        %dma_start3A_120 = arith.constant 0 : i32
        %dma_start3A_121 = tpu.memref_slice %arg9[%run_scoped3A_32, %dma_start3A_119, %dma_start3A_120] : memref<2x32x64xi32, #tpu.memory_space<vmem>> -> memref<1x32x64xi32, #tpu.memory_space<vmem>>
        %dma_start3A_122 = tpu.memref_squeeze %dma_start3A_121 : memref<1x32x64xi32, #tpu.memory_space<vmem>> -> memref<32x64xi32, #tpu.memory_space<vmem>>
        %dma_start3A_123 = arith.constant 0 : i32
        %dma_start3A_124 = tpu.memref_slice %arg5[%mul3A_3, %dma_start3A_123] : memref<5120x64xi32, #tpu.memory_space<hbm>> -> memref<32x64xi32, #tpu.memory_space<hbm>>
        tpu.enqueue_dma source(%dma_start3A_124 : memref<32x64xi32, #tpu.memory_space<hbm>>) target(%dma_start3A_122 : memref<32x64xi32, #tpu.memory_space<vmem>>) target_semaphore(%run_scoped3A_112 : memref<!tpu.dma_semaphore, #tpu.memory_space<semaphore_mem>>)
        %dma_wait3A_125 = arith.constant 0 : i32
        %dma_wait3A_126 = arith.constant 0 : i32
        %dma_wait3A_127 = tpu.memref_slice %arg9[%run_scoped3A_32, %dma_wait3A_125, %dma_wait3A_126] : memref<2x32x64xi32, #tpu.memory_space<vmem>> -> memref<1x32x64xi32, #tpu.memory_space<vmem>>
        %dma_wait3A_128 = tpu.memref_squeeze %dma_wait3A_127 : memref<1x32x64xi32, #tpu.memory_space<vmem>> -> memref<32x64xi32, #tpu.memory_space<vmem>>
        %dma_wait3A_129 = arith.constant 0 : i32
        %dma_wait3A_130 = tpu.memref_slice %arg5[%mul3A_3, %dma_wait3A_129] : memref<5120x64xi32, #tpu.memory_space<hbm>> -> memref<32x64xi32, #tpu.memory_space<hbm>>
        %dma_wait3A_131 = arith.constant 0 : i32
        %dma_wait3A_132 = arith.constant 0 : i32
        %dma_wait3A_133 = tpu.memref_slice %arg9[%run_scoped3A_32, %dma_wait3A_131, %dma_wait3A_132] : memref<2x32x64xi32, #tpu.memory_space<vmem>> -> memref<1x32x64xi32, #tpu.memory_space<vmem>>
        %dma_wait3A_134 = tpu.memref_squeeze %dma_wait3A_133 : memref<1x32x64xi32, #tpu.memory_space<vmem>> -> memref<32x64xi32, #tpu.memory_space<vmem>>
        %dma_wait3A_135 = arith.constant 0 : i32
        %dma_wait3A_136 = tpu.memref_slice %arg5[%mul3A_3, %dma_wait3A_135] : memref<5120x64xi32, #tpu.memory_space<hbm>> -> memref<32x64xi32, #tpu.memory_space<hbm>>
        tpu.wait_dma2 semaphore(%run_scoped3A_112 : memref<!tpu.dma_semaphore, #tpu.memory_space<semaphore_mem>>) src(%dma_wait3A_136 : memref<32x64xi32, #tpu.memory_space<hbm>>) dst(%dma_wait3A_134 : memref<32x64xi32, #tpu.memory_space<vmem>>)
        tpu.yield
      }) : () -> ()
      %dma_start3A = arith.constant 0 : i32
      %dma_start3A_33 = arith.constant 0 : i32
      %dma_start3A_34 = arith.constant 0 : i32
      %dma_start3A_35 = arith.constant 0 : i32
      %dma_start3A_36 = arith.constant 0 : i32
      %dma_start3A_37 = tpu.memref_slice %arg10[%dma_start3A_34, %dma_start3A_35, %dma_start3A_36] : memref<5x64x128xf32, #tpu.memory_space<vmem>> -> memref<1x64x128xf32, #tpu.memory_space<vmem>>
      %dma_start3A_38 = tpu.memref_squeeze %dma_start3A_37 : memref<1x64x128xf32, #tpu.memory_space<vmem>> -> memref<64x128xf32, #tpu.memory_space<vmem>>
      %dma_start3A_39 = arith.constant 0 : i32
      %dma_start3A_40 = tpu.memref_slice %arg8[%dma_start3A, %dma_start3A_33, %dma_start3A_39] : memref<2x32x64xi32, #tpu.memory_space<vmem>> -> memref<1x1x64xi32, #tpu.memory_space<vmem>>
      %dma_start3A_41 = tpu.memref_squeeze %dma_start3A_40 : memref<1x1x64xi32, #tpu.memory_space<vmem>> -> memref<64xi32, #tpu.memory_space<vmem>>
      %dma_start3A_42 = arith.constant 0 : i32
      %dma_start3A_43 = arith.constant 0 : i32
      %dma_start3A_44 = tpu.memref_slice %arg2[%dma_start3A_42, %dma_start3A_43] : memref<10000x128xf32, #tpu.memory_space<hbm>> -> memref<10000x128xf32, #tpu.memory_space<hbm>>
      tpu.enqueue_indirect_dma source(%dma_start3A_44 : memref<10000x128xf32, #tpu.memory_space<hbm>>) target(%dma_start3A_38 : memref<64x128xf32, #tpu.memory_space<vmem>>) offsets(%dma_start3A_41 : memref<64xi32, #tpu.memory_space<vmem>>) semaphore(%arg12 : memref<!tpu.dma_semaphore, #tpu.memory_space<semaphore_mem>>)
      %dma_start3A_45 = arith.constant 0 : i32
      %dma_start3A_46 = arith.constant 1 : i32
      %dma_start3A_47 = arith.constant 1 : i32
      %dma_start3A_48 = arith.constant 0 : i32
      %dma_start3A_49 = arith.constant 0 : i32
      %dma_start3A_50 = tpu.memref_slice %arg10[%dma_start3A_47, %dma_start3A_48, %dma_start3A_49] : memref<5x64x128xf32, #tpu.memory_space<vmem>> -> memref<1x64x128xf32, #tpu.memory_space<vmem>>
      %dma_start3A_51 = tpu.memref_squeeze %dma_start3A_50 : memref<1x64x128xf32, #tpu.memory_space<vmem>> -> memref<64x128xf32, #tpu.memory_space<vmem>>
      %dma_start3A_52 = arith.constant 0 : i32
      %dma_start3A_53 = tpu.memref_slice %arg8[%dma_start3A_45, %dma_start3A_46, %dma_start3A_52] : memref<2x32x64xi32, #tpu.memory_space<vmem>> -> memref<1x1x64xi32, #tpu.memory_space<vmem>>
      %dma_start3A_54 = tpu.memref_squeeze %dma_start3A_53 : memref<1x1x64xi32, #tpu.memory_space<vmem>> -> memref<64xi32, #tpu.memory_space<vmem>>
      %dma_start3A_55 = arith.constant 0 : i32
      %dma_start3A_56 = arith.constant 0 : i32
      %dma_start3A_57 = tpu.memref_slice %arg2[%dma_start3A_55, %dma_start3A_56] : memref<10000x128xf32, #tpu.memory_space<hbm>> -> memref<10000x128xf32, #tpu.memory_space<hbm>>
      tpu.enqueue_indirect_dma source(%dma_start3A_57 : memref<10000x128xf32, #tpu.memory_space<hbm>>) target(%dma_start3A_51 : memref<64x128xf32, #tpu.memory_space<vmem>>) offsets(%dma_start3A_54 : memref<64xi32, #tpu.memory_space<vmem>>) semaphore(%arg12 : memref<!tpu.dma_semaphore, #tpu.memory_space<semaphore_mem>>)
      %dma_start3A_58 = arith.constant 0 : i32
      %dma_start3A_59 = arith.constant 2 : i32
      %dma_start3A_60 = arith.constant 2 : i32
      %dma_start3A_61 = arith.constant 0 : i32
      %dma_start3A_62 = arith.constant 0 : i32
      %dma_start3A_63 = tpu.memref_slice %arg10[%dma_start3A_60, %dma_start3A_61, %dma_start3A_62] : memref<5x64x128xf32, #tpu.memory_space<vmem>> -> memref<1x64x128xf32, #tpu.memory_space<vmem>>
      %dma_start3A_64 = tpu.memref_squeeze %dma_start3A_63 : memref<1x64x128xf32, #tpu.memory_space<vmem>> -> memref<64x128xf32, #tpu.memory_space<vmem>>
      %dma_start3A_65 = arith.constant 0 : i32
      %dma_start3A_66 = tpu.memref_slice %arg8[%dma_start3A_58, %dma_start3A_59, %dma_start3A_65] : memref<2x32x64xi32, #tpu.memory_space<vmem>> -> memref<1x1x64xi32, #tpu.memory_space<vmem>>
      %dma_start3A_67 = tpu.memref_squeeze %dma_start3A_66 : memref<1x1x64xi32, #tpu.memory_space<vmem>> -> memref<64xi32, #tpu.memory_space<vmem>>
      %dma_start3A_68 = arith.constant 0 : i32
      %dma_start3A_69 = arith.constant 0 : i32
      %dma_start3A_70 = tpu.memref_slice %arg2[%dma_start3A_68, %dma_start3A_69] : memref<10000x128xf32, #tpu.memory_space<hbm>> -> memref<10000x128xf32, #tpu.memory_space<hbm>>
      tpu.enqueue_indirect_dma source(%dma_start3A_70 : memref<10000x128xf32, #tpu.memory_space<hbm>>) target(%dma_start3A_64 : memref<64x128xf32, #tpu.memory_space<vmem>>) offsets(%dma_start3A_67 : memref<64xi32, #tpu.memory_space<vmem>>) semaphore(%arg12 : memref<!tpu.dma_semaphore, #tpu.memory_space<semaphore_mem>>)
      %scan3A_71 = arith.constant 0 : i32
      %scan3A_72 = arith.constant 0 : i32
      %scan3A_73 = arith.constant 10 : i32
      %scan3A_74 = arith.addi %scan3A_72, %scan3A_73 : i32
      %scan3A_75 = arith.constant 1 : i32
      %scan3A_76 = scf.for %scan3A_112 = %scan3A_72 to %scan3A_74 step %scan3A_75 iter_args(%scan3A_113 = %scan3A_71) -> (i32)  : i32 {
        %rem3A = arith.constant 2 : i32
        %rem3A_114 = arith.remsi %scan3A_112, %rem3A : i32
        %add3A = arith.constant 1 : i32
        %add3A_115 = arith.addi %scan3A_112, %add3A : i32
        %rem3A_116 = arith.constant 2 : i32
        %rem3A_117 = arith.remsi %add3A_115, %rem3A_116 : i32
        %add3A_118 = arith.constant 1 : i32
        %add3A_119 = arith.addi %scan3A_112, %add3A_118 : i32
        %lt3A = arith.constant 10 : i32
        %lt3A_120 = arith.cmpi slt, %add3A_119, %lt3A : i32
        %convert_element_type3A_121 = arith.extui %lt3A_120 : i1 to i32
        %cond3A_122 = arith.constant 0 : i32
        %cond3A_123 = arith.cmpi ne, %convert_element_type3A_121, %cond3A_122 : i32
        scf.if %cond3A_123 {
          %add3A_132 = arith.constant 1 : i32
          %add3A_133 = arith.addi %scan3A_112, %add3A_132 : i32
          %mul3A_134 = arith.constant 32 : i32
          %mul3A_135 = arith.muli %add3A_133, %mul3A_134 : i32
          %add3A_136 = arith.addi %mul3A_3, %mul3A_135 : i32
          %dma_start3A_137 = arith.constant 0 : i32
          %dma_start3A_138 = arith.constant 0 : i32
          %dma_start3A_139 = tpu.memref_slice %arg8[%rem3A_117, %dma_start3A_137, %dma_start3A_138] : memref<2x32x64xi32, #tpu.memory_space<vmem>> -> memref<1x32x64xi32, #tpu.memory_space<vmem>>
          %dma_start3A_140 = tpu.memref_squeeze %dma_start3A_139 : memref<1x32x64xi32, #tpu.memory_space<vmem>> -> memref<32x64xi32, #tpu.memory_space<vmem>>
          %dma_start3A_141 = arith.constant 0 : i32
          %dma_start3A_142 = tpu.memref_slice %arg4[%add3A_136, %dma_start3A_141] : memref<5120x64xi32, #tpu.memory_space<hbm>> -> memref<32x64xi32, #tpu.memory_space<hbm>>
          %dma_start3A_143 = arith.constant 0 : i32
          %dma_start3A_144 = arith.constant 0 : i32
          %dma_start3A_145 = tpu.memref_slice %arg8[%rem3A_117, %dma_start3A_143, %dma_start3A_144] : memref<2x32x64xi32, #tpu.memory_space<vmem>> -> memref<1x32x64xi32, #tpu.memory_space<vmem>>
          %dma_start3A_146 = tpu.memref_squeeze %dma_start3A_145 : memref<1x32x64xi32, #tpu.memory_space<vmem>> -> memref<32x64xi32, #tpu.memory_space<vmem>>
          %dma_start3A_147 = arith.constant 0 : i32
          %dma_start3A_148 = tpu.memref_slice %arg4[%add3A_136, %dma_start3A_147] : memref<5120x64xi32, #tpu.memory_space<hbm>> -> memref<32x64xi32, #tpu.memory_space<hbm>>
          tpu.enqueue_dma source(%dma_start3A_148 : memref<32x64xi32, #tpu.memory_space<hbm>>) target(%dma_start3A_146 : memref<32x64xi32, #tpu.memory_space<vmem>>) target_semaphore(%arg14 : memref<!tpu.dma_semaphore, #tpu.memory_space<semaphore_mem>>)
          %dma_start3A_149 = arith.constant 0 : i32
          %dma_start3A_150 = arith.constant 0 : i32
          %dma_start3A_151 = tpu.memref_slice %arg9[%rem3A_117, %dma_start3A_149, %dma_start3A_150] : memref<2x32x64xi32, #tpu.memory_space<vmem>> -> memref<1x32x64xi32, #tpu.memory_space<vmem>>
          %dma_start3A_152 = tpu.memref_squeeze %dma_start3A_151 : memref<1x32x64xi32, #tpu.memory_space<vmem>> -> memref<32x64xi32, #tpu.memory_space<vmem>>
          %dma_start3A_153 = arith.constant 0 : i32
          %dma_start3A_154 = tpu.memref_slice %arg5[%add3A_136, %dma_start3A_153] : memref<5120x64xi32, #tpu.memory_space<hbm>> -> memref<32x64xi32, #tpu.memory_space<hbm>>
          %dma_start3A_155 = arith.constant 0 : i32
          %dma_start3A_156 = arith.constant 0 : i32
          %dma_start3A_157 = tpu.memref_slice %arg9[%rem3A_117, %dma_start3A_155, %dma_start3A_156] : memref<2x32x64xi32, #tpu.memory_space<vmem>> -> memref<1x32x64xi32, #tpu.memory_space<vmem>>
          %dma_start3A_158 = tpu.memref_squeeze %dma_start3A_157 : memref<1x32x64xi32, #tpu.memory_space<vmem>> -> memref<32x64xi32, #tpu.memory_space<vmem>>
          %dma_start3A_159 = arith.constant 0 : i32
          %dma_start3A_160 = tpu.memref_slice %arg5[%add3A_136, %dma_start3A_159] : memref<5120x64xi32, #tpu.memory_space<hbm>> -> memref<32x64xi32, #tpu.memory_space<hbm>>
          tpu.enqueue_dma source(%dma_start3A_160 : memref<32x64xi32, #tpu.memory_space<hbm>>) target(%dma_start3A_158 : memref<32x64xi32, #tpu.memory_space<vmem>>) target_semaphore(%arg14 : memref<!tpu.dma_semaphore, #tpu.memory_space<semaphore_mem>>)
        } else {
        }
        %scan3A_124 = arith.constant 0 : i32
        %scan3A_125 = arith.constant 0 : i32
        %scan3A_126 = arith.constant 32 : i32
        %scan3A_127 = arith.addi %scan3A_125, %scan3A_126 : i32
        %scan3A_128 = arith.constant 1 : i32
        %scan3A_129 = scf.for %scan3A_132 = %scan3A_125 to %scan3A_127 step %scan3A_128 iter_args(%scan3A_133 = %scan3A_124) -> (i32)  : i32 {
          %mul3A_134 = arith.constant 32 : i32
          %mul3A_135 = arith.muli %scan3A_112, %mul3A_134 : i32
          %add3A_136 = arith.addi %mul3A_135, %scan3A_132 : i32
          %rem3A_137 = arith.constant 5 : i32
          %rem3A_138 = arith.remsi %add3A_136, %rem3A_137 : i32
          %dma_wait3A_139 = arith.constant 0 : i32
          %dma_wait3A_140 = arith.constant 0 : i32
          %dma_wait3A_141 = arith.constant 0 : i32
          %dma_wait3A_142 = tpu.memref_slice %arg10[%dma_wait3A_139, %dma_wait3A_140, %dma_wait3A_141] : memref<5x64x128xf32, #tpu.memory_space<vmem>> -> memref<1x64x128xf32, #tpu.memory_space<vmem>>
          %dma_wait3A_143 = tpu.memref_squeeze %dma_wait3A_142 : memref<1x64x128xf32, #tpu.memory_space<vmem>> -> memref<64x128xf32, #tpu.memory_space<vmem>>
          %dma_wait3A_144 = arith.constant 0 : i32
          %dma_wait3A_145 = arith.constant 0 : i32
          %dma_wait3A_146 = tpu.memref_slice %arg2[%dma_wait3A_144, %dma_wait3A_145] : memref<10000x128xf32, #tpu.memory_space<hbm>> -> memref<64x128xf32, #tpu.memory_space<hbm>>
          %dma_wait3A_147 = arith.constant 0 : i32
          %dma_wait3A_148 = arith.constant 0 : i32
          %dma_wait3A_149 = tpu.memref_slice %arg10[%dma_wait3A_139, %dma_wait3A_147, %dma_wait3A_148] : memref<5x64x128xf32, #tpu.memory_space<vmem>> -> memref<1x64x128xf32, #tpu.memory_space<vmem>>
          %dma_wait3A_150 = tpu.memref_squeeze %dma_wait3A_149 : memref<1x64x128xf32, #tpu.memory_space<vmem>> -> memref<64x128xf32, #tpu.memory_space<vmem>>
          %dma_wait3A_151 = arith.constant 0 : i32
          %dma_wait3A_152 = arith.constant 0 : i32
          %dma_wait3A_153 = tpu.memref_slice %arg2[%dma_wait3A_151, %dma_wait3A_152] : memref<10000x128xf32, #tpu.memory_space<hbm>> -> memref<64x128xf32, #tpu.memory_space<hbm>>
          tpu.wait_dma2 semaphore(%arg12 : memref<!tpu.dma_semaphore, #tpu.memory_space<semaphore_mem>>) src(%dma_wait3A_153 : memref<64x128xf32, #tpu.memory_space<hbm>>) dst(%dma_wait3A_150 : memref<64x128xf32, #tpu.memory_space<vmem>>)
          %dma_start3A_154 = arith.constant 0 : i32
          %dma_start3A_155 = arith.constant 0 : i32
          %dma_start3A_156 = tpu.memref_slice %arg10[%rem3A_138, %dma_start3A_154, %dma_start3A_155] : memref<5x64x128xf32, #tpu.memory_space<vmem>> -> memref<1x64x128xf32, #tpu.memory_space<vmem>>
          %dma_start3A_157 = tpu.memref_squeeze %dma_start3A_156 : memref<1x64x128xf32, #tpu.memory_space<vmem>> -> memref<64x128xf32, #tpu.memory_space<vmem>>
          %dma_start3A_158 = arith.constant 0 : i32
          %dma_start3A_159 = tpu.memref_slice %arg9[%rem3A_114, %scan3A_132, %dma_start3A_158] : memref<2x32x64xi32, #tpu.memory_space<vmem>> -> memref<1x1x64xi32, #tpu.memory_space<vmem>>
          %dma_start3A_160 = tpu.memref_squeeze %dma_start3A_159 : memref<1x1x64xi32, #tpu.memory_space<vmem>> -> memref<64xi32, #tpu.memory_space<vmem>>
          %dma_start3A_161 = arith.constant 0 : i32
          %dma_start3A_162 = arith.constant 0 : i32
          %dma_start3A_163 = tpu.memref_slice %arg11[%dma_start3A_161, %dma_start3A_162] : memref<10008x128xf32, #tpu.memory_space<vmem_shared>> -> memref<10008x128xf32, #tpu.memory_space<vmem_shared>>
          tpu.enqueue_indirect_dma source(%dma_start3A_157 : memref<64x128xf32, #tpu.memory_space<vmem>>) target(%dma_start3A_163 : memref<10008x128xf32, #tpu.memory_space<vmem_shared>>) offsets(%dma_start3A_160 : memref<64xi32, #tpu.memory_space<vmem>>) semaphore(%arg13 : memref<!tpu.dma_semaphore, #tpu.memory_space<semaphore_mem>>) {add = true}
          %ge3A = arith.constant 2 : i32
          %ge3A_164 = arith.cmpi sge, %add3A_136, %ge3A : i32
          %convert_element_type3A_165 = arith.extui %ge3A_164 : i1 to i32
          %cond3A_166 = arith.constant 0 : i32
          %cond3A_167 = arith.cmpi ne, %convert_element_type3A_165, %cond3A_166 : i32
          scf.if %cond3A_167 {
            %dma_wait3A_185 = arith.constant 0 : i32
            %dma_wait3A_186 = arith.constant 0 : i32
            %dma_wait3A_187 = arith.constant 0 : i32
            %dma_wait3A_188 = tpu.memref_slice %arg10[%dma_wait3A_185, %dma_wait3A_186, %dma_wait3A_187] : memref<5x64x128xf32, #tpu.memory_space<vmem>> -> memref<1x64x128xf32, #tpu.memory_space<vmem>>
            %dma_wait3A_189 = tpu.memref_squeeze %dma_wait3A_188 : memref<1x64x128xf32, #tpu.memory_space<vmem>> -> memref<64x128xf32, #tpu.memory_space<vmem>>
            %dma_wait3A_190 = arith.constant 0 : i32
            %dma_wait3A_191 = arith.constant 0 : i32
            %dma_wait3A_192 = tpu.memref_slice %arg2[%dma_wait3A_190, %dma_wait3A_191] : memref<10000x128xf32, #tpu.memory_space<hbm>> -> memref<64x128xf32, #tpu.memory_space<hbm>>
            %dma_wait3A_193 = arith.constant 0 : i32
            %dma_wait3A_194 = arith.constant 0 : i32
            %dma_wait3A_195 = tpu.memref_slice %arg10[%dma_wait3A_185, %dma_wait3A_193, %dma_wait3A_194] : memref<5x64x128xf32, #tpu.memory_space<vmem>> -> memref<1x64x128xf32, #tpu.memory_space<vmem>>
            %dma_wait3A_196 = tpu.memref_squeeze %dma_wait3A_195 : memref<1x64x128xf32, #tpu.memory_space<vmem>> -> memref<64x128xf32, #tpu.memory_space<vmem>>
            %dma_wait3A_197 = arith.constant 0 : i32
            %dma_wait3A_198 = arith.constant 0 : i32
            %dma_wait3A_199 = tpu.memref_slice %arg2[%dma_wait3A_197, %dma_wait3A_198] : memref<10000x128xf32, #tpu.memory_space<hbm>> -> memref<64x128xf32, #tpu.memory_space<hbm>>
            tpu.wait_dma2 semaphore(%arg13 : memref<!tpu.dma_semaphore, #tpu.memory_space<semaphore_mem>>) src(%dma_wait3A_199 : memref<64x128xf32, #tpu.memory_space<hbm>>) dst(%dma_wait3A_196 : memref<64x128xf32, #tpu.memory_space<vmem>>)
          } else {
          }
          %eq3A_168 = arith.constant 29 : i32
          %eq3A_169 = arith.cmpi eq, %scan3A_132, %eq3A_168 : i32
          %add3A_170 = arith.constant 1 : i32
          %add3A_171 = arith.addi %scan3A_112, %add3A_170 : i32
          %lt3A_172 = arith.constant 10 : i32
          %lt3A_173 = arith.cmpi slt, %add3A_171, %lt3A_172 : i32
          %and3A = arith.andi %eq3A_169, %lt3A_173 : i1
          %convert_element_type3A_174 = arith.extui %and3A : i1 to i32
          %cond3A_175 = arith.constant 0 : i32
          %cond3A_176 = arith.cmpi ne, %convert_element_type3A_174, %cond3A_175 : i32
          scf.if %cond3A_176 {
            %dma_wait3A_185 = arith.constant 0 : i32
            %dma_wait3A_186 = arith.constant 0 : i32
            %dma_wait3A_187 = arith.constant 0 : i32
            %dma_wait3A_188 = tpu.memref_slice %arg8[%dma_wait3A_185, %dma_wait3A_186, %dma_wait3A_187] : memref<2x32x64xi32, #tpu.memory_space<vmem>> -> memref<1x32x64xi32, #tpu.memory_space<vmem>>
            %dma_wait3A_189 = tpu.memref_squeeze %dma_wait3A_188 : memref<1x32x64xi32, #tpu.memory_space<vmem>> -> memref<32x64xi32, #tpu.memory_space<vmem>>
            %dma_wait3A_190 = arith.constant 0 : i32
            %dma_wait3A_191 = arith.constant 0 : i32
            %dma_wait3A_192 = tpu.memref_slice %arg4[%dma_wait3A_190, %dma_wait3A_191] : memref<5120x64xi32, #tpu.memory_space<hbm>> -> memref<32x64xi32, #tpu.memory_space<hbm>>
            %dma_wait3A_193 = arith.constant 0 : i32
            %dma_wait3A_194 = arith.constant 0 : i32
            %dma_wait3A_195 = tpu.memref_slice %arg8[%dma_wait3A_185, %dma_wait3A_193, %dma_wait3A_194] : memref<2x32x64xi32, #tpu.memory_space<vmem>> -> memref<1x32x64xi32, #tpu.memory_space<vmem>>
            %dma_wait3A_196 = tpu.memref_squeeze %dma_wait3A_195 : memref<1x32x64xi32, #tpu.memory_space<vmem>> -> memref<32x64xi32, #tpu.memory_space<vmem>>
            %dma_wait3A_197 = arith.constant 0 : i32
            %dma_wait3A_198 = arith.constant 0 : i32
            %dma_wait3A_199 = tpu.memref_slice %arg4[%dma_wait3A_197, %dma_wait3A_198] : memref<5120x64xi32, #tpu.memory_space<hbm>> -> memref<32x64xi32, #tpu.memory_space<hbm>>
            tpu.wait_dma2 semaphore(%arg14 : memref<!tpu.dma_semaphore, #tpu.memory_space<semaphore_mem>>) src(%dma_wait3A_199 : memref<32x64xi32, #tpu.memory_space<hbm>>) dst(%dma_wait3A_196 : memref<32x64xi32, #tpu.memory_space<vmem>>)
            %dma_wait3A_200 = arith.constant 0 : i32
            %dma_wait3A_201 = arith.constant 0 : i32
            %dma_wait3A_202 = arith.constant 0 : i32
            %dma_wait3A_203 = tpu.memref_slice %arg8[%dma_wait3A_200, %dma_wait3A_201, %dma_wait3A_202] : memref<2x32x64xi32, #tpu.memory_space<vmem>> -> memref<1x32x64xi32, #tpu.memory_space<vmem>>
            %dma_wait3A_204 = tpu.memref_squeeze %dma_wait3A_203 : memref<1x32x64xi32, #tpu.memory_space<vmem>> -> memref<32x64xi32, #tpu.memory_space<vmem>>
            %dma_wait3A_205 = arith.constant 0 : i32
            %dma_wait3A_206 = arith.constant 0 : i32
            %dma_wait3A_207 = tpu.memref_slice %arg4[%dma_wait3A_205, %dma_wait3A_206] : memref<5120x64xi32, #tpu.memory_space<hbm>> -> memref<32x64xi32, #tpu.memory_space<hbm>>
            %dma_wait3A_208 = arith.constant 0 : i32
            %dma_wait3A_209 = arith.constant 0 : i32
            %dma_wait3A_210 = tpu.memref_slice %arg8[%dma_wait3A_200, %dma_wait3A_208, %dma_wait3A_209] : memref<2x32x64xi32, #tpu.memory_space<vmem>> -> memref<1x32x64xi32, #tpu.memory_space<vmem>>
            %dma_wait3A_211 = tpu.memref_squeeze %dma_wait3A_210 : memref<1x32x64xi32, #tpu.memory_space<vmem>> -> memref<32x64xi32, #tpu.memory_space<vmem>>
            %dma_wait3A_212 = arith.constant 0 : i32
            %dma_wait3A_213 = arith.constant 0 : i32
            %dma_wait3A_214 = tpu.memref_slice %arg4[%dma_wait3A_212, %dma_wait3A_213] : memref<5120x64xi32, #tpu.memory_space<hbm>> -> memref<32x64xi32, #tpu.memory_space<hbm>>
            tpu.wait_dma2 semaphore(%arg14 : memref<!tpu.dma_semaphore, #tpu.memory_space<semaphore_mem>>) src(%dma_wait3A_214 : memref<32x64xi32, #tpu.memory_space<hbm>>) dst(%dma_wait3A_211 : memref<32x64xi32, #tpu.memory_space<vmem>>)
          } else {
          }
          %add3A_177 = arith.constant 3 : i32
          %add3A_178 = arith.addi %add3A_136, %add3A_177 : i32
          %lt3A_179 = arith.constant 320 : i32
          %lt3A_180 = arith.cmpi slt, %add3A_178, %lt3A_179 : i32
          %convert_element_type3A_181 = arith.extui %lt3A_180 : i1 to i32
          %cond3A_182 = arith.constant 0 : i32
          %cond3A_183 = arith.cmpi ne, %convert_element_type3A_181, %cond3A_182 : i32
          scf.if %cond3A_183 {
            %add3A_185 = arith.constant 3 : i32
            %add3A_186 = arith.addi %add3A_136, %add3A_185 : i32
            %rem3A_187 = arith.constant 5 : i32
            %rem3A_188 = arith.remsi %add3A_186, %rem3A_187 : i32
            %lt3A_189 = arith.constant 29 : i32
            %lt3A_190 = arith.cmpi slt, %scan3A_132, %lt3A_189 : i32
            %convert_element_type3A_191 = arith.extui %lt3A_190 : i1 to i32
            %cond3A_192 = arith.constant 0 : i32
            %cond3A_193 = arith.cmpi ne, %convert_element_type3A_191, %cond3A_192 : i32
            scf.if %cond3A_193 {
              %add3A_199 = arith.constant 3 : i32
              %add3A_200 = arith.addi %scan3A_132, %add3A_199 : i32
              %dma_start3A_201 = arith.constant 0 : i32
              %dma_start3A_202 = arith.constant 0 : i32
              %dma_start3A_203 = tpu.memref_slice %arg10[%rem3A_188, %dma_start3A_201, %dma_start3A_202] : memref<5x64x128xf32, #tpu.memory_space<vmem>> -> memref<1x64x128xf32, #tpu.memory_space<vmem>>
              %dma_start3A_204 = tpu.memref_squeeze %dma_start3A_203 : memref<1x64x128xf32, #tpu.memory_space<vmem>> -> memref<64x128xf32, #tpu.memory_space<vmem>>
              %dma_start3A_205 = arith.constant 0 : i32
              %dma_start3A_206 = tpu.memref_slice %arg8[%rem3A_114, %add3A_200, %dma_start3A_205] : memref<2x32x64xi32, #tpu.memory_space<vmem>> -> memref<1x1x64xi32, #tpu.memory_space<vmem>>
              %dma_start3A_207 = tpu.memref_squeeze %dma_start3A_206 : memref<1x1x64xi32, #tpu.memory_space<vmem>> -> memref<64xi32, #tpu.memory_space<vmem>>
              %dma_start3A_208 = arith.constant 0 : i32
              %dma_start3A_209 = arith.constant 0 : i32
              %dma_start3A_210 = tpu.memref_slice %arg2[%dma_start3A_208, %dma_start3A_209] : memref<10000x128xf32, #tpu.memory_space<hbm>> -> memref<10000x128xf32, #tpu.memory_space<hbm>>
              tpu.enqueue_indirect_dma source(%dma_start3A_210 : memref<10000x128xf32, #tpu.memory_space<hbm>>) target(%dma_start3A_204 : memref<64x128xf32, #tpu.memory_space<vmem>>) offsets(%dma_start3A_207 : memref<64xi32, #tpu.memory_space<vmem>>) semaphore(%arg12 : memref<!tpu.dma_semaphore, #tpu.memory_space<semaphore_mem>>)
            } else {
            }
            %ge3A_194 = arith.constant 29 : i32
            %ge3A_195 = arith.cmpi sge, %scan3A_132, %ge3A_194 : i32
            %convert_element_type3A_196 = arith.extui %ge3A_195 : i1 to i32
            %cond3A_197 = arith.constant 0 : i32
            %cond3A_198 = arith.cmpi ne, %convert_element_type3A_196, %cond3A_197 : i32
            scf.if %cond3A_198 {
              %add3A_199 = arith.constant 3 : i32
              %add3A_200 = arith.addi %scan3A_132, %add3A_199 : i32
              %sub3A = arith.constant 32 : i32
              %sub3A_201 = arith.subi %add3A_200, %sub3A : i32
              %dma_start3A_202 = arith.constant 0 : i32
              %dma_start3A_203 = arith.constant 0 : i32
              %dma_start3A_204 = tpu.memref_slice %arg10[%rem3A_188, %dma_start3A_202, %dma_start3A_203] : memref<5x64x128xf32, #tpu.memory_space<vmem>> -> memref<1x64x128xf32, #tpu.memory_space<vmem>>
              %dma_start3A_205 = tpu.memref_squeeze %dma_start3A_204 : memref<1x64x128xf32, #tpu.memory_space<vmem>> -> memref<64x128xf32, #tpu.memory_space<vmem>>
              %dma_start3A_206 = arith.constant 0 : i32
              %dma_start3A_207 = tpu.memref_slice %arg8[%rem3A_117, %sub3A_201, %dma_start3A_206] : memref<2x32x64xi32, #tpu.memory_space<vmem>> -> memref<1x1x64xi32, #tpu.memory_space<vmem>>
              %dma_start3A_208 = tpu.memref_squeeze %dma_start3A_207 : memref<1x1x64xi32, #tpu.memory_space<vmem>> -> memref<64xi32, #tpu.memory_space<vmem>>
              %dma_start3A_209 = arith.constant 0 : i32
              %dma_start3A_210 = arith.constant 0 : i32
              %dma_start3A_211 = tpu.memref_slice %arg2[%dma_start3A_209, %dma_start3A_210] : memref<10000x128xf32, #tpu.memory_space<hbm>> -> memref<10000x128xf32, #tpu.memory_space<hbm>>
              tpu.enqueue_indirect_dma source(%dma_start3A_211 : memref<10000x128xf32, #tpu.memory_space<hbm>>) target(%dma_start3A_205 : memref<64x128xf32, #tpu.memory_space<vmem>>) offsets(%dma_start3A_208 : memref<64xi32, #tpu.memory_space<vmem>>) semaphore(%arg12 : memref<!tpu.dma_semaphore, #tpu.memory_space<semaphore_mem>>)
            } else {
            }
          } else {
          }
          %scan3A_184 = arith.constant 0 : i32
          scf.yield %scan3A_184 : i32
        }
        %scan3A_130 = arith.constant 32 : i32
        %scan3A_131 = arith.constant 0 : i32
        scf.yield %scan3A_131 : i32
      }
      %scan3A_77 = arith.constant 10 : i32
      %dma_wait3A = arith.constant 0 : i32
      %dma_wait3A_78 = arith.constant 0 : i32
      %dma_wait3A_79 = arith.constant 0 : i32
      %dma_wait3A_80 = tpu.memref_slice %arg10[%dma_wait3A, %dma_wait3A_78, %dma_wait3A_79] : memref<5x64x128xf32, #tpu.memory_space<vmem>> -> memref<1x64x128xf32, #tpu.memory_space<vmem>>
      %dma_wait3A_81 = tpu.memref_squeeze %dma_wait3A_80 : memref<1x64x128xf32, #tpu.memory_space<vmem>> -> memref<64x128xf32, #tpu.memory_space<vmem>>
      %dma_wait3A_82 = arith.constant 0 : i32
      %dma_wait3A_83 = arith.constant 0 : i32
      %dma_wait3A_84 = tpu.memref_slice %arg2[%dma_wait3A_82, %dma_wait3A_83] : memref<10000x128xf32, #tpu.memory_space<hbm>> -> memref<64x128xf32, #tpu.memory_space<hbm>>
      %dma_wait3A_85 = arith.constant 0 : i32
      %dma_wait3A_86 = arith.constant 0 : i32
      %dma_wait3A_87 = tpu.memref_slice %arg10[%dma_wait3A, %dma_wait3A_85, %dma_wait3A_86] : memref<5x64x128xf32, #tpu.memory_space<vmem>> -> memref<1x64x128xf32, #tpu.memory_space<vmem>>
      %dma_wait3A_88 = tpu.memref_squeeze %dma_wait3A_87 : memref<1x64x128xf32, #tpu.memory_space<vmem>> -> memref<64x128xf32, #tpu.memory_space<vmem>>
      %dma_wait3A_89 = arith.constant 0 : i32
      %dma_wait3A_90 = arith.constant 0 : i32
      %dma_wait3A_91 = tpu.memref_slice %arg2[%dma_wait3A_89, %dma_wait3A_90] : memref<10000x128xf32, #tpu.memory_space<hbm>> -> memref<64x128xf32, #tpu.memory_space<hbm>>
      tpu.wait_dma2 semaphore(%arg13 : memref<!tpu.dma_semaphore, #tpu.memory_space<semaphore_mem>>) src(%dma_wait3A_91 : memref<64x128xf32, #tpu.memory_space<hbm>>) dst(%dma_wait3A_88 : memref<64x128xf32, #tpu.memory_space<vmem>>)
      %dma_wait3A_92 = arith.constant 0 : i32
      %dma_wait3A_93 = arith.constant 0 : i32
      %dma_wait3A_94 = arith.constant 0 : i32
      %dma_wait3A_95 = tpu.memref_slice %arg10[%dma_wait3A_92, %dma_wait3A_93, %dma_wait3A_94] : memref<5x64x128xf32, #tpu.memory_space<vmem>> -> memref<1x64x128xf32, #tpu.memory_space<vmem>>
      %dma_wait3A_96 = tpu.memref_squeeze %dma_wait3A_95 : memref<1x64x128xf32, #tpu.memory_space<vmem>> -> memref<64x128xf32, #tpu.memory_space<vmem>>
      %dma_wait3A_97 = arith.constant 0 : i32
      %dma_wait3A_98 = arith.constant 0 : i32
      %dma_wait3A_99 = tpu.memref_slice %arg2[%dma_wait3A_97, %dma_wait3A_98] : memref<10000x128xf32, #tpu.memory_space<hbm>> -> memref<64x128xf32, #tpu.memory_space<hbm>>
      %dma_wait3A_100 = arith.constant 0 : i32
      %dma_wait3A_101 = arith.constant 0 : i32
      %dma_wait3A_102 = tpu.memref_slice %arg10[%dma_wait3A_92, %dma_wait3A_100, %dma_wait3A_101] : memref<5x64x128xf32, #tpu.memory_space<vmem>> -> memref<1x64x128xf32, #tpu.memory_space<vmem>>
      %dma_wait3A_103 = tpu.memref_squeeze %dma_wait3A_102 : memref<1x64x128xf32, #tpu.memory_space<vmem>> -> memref<64x128xf32, #tpu.memory_space<vmem>>
      %dma_wait3A_104 = arith.constant 0 : i32
      %dma_wait3A_105 = arith.constant 0 : i32
      %dma_wait3A_106 = tpu.memref_slice %arg2[%dma_wait3A_104, %dma_wait3A_105] : memref<10000x128xf32, #tpu.memory_space<hbm>> -> memref<64x128xf32, #tpu.memory_space<hbm>>
      tpu.wait_dma2 semaphore(%arg13 : memref<!tpu.dma_semaphore, #tpu.memory_space<semaphore_mem>>) src(%dma_wait3A_106 : memref<64x128xf32, #tpu.memory_space<hbm>>) dst(%dma_wait3A_103 : memref<64x128xf32, #tpu.memory_space<vmem>>)
      %barrier3A_107 = arith.constant 0 : index
      tpu.barrier barrier_id(%barrier3A_107)
      "tpu.region"() ({
        %run_scoped3A_112 = tpu.sem_alloc : memref<!tpu.dma_semaphore, #tpu.memory_space<semaphore_mem>>
        %dma_start3A_113 = arith.constant 0 : i32
        %dma_start3A_114 = tpu.memref_slice %arg6[%mul3A_1, %dma_start3A_113] : memref<10000x128xf32, #tpu.memory_space<hbm>> -> memref<624x128xf32, #tpu.memory_space<hbm>>
        %dma_start3A_115 = arith.constant 0 : i32
        %dma_start3A_116 = tpu.memref_slice %arg11[%mul3A_1, %dma_start3A_115] : memref<10008x128xf32, #tpu.memory_space<vmem_shared>> -> memref<624x128xf32, #tpu.memory_space<vmem_shared>>
        tpu.enqueue_dma source(%dma_start3A_116 : memref<624x128xf32, #tpu.memory_space<vmem_shared>>) target(%dma_start3A_114 : memref<624x128xf32, #tpu.memory_space<hbm>>) target_semaphore(%run_scoped3A_112 : memref<!tpu.dma_semaphore, #tpu.memory_space<semaphore_mem>>)
        %dma_wait3A_117 = arith.constant 0 : i32
        %dma_wait3A_118 = tpu.memref_slice %arg6[%mul3A_1, %dma_wait3A_117] : memref<10000x128xf32, #tpu.memory_space<hbm>> -> memref<624x128xf32, #tpu.memory_space<hbm>>
        %dma_wait3A_119 = arith.constant 0 : i32
        %dma_wait3A_120 = tpu.memref_slice %arg11[%mul3A_1, %dma_wait3A_119] : memref<10008x128xf32, #tpu.memory_space<vmem_shared>> -> memref<624x128xf32, #tpu.memory_space<vmem_shared>>
        tpu.wait_dma2 semaphore(%run_scoped3A_112 : memref<!tpu.dma_semaphore, #tpu.memory_space<semaphore_mem>>) src(%dma_wait3A_120 : memref<624x128xf32, #tpu.memory_space<vmem_shared>>) dst(%dma_wait3A_118 : memref<624x128xf32, #tpu.memory_space<hbm>>)
        tpu.yield
      }) : () -> ()
      %convert_element_type3A_108 = arith.extui %eq3A_0 : i1 to i32
      %cond3A_109 = arith.constant 0 : i32
      %cond3A_110 = arith.cmpi ne, %convert_element_type3A_108, %cond3A_109 : i32
      scf.if %cond3A_110 {
        "tpu.region"() ({
          %run_scoped3A_112 = tpu.sem_alloc : memref<!tpu.dma_semaphore, #tpu.memory_space<semaphore_mem>>
          %dma_start3A_113 = arith.constant 9984 : i32
          %dma_start3A_114 = arith.constant 0 : i32
          %dma_start3A_115 = tpu.memref_slice %arg6[%dma_start3A_113, %dma_start3A_114] : memref<10000x128xf32, #tpu.memory_space<hbm>> -> memref<16x128xf32, #tpu.memory_space<hbm>>
          %dma_start3A_116 = arith.constant 9984 : i32
          %dma_start3A_117 = arith.constant 0 : i32
          %dma_start3A_118 = tpu.memref_slice %arg11[%dma_start3A_116, %dma_start3A_117] : memref<10008x128xf32, #tpu.memory_space<vmem_shared>> -> memref<16x128xf32, #tpu.memory_space<vmem_shared>>
          tpu.enqueue_dma source(%dma_start3A_118 : memref<16x128xf32, #tpu.memory_space<vmem_shared>>) target(%dma_start3A_115 : memref<16x128xf32, #tpu.memory_space<hbm>>) target_semaphore(%run_scoped3A_112 : memref<!tpu.dma_semaphore, #tpu.memory_space<semaphore_mem>>)
          %dma_wait3A_119 = arith.constant 9984 : i32
          %dma_wait3A_120 = arith.constant 0 : i32
          %dma_wait3A_121 = tpu.memref_slice %arg6[%dma_wait3A_119, %dma_wait3A_120] : memref<10000x128xf32, #tpu.memory_space<hbm>> -> memref<16x128xf32, #tpu.memory_space<hbm>>
          %dma_wait3A_122 = arith.constant 9984 : i32
          %dma_wait3A_123 = arith.constant 0 : i32
          %dma_wait3A_124 = tpu.memref_slice %arg11[%dma_wait3A_122, %dma_wait3A_123] : memref<10008x128xf32, #tpu.memory_space<vmem_shared>> -> memref<16x128xf32, #tpu.memory_space<vmem_shared>>
          tpu.wait_dma2 semaphore(%run_scoped3A_112 : memref<!tpu.dma_semaphore, #tpu.memory_space<semaphore_mem>>) src(%dma_wait3A_124 : memref<16x128xf32, #tpu.memory_space<vmem_shared>>) dst(%dma_wait3A_121 : memref<16x128xf32, #tpu.memory_space<hbm>>)
          tpu.yield
        }) : () -> ()
      } else {
      }
      %barrier3A_111 = arith.constant 0 : index
      tpu.barrier barrier_id(%barrier3A_111)
    } else {
    }
    %eq3A_7 = arith.constant 1 : i32
    %eq3A_8 = arith.cmpi eq, %arg0, %eq3A_7 : i32
    %convert_element_type3A_9 = arith.extui %eq3A_8 : i1 to i32
    %cond3A_10 = arith.constant 0 : i32
    %cond3A_11 = arith.cmpi ne, %convert_element_type3A_9, %cond3A_10 : i32
    scf.if %cond3A_11 {
      %broadcast_in_dim3A = arith.constant 0.000000e+00 : f32
      %broadcast_in_dim3A_12 = vector.broadcast %broadcast_in_dim3A : f32 to vector<16xf32>
      %scan3A = arith.constant 0 : i32
      %scan3A_13 = arith.constant 0 : i32
      %scan3A_14 = arith.constant 0 : i32
      %scan3A_15 = arith.constant 52 : i32
      %scan3A_16 = arith.addi %scan3A_14, %scan3A_15 : i32
      %scan3A_17 = arith.constant 1 : i32
      %scan3A_18 = scf.for %scan3A_112 = %scan3A_14 to %scan3A_16 step %scan3A_17 iter_args(%scan3A_113 = %scan3A_13) -> (i32)  : i32 {
        %scan3A_114 = arith.constant 0 : i32
        %scan3A_115 = arith.constant 0 : i32
        %scan3A_116 = arith.constant 8 : i32
        %scan3A_117 = arith.addi %scan3A_115, %scan3A_116 : i32
        %scan3A_118 = arith.constant 1 : i32
        %scan3A_119 = scf.for %scan3A_121 = %scan3A_115 to %scan3A_117 step %scan3A_118 iter_args(%scan3A_122 = %scan3A_114) -> (i32)  : i32 {
          %mul3A_123 = arith.constant 16 : i32
          %mul3A_124 = arith.muli %scan3A_121, %mul3A_123 : i32
          %swap3A = arith.constant 0 : i32
          %swap3A_125 = arith.constant 0 : i32
          %swap3A_126 = tpu.memref_slice %arg10[%scan3A, %swap3A, %swap3A_125] : memref<5x64x128xf32, #tpu.memory_space<vmem>> -> memref<1x64x128xf32, #tpu.memory_space<vmem>>
          %swap3A_127 = tpu.memref_squeeze %swap3A_126 : memref<1x64x128xf32, #tpu.memory_space<vmem>> -> memref<64x128xf32, #tpu.memory_space<vmem>>
          %swap3A_128 = arith.index_cast %scan3A_112 : i32 to index
          %swap3A_129 = arith.index_cast %mul3A_124 : i32 to index
          %swap3A_130 = tpu.vector_load %swap3A_127[%swap3A_128, %swap3A_129] {strides = array<i32>} : memref<64x128xf32, #tpu.memory_space<vmem>>, vector<1x16xf32>,
          %swap3A_131 = vector.shape_cast %swap3A_130 : vector<1x16xf32> to vector<16xf32>
          %swap3A_132 = vector.shape_cast %broadcast_in_dim3A_12 : vector<16xf32> to vector<1x16xf32>
          tpu.vector_store %swap3A_127[%swap3A_128, %swap3A_129], %swap3A_132 {strides = array<i32>} : memref<64x128xf32, #tpu.memory_space<vmem>>, vector<1x16xf32>,
          %scan3A_133 = arith.constant 0 : i32
          scf.yield %scan3A_133 : i32
        }
        %scan3A_120 = arith.constant 8 : i32
        scf.yield %scan3A_119 : i32
      }
      %scan3A_19 = arith.constant 52 : i32
      %scan3A_20 = arith.constant 0 : i32
      %scan3A_21 = arith.constant 0 : i32
      %scan3A_22 = arith.constant 0 : i32
      %scan3A_23 = arith.constant 12 : i32
      %scan3A_24 = arith.addi %scan3A_22, %scan3A_23 : i32
      %scan3A_25 = arith.constant 1 : i32
      %scan3A_26 = scf.for %scan3A_112 = %scan3A_22 to %scan3A_24 step %scan3A_25 iter_args(%scan3A_113 = %scan3A_21) -> (i32)  : i32 {
        %mul3A_114 = arith.constant 52 : i32
        %mul3A_115 = arith.muli %scan3A_112, %mul3A_114 : i32
        %add3A = arith.addi %mul3A_1, %mul3A_115 : i32
        "tpu.region"() ({
          %run_scoped3A_117 = tpu.sem_alloc : memref<!tpu.dma_semaphore, #tpu.memory_space<semaphore_mem>>
          %dma_start3A_118 = arith.constant 0 : i32
          %dma_start3A_119 = arith.constant 0 : i32
          %dma_start3A_120 = tpu.memref_slice %arg10[%scan3A_20, %dma_start3A_118, %dma_start3A_119] : memref<5x64x128xf32, #tpu.memory_space<vmem>> -> memref<1x64x128xf32, #tpu.memory_space<vmem>>
          %dma_start3A_121 = tpu.memref_squeeze %dma_start3A_120 : memref<1x64x128xf32, #tpu.memory_space<vmem>> -> memref<64x128xf32, #tpu.memory_space<vmem>>
          %dma_start3A_122 = arith.constant 0 : i32
          %dma_start3A_123 = arith.constant 0 : i32
          %dma_start3A_124 = tpu.memref_slice %dma_start3A_121[%dma_start3A_122, %dma_start3A_123] : memref<64x128xf32, #tpu.memory_space<vmem>> -> memref<52x128xf32, #tpu.memory_space<vmem>>
          %dma_start3A_125 = arith.constant 0 : i32
          %dma_start3A_126 = tpu.memref_slice %arg11[%add3A, %dma_start3A_125] : memref<10008x128xf32, #tpu.memory_space<vmem_shared>> -> memref<52x128xf32, #tpu.memory_space<vmem_shared>>
          %dma_start3A_127 = arith.constant 0 : i32
          %dma_start3A_128 = tpu.memref_slice %arg11[%add3A, %dma_start3A_127] : memref<10008x128xf32, #tpu.memory_space<vmem_shared>> -> memref<52x128xf32, #tpu.memory_space<vmem_shared>>
          %dma_start3A_129 = arith.constant 0 : i32
          %dma_start3A_130 = arith.constant 0 : i32
          %dma_start3A_131 = tpu.memref_slice %arg10[%scan3A_20, %dma_start3A_129, %dma_start3A_130] : memref<5x64x128xf32, #tpu.memory_space<vmem>> -> memref<1x64x128xf32, #tpu.memory_space<vmem>>
          %dma_start3A_132 = tpu.memref_squeeze %dma_start3A_131 : memref<1x64x128xf32, #tpu.memory_space<vmem>> -> memref<64x128xf32, #tpu.memory_space<vmem>>
          %dma_start3A_133 = arith.constant 0 : i32
          %dma_start3A_134 = arith.constant 0 : i32
          %dma_start3A_135 = tpu.memref_slice %dma_start3A_132[%dma_start3A_133, %dma_start3A_134] : memref<64x128xf32, #tpu.memory_space<vmem>> -> memref<52x128xf32, #tpu.memory_space<vmem>>
          tpu.enqueue_dma source(%dma_start3A_135 : memref<52x128xf32, #tpu.memory_space<vmem>>) target(%dma_start3A_128 : memref<52x128xf32, #tpu.memory_space<vmem_shared>>) target_semaphore(%run_scoped3A_117 : memref<!tpu.dma_semaphore, #tpu.memory_space<semaphore_mem>>)
          %dma_wait3A_136 = arith.constant 0 : i32
          %dma_wait3A_137 = arith.constant 0 : i32
          %dma_wait3A_138 = tpu.memref_slice %arg10[%scan3A_20, %dma_wait3A_136, %dma_wait3A_137] : memref<5x64x128xf32, #tpu.memory_space<vmem>> -> memref<1x64x128xf32, #tpu.memory_space<vmem>>
          %dma_wait3A_139 = tpu.memref_squeeze %dma_wait3A_138 : memref<1x64x128xf32, #tpu.memory_space<vmem>> -> memref<64x128xf32, #tpu.memory_space<vmem>>
          %dma_wait3A_140 = arith.constant 0 : i32
          %dma_wait3A_141 = arith.constant 0 : i32
          %dma_wait3A_142 = tpu.memref_slice %dma_wait3A_139[%dma_wait3A_140, %dma_wait3A_141] : memref<64x128xf32, #tpu.memory_space<vmem>> -> memref<52x128xf32, #tpu.memory_space<vmem>>
          %dma_wait3A_143 = arith.constant 0 : i32
          %dma_wait3A_144 = tpu.memref_slice %arg11[%add3A, %dma_wait3A_143] : memref<10008x128xf32, #tpu.memory_space<vmem_shared>> -> memref<52x128xf32, #tpu.memory_space<vmem_shared>>
          %dma_wait3A_145 = arith.constant 0 : i32
          %dma_wait3A_146 = tpu.memref_slice %arg11[%add3A, %dma_wait3A_145] : memref<10008x128xf32, #tpu.memory_space<vmem_shared>> -> memref<52x128xf32, #tpu.memory_space<vmem_shared>>
          %dma_wait3A_147 = arith.constant 0 : i32
          %dma_wait3A_148 = arith.constant 0 : i32
          %dma_wait3A_149 = tpu.memref_slice %arg10[%scan3A_20, %dma_wait3A_147, %dma_wait3A_148] : memref<5x64x128xf32, #tpu.memory_space<vmem>> -> memref<1x64x128xf32, #tpu.memory_space<vmem>>
          %dma_wait3A_150 = tpu.memref_squeeze %dma_wait3A_149 : memref<1x64x128xf32, #tpu.memory_space<vmem>> -> memref<64x128xf32, #tpu.memory_space<vmem>>
          %dma_wait3A_151 = arith.constant 0 : i32
          %dma_wait3A_152 = arith.constant 0 : i32
          %dma_wait3A_153 = tpu.memref_slice %dma_wait3A_150[%dma_wait3A_151, %dma_wait3A_152] : memref<64x128xf32, #tpu.memory_space<vmem>> -> memref<52x128xf32, #tpu.memory_space<vmem>>
          tpu.wait_dma2 semaphore(%run_scoped3A_117 : memref<!tpu.dma_semaphore, #tpu.memory_space<semaphore_mem>>) src(%dma_wait3A_153 : memref<52x128xf32, #tpu.memory_space<vmem>>) dst(%dma_wait3A_146 : memref<52x128xf32, #tpu.memory_space<vmem_shared>>)
          tpu.yield
        }) : () -> ()
        %scan3A_116 = arith.constant 0 : i32
        scf.yield %scan3A_116 : i32
      }
      %scan3A_27 = arith.constant 12 : i32
      %convert_element_type3A_28 = arith.extui %eq3A_0 : i1 to i32
      %cond3A_29 = arith.constant 0 : i32
      %cond3A_30 = arith.constant 0 : i32
      %cond3A_31 = arith.cmpi ne, %convert_element_type3A_28, %cond3A_30 : i32
      scf.if %cond3A_31 {
        "tpu.region"() ({
          %run_scoped3A_112 = tpu.sem_alloc : memref<!tpu.dma_semaphore, #tpu.memory_space<semaphore_mem>>
          %dma_start3A_113 = arith.constant 0 : i32
          %dma_start3A_114 = arith.constant 0 : i32
          %dma_start3A_115 = tpu.memref_slice %arg10[%cond3A_29, %dma_start3A_113, %dma_start3A_114] : memref<5x64x128xf32, #tpu.memory_space<vmem>> -> memref<1x64x128xf32, #tpu.memory_space<vmem>>
          %dma_start3A_116 = tpu.memref_squeeze %dma_start3A_115 : memref<1x64x128xf32, #tpu.memory_space<vmem>> -> memref<64x128xf32, #tpu.memory_space<vmem>>
          %dma_start3A_117 = arith.constant 0 : i32
          %dma_start3A_118 = arith.constant 0 : i32
          %dma_start3A_119 = tpu.memref_slice %dma_start3A_116[%dma_start3A_117, %dma_start3A_118] : memref<64x128xf32, #tpu.memory_space<vmem>> -> memref<16x128xf32, #tpu.memory_space<vmem>>
          %dma_start3A_120 = arith.constant 9984 : i32
          %dma_start3A_121 = arith.constant 0 : i32
          %dma_start3A_122 = tpu.memref_slice %arg11[%dma_start3A_120, %dma_start3A_121] : memref<10008x128xf32, #tpu.memory_space<vmem_shared>> -> memref<16x128xf32, #tpu.memory_space<vmem_shared>>
          %dma_start3A_123 = arith.constant 9984 : i32
          %dma_start3A_124 = arith.constant 0 : i32
          %dma_start3A_125 = tpu.memref_slice %arg11[%dma_start3A_123, %dma_start3A_124] : memref<10008x128xf32, #tpu.memory_space<vmem_shared>> -> memref<16x128xf32, #tpu.memory_space<vmem_shared>>
          %dma_start3A_126 = arith.constant 0 : i32
          %dma_start3A_127 = arith.constant 0 : i32
          %dma_start3A_128 = tpu.memref_slice %arg10[%cond3A_29, %dma_start3A_126, %dma_start3A_127] : memref<5x64x128xf32, #tpu.memory_space<vmem>> -> memref<1x64x128xf32, #tpu.memory_space<vmem>>
          %dma_start3A_129 = tpu.memref_squeeze %dma_start3A_128 : memref<1x64x128xf32, #tpu.memory_space<vmem>> -> memref<64x128xf32, #tpu.memory_space<vmem>>
          %dma_start3A_130 = arith.constant 0 : i32
          %dma_start3A_131 = arith.constant 0 : i32
          %dma_start3A_132 = tpu.memref_slice %dma_start3A_129[%dma_start3A_130, %dma_start3A_131] : memref<64x128xf32, #tpu.memory_space<vmem>> -> memref<16x128xf32, #tpu.memory_space<vmem>>
          tpu.enqueue_dma source(%dma_start3A_132 : memref<16x128xf32, #tpu.memory_space<vmem>>) target(%dma_start3A_125 : memref<16x128xf32, #tpu.memory_space<vmem_shared>>) target_semaphore(%run_scoped3A_112 : memref<!tpu.dma_semaphore, #tpu.memory_space<semaphore_mem>>)
          %dma_wait3A_133 = arith.constant 0 : i32
          %dma_wait3A_134 = arith.constant 0 : i32
          %dma_wait3A_135 = tpu.memref_slice %arg10[%cond3A_29, %dma_wait3A_133, %dma_wait3A_134] : memref<5x64x128xf32, #tpu.memory_space<vmem>> -> memref<1x64x128xf32, #tpu.memory_space<vmem>>
          %dma_wait3A_136 = tpu.memref_squeeze %dma_wait3A_135 : memref<1x64x128xf32, #tpu.memory_space<vmem>> -> memref<64x128xf32, #tpu.memory_space<vmem>>
          %dma_wait3A_137 = arith.constant 0 : i32
          %dma_wait3A_138 = arith.constant 0 : i32
          %dma_wait3A_139 = tpu.memref_slice %dma_wait3A_136[%dma_wait3A_137, %dma_wait3A_138] : memref<64x128xf32, #tpu.memory_space<vmem>> -> memref<16x128xf32, #tpu.memory_space<vmem>>
          %dma_wait3A_140 = arith.constant 9984 : i32
          %dma_wait3A_141 = arith.constant 0 : i32
          %dma_wait3A_142 = tpu.memref_slice %arg11[%dma_wait3A_140, %dma_wait3A_141] : memref<10008x128xf32, #tpu.memory_space<vmem_shared>> -> memref<16x128xf32, #tpu.memory_space<vmem_shared>>
          %dma_wait3A_143 = arith.constant 9984 : i32
          %dma_wait3A_144 = arith.constant 0 : i32
          %dma_wait3A_145 = tpu.memref_slice %arg11[%dma_wait3A_143, %dma_wait3A_144] : memref<10008x128xf32, #tpu.memory_space<vmem_shared>> -> memref<16x128xf32, #tpu.memory_space<vmem_shared>>
          %dma_wait3A_146 = arith.constant 0 : i32
          %dma_wait3A_147 = arith.constant 0 : i32
          %dma_wait3A_148 = tpu.memref_slice %arg10[%cond3A_29, %dma_wait3A_146, %dma_wait3A_147] : memref<5x64x128xf32, #tpu.memory_space<vmem>> -> memref<1x64x128xf32, #tpu.memory_space<vmem>>
          %dma_wait3A_149 = tpu.memref_squeeze %dma_wait3A_148 : memref<1x64x128xf32, #tpu.memory_space<vmem>> -> memref<64x128xf32, #tpu.memory_space<vmem>>
          %dma_wait3A_150 = arith.constant 0 : i32
          %dma_wait3A_151 = arith.constant 0 : i32
          %dma_wait3A_152 = tpu.memref_slice %dma_wait3A_149[%dma_wait3A_150, %dma_wait3A_151] : memref<64x128xf32, #tpu.memory_space<vmem>> -> memref<16x128xf32, #tpu.memory_space<vmem>>
          tpu.wait_dma2 semaphore(%run_scoped3A_112 : memref<!tpu.dma_semaphore, #tpu.memory_space<semaphore_mem>>) src(%dma_wait3A_152 : memref<16x128xf32, #tpu.memory_space<vmem>>) dst(%dma_wait3A_145 : memref<16x128xf32, #tpu.memory_space<vmem_shared>>)
          tpu.yield
        }) : () -> ()
      } else {
      }
      %barrier3A = arith.constant 0 : index
      tpu.barrier barrier_id(%barrier3A)
      %run_scoped3A = arith.constant 0 : i32
      "tpu.region"() ({
        %run_scoped3A_112 = tpu.sem_alloc : memref<!tpu.dma_semaphore, #tpu.memory_space<semaphore_mem>>
        %dma_start3A_113 = arith.constant 0 : i32
        %dma_start3A_114 = arith.constant 0 : i32
        %dma_start3A_115 = tpu.memref_slice %arg8[%run_scoped3A, %dma_start3A_113, %dma_start3A_114] : memref<2x32x64xi32, #tpu.memory_space<vmem>> -> memref<1x32x64xi32, #tpu.memory_space<vmem>>
        %dma_start3A_116 = tpu.memref_squeeze %dma_start3A_115 : memref<1x32x64xi32, #tpu.memory_space<vmem>> -> memref<32x64xi32, #tpu.memory_space<vmem>>
        %dma_start3A_117 = arith.constant 0 : i32
        %dma_start3A_118 = tpu.memref_slice %arg4[%mul3A_3, %dma_start3A_117] : memref<5120x64xi32, #tpu.memory_space<hbm>> -> memref<32x64xi32, #tpu.memory_space<hbm>>
        %dma_start3A_119 = arith.constant 0 : i32
        %dma_start3A_120 = arith.constant 0 : i32
        %dma_start3A_121 = tpu.memref_slice %arg8[%run_scoped3A, %dma_start3A_119, %dma_start3A_120] : memref<2x32x64xi32, #tpu.memory_space<vmem>> -> memref<1x32x64xi32, #tpu.memory_space<vmem>>
        %dma_start3A_122 = tpu.memref_squeeze %dma_start3A_121 : memref<1x32x64xi32, #tpu.memory_space<vmem>> -> memref<32x64xi32, #tpu.memory_space<vmem>>
        %dma_start3A_123 = arith.constant 0 : i32
        %dma_start3A_124 = tpu.memref_slice %arg4[%mul3A_3, %dma_start3A_123] : memref<5120x64xi32, #tpu.memory_space<hbm>> -> memref<32x64xi32, #tpu.memory_space<hbm>>
        tpu.enqueue_dma source(%dma_start3A_124 : memref<32x64xi32, #tpu.memory_space<hbm>>) target(%dma_start3A_122 : memref<32x64xi32, #tpu.memory_space<vmem>>) target_semaphore(%run_scoped3A_112 : memref<!tpu.dma_semaphore, #tpu.memory_space<semaphore_mem>>)
        %dma_wait3A_125 = arith.constant 0 : i32
        %dma_wait3A_126 = arith.constant 0 : i32
        %dma_wait3A_127 = tpu.memref_slice %arg8[%run_scoped3A, %dma_wait3A_125, %dma_wait3A_126] : memref<2x32x64xi32, #tpu.memory_space<vmem>> -> memref<1x32x64xi32, #tpu.memory_space<vmem>>
        %dma_wait3A_128 = tpu.memref_squeeze %dma_wait3A_127 : memref<1x32x64xi32, #tpu.memory_space<vmem>> -> memref<32x64xi32, #tpu.memory_space<vmem>>
        %dma_wait3A_129 = arith.constant 0 : i32
        %dma_wait3A_130 = tpu.memref_slice %arg4[%mul3A_3, %dma_wait3A_129] : memref<5120x64xi32, #tpu.memory_space<hbm>> -> memref<32x64xi32, #tpu.memory_space<hbm>>
        %dma_wait3A_131 = arith.constant 0 : i32
        %dma_wait3A_132 = arith.constant 0 : i32
        %dma_wait3A_133 = tpu.memref_slice %arg8[%run_scoped3A, %dma_wait3A_131, %dma_wait3A_132] : memref<2x32x64xi32, #tpu.memory_space<vmem>> -> memref<1x32x64xi32, #tpu.memory_space<vmem>>
        %dma_wait3A_134 = tpu.memref_squeeze %dma_wait3A_133 : memref<1x32x64xi32, #tpu.memory_space<vmem>> -> memref<32x64xi32, #tpu.memory_space<vmem>>
        %dma_wait3A_135 = arith.constant 0 : i32
        %dma_wait3A_136 = tpu.memref_slice %arg4[%mul3A_3, %dma_wait3A_135] : memref<5120x64xi32, #tpu.memory_space<hbm>> -> memref<32x64xi32, #tpu.memory_space<hbm>>
        tpu.wait_dma2 semaphore(%run_scoped3A_112 : memref<!tpu.dma_semaphore, #tpu.memory_space<semaphore_mem>>) src(%dma_wait3A_136 : memref<32x64xi32, #tpu.memory_space<hbm>>) dst(%dma_wait3A_134 : memref<32x64xi32, #tpu.memory_space<vmem>>)
        tpu.yield
      }) : () -> ()
      %run_scoped3A_32 = arith.constant 0 : i32
      "tpu.region"() ({
        %run_scoped3A_112 = tpu.sem_alloc : memref<!tpu.dma_semaphore, #tpu.memory_space<semaphore_mem>>
        %dma_start3A_113 = arith.constant 0 : i32
        %dma_start3A_114 = arith.constant 0 : i32
        %dma_start3A_115 = tpu.memref_slice %arg9[%run_scoped3A_32, %dma_start3A_113, %dma_start3A_114] : memref<2x32x64xi32, #tpu.memory_space<vmem>> -> memref<1x32x64xi32, #tpu.memory_space<vmem>>
        %dma_start3A_116 = tpu.memref_squeeze %dma_start3A_115 : memref<1x32x64xi32, #tpu.memory_space<vmem>> -> memref<32x64xi32, #tpu.memory_space<vmem>>
        %dma_start3A_117 = arith.constant 0 : i32
        %dma_start3A_118 = tpu.memref_slice %arg5[%mul3A_3, %dma_start3A_117] : memref<5120x64xi32, #tpu.memory_space<hbm>> -> memref<32x64xi32, #tpu.memory_space<hbm>>
        %dma_start3A_119 = arith.constant 0 : i32
        %dma_start3A_120 = arith.constant 0 : i32
        %dma_start3A_121 = tpu.memref_slice %arg9[%run_scoped3A_32, %dma_start3A_119, %dma_start3A_120] : memref<2x32x64xi32, #tpu.memory_space<vmem>> -> memref<1x32x64xi32, #tpu.memory_space<vmem>>
        %dma_start3A_122 = tpu.memref_squeeze %dma_start3A_121 : memref<1x32x64xi32, #tpu.memory_space<vmem>> -> memref<32x64xi32, #tpu.memory_space<vmem>>
        %dma_start3A_123 = arith.constant 0 : i32
        %dma_start3A_124 = tpu.memref_slice %arg5[%mul3A_3, %dma_start3A_123] : memref<5120x64xi32, #tpu.memory_space<hbm>> -> memref<32x64xi32, #tpu.memory_space<hbm>>
        tpu.enqueue_dma source(%dma_start3A_124 : memref<32x64xi32, #tpu.memory_space<hbm>>) target(%dma_start3A_122 : memref<32x64xi32, #tpu.memory_space<vmem>>) target_semaphore(%run_scoped3A_112 : memref<!tpu.dma_semaphore, #tpu.memory_space<semaphore_mem>>)
        %dma_wait3A_125 = arith.constant 0 : i32
        %dma_wait3A_126 = arith.constant 0 : i32
        %dma_wait3A_127 = tpu.memref_slice %arg9[%run_scoped3A_32, %dma_wait3A_125, %dma_wait3A_126] : memref<2x32x64xi32, #tpu.memory_space<vmem>> -> memref<1x32x64xi32, #tpu.memory_space<vmem>>
        %dma_wait3A_128 = tpu.memref_squeeze %dma_wait3A_127 : memref<1x32x64xi32, #tpu.memory_space<vmem>> -> memref<32x64xi32, #tpu.memory_space<vmem>>
        %dma_wait3A_129 = arith.constant 0 : i32
        %dma_wait3A_130 = tpu.memref_slice %arg5[%mul3A_3, %dma_wait3A_129] : memref<5120x64xi32, #tpu.memory_space<hbm>> -> memref<32x64xi32, #tpu.memory_space<hbm>>
        %dma_wait3A_131 = arith.constant 0 : i32
        %dma_wait3A_132 = arith.constant 0 : i32
        %dma_wait3A_133 = tpu.memref_slice %arg9[%run_scoped3A_32, %dma_wait3A_131, %dma_wait3A_132] : memref<2x32x64xi32, #tpu.memory_space<vmem>> -> memref<1x32x64xi32, #tpu.memory_space<vmem>>
        %dma_wait3A_134 = tpu.memref_squeeze %dma_wait3A_133 : memref<1x32x64xi32, #tpu.memory_space<vmem>> -> memref<32x64xi32, #tpu.memory_space<vmem>>
        %dma_wait3A_135 = arith.constant 0 : i32
        %dma_wait3A_136 = tpu.memref_slice %arg5[%mul3A_3, %dma_wait3A_135] : memref<5120x64xi32, #tpu.memory_space<hbm>> -> memref<32x64xi32, #tpu.memory_space<hbm>>
        tpu.wait_dma2 semaphore(%run_scoped3A_112 : memref<!tpu.dma_semaphore, #tpu.memory_space<semaphore_mem>>) src(%dma_wait3A_136 : memref<32x64xi32, #tpu.memory_space<hbm>>) dst(%dma_wait3A_134 : memref<32x64xi32, #tpu.memory_space<vmem>>)
        tpu.yield
      }) : () -> ()
      %dma_start3A = arith.constant 0 : i32
      %dma_start3A_33 = arith.constant 0 : i32
      %dma_start3A_34 = arith.constant 0 : i32
      %dma_start3A_35 = arith.constant 0 : i32
      %dma_start3A_36 = arith.constant 0 : i32
      %dma_start3A_37 = tpu.memref_slice %arg10[%dma_start3A_34, %dma_start3A_35, %dma_start3A_36] : memref<5x64x128xf32, #tpu.memory_space<vmem>> -> memref<1x64x128xf32, #tpu.memory_space<vmem>>
      %dma_start3A_38 = tpu.memref_squeeze %dma_start3A_37 : memref<1x64x128xf32, #tpu.memory_space<vmem>> -> memref<64x128xf32, #tpu.memory_space<vmem>>
      %dma_start3A_39 = arith.constant 0 : i32
      %dma_start3A_40 = tpu.memref_slice %arg8[%dma_start3A, %dma_start3A_33, %dma_start3A_39] : memref<2x32x64xi32, #tpu.memory_space<vmem>> -> memref<1x1x64xi32, #tpu.memory_space<vmem>>
      %dma_start3A_41 = tpu.memref_squeeze %dma_start3A_40 : memref<1x1x64xi32, #tpu.memory_space<vmem>> -> memref<64xi32, #tpu.memory_space<vmem>>
      %dma_start3A_42 = arith.constant 0 : i32
      %dma_start3A_43 = arith.constant 0 : i32
      %dma_start3A_44 = tpu.memref_slice %arg3[%dma_start3A_42, %dma_start3A_43] : memref<10000x128xf32, #tpu.memory_space<hbm>> -> memref<10000x128xf32, #tpu.memory_space<hbm>>
      tpu.enqueue_indirect_dma source(%dma_start3A_44 : memref<10000x128xf32, #tpu.memory_space<hbm>>) target(%dma_start3A_38 : memref<64x128xf32, #tpu.memory_space<vmem>>) offsets(%dma_start3A_41 : memref<64xi32, #tpu.memory_space<vmem>>) semaphore(%arg12 : memref<!tpu.dma_semaphore, #tpu.memory_space<semaphore_mem>>)
      %dma_start3A_45 = arith.constant 0 : i32
      %dma_start3A_46 = arith.constant 1 : i32
      %dma_start3A_47 = arith.constant 1 : i32
      %dma_start3A_48 = arith.constant 0 : i32
      %dma_start3A_49 = arith.constant 0 : i32
      %dma_start3A_50 = tpu.memref_slice %arg10[%dma_start3A_47, %dma_start3A_48, %dma_start3A_49] : memref<5x64x128xf32, #tpu.memory_space<vmem>> -> memref<1x64x128xf32, #tpu.memory_space<vmem>>
      %dma_start3A_51 = tpu.memref_squeeze %dma_start3A_50 : memref<1x64x128xf32, #tpu.memory_space<vmem>> -> memref<64x128xf32, #tpu.memory_space<vmem>>
      %dma_start3A_52 = arith.constant 0 : i32
      %dma_start3A_53 = tpu.memref_slice %arg8[%dma_start3A_45, %dma_start3A_46, %dma_start3A_52] : memref<2x32x64xi32, #tpu.memory_space<vmem>> -> memref<1x1x64xi32, #tpu.memory_space<vmem>>
      %dma_start3A_54 = tpu.memref_squeeze %dma_start3A_53 : memref<1x1x64xi32, #tpu.memory_space<vmem>> -> memref<64xi32, #tpu.memory_space<vmem>>
      %dma_start3A_55 = arith.constant 0 : i32
      %dma_start3A_56 = arith.constant 0 : i32
      %dma_start3A_57 = tpu.memref_slice %arg3[%dma_start3A_55, %dma_start3A_56] : memref<10000x128xf32, #tpu.memory_space<hbm>> -> memref<10000x128xf32, #tpu.memory_space<hbm>>
      tpu.enqueue_indirect_dma source(%dma_start3A_57 : memref<10000x128xf32, #tpu.memory_space<hbm>>) target(%dma_start3A_51 : memref<64x128xf32, #tpu.memory_space<vmem>>) offsets(%dma_start3A_54 : memref<64xi32, #tpu.memory_space<vmem>>) semaphore(%arg12 : memref<!tpu.dma_semaphore, #tpu.memory_space<semaphore_mem>>)
      %dma_start3A_58 = arith.constant 0 : i32
      %dma_start3A_59 = arith.constant 2 : i32
      %dma_start3A_60 = arith.constant 2 : i32
      %dma_start3A_61 = arith.constant 0 : i32
      %dma_start3A_62 = arith.constant 0 : i32
      %dma_start3A_63 = tpu.memref_slice %arg10[%dma_start3A_60, %dma_start3A_61, %dma_start3A_62] : memref<5x64x128xf32, #tpu.memory_space<vmem>> -> memref<1x64x128xf32, #tpu.memory_space<vmem>>
      %dma_start3A_64 = tpu.memref_squeeze %dma_start3A_63 : memref<1x64x128xf32, #tpu.memory_space<vmem>> -> memref<64x128xf32, #tpu.memory_space<vmem>>
      %dma_start3A_65 = arith.constant 0 : i32
      %dma_start3A_66 = tpu.memref_slice %arg8[%dma_start3A_58, %dma_start3A_59, %dma_start3A_65] : memref<2x32x64xi32, #tpu.memory_space<vmem>> -> memref<1x1x64xi32, #tpu.memory_space<vmem>>
      %dma_start3A_67 = tpu.memref_squeeze %dma_start3A_66 : memref<1x1x64xi32, #tpu.memory_space<vmem>> -> memref<64xi32, #tpu.memory_space<vmem>>
      %dma_start3A_68 = arith.constant 0 : i32
      %dma_start3A_69 = arith.constant 0 : i32
      %dma_start3A_70 = tpu.memref_slice %arg3[%dma_start3A_68, %dma_start3A_69] : memref<10000x128xf32, #tpu.memory_space<hbm>> -> memref<10000x128xf32, #tpu.memory_space<hbm>>
      tpu.enqueue_indirect_dma source(%dma_start3A_70 : memref<10000x128xf32, #tpu.memory_space<hbm>>) target(%dma_start3A_64 : memref<64x128xf32, #tpu.memory_space<vmem>>) offsets(%dma_start3A_67 : memref<64xi32, #tpu.memory_space<vmem>>) semaphore(%arg12 : memref<!tpu.dma_semaphore, #tpu.memory_space<semaphore_mem>>)
      %scan3A_71 = arith.constant 0 : i32
      %scan3A_72 = arith.constant 0 : i32
      %scan3A_73 = arith.constant 10 : i32
      %scan3A_74 = arith.addi %scan3A_72, %scan3A_73 : i32
      %scan3A_75 = arith.constant 1 : i32
      %scan3A_76 = scf.for %scan3A_112 = %scan3A_72 to %scan3A_74 step %scan3A_75 iter_args(%scan3A_113 = %scan3A_71) -> (i32)  : i32 {
        %rem3A = arith.constant 2 : i32
        %rem3A_114 = arith.remsi %scan3A_112, %rem3A : i32
        %add3A = arith.constant 1 : i32
        %add3A_115 = arith.addi %scan3A_112, %add3A : i32
        %rem3A_116 = arith.constant 2 : i32
        %rem3A_117 = arith.remsi %add3A_115, %rem3A_116 : i32
        %add3A_118 = arith.constant 1 : i32
        %add3A_119 = arith.addi %scan3A_112, %add3A_118 : i32
        %lt3A = arith.constant 10 : i32
        %lt3A_120 = arith.cmpi slt, %add3A_119, %lt3A : i32
        %convert_element_type3A_121 = arith.extui %lt3A_120 : i1 to i32
        %cond3A_122 = arith.constant 0 : i32
        %cond3A_123 = arith.cmpi ne, %convert_element_type3A_121, %cond3A_122 : i32
        scf.if %cond3A_123 {
          %add3A_132 = arith.constant 1 : i32
          %add3A_133 = arith.addi %scan3A_112, %add3A_132 : i32
          %mul3A_134 = arith.constant 32 : i32
          %mul3A_135 = arith.muli %add3A_133, %mul3A_134 : i32
          %add3A_136 = arith.addi %mul3A_3, %mul3A_135 : i32
          %dma_start3A_137 = arith.constant 0 : i32
          %dma_start3A_138 = arith.constant 0 : i32
          %dma_start3A_139 = tpu.memref_slice %arg8[%rem3A_117, %dma_start3A_137, %dma_start3A_138] : memref<2x32x64xi32, #tpu.memory_space<vmem>> -> memref<1x32x64xi32, #tpu.memory_space<vmem>>
          %dma_start3A_140 = tpu.memref_squeeze %dma_start3A_139 : memref<1x32x64xi32, #tpu.memory_space<vmem>> -> memref<32x64xi32, #tpu.memory_space<vmem>>
          %dma_start3A_141 = arith.constant 0 : i32
          %dma_start3A_142 = tpu.memref_slice %arg4[%add3A_136, %dma_start3A_141] : memref<5120x64xi32, #tpu.memory_space<hbm>> -> memref<32x64xi32, #tpu.memory_space<hbm>>
          %dma_start3A_143 = arith.constant 0 : i32
          %dma_start3A_144 = arith.constant 0 : i32
          %dma_start3A_145 = tpu.memref_slice %arg8[%rem3A_117, %dma_start3A_143, %dma_start3A_144] : memref<2x32x64xi32, #tpu.memory_space<vmem>> -> memref<1x32x64xi32, #tpu.memory_space<vmem>>
          %dma_start3A_146 = tpu.memref_squeeze %dma_start3A_145 : memref<1x32x64xi32, #tpu.memory_space<vmem>> -> memref<32x64xi32, #tpu.memory_space<vmem>>
          %dma_start3A_147 = arith.constant 0 : i32
          %dma_start3A_148 = tpu.memref_slice %arg4[%add3A_136, %dma_start3A_147] : memref<5120x64xi32, #tpu.memory_space<hbm>> -> memref<32x64xi32, #tpu.memory_space<hbm>>
          tpu.enqueue_dma source(%dma_start3A_148 : memref<32x64xi32, #tpu.memory_space<hbm>>) target(%dma_start3A_146 : memref<32x64xi32, #tpu.memory_space<vmem>>) target_semaphore(%arg14 : memref<!tpu.dma_semaphore, #tpu.memory_space<semaphore_mem>>)
          %dma_start3A_149 = arith.constant 0 : i32
          %dma_start3A_150 = arith.constant 0 : i32
          %dma_start3A_151 = tpu.memref_slice %arg9[%rem3A_117, %dma_start3A_149, %dma_start3A_150] : memref<2x32x64xi32, #tpu.memory_space<vmem>> -> memref<1x32x64xi32, #tpu.memory_space<vmem>>
          %dma_start3A_152 = tpu.memref_squeeze %dma_start3A_151 : memref<1x32x64xi32, #tpu.memory_space<vmem>> -> memref<32x64xi32, #tpu.memory_space<vmem>>
          %dma_start3A_153 = arith.constant 0 : i32
          %dma_start3A_154 = tpu.memref_slice %arg5[%add3A_136, %dma_start3A_153] : memref<5120x64xi32, #tpu.memory_space<hbm>> -> memref<32x64xi32, #tpu.memory_space<hbm>>
          %dma_start3A_155 = arith.constant 0 : i32
          %dma_start3A_156 = arith.constant 0 : i32
          %dma_start3A_157 = tpu.memref_slice %arg9[%rem3A_117, %dma_start3A_155, %dma_start3A_156] : memref<2x32x64xi32, #tpu.memory_space<vmem>> -> memref<1x32x64xi32, #tpu.memory_space<vmem>>
          %dma_start3A_158 = tpu.memref_squeeze %dma_start3A_157 : memref<1x32x64xi32, #tpu.memory_space<vmem>> -> memref<32x64xi32, #tpu.memory_space<vmem>>
          %dma_start3A_159 = arith.constant 0 : i32
          %dma_start3A_160 = tpu.memref_slice %arg5[%add3A_136, %dma_start3A_159] : memref<5120x64xi32, #tpu.memory_space<hbm>> -> memref<32x64xi32, #tpu.memory_space<hbm>>
          tpu.enqueue_dma source(%dma_start3A_160 : memref<32x64xi32, #tpu.memory_space<hbm>>) target(%dma_start3A_158 : memref<32x64xi32, #tpu.memory_space<vmem>>) target_semaphore(%arg14 : memref<!tpu.dma_semaphore, #tpu.memory_space<semaphore_mem>>)
        } else {
        }
        %scan3A_124 = arith.constant 0 : i32
        %scan3A_125 = arith.constant 0 : i32
        %scan3A_126 = arith.constant 32 : i32
        %scan3A_127 = arith.addi %scan3A_125, %scan3A_126 : i32
        %scan3A_128 = arith.constant 1 : i32
        %scan3A_129 = scf.for %scan3A_132 = %scan3A_125 to %scan3A_127 step %scan3A_128 iter_args(%scan3A_133 = %scan3A_124) -> (i32)  : i32 {
          %mul3A_134 = arith.constant 32 : i32
          %mul3A_135 = arith.muli %scan3A_112, %mul3A_134 : i32
          %add3A_136 = arith.addi %mul3A_135, %scan3A_132 : i32
          %rem3A_137 = arith.constant 5 : i32
          %rem3A_138 = arith.remsi %add3A_136, %rem3A_137 : i32
          %dma_wait3A_139 = arith.constant 0 : i32
          %dma_wait3A_140 = arith.constant 0 : i32
          %dma_wait3A_141 = arith.constant 0 : i32
          %dma_wait3A_142 = tpu.memref_slice %arg10[%dma_wait3A_139, %dma_wait3A_140, %dma_wait3A_141] : memref<5x64x128xf32, #tpu.memory_space<vmem>> -> memref<1x64x128xf32, #tpu.memory_space<vmem>>
          %dma_wait3A_143 = tpu.memref_squeeze %dma_wait3A_142 : memref<1x64x128xf32, #tpu.memory_space<vmem>> -> memref<64x128xf32, #tpu.memory_space<vmem>>
          %dma_wait3A_144 = arith.constant 0 : i32
          %dma_wait3A_145 = arith.constant 0 : i32
          %dma_wait3A_146 = tpu.memref_slice %arg3[%dma_wait3A_144, %dma_wait3A_145] : memref<10000x128xf32, #tpu.memory_space<hbm>> -> memref<64x128xf32, #tpu.memory_space<hbm>>
          %dma_wait3A_147 = arith.constant 0 : i32
          %dma_wait3A_148 = arith.constant 0 : i32
          %dma_wait3A_149 = tpu.memref_slice %arg10[%dma_wait3A_139, %dma_wait3A_147, %dma_wait3A_148] : memref<5x64x128xf32, #tpu.memory_space<vmem>> -> memref<1x64x128xf32, #tpu.memory_space<vmem>>
          %dma_wait3A_150 = tpu.memref_squeeze %dma_wait3A_149 : memref<1x64x128xf32, #tpu.memory_space<vmem>> -> memref<64x128xf32, #tpu.memory_space<vmem>>
          %dma_wait3A_151 = arith.constant 0 : i32
          %dma_wait3A_152 = arith.constant 0 : i32
          %dma_wait3A_153 = tpu.memref_slice %arg3[%dma_wait3A_151, %dma_wait3A_152] : memref<10000x128xf32, #tpu.memory_space<hbm>> -> memref<64x128xf32, #tpu.memory_space<hbm>>
          tpu.wait_dma2 semaphore(%arg12 : memref<!tpu.dma_semaphore, #tpu.memory_space<semaphore_mem>>) src(%dma_wait3A_153 : memref<64x128xf32, #tpu.memory_space<hbm>>) dst(%dma_wait3A_150 : memref<64x128xf32, #tpu.memory_space<vmem>>)
          %dma_start3A_154 = arith.constant 0 : i32
          %dma_start3A_155 = arith.constant 0 : i32
          %dma_start3A_156 = tpu.memref_slice %arg10[%rem3A_138, %dma_start3A_154, %dma_start3A_155] : memref<5x64x128xf32, #tpu.memory_space<vmem>> -> memref<1x64x128xf32, #tpu.memory_space<vmem>>
          %dma_start3A_157 = tpu.memref_squeeze %dma_start3A_156 : memref<1x64x128xf32, #tpu.memory_space<vmem>> -> memref<64x128xf32, #tpu.memory_space<vmem>>
          %dma_start3A_158 = arith.constant 0 : i32
          %dma_start3A_159 = tpu.memref_slice %arg9[%rem3A_114, %scan3A_132, %dma_start3A_158] : memref<2x32x64xi32, #tpu.memory_space<vmem>> -> memref<1x1x64xi32, #tpu.memory_space<vmem>>
          %dma_start3A_160 = tpu.memref_squeeze %dma_start3A_159 : memref<1x1x64xi32, #tpu.memory_space<vmem>> -> memref<64xi32, #tpu.memory_space<vmem>>
          %dma_start3A_161 = arith.constant 0 : i32
          %dma_start3A_162 = arith.constant 0 : i32
          %dma_start3A_163 = tpu.memref_slice %arg11[%dma_start3A_161, %dma_start3A_162] : memref<10008x128xf32, #tpu.memory_space<vmem_shared>> -> memref<10008x128xf32, #tpu.memory_space<vmem_shared>>
          tpu.enqueue_indirect_dma source(%dma_start3A_157 : memref<64x128xf32, #tpu.memory_space<vmem>>) target(%dma_start3A_163 : memref<10008x128xf32, #tpu.memory_space<vmem_shared>>) offsets(%dma_start3A_160 : memref<64xi32, #tpu.memory_space<vmem>>) semaphore(%arg13 : memref<!tpu.dma_semaphore, #tpu.memory_space<semaphore_mem>>) {add = true}
          %ge3A = arith.constant 2 : i32
          %ge3A_164 = arith.cmpi sge, %add3A_136, %ge3A : i32
          %convert_element_type3A_165 = arith.extui %ge3A_164 : i1 to i32
          %cond3A_166 = arith.constant 0 : i32
          %cond3A_167 = arith.cmpi ne, %convert_element_type3A_165, %cond3A_166 : i32
          scf.if %cond3A_167 {
            %dma_wait3A_185 = arith.constant 0 : i32
            %dma_wait3A_186 = arith.constant 0 : i32
            %dma_wait3A_187 = arith.constant 0 : i32
            %dma_wait3A_188 = tpu.memref_slice %arg10[%dma_wait3A_185, %dma_wait3A_186, %dma_wait3A_187] : memref<5x64x128xf32, #tpu.memory_space<vmem>> -> memref<1x64x128xf32, #tpu.memory_space<vmem>>
            %dma_wait3A_189 = tpu.memref_squeeze %dma_wait3A_188 : memref<1x64x128xf32, #tpu.memory_space<vmem>> -> memref<64x128xf32, #tpu.memory_space<vmem>>
            %dma_wait3A_190 = arith.constant 0 : i32
            %dma_wait3A_191 = arith.constant 0 : i32
            %dma_wait3A_192 = tpu.memref_slice %arg3[%dma_wait3A_190, %dma_wait3A_191] : memref<10000x128xf32, #tpu.memory_space<hbm>> -> memref<64x128xf32, #tpu.memory_space<hbm>>
            %dma_wait3A_193 = arith.constant 0 : i32
            %dma_wait3A_194 = arith.constant 0 : i32
            %dma_wait3A_195 = tpu.memref_slice %arg10[%dma_wait3A_185, %dma_wait3A_193, %dma_wait3A_194] : memref<5x64x128xf32, #tpu.memory_space<vmem>> -> memref<1x64x128xf32, #tpu.memory_space<vmem>>
            %dma_wait3A_196 = tpu.memref_squeeze %dma_wait3A_195 : memref<1x64x128xf32, #tpu.memory_space<vmem>> -> memref<64x128xf32, #tpu.memory_space<vmem>>
            %dma_wait3A_197 = arith.constant 0 : i32
            %dma_wait3A_198 = arith.constant 0 : i32
            %dma_wait3A_199 = tpu.memref_slice %arg3[%dma_wait3A_197, %dma_wait3A_198] : memref<10000x128xf32, #tpu.memory_space<hbm>> -> memref<64x128xf32, #tpu.memory_space<hbm>>
            tpu.wait_dma2 semaphore(%arg13 : memref<!tpu.dma_semaphore, #tpu.memory_space<semaphore_mem>>) src(%dma_wait3A_199 : memref<64x128xf32, #tpu.memory_space<hbm>>) dst(%dma_wait3A_196 : memref<64x128xf32, #tpu.memory_space<vmem>>)
          } else {
          }
          %eq3A_168 = arith.constant 29 : i32
          %eq3A_169 = arith.cmpi eq, %scan3A_132, %eq3A_168 : i32
          %add3A_170 = arith.constant 1 : i32
          %add3A_171 = arith.addi %scan3A_112, %add3A_170 : i32
          %lt3A_172 = arith.constant 10 : i32
          %lt3A_173 = arith.cmpi slt, %add3A_171, %lt3A_172 : i32
          %and3A = arith.andi %eq3A_169, %lt3A_173 : i1
          %convert_element_type3A_174 = arith.extui %and3A : i1 to i32
          %cond3A_175 = arith.constant 0 : i32
          %cond3A_176 = arith.cmpi ne, %convert_element_type3A_174, %cond3A_175 : i32
          scf.if %cond3A_176 {
            %dma_wait3A_185 = arith.constant 0 : i32
            %dma_wait3A_186 = arith.constant 0 : i32
            %dma_wait3A_187 = arith.constant 0 : i32
            %dma_wait3A_188 = tpu.memref_slice %arg8[%dma_wait3A_185, %dma_wait3A_186, %dma_wait3A_187] : memref<2x32x64xi32, #tpu.memory_space<vmem>> -> memref<1x32x64xi32, #tpu.memory_space<vmem>>
            %dma_wait3A_189 = tpu.memref_squeeze %dma_wait3A_188 : memref<1x32x64xi32, #tpu.memory_space<vmem>> -> memref<32x64xi32, #tpu.memory_space<vmem>>
            %dma_wait3A_190 = arith.constant 0 : i32
            %dma_wait3A_191 = arith.constant 0 : i32
            %dma_wait3A_192 = tpu.memref_slice %arg4[%dma_wait3A_190, %dma_wait3A_191] : memref<5120x64xi32, #tpu.memory_space<hbm>> -> memref<32x64xi32, #tpu.memory_space<hbm>>
            %dma_wait3A_193 = arith.constant 0 : i32
            %dma_wait3A_194 = arith.constant 0 : i32
            %dma_wait3A_195 = tpu.memref_slice %arg8[%dma_wait3A_185, %dma_wait3A_193, %dma_wait3A_194] : memref<2x32x64xi32, #tpu.memory_space<vmem>> -> memref<1x32x64xi32, #tpu.memory_space<vmem>>
            %dma_wait3A_196 = tpu.memref_squeeze %dma_wait3A_195 : memref<1x32x64xi32, #tpu.memory_space<vmem>> -> memref<32x64xi32, #tpu.memory_space<vmem>>
            %dma_wait3A_197 = arith.constant 0 : i32
            %dma_wait3A_198 = arith.constant 0 : i32
            %dma_wait3A_199 = tpu.memref_slice %arg4[%dma_wait3A_197, %dma_wait3A_198] : memref<5120x64xi32, #tpu.memory_space<hbm>> -> memref<32x64xi32, #tpu.memory_space<hbm>>
            tpu.wait_dma2 semaphore(%arg14 : memref<!tpu.dma_semaphore, #tpu.memory_space<semaphore_mem>>) src(%dma_wait3A_199 : memref<32x64xi32, #tpu.memory_space<hbm>>) dst(%dma_wait3A_196 : memref<32x64xi32, #tpu.memory_space<vmem>>)
            %dma_wait3A_200 = arith.constant 0 : i32
            %dma_wait3A_201 = arith.constant 0 : i32
            %dma_wait3A_202 = arith.constant 0 : i32
            %dma_wait3A_203 = tpu.memref_slice %arg8[%dma_wait3A_200, %dma_wait3A_201, %dma_wait3A_202] : memref<2x32x64xi32, #tpu.memory_space<vmem>> -> memref<1x32x64xi32, #tpu.memory_space<vmem>>
            %dma_wait3A_204 = tpu.memref_squeeze %dma_wait3A_203 : memref<1x32x64xi32, #tpu.memory_space<vmem>> -> memref<32x64xi32, #tpu.memory_space<vmem>>
            %dma_wait3A_205 = arith.constant 0 : i32
            %dma_wait3A_206 = arith.constant 0 : i32
            %dma_wait3A_207 = tpu.memref_slice %arg4[%dma_wait3A_205, %dma_wait3A_206] : memref<5120x64xi32, #tpu.memory_space<hbm>> -> memref<32x64xi32, #tpu.memory_space<hbm>>
            %dma_wait3A_208 = arith.constant 0 : i32
            %dma_wait3A_209 = arith.constant 0 : i32
            %dma_wait3A_210 = tpu.memref_slice %arg8[%dma_wait3A_200, %dma_wait3A_208, %dma_wait3A_209] : memref<2x32x64xi32, #tpu.memory_space<vmem>> -> memref<1x32x64xi32, #tpu.memory_space<vmem>>
            %dma_wait3A_211 = tpu.memref_squeeze %dma_wait3A_210 : memref<1x32x64xi32, #tpu.memory_space<vmem>> -> memref<32x64xi32, #tpu.memory_space<vmem>>
            %dma_wait3A_212 = arith.constant 0 : i32
            %dma_wait3A_213 = arith.constant 0 : i32
            %dma_wait3A_214 = tpu.memref_slice %arg4[%dma_wait3A_212, %dma_wait3A_213] : memref<5120x64xi32, #tpu.memory_space<hbm>> -> memref<32x64xi32, #tpu.memory_space<hbm>>
            tpu.wait_dma2 semaphore(%arg14 : memref<!tpu.dma_semaphore, #tpu.memory_space<semaphore_mem>>) src(%dma_wait3A_214 : memref<32x64xi32, #tpu.memory_space<hbm>>) dst(%dma_wait3A_211 : memref<32x64xi32, #tpu.memory_space<vmem>>)
          } else {
          }
          %add3A_177 = arith.constant 3 : i32
          %add3A_178 = arith.addi %add3A_136, %add3A_177 : i32
          %lt3A_179 = arith.constant 320 : i32
          %lt3A_180 = arith.cmpi slt, %add3A_178, %lt3A_179 : i32
          %convert_element_type3A_181 = arith.extui %lt3A_180 : i1 to i32
          %cond3A_182 = arith.constant 0 : i32
          %cond3A_183 = arith.cmpi ne, %convert_element_type3A_181, %cond3A_182 : i32
          scf.if %cond3A_183 {
            %add3A_185 = arith.constant 3 : i32
            %add3A_186 = arith.addi %add3A_136, %add3A_185 : i32
            %rem3A_187 = arith.constant 5 : i32
            %rem3A_188 = arith.remsi %add3A_186, %rem3A_187 : i32
            %lt3A_189 = arith.constant 29 : i32
            %lt3A_190 = arith.cmpi slt, %scan3A_132, %lt3A_189 : i32
            %convert_element_type3A_191 = arith.extui %lt3A_190 : i1 to i32
            %cond3A_192 = arith.constant 0 : i32
            %cond3A_193 = arith.cmpi ne, %convert_element_type3A_191, %cond3A_192 : i32
            scf.if %cond3A_193 {
              %add3A_199 = arith.constant 3 : i32
              %add3A_200 = arith.addi %scan3A_132, %add3A_199 : i32
              %dma_start3A_201 = arith.constant 0 : i32
              %dma_start3A_202 = arith.constant 0 : i32
              %dma_start3A_203 = tpu.memref_slice %arg10[%rem3A_188, %dma_start3A_201, %dma_start3A_202] : memref<5x64x128xf32, #tpu.memory_space<vmem>> -> memref<1x64x128xf32, #tpu.memory_space<vmem>>
              %dma_start3A_204 = tpu.memref_squeeze %dma_start3A_203 : memref<1x64x128xf32, #tpu.memory_space<vmem>> -> memref<64x128xf32, #tpu.memory_space<vmem>>
              %dma_start3A_205 = arith.constant 0 : i32
              %dma_start3A_206 = tpu.memref_slice %arg8[%rem3A_114, %add3A_200, %dma_start3A_205] : memref<2x32x64xi32, #tpu.memory_space<vmem>> -> memref<1x1x64xi32, #tpu.memory_space<vmem>>
              %dma_start3A_207 = tpu.memref_squeeze %dma_start3A_206 : memref<1x1x64xi32, #tpu.memory_space<vmem>> -> memref<64xi32, #tpu.memory_space<vmem>>
              %dma_start3A_208 = arith.constant 0 : i32
              %dma_start3A_209 = arith.constant 0 : i32
              %dma_start3A_210 = tpu.memref_slice %arg3[%dma_start3A_208, %dma_start3A_209] : memref<10000x128xf32, #tpu.memory_space<hbm>> -> memref<10000x128xf32, #tpu.memory_space<hbm>>
              tpu.enqueue_indirect_dma source(%dma_start3A_210 : memref<10000x128xf32, #tpu.memory_space<hbm>>) target(%dma_start3A_204 : memref<64x128xf32, #tpu.memory_space<vmem>>) offsets(%dma_start3A_207 : memref<64xi32, #tpu.memory_space<vmem>>) semaphore(%arg12 : memref<!tpu.dma_semaphore, #tpu.memory_space<semaphore_mem>>)
            } else {
            }
            %ge3A_194 = arith.constant 29 : i32
            %ge3A_195 = arith.cmpi sge, %scan3A_132, %ge3A_194 : i32
            %convert_element_type3A_196 = arith.extui %ge3A_195 : i1 to i32
            %cond3A_197 = arith.constant 0 : i32
            %cond3A_198 = arith.cmpi ne, %convert_element_type3A_196, %cond3A_197 : i32
            scf.if %cond3A_198 {
              %add3A_199 = arith.constant 3 : i32
              %add3A_200 = arith.addi %scan3A_132, %add3A_199 : i32
              %sub3A = arith.constant 32 : i32
              %sub3A_201 = arith.subi %add3A_200, %sub3A : i32
              %dma_start3A_202 = arith.constant 0 : i32
              %dma_start3A_203 = arith.constant 0 : i32
              %dma_start3A_204 = tpu.memref_slice %arg10[%rem3A_188, %dma_start3A_202, %dma_start3A_203] : memref<5x64x128xf32, #tpu.memory_space<vmem>> -> memref<1x64x128xf32, #tpu.memory_space<vmem>>
              %dma_start3A_205 = tpu.memref_squeeze %dma_start3A_204 : memref<1x64x128xf32, #tpu.memory_space<vmem>> -> memref<64x128xf32, #tpu.memory_space<vmem>>
              %dma_start3A_206 = arith.constant 0 : i32
              %dma_start3A_207 = tpu.memref_slice %arg8[%rem3A_117, %sub3A_201, %dma_start3A_206] : memref<2x32x64xi32, #tpu.memory_space<vmem>> -> memref<1x1x64xi32, #tpu.memory_space<vmem>>
              %dma_start3A_208 = tpu.memref_squeeze %dma_start3A_207 : memref<1x1x64xi32, #tpu.memory_space<vmem>> -> memref<64xi32, #tpu.memory_space<vmem>>
              %dma_start3A_209 = arith.constant 0 : i32
              %dma_start3A_210 = arith.constant 0 : i32
              %dma_start3A_211 = tpu.memref_slice %arg3[%dma_start3A_209, %dma_start3A_210] : memref<10000x128xf32, #tpu.memory_space<hbm>> -> memref<10000x128xf32, #tpu.memory_space<hbm>>
              tpu.enqueue_indirect_dma source(%dma_start3A_211 : memref<10000x128xf32, #tpu.memory_space<hbm>>) target(%dma_start3A_205 : memref<64x128xf32, #tpu.memory_space<vmem>>) offsets(%dma_start3A_208 : memref<64xi32, #tpu.memory_space<vmem>>) semaphore(%arg12 : memref<!tpu.dma_semaphore, #tpu.memory_space<semaphore_mem>>)
            } else {
            }
          } else {
          }
          %scan3A_184 = arith.constant 0 : i32
          scf.yield %scan3A_184 : i32
        }
        %scan3A_130 = arith.constant 32 : i32
        %scan3A_131 = arith.constant 0 : i32
        scf.yield %scan3A_131 : i32
      }
      %scan3A_77 = arith.constant 10 : i32
      %dma_wait3A = arith.constant 0 : i32
      %dma_wait3A_78 = arith.constant 0 : i32
      %dma_wait3A_79 = arith.constant 0 : i32
      %dma_wait3A_80 = tpu.memref_slice %arg10[%dma_wait3A, %dma_wait3A_78, %dma_wait3A_79] : memref<5x64x128xf32, #tpu.memory_space<vmem>> -> memref<1x64x128xf32, #tpu.memory_space<vmem>>
      %dma_wait3A_81 = tpu.memref_squeeze %dma_wait3A_80 : memref<1x64x128xf32, #tpu.memory_space<vmem>> -> memref<64x128xf32, #tpu.memory_space<vmem>>
      %dma_wait3A_82 = arith.constant 0 : i32
      %dma_wait3A_83 = arith.constant 0 : i32
      %dma_wait3A_84 = tpu.memref_slice %arg3[%dma_wait3A_82, %dma_wait3A_83] : memref<10000x128xf32, #tpu.memory_space<hbm>> -> memref<64x128xf32, #tpu.memory_space<hbm>>
      %dma_wait3A_85 = arith.constant 0 : i32
      %dma_wait3A_86 = arith.constant 0 : i32
      %dma_wait3A_87 = tpu.memref_slice %arg10[%dma_wait3A, %dma_wait3A_85, %dma_wait3A_86] : memref<5x64x128xf32, #tpu.memory_space<vmem>> -> memref<1x64x128xf32, #tpu.memory_space<vmem>>
      %dma_wait3A_88 = tpu.memref_squeeze %dma_wait3A_87 : memref<1x64x128xf32, #tpu.memory_space<vmem>> -> memref<64x128xf32, #tpu.memory_space<vmem>>
      %dma_wait3A_89 = arith.constant 0 : i32
      %dma_wait3A_90 = arith.constant 0 : i32
      %dma_wait3A_91 = tpu.memref_slice %arg3[%dma_wait3A_89, %dma_wait3A_90] : memref<10000x128xf32, #tpu.memory_space<hbm>> -> memref<64x128xf32, #tpu.memory_space<hbm>>
      tpu.wait_dma2 semaphore(%arg13 : memref<!tpu.dma_semaphore, #tpu.memory_space<semaphore_mem>>) src(%dma_wait3A_91 : memref<64x128xf32, #tpu.memory_space<hbm>>) dst(%dma_wait3A_88 : memref<64x128xf32, #tpu.memory_space<vmem>>)
      %dma_wait3A_92 = arith.constant 0 : i32
      %dma_wait3A_93 = arith.constant 0 : i32
      %dma_wait3A_94 = arith.constant 0 : i32
      %dma_wait3A_95 = tpu.memref_slice %arg10[%dma_wait3A_92, %dma_wait3A_93, %dma_wait3A_94] : memref<5x64x128xf32, #tpu.memory_space<vmem>> -> memref<1x64x128xf32, #tpu.memory_space<vmem>>
      %dma_wait3A_96 = tpu.memref_squeeze %dma_wait3A_95 : memref<1x64x128xf32, #tpu.memory_space<vmem>> -> memref<64x128xf32, #tpu.memory_space<vmem>>
      %dma_wait3A_97 = arith.constant 0 : i32
      %dma_wait3A_98 = arith.constant 0 : i32
      %dma_wait3A_99 = tpu.memref_slice %arg3[%dma_wait3A_97, %dma_wait3A_98] : memref<10000x128xf32, #tpu.memory_space<hbm>> -> memref<64x128xf32, #tpu.memory_space<hbm>>
      %dma_wait3A_100 = arith.constant 0 : i32
      %dma_wait3A_101 = arith.constant 0 : i32
      %dma_wait3A_102 = tpu.memref_slice %arg10[%dma_wait3A_92, %dma_wait3A_100, %dma_wait3A_101] : memref<5x64x128xf32, #tpu.memory_space<vmem>> -> memref<1x64x128xf32, #tpu.memory_space<vmem>>
      %dma_wait3A_103 = tpu.memref_squeeze %dma_wait3A_102 : memref<1x64x128xf32, #tpu.memory_space<vmem>> -> memref<64x128xf32, #tpu.memory_space<vmem>>
      %dma_wait3A_104 = arith.constant 0 : i32
      %dma_wait3A_105 = arith.constant 0 : i32
      %dma_wait3A_106 = tpu.memref_slice %arg3[%dma_wait3A_104, %dma_wait3A_105] : memref<10000x128xf32, #tpu.memory_space<hbm>> -> memref<64x128xf32, #tpu.memory_space<hbm>>
      tpu.wait_dma2 semaphore(%arg13 : memref<!tpu.dma_semaphore, #tpu.memory_space<semaphore_mem>>) src(%dma_wait3A_106 : memref<64x128xf32, #tpu.memory_space<hbm>>) dst(%dma_wait3A_103 : memref<64x128xf32, #tpu.memory_space<vmem>>)
      %barrier3A_107 = arith.constant 0 : index
      tpu.barrier barrier_id(%barrier3A_107)
      "tpu.region"() ({
        %run_scoped3A_112 = tpu.sem_alloc : memref<!tpu.dma_semaphore, #tpu.memory_space<semaphore_mem>>
        %dma_start3A_113 = arith.constant 0 : i32
        %dma_start3A_114 = tpu.memref_slice %arg7[%mul3A_1, %dma_start3A_113] : memref<10000x128xf32, #tpu.memory_space<hbm>> -> memref<624x128xf32, #tpu.memory_space<hbm>>
        %dma_start3A_115 = arith.constant 0 : i32
        %dma_start3A_116 = tpu.memref_slice %arg11[%mul3A_1, %dma_start3A_115] : memref<10008x128xf32, #tpu.memory_space<vmem_shared>> -> memref<624x128xf32, #tpu.memory_space<vmem_shared>>
        tpu.enqueue_dma source(%dma_start3A_116 : memref<624x128xf32, #tpu.memory_space<vmem_shared>>) target(%dma_start3A_114 : memref<624x128xf32, #tpu.memory_space<hbm>>) target_semaphore(%run_scoped3A_112 : memref<!tpu.dma_semaphore, #tpu.memory_space<semaphore_mem>>)
        %dma_wait3A_117 = arith.constant 0 : i32
        %dma_wait3A_118 = tpu.memref_slice %arg7[%mul3A_1, %dma_wait3A_117] : memref<10000x128xf32, #tpu.memory_space<hbm>> -> memref<624x128xf32, #tpu.memory_space<hbm>>
        %dma_wait3A_119 = arith.constant 0 : i32
        %dma_wait3A_120 = tpu.memref_slice %arg11[%mul3A_1, %dma_wait3A_119] : memref<10008x128xf32, #tpu.memory_space<vmem_shared>> -> memref<624x128xf32, #tpu.memory_space<vmem_shared>>
        tpu.wait_dma2 semaphore(%run_scoped3A_112 : memref<!tpu.dma_semaphore, #tpu.memory_space<semaphore_mem>>) src(%dma_wait3A_120 : memref<624x128xf32, #tpu.memory_space<vmem_shared>>) dst(%dma_wait3A_118 : memref<624x128xf32, #tpu.memory_space<hbm>>)
        tpu.yield
      }) : () -> ()
      %convert_element_type3A_108 = arith.extui %eq3A_0 : i1 to i32
      %cond3A_109 = arith.constant 0 : i32
      %cond3A_110 = arith.cmpi ne, %convert_element_type3A_108, %cond3A_109 : i32
      scf.if %cond3A_110 {
        "tpu.region"() ({
          %run_scoped3A_112 = tpu.sem_alloc : memref<!tpu.dma_semaphore, #tpu.memory_space<semaphore_mem>>
          %dma_start3A_113 = arith.constant 9984 : i32
          %dma_start3A_114 = arith.constant 0 : i32
          %dma_start3A_115 = tpu.memref_slice %arg7[%dma_start3A_113, %dma_start3A_114] : memref<10000x128xf32, #tpu.memory_space<hbm>> -> memref<16x128xf32, #tpu.memory_space<hbm>>
          %dma_start3A_116 = arith.constant 9984 : i32
          %dma_start3A_117 = arith.constant 0 : i32
          %dma_start3A_118 = tpu.memref_slice %arg11[%dma_start3A_116, %dma_start3A_117] : memref<10008x128xf32, #tpu.memory_space<vmem_shared>> -> memref<16x128xf32, #tpu.memory_space<vmem_shared>>
          tpu.enqueue_dma source(%dma_start3A_118 : memref<16x128xf32, #tpu.memory_space<vmem_shared>>) target(%dma_start3A_115 : memref<16x128xf32, #tpu.memory_space<hbm>>) target_semaphore(%run_scoped3A_112 : memref<!tpu.dma_semaphore, #tpu.memory_space<semaphore_mem>>)
          %dma_wait3A_119 = arith.constant 9984 : i32
          %dma_wait3A_120 = arith.constant 0 : i32
          %dma_wait3A_121 = tpu.memref_slice %arg7[%dma_wait3A_119, %dma_wait3A_120] : memref<10000x128xf32, #tpu.memory_space<hbm>> -> memref<16x128xf32, #tpu.memory_space<hbm>>
          %dma_wait3A_122 = arith.constant 9984 : i32
          %dma_wait3A_123 = arith.constant 0 : i32
          %dma_wait3A_124 = tpu.memref_slice %arg11[%dma_wait3A_122, %dma_wait3A_123] : memref<10008x128xf32, #tpu.memory_space<vmem_shared>> -> memref<16x128xf32, #tpu.memory_space<vmem_shared>>
          tpu.wait_dma2 semaphore(%run_scoped3A_112 : memref<!tpu.dma_semaphore, #tpu.memory_space<semaphore_mem>>) src(%dma_wait3A_124 : memref<16x128xf32, #tpu.memory_space<vmem_shared>>) dst(%dma_wait3A_121 : memref<16x128xf32, #tpu.memory_space<hbm>>)
          tpu.yield
        }) : () -> ()
      } else {
      }
      %barrier3A_111 = arith.constant 0 : index
      tpu.barrier barrier_id(%barrier3A_111)
    } else {
    }
    return
  }
}

#map = affine_map<(d0, d1) -> (0, 0)>
module attributes {stable_mosaic.version = 14 : i64} {
  func.func @body(%arg0: i32, %arg1: i32, %arg2: memref<10000x128xf32, #tpu.memory_space<hbm>>, %arg3: memref<10000x128xf32, #tpu.memory_space<hbm>>, %arg4: memref<5120x64xi32, #tpu.memory_space<hbm>>, %arg5: memref<5120x64xi32, #tpu.memory_space<hbm>>, %arg6: memref<10000x128xf32, #tpu.memory_space<hbm>>, %arg7: memref<10000x128xf32, #tpu.memory_space<hbm>>, %arg8: memref<2x32x64xi32, #tpu.memory_space<vmem>>, %arg9: memref<2x32x64xi32, #tpu.memory_space<vmem>>, %arg10: memref<5x64x128xf32, #tpu.memory_space<vmem>>, %arg11: memref<10008x128xf32, #tpu.memory_space<vmem_shared>>, %arg12: memref<!tpu.dma_semaphore, #tpu.memory_space<semaphore_mem>>, %arg13: memref<!tpu.dma_semaphore, #tpu.memory_space<semaphore_mem>>, %arg14: memref<!tpu.dma_semaphore, #tpu.memory_space<semaphore_mem>>) attributes {dimension_semantics = [#tpu.dimension_semantics<core_parallel>, #tpu.dimension_semantics<subcore_parallel>], iteration_bounds = array<i64: 2, 16>, scalar_prefetch = 0 : i64, scratch_operands = 7 : i64, tpu.core_type = #tpu.core_type<sc_vector_subcore>, window_params = [{transform_indices = #map}, {transform_indices = #map}, {transform_indices = #map}, {transform_indices = #map}, {transform_indices = #map}, {transform_indices = #map}]} {
    %eq3A = arith.constant 15 : i32
    %eq3A_0 = arith.cmpi eq, %arg1, %eq3A : i32
    %mul3A = arith.constant 624 : i32
    %mul3A_1 = arith.muli %arg1, %mul3A : i32
    %mul3A_2 = arith.constant 320 : i32
    %mul3A_3 = arith.muli %arg1, %mul3A_2 : i32
    %eq3A_4 = arith.constant 0 : i32
    %eq3A_5 = arith.cmpi eq, %arg0, %eq3A_4 : i32
    %convert_element_type3A = arith.extui %eq3A_5 : i1 to i32
    %cond3A = arith.constant 0 : i32
    %cond3A_6 = arith.cmpi ne, %convert_element_type3A, %cond3A : i32
    scf.if %cond3A_6 {
      %broadcast_in_dim3A = arith.constant 0.000000e+00 : f32
      %broadcast_in_dim3A_12 = vector.broadcast %broadcast_in_dim3A : f32 to vector<16xf32>
      %scan3A = arith.constant 0 : i32
      %scan3A_13 = arith.constant 0 : i32
      %scan3A_14 = arith.constant 0 : i32
      %scan3A_15 = arith.constant 52 : i32
      %scan3A_16 = arith.addi %scan3A_14, %scan3A_15 : i32
      %scan3A_17 = arith.constant 1 : i32
      %scan3A_18 = scf.for %scan3A_112 = %scan3A_14 to %scan3A_16 step %scan3A_17 iter_args(%scan3A_113 = %scan3A_13) -> (i32)  : i32 {
        %scan3A_114 = arith.constant 0 : i32
        %scan3A_115 = arith.constant 0 : i32
        %scan3A_116 = arith.constant 8 : i32
        %scan3A_117 = arith.addi %scan3A_115, %scan3A_116 : i32
        %scan3A_118 = arith.constant 1 : i32
        %scan3A_119 = scf.for %scan3A_121 = %scan3A_115 to %scan3A_117 step %scan3A_118 iter_args(%scan3A_122 = %scan3A_114) -> (i32)  : i32 {
          %mul3A_123 = arith.constant 16 : i32
          %mul3A_124 = arith.muli %scan3A_121, %mul3A_123 : i32
          %swap3A = arith.constant 0 : i32
          %swap3A_125 = arith.constant 0 : i32
          %swap3A_126 = tpu.memref_slice %arg10[%scan3A, %swap3A, %swap3A_125] : memref<5x64x128xf32, #tpu.memory_space<vmem>> -> memref<1x64x128xf32, #tpu.memory_space<vmem>>
          %swap3A_127 = tpu.memref_squeeze %swap3A_126 : memref<1x64x128xf32, #tpu.memory_space<vmem>> -> memref<64x128xf32, #tpu.memory_space<vmem>>
          %swap3A_128 = arith.index_cast %scan3A_112 : i32 to index
          %swap3A_129 = arith.index_cast %mul3A_124 : i32 to index
          %swap3A_130 = tpu.vector_load %swap3A_127[%swap3A_128, %swap3A_129] {strides = array<i32>} : memref<64x128xf32, #tpu.memory_space<vmem>>, vector<1x16xf32>,
          %swap3A_131 = vector.shape_cast %swap3A_130 : vector<1x16xf32> to vector<16xf32>
          %swap3A_132 = vector.shape_cast %broadcast_in_dim3A_12 : vector<16xf32> to vector<1x16xf32>
          tpu.vector_store %swap3A_127[%swap3A_128, %swap3A_129], %swap3A_132 {strides = array<i32>} : memref<64x128xf32, #tpu.memory_space<vmem>>, vector<1x16xf32>,
          %scan3A_133 = arith.constant 0 : i32
          scf.yield %scan3A_133 : i32
        }
        %scan3A_120 = arith.constant 8 : i32
        scf.yield %scan3A_119 : i32
      }
      %scan3A_19 = arith.constant 52 : i32
      %scan3A_20 = arith.constant 0 : i32
      %scan3A_21 = arith.constant 0 : i32
      %scan3A_22 = arith.constant 0 : i32
      %scan3A_23 = arith.constant 12 : i32
      %scan3A_24 = arith.addi %scan3A_22, %scan3A_23 : i32
      %scan3A_25 = arith.constant 1 : i32
      %scan3A_26 = scf.for %scan3A_112 = %scan3A_22 to %scan3A_24 step %scan3A_25 iter_args(%scan3A_113 = %scan3A_21) -> (i32)  : i32 {
        %mul3A_114 = arith.constant 52 : i32
        %mul3A_115 = arith.muli %scan3A_112, %mul3A_114 : i32
        %add3A = arith.addi %mul3A_1, %mul3A_115 : i32
        "tpu.region"() ({
          %run_scoped3A_117 = tpu.sem_alloc : memref<!tpu.dma_semaphore, #tpu.memory_space<semaphore_mem>>
          %dma_start3A_118 = arith.constant 0 : i32
          %dma_start3A_119 = arith.constant 0 : i32
          %dma_start3A_120 = tpu.memref_slice %arg10[%scan3A_20, %dma_start3A_118, %dma_start3A_119] : memref<5x64x128xf32, #tpu.memory_space<vmem>> -> memref<1x64x128xf32, #tpu.memory_space<vmem>>
          %dma_start3A_121 = tpu.memref_squeeze %dma_start3A_120 : memref<1x64x128xf32, #tpu.memory_space<vmem>> -> memref<64x128xf32, #tpu.memory_space<vmem>>
          %dma_start3A_122 = arith.constant 0 : i32
          %dma_start3A_123 = arith.constant 0 : i32
          %dma_start3A_124 = tpu.memref_slice %dma_start3A_121[%dma_start3A_122, %dma_start3A_123] : memref<64x128xf32, #tpu.memory_space<vmem>> -> memref<52x128xf32, #tpu.memory_space<vmem>>
          %dma_start3A_125 = arith.constant 0 : i32
          %dma_start3A_126 = tpu.memref_slice %arg11[%add3A, %dma_start3A_125] : memref<10008x128xf32, #tpu.memory_space<vmem_shared>> -> memref<52x128xf32, #tpu.memory_space<vmem_shared>>
          %dma_start3A_127 = arith.constant 0 : i32
          %dma_start3A_128 = tpu.memref_slice %arg11[%add3A, %dma_start3A_127] : memref<10008x128xf32, #tpu.memory_space<vmem_shared>> -> memref<52x128xf32, #tpu.memory_space<vmem_shared>>
          %dma_start3A_129 = arith.constant 0 : i32
          %dma_start3A_130 = arith.constant 0 : i32
          %dma_start3A_131 = tpu.memref_slice %arg10[%scan3A_20, %dma_start3A_129, %dma_start3A_130] : memref<5x64x128xf32, #tpu.memory_space<vmem>> -> memref<1x64x128xf32, #tpu.memory_space<vmem>>
          %dma_start3A_132 = tpu.memref_squeeze %dma_start3A_131 : memref<1x64x128xf32, #tpu.memory_space<vmem>> -> memref<64x128xf32, #tpu.memory_space<vmem>>
          %dma_start3A_133 = arith.constant 0 : i32
          %dma_start3A_134 = arith.constant 0 : i32
          %dma_start3A_135 = tpu.memref_slice %dma_start3A_132[%dma_start3A_133, %dma_start3A_134] : memref<64x128xf32, #tpu.memory_space<vmem>> -> memref<52x128xf32, #tpu.memory_space<vmem>>
          tpu.enqueue_dma source(%dma_start3A_135 : memref<52x128xf32, #tpu.memory_space<vmem>>) target(%dma_start3A_128 : memref<52x128xf32, #tpu.memory_space<vmem_shared>>) target_semaphore(%run_scoped3A_117 : memref<!tpu.dma_semaphore, #tpu.memory_space<semaphore_mem>>)
          %dma_wait3A_136 = arith.constant 0 : i32
          %dma_wait3A_137 = arith.constant 0 : i32
          %dma_wait3A_138 = tpu.memref_slice %arg10[%scan3A_20, %dma_wait3A_136, %dma_wait3A_137] : memref<5x64x128xf32, #tpu.memory_space<vmem>> -> memref<1x64x128xf32, #tpu.memory_space<vmem>>
          %dma_wait3A_139 = tpu.memref_squeeze %dma_wait3A_138 : memref<1x64x128xf32, #tpu.memory_space<vmem>> -> memref<64x128xf32, #tpu.memory_space<vmem>>
          %dma_wait3A_140 = arith.constant 0 : i32
          %dma_wait3A_141 = arith.constant 0 : i32
          %dma_wait3A_142 = tpu.memref_slice %dma_wait3A_139[%dma_wait3A_140, %dma_wait3A_141] : memref<64x128xf32, #tpu.memory_space<vmem>> -> memref<52x128xf32, #tpu.memory_space<vmem>>
          %dma_wait3A_143 = arith.constant 0 : i32
          %dma_wait3A_144 = tpu.memref_slice %arg11[%add3A, %dma_wait3A_143] : memref<10008x128xf32, #tpu.memory_space<vmem_shared>> -> memref<52x128xf32, #tpu.memory_space<vmem_shared>>
          %dma_wait3A_145 = arith.constant 0 : i32
          %dma_wait3A_146 = tpu.memref_slice %arg11[%add3A, %dma_wait3A_145] : memref<10008x128xf32, #tpu.memory_space<vmem_shared>> -> memref<52x128xf32, #tpu.memory_space<vmem_shared>>
          %dma_wait3A_147 = arith.constant 0 : i32
          %dma_wait3A_148 = arith.constant 0 : i32
          %dma_wait3A_149 = tpu.memref_slice %arg10[%scan3A_20, %dma_wait3A_147, %dma_wait3A_148] : memref<5x64x128xf32, #tpu.memory_space<vmem>> -> memref<1x64x128xf32, #tpu.memory_space<vmem>>
          %dma_wait3A_150 = tpu.memref_squeeze %dma_wait3A_149 : memref<1x64x128xf32, #tpu.memory_space<vmem>> -> memref<64x128xf32, #tpu.memory_space<vmem>>
          %dma_wait3A_151 = arith.constant 0 : i32
          %dma_wait3A_152 = arith.constant 0 : i32
          %dma_wait3A_153 = tpu.memref_slice %dma_wait3A_150[%dma_wait3A_151, %dma_wait3A_152] : memref<64x128xf32, #tpu.memory_space<vmem>> -> memref<52x128xf32, #tpu.memory_space<vmem>>
          tpu.wait_dma2 semaphore(%run_scoped3A_117 : memref<!tpu.dma_semaphore, #tpu.memory_space<semaphore_mem>>) src(%dma_wait3A_153 : memref<52x128xf32, #tpu.memory_space<vmem>>) dst(%dma_wait3A_146 : memref<52x128xf32, #tpu.memory_space<vmem_shared>>)
          tpu.yield
        }) : () -> ()
        %scan3A_116 = arith.constant 0 : i32
        scf.yield %scan3A_116 : i32
      }
      %scan3A_27 = arith.constant 12 : i32
      %convert_element_type3A_28 = arith.extui %eq3A_0 : i1 to i32
      %cond3A_29 = arith.constant 0 : i32
      %cond3A_30 = arith.constant 0 : i32
      %cond3A_31 = arith.cmpi ne, %convert_element_type3A_28, %cond3A_30 : i32
      scf.if %cond3A_31 {
        "tpu.region"() ({
          %run_scoped3A_112 = tpu.sem_alloc : memref<!tpu.dma_semaphore, #tpu.memory_space<semaphore_mem>>
          %dma_start3A_113 = arith.constant 0 : i32
          %dma_start3A_114 = arith.constant 0 : i32
          %dma_start3A_115 = tpu.memref_slice %arg10[%cond3A_29, %dma_start3A_113, %dma_start3A_114] : memref<5x64x128xf32, #tpu.memory_space<vmem>> -> memref<1x64x128xf32, #tpu.memory_space<vmem>>
          %dma_start3A_116 = tpu.memref_squeeze %dma_start3A_115 : memref<1x64x128xf32, #tpu.memory_space<vmem>> -> memref<64x128xf32, #tpu.memory_space<vmem>>
          %dma_start3A_117 = arith.constant 0 : i32
          %dma_start3A_118 = arith.constant 0 : i32
          %dma_start3A_119 = tpu.memref_slice %dma_start3A_116[%dma_start3A_117, %dma_start3A_118] : memref<64x128xf32, #tpu.memory_space<vmem>> -> memref<16x128xf32, #tpu.memory_space<vmem>>
          %dma_start3A_120 = arith.constant 9984 : i32
          %dma_start3A_121 = arith.constant 0 : i32
          %dma_start3A_122 = tpu.memref_slice %arg11[%dma_start3A_120, %dma_start3A_121] : memref<10008x128xf32, #tpu.memory_space<vmem_shared>> -> memref<16x128xf32, #tpu.memory_space<vmem_shared>>
          %dma_start3A_123 = arith.constant 9984 : i32
          %dma_start3A_124 = arith.constant 0 : i32
          %dma_start3A_125 = tpu.memref_slice %arg11[%dma_start3A_123, %dma_start3A_124] : memref<10008x128xf32, #tpu.memory_space<vmem_shared>> -> memref<16x128xf32, #tpu.memory_space<vmem_shared>>
          %dma_start3A_126 = arith.constant 0 : i32
          %dma_start3A_127 = arith.constant 0 : i32
          %dma_start3A_128 = tpu.memref_slice %arg10[%cond3A_29, %dma_start3A_126, %dma_start3A_127] : memref<5x64x128xf32, #tpu.memory_space<vmem>> -> memref<1x64x128xf32, #tpu.memory_space<vmem>>
          %dma_start3A_129 = tpu.memref_squeeze %dma_start3A_128 : memref<1x64x128xf32, #tpu.memory_space<vmem>> -> memref<64x128xf32, #tpu.memory_space<vmem>>
          %dma_start3A_130 = arith.constant 0 : i32
          %dma_start3A_131 = arith.constant 0 : i32
          %dma_start3A_132 = tpu.memref_slice %dma_start3A_129[%dma_start3A_130, %dma_start3A_131] : memref<64x128xf32, #tpu.memory_space<vmem>> -> memref<16x128xf32, #tpu.memory_space<vmem>>
          tpu.enqueue_dma source(%dma_start3A_132 : memref<16x128xf32, #tpu.memory_space<vmem>>) target(%dma_start3A_125 : memref<16x128xf32, #tpu.memory_space<vmem_shared>>) target_semaphore(%run_scoped3A_112 : memref<!tpu.dma_semaphore, #tpu.memory_space<semaphore_mem>>)
          %dma_wait3A_133 = arith.constant 0 : i32
          %dma_wait3A_134 = arith.constant 0 : i32
          %dma_wait3A_135 = tpu.memref_slice %arg10[%cond3A_29, %dma_wait3A_133, %dma_wait3A_134] : memref<5x64x128xf32, #tpu.memory_space<vmem>> -> memref<1x64x128xf32, #tpu.memory_space<vmem>>
          %dma_wait3A_136 = tpu.memref_squeeze %dma_wait3A_135 : memref<1x64x128xf32, #tpu.memory_space<vmem>> -> memref<64x128xf32, #tpu.memory_space<vmem>>
          %dma_wait3A_137 = arith.constant 0 : i32
          %dma_wait3A_138 = arith.constant 0 : i32
          %dma_wait3A_139 = tpu.memref_slice %dma_wait3A_136[%dma_wait3A_137, %dma_wait3A_138] : memref<64x128xf32, #tpu.memory_space<vmem>> -> memref<16x128xf32, #tpu.memory_space<vmem>>
          %dma_wait3A_140 = arith.constant 9984 : i32
          %dma_wait3A_141 = arith.constant 0 : i32
          %dma_wait3A_142 = tpu.memref_slice %arg11[%dma_wait3A_140, %dma_wait3A_141] : memref<10008x128xf32, #tpu.memory_space<vmem_shared>> -> memref<16x128xf32, #tpu.memory_space<vmem_shared>>
          %dma_wait3A_143 = arith.constant 9984 : i32
          %dma_wait3A_144 = arith.constant 0 : i32
          %dma_wait3A_145 = tpu.memref_slice %arg11[%dma_wait3A_143, %dma_wait3A_144] : memref<10008x128xf32, #tpu.memory_space<vmem_shared>> -> memref<16x128xf32, #tpu.memory_space<vmem_shared>>
          %dma_wait3A_146 = arith.constant 0 : i32
          %dma_wait3A_147 = arith.constant 0 : i32
          %dma_wait3A_148 = tpu.memref_slice %arg10[%cond3A_29, %dma_wait3A_146, %dma_wait3A_147] : memref<5x64x128xf32, #tpu.memory_space<vmem>> -> memref<1x64x128xf32, #tpu.memory_space<vmem>>
          %dma_wait3A_149 = tpu.memref_squeeze %dma_wait3A_148 : memref<1x64x128xf32, #tpu.memory_space<vmem>> -> memref<64x128xf32, #tpu.memory_space<vmem>>
          %dma_wait3A_150 = arith.constant 0 : i32
          %dma_wait3A_151 = arith.constant 0 : i32
          %dma_wait3A_152 = tpu.memref_slice %dma_wait3A_149[%dma_wait3A_150, %dma_wait3A_151] : memref<64x128xf32, #tpu.memory_space<vmem>> -> memref<16x128xf32, #tpu.memory_space<vmem>>
          tpu.wait_dma2 semaphore(%run_scoped3A_112 : memref<!tpu.dma_semaphore, #tpu.memory_space<semaphore_mem>>) src(%dma_wait3A_152 : memref<16x128xf32, #tpu.memory_space<vmem>>) dst(%dma_wait3A_145 : memref<16x128xf32, #tpu.memory_space<vmem_shared>>)
          tpu.yield
        }) : () -> ()
      } else {
      }
      %barrier3A = arith.constant 0 : index
      tpu.barrier barrier_id(%barrier3A)
      %run_scoped3A = arith.constant 0 : i32
      "tpu.region"() ({
        %run_scoped3A_112 = tpu.sem_alloc : memref<!tpu.dma_semaphore, #tpu.memory_space<semaphore_mem>>
        %dma_start3A_113 = arith.constant 0 : i32
        %dma_start3A_114 = arith.constant 0 : i32
        %dma_start3A_115 = tpu.memref_slice %arg8[%run_scoped3A, %dma_start3A_113, %dma_start3A_114] : memref<2x32x64xi32, #tpu.memory_space<vmem>> -> memref<1x32x64xi32, #tpu.memory_space<vmem>>
        %dma_start3A_116 = tpu.memref_squeeze %dma_start3A_115 : memref<1x32x64xi32, #tpu.memory_space<vmem>> -> memref<32x64xi32, #tpu.memory_space<vmem>>
        %dma_start3A_117 = arith.constant 0 : i32
        %dma_start3A_118 = tpu.memref_slice %arg4[%mul3A_3, %dma_start3A_117] : memref<5120x64xi32, #tpu.memory_space<hbm>> -> memref<32x64xi32, #tpu.memory_space<hbm>>
        %dma_start3A_119 = arith.constant 0 : i32
        %dma_start3A_120 = arith.constant 0 : i32
        %dma_start3A_121 = tpu.memref_slice %arg8[%run_scoped3A, %dma_start3A_119, %dma_start3A_120] : memref<2x32x64xi32, #tpu.memory_space<vmem>> -> memref<1x32x64xi32, #tpu.memory_space<vmem>>
        %dma_start3A_122 = tpu.memref_squeeze %dma_start3A_121 : memref<1x32x64xi32, #tpu.memory_space<vmem>> -> memref<32x64xi32, #tpu.memory_space<vmem>>
        %dma_start3A_123 = arith.constant 0 : i32
        %dma_start3A_124 = tpu.memref_slice %arg4[%mul3A_3, %dma_start3A_123] : memref<5120x64xi32, #tpu.memory_space<hbm>> -> memref<32x64xi32, #tpu.memory_space<hbm>>
        tpu.enqueue_dma source(%dma_start3A_124 : memref<32x64xi32, #tpu.memory_space<hbm>>) target(%dma_start3A_122 : memref<32x64xi32, #tpu.memory_space<vmem>>) target_semaphore(%run_scoped3A_112 : memref<!tpu.dma_semaphore, #tpu.memory_space<semaphore_mem>>)
        %dma_wait3A_125 = arith.constant 0 : i32
        %dma_wait3A_126 = arith.constant 0 : i32
        %dma_wait3A_127 = tpu.memref_slice %arg8[%run_scoped3A, %dma_wait3A_125, %dma_wait3A_126] : memref<2x32x64xi32, #tpu.memory_space<vmem>> -> memref<1x32x64xi32, #tpu.memory_space<vmem>>
        %dma_wait3A_128 = tpu.memref_squeeze %dma_wait3A_127 : memref<1x32x64xi32, #tpu.memory_space<vmem>> -> memref<32x64xi32, #tpu.memory_space<vmem>>
        %dma_wait3A_129 = arith.constant 0 : i32
        %dma_wait3A_130 = tpu.memref_slice %arg4[%mul3A_3, %dma_wait3A_129] : memref<5120x64xi32, #tpu.memory_space<hbm>> -> memref<32x64xi32, #tpu.memory_space<hbm>>
        %dma_wait3A_131 = arith.constant 0 : i32
        %dma_wait3A_132 = arith.constant 0 : i32
        %dma_wait3A_133 = tpu.memref_slice %arg8[%run_scoped3A, %dma_wait3A_131, %dma_wait3A_132] : memref<2x32x64xi32, #tpu.memory_space<vmem>> -> memref<1x32x64xi32, #tpu.memory_space<vmem>>
        %dma_wait3A_134 = tpu.memref_squeeze %dma_wait3A_133 : memref<1x32x64xi32, #tpu.memory_space<vmem>> -> memref<32x64xi32, #tpu.memory_space<vmem>>
        %dma_wait3A_135 = arith.constant 0 : i32
        %dma_wait3A_136 = tpu.memref_slice %arg4[%mul3A_3, %dma_wait3A_135] : memref<5120x64xi32, #tpu.memory_space<hbm>> -> memref<32x64xi32, #tpu.memory_space<hbm>>
        tpu.wait_dma2 semaphore(%run_scoped3A_112 : memref<!tpu.dma_semaphore, #tpu.memory_space<semaphore_mem>>) src(%dma_wait3A_136 : memref<32x64xi32, #tpu.memory_space<hbm>>) dst(%dma_wait3A_134 : memref<32x64xi32, #tpu.memory_space<vmem>>)
        tpu.yield
      }) : () -> ()
      %run_scoped3A_32 = arith.constant 0 : i32
      "tpu.region"() ({
        %run_scoped3A_112 = tpu.sem_alloc : memref<!tpu.dma_semaphore, #tpu.memory_space<semaphore_mem>>
        %dma_start3A_113 = arith.constant 0 : i32
        %dma_start3A_114 = arith.constant 0 : i32
        %dma_start3A_115 = tpu.memref_slice %arg9[%run_scoped3A_32, %dma_start3A_113, %dma_start3A_114] : memref<2x32x64xi32, #tpu.memory_space<vmem>> -> memref<1x32x64xi32, #tpu.memory_space<vmem>>
        %dma_start3A_116 = tpu.memref_squeeze %dma_start3A_115 : memref<1x32x64xi32, #tpu.memory_space<vmem>> -> memref<32x64xi32, #tpu.memory_space<vmem>>
        %dma_start3A_117 = arith.constant 0 : i32
        %dma_start3A_118 = tpu.memref_slice %arg5[%mul3A_3, %dma_start3A_117] : memref<5120x64xi32, #tpu.memory_space<hbm>> -> memref<32x64xi32, #tpu.memory_space<hbm>>
        %dma_start3A_119 = arith.constant 0 : i32
        %dma_start3A_120 = arith.constant 0 : i32
        %dma_start3A_121 = tpu.memref_slice %arg9[%run_scoped3A_32, %dma_start3A_119, %dma_start3A_120] : memref<2x32x64xi32, #tpu.memory_space<vmem>> -> memref<1x32x64xi32, #tpu.memory_space<vmem>>
        %dma_start3A_122 = tpu.memref_squeeze %dma_start3A_121 : memref<1x32x64xi32, #tpu.memory_space<vmem>> -> memref<32x64xi32, #tpu.memory_space<vmem>>
        %dma_start3A_123 = arith.constant 0 : i32
        %dma_start3A_124 = tpu.memref_slice %arg5[%mul3A_3, %dma_start3A_123] : memref<5120x64xi32, #tpu.memory_space<hbm>> -> memref<32x64xi32, #tpu.memory_space<hbm>>
        tpu.enqueue_dma source(%dma_start3A_124 : memref<32x64xi32, #tpu.memory_space<hbm>>) target(%dma_start3A_122 : memref<32x64xi32, #tpu.memory_space<vmem>>) target_semaphore(%run_scoped3A_112 : memref<!tpu.dma_semaphore, #tpu.memory_space<semaphore_mem>>)
        %dma_wait3A_125 = arith.constant 0 : i32
        %dma_wait3A_126 = arith.constant 0 : i32
        %dma_wait3A_127 = tpu.memref_slice %arg9[%run_scoped3A_32, %dma_wait3A_125, %dma_wait3A_126] : memref<2x32x64xi32, #tpu.memory_space<vmem>> -> memref<1x32x64xi32, #tpu.memory_space<vmem>>
        %dma_wait3A_128 = tpu.memref_squeeze %dma_wait3A_127 : memref<1x32x64xi32, #tpu.memory_space<vmem>> -> memref<32x64xi32, #tpu.memory_space<vmem>>
        %dma_wait3A_129 = arith.constant 0 : i32
        %dma_wait3A_130 = tpu.memref_slice %arg5[%mul3A_3, %dma_wait3A_129] : memref<5120x64xi32, #tpu.memory_space<hbm>> -> memref<32x64xi32, #tpu.memory_space<hbm>>
        %dma_wait3A_131 = arith.constant 0 : i32
        %dma_wait3A_132 = arith.constant 0 : i32
        %dma_wait3A_133 = tpu.memref_slice %arg9[%run_scoped3A_32, %dma_wait3A_131, %dma_wait3A_132] : memref<2x32x64xi32, #tpu.memory_space<vmem>> -> memref<1x32x64xi32, #tpu.memory_space<vmem>>
        %dma_wait3A_134 = tpu.memref_squeeze %dma_wait3A_133 : memref<1x32x64xi32, #tpu.memory_space<vmem>> -> memref<32x64xi32, #tpu.memory_space<vmem>>
        %dma_wait3A_135 = arith.constant 0 : i32
        %dma_wait3A_136 = tpu.memref_slice %arg5[%mul3A_3, %dma_wait3A_135] : memref<5120x64xi32, #tpu.memory_space<hbm>> -> memref<32x64xi32, #tpu.memory_space<hbm>>
        tpu.wait_dma2 semaphore(%run_scoped3A_112 : memref<!tpu.dma_semaphore, #tpu.memory_space<semaphore_mem>>) src(%dma_wait3A_136 : memref<32x64xi32, #tpu.memory_space<hbm>>) dst(%dma_wait3A_134 : memref<32x64xi32, #tpu.memory_space<vmem>>)
        tpu.yield
      }) : () -> ()
      %dma_start3A = arith.constant 0 : i32
      %dma_start3A_33 = arith.constant 0 : i32
      %dma_start3A_34 = arith.constant 0 : i32
      %dma_start3A_35 = arith.constant 0 : i32
      %dma_start3A_36 = arith.constant 0 : i32
      %dma_start3A_37 = tpu.memref_slice %arg10[%dma_start3A_34, %dma_start3A_35, %dma_start3A_36] : memref<5x64x128xf32, #tpu.memory_space<vmem>> -> memref<1x64x128xf32, #tpu.memory_space<vmem>>
      %dma_start3A_38 = tpu.memref_squeeze %dma_start3A_37 : memref<1x64x128xf32, #tpu.memory_space<vmem>> -> memref<64x128xf32, #tpu.memory_space<vmem>>
      %dma_start3A_39 = arith.constant 0 : i32
      %dma_start3A_40 = tpu.memref_slice %arg8[%dma_start3A, %dma_start3A_33, %dma_start3A_39] : memref<2x32x64xi32, #tpu.memory_space<vmem>> -> memref<1x1x64xi32, #tpu.memory_space<vmem>>
      %dma_start3A_41 = tpu.memref_squeeze %dma_start3A_40 : memref<1x1x64xi32, #tpu.memory_space<vmem>> -> memref<64xi32, #tpu.memory_space<vmem>>
      %dma_start3A_42 = arith.constant 0 : i32
      %dma_start3A_43 = arith.constant 0 : i32
      %dma_start3A_44 = tpu.memref_slice %arg2[%dma_start3A_42, %dma_start3A_43] : memref<10000x128xf32, #tpu.memory_space<hbm>> -> memref<10000x128xf32, #tpu.memory_space<hbm>>
      tpu.enqueue_indirect_dma source(%dma_start3A_44 : memref<10000x128xf32, #tpu.memory_space<hbm>>) target(%dma_start3A_38 : memref<64x128xf32, #tpu.memory_space<vmem>>) offsets(%dma_start3A_41 : memref<64xi32, #tpu.memory_space<vmem>>) semaphore(%arg12 : memref<!tpu.dma_semaphore, #tpu.memory_space<semaphore_mem>>)
      %dma_start3A_45 = arith.constant 0 : i32
      %dma_start3A_46 = arith.constant 1 : i32
      %dma_start3A_47 = arith.constant 1 : i32
      %dma_start3A_48 = arith.constant 0 : i32
      %dma_start3A_49 = arith.constant 0 : i32
      %dma_start3A_50 = tpu.memref_slice %arg10[%dma_start3A_47, %dma_start3A_48, %dma_start3A_49] : memref<5x64x128xf32, #tpu.memory_space<vmem>> -> memref<1x64x128xf32, #tpu.memory_space<vmem>>
      %dma_start3A_51 = tpu.memref_squeeze %dma_start3A_50 : memref<1x64x128xf32, #tpu.memory_space<vmem>> -> memref<64x128xf32, #tpu.memory_space<vmem>>
      %dma_start3A_52 = arith.constant 0 : i32
      %dma_start3A_53 = tpu.memref_slice %arg8[%dma_start3A_45, %dma_start3A_46, %dma_start3A_52] : memref<2x32x64xi32, #tpu.memory_space<vmem>> -> memref<1x1x64xi32, #tpu.memory_space<vmem>>
      %dma_start3A_54 = tpu.memref_squeeze %dma_start3A_53 : memref<1x1x64xi32, #tpu.memory_space<vmem>> -> memref<64xi32, #tpu.memory_space<vmem>>
      %dma_start3A_55 = arith.constant 0 : i32
      %dma_start3A_56 = arith.constant 0 : i32
      %dma_start3A_57 = tpu.memref_slice %arg2[%dma_start3A_55, %dma_start3A_56] : memref<10000x128xf32, #tpu.memory_space<hbm>> -> memref<10000x128xf32, #tpu.memory_space<hbm>>
      tpu.enqueue_indirect_dma source(%dma_start3A_57 : memref<10000x128xf32, #tpu.memory_space<hbm>>) target(%dma_start3A_51 : memref<64x128xf32, #tpu.memory_space<vmem>>) offsets(%dma_start3A_54 : memref<64xi32, #tpu.memory_space<vmem>>) semaphore(%arg12 : memref<!tpu.dma_semaphore, #tpu.memory_space<semaphore_mem>>)
      %dma_start3A_58 = arith.constant 0 : i32
      %dma_start3A_59 = arith.constant 2 : i32
      %dma_start3A_60 = arith.constant 2 : i32
      %dma_start3A_61 = arith.constant 0 : i32
      %dma_start3A_62 = arith.constant 0 : i32
      %dma_start3A_63 = tpu.memref_slice %arg10[%dma_start3A_60, %dma_start3A_61, %dma_start3A_62] : memref<5x64x128xf32, #tpu.memory_space<vmem>> -> memref<1x64x128xf32, #tpu.memory_space<vmem>>
      %dma_start3A_64 = tpu.memref_squeeze %dma_start3A_63 : memref<1x64x128xf32, #tpu.memory_space<vmem>> -> memref<64x128xf32, #tpu.memory_space<vmem>>
      %dma_start3A_65 = arith.constant 0 : i32
      %dma_start3A_66 = tpu.memref_slice %arg8[%dma_start3A_58, %dma_start3A_59, %dma_start3A_65] : memref<2x32x64xi32, #tpu.memory_space<vmem>> -> memref<1x1x64xi32, #tpu.memory_space<vmem>>
      %dma_start3A_67 = tpu.memref_squeeze %dma_start3A_66 : memref<1x1x64xi32, #tpu.memory_space<vmem>> -> memref<64xi32, #tpu.memory_space<vmem>>
      %dma_start3A_68 = arith.constant 0 : i32
      %dma_start3A_69 = arith.constant 0 : i32
      %dma_start3A_70 = tpu.memref_slice %arg2[%dma_start3A_68, %dma_start3A_69] : memref<10000x128xf32, #tpu.memory_space<hbm>> -> memref<10000x128xf32, #tpu.memory_space<hbm>>
      tpu.enqueue_indirect_dma source(%dma_start3A_70 : memref<10000x128xf32, #tpu.memory_space<hbm>>) target(%dma_start3A_64 : memref<64x128xf32, #tpu.memory_space<vmem>>) offsets(%dma_start3A_67 : memref<64xi32, #tpu.memory_space<vmem>>) semaphore(%arg12 : memref<!tpu.dma_semaphore, #tpu.memory_space<semaphore_mem>>)
      %scan3A_71 = arith.constant 0 : i32
      %scan3A_72 = arith.constant 0 : i32
      %scan3A_73 = arith.constant 10 : i32
      %scan3A_74 = arith.addi %scan3A_72, %scan3A_73 : i32
      %scan3A_75 = arith.constant 1 : i32
      %scan3A_76 = scf.for %scan3A_112 = %scan3A_72 to %scan3A_74 step %scan3A_75 iter_args(%scan3A_113 = %scan3A_71) -> (i32)  : i32 {
        %rem3A = arith.constant 2 : i32
        %rem3A_114 = arith.remsi %scan3A_112, %rem3A : i32
        %add3A = arith.constant 1 : i32
        %add3A_115 = arith.addi %scan3A_112, %add3A : i32
        %rem3A_116 = arith.constant 2 : i32
        %rem3A_117 = arith.remsi %add3A_115, %rem3A_116 : i32
        %add3A_118 = arith.constant 1 : i32
        %add3A_119 = arith.addi %scan3A_112, %add3A_118 : i32
        %lt3A = arith.constant 10 : i32
        %lt3A_120 = arith.cmpi slt, %add3A_119, %lt3A : i32
        %convert_element_type3A_121 = arith.extui %lt3A_120 : i1 to i32
        %cond3A_122 = arith.constant 0 : i32
        %cond3A_123 = arith.cmpi ne, %convert_element_type3A_121, %cond3A_122 : i32
        scf.if %cond3A_123 {
          %add3A_132 = arith.constant 1 : i32
          %add3A_133 = arith.addi %scan3A_112, %add3A_132 : i32
          %mul3A_134 = arith.constant 32 : i32
          %mul3A_135 = arith.muli %add3A_133, %mul3A_134 : i32
          %add3A_136 = arith.addi %mul3A_3, %mul3A_135 : i32
          %dma_start3A_137 = arith.constant 0 : i32
          %dma_start3A_138 = arith.constant 0 : i32
          %dma_start3A_139 = tpu.memref_slice %arg8[%rem3A_117, %dma_start3A_137, %dma_start3A_138] : memref<2x32x64xi32, #tpu.memory_space<vmem>> -> memref<1x32x64xi32, #tpu.memory_space<vmem>>
          %dma_start3A_140 = tpu.memref_squeeze %dma_start3A_139 : memref<1x32x64xi32, #tpu.memory_space<vmem>> -> memref<32x64xi32, #tpu.memory_space<vmem>>
          %dma_start3A_141 = arith.constant 0 : i32
          %dma_start3A_142 = tpu.memref_slice %arg4[%add3A_136, %dma_start3A_141] : memref<5120x64xi32, #tpu.memory_space<hbm>> -> memref<32x64xi32, #tpu.memory_space<hbm>>
          %dma_start3A_143 = arith.constant 0 : i32
          %dma_start3A_144 = arith.constant 0 : i32
          %dma_start3A_145 = tpu.memref_slice %arg8[%rem3A_117, %dma_start3A_143, %dma_start3A_144] : memref<2x32x64xi32, #tpu.memory_space<vmem>> -> memref<1x32x64xi32, #tpu.memory_space<vmem>>
          %dma_start3A_146 = tpu.memref_squeeze %dma_start3A_145 : memref<1x32x64xi32, #tpu.memory_space<vmem>> -> memref<32x64xi32, #tpu.memory_space<vmem>>
          %dma_start3A_147 = arith.constant 0 : i32
          %dma_start3A_148 = tpu.memref_slice %arg4[%add3A_136, %dma_start3A_147] : memref<5120x64xi32, #tpu.memory_space<hbm>> -> memref<32x64xi32, #tpu.memory_space<hbm>>
          tpu.enqueue_dma source(%dma_start3A_148 : memref<32x64xi32, #tpu.memory_space<hbm>>) target(%dma_start3A_146 : memref<32x64xi32, #tpu.memory_space<vmem>>) target_semaphore(%arg14 : memref<!tpu.dma_semaphore, #tpu.memory_space<semaphore_mem>>)
          %dma_start3A_149 = arith.constant 0 : i32
          %dma_start3A_150 = arith.constant 0 : i32
          %dma_start3A_151 = tpu.memref_slice %arg9[%rem3A_117, %dma_start3A_149, %dma_start3A_150] : memref<2x32x64xi32, #tpu.memory_space<vmem>> -> memref<1x32x64xi32, #tpu.memory_space<vmem>>
          %dma_start3A_152 = tpu.memref_squeeze %dma_start3A_151 : memref<1x32x64xi32, #tpu.memory_space<vmem>> -> memref<32x64xi32, #tpu.memory_space<vmem>>
          %dma_start3A_153 = arith.constant 0 : i32
          %dma_start3A_154 = tpu.memref_slice %arg5[%add3A_136, %dma_start3A_153] : memref<5120x64xi32, #tpu.memory_space<hbm>> -> memref<32x64xi32, #tpu.memory_space<hbm>>
          %dma_start3A_155 = arith.constant 0 : i32
          %dma_start3A_156 = arith.constant 0 : i32
          %dma_start3A_157 = tpu.memref_slice %arg9[%rem3A_117, %dma_start3A_155, %dma_start3A_156] : memref<2x32x64xi32, #tpu.memory_space<vmem>> -> memref<1x32x64xi32, #tpu.memory_space<vmem>>
          %dma_start3A_158 = tpu.memref_squeeze %dma_start3A_157 : memref<1x32x64xi32, #tpu.memory_space<vmem>> -> memref<32x64xi32, #tpu.memory_space<vmem>>
          %dma_start3A_159 = arith.constant 0 : i32
          %dma_start3A_160 = tpu.memref_slice %arg5[%add3A_136, %dma_start3A_159] : memref<5120x64xi32, #tpu.memory_space<hbm>> -> memref<32x64xi32, #tpu.memory_space<hbm>>
          tpu.enqueue_dma source(%dma_start3A_160 : memref<32x64xi32, #tpu.memory_space<hbm>>) target(%dma_start3A_158 : memref<32x64xi32, #tpu.memory_space<vmem>>) target_semaphore(%arg14 : memref<!tpu.dma_semaphore, #tpu.memory_space<semaphore_mem>>)
        } else {
        }
        %scan3A_124 = arith.constant 0 : i32
        %scan3A_125 = arith.constant 0 : i32
        %scan3A_126 = arith.constant 32 : i32
        %scan3A_127 = arith.addi %scan3A_125, %scan3A_126 : i32
        %scan3A_128 = arith.constant 1 : i32
        %scan3A_129 = scf.for %scan3A_132 = %scan3A_125 to %scan3A_127 step %scan3A_128 iter_args(%scan3A_133 = %scan3A_124) -> (i32)  : i32 {
          %mul3A_134 = arith.constant 32 : i32
          %mul3A_135 = arith.muli %scan3A_112, %mul3A_134 : i32
          %add3A_136 = arith.addi %mul3A_135, %scan3A_132 : i32
          %rem3A_137 = arith.constant 5 : i32
          %rem3A_138 = arith.remsi %add3A_136, %rem3A_137 : i32
          %dma_wait3A_139 = arith.constant 0 : i32
          %dma_wait3A_140 = arith.constant 0 : i32
          %dma_wait3A_141 = arith.constant 0 : i32
          %dma_wait3A_142 = tpu.memref_slice %arg10[%dma_wait3A_139, %dma_wait3A_140, %dma_wait3A_141] : memref<5x64x128xf32, #tpu.memory_space<vmem>> -> memref<1x64x128xf32, #tpu.memory_space<vmem>>
          %dma_wait3A_143 = tpu.memref_squeeze %dma_wait3A_142 : memref<1x64x128xf32, #tpu.memory_space<vmem>> -> memref<64x128xf32, #tpu.memory_space<vmem>>
          %dma_wait3A_144 = arith.constant 0 : i32
          %dma_wait3A_145 = arith.constant 0 : i32
          %dma_wait3A_146 = tpu.memref_slice %arg2[%dma_wait3A_144, %dma_wait3A_145] : memref<10000x128xf32, #tpu.memory_space<hbm>> -> memref<64x128xf32, #tpu.memory_space<hbm>>
          %dma_wait3A_147 = arith.constant 0 : i32
          %dma_wait3A_148 = arith.constant 0 : i32
          %dma_wait3A_149 = tpu.memref_slice %arg10[%dma_wait3A_139, %dma_wait3A_147, %dma_wait3A_148] : memref<5x64x128xf32, #tpu.memory_space<vmem>> -> memref<1x64x128xf32, #tpu.memory_space<vmem>>
          %dma_wait3A_150 = tpu.memref_squeeze %dma_wait3A_149 : memref<1x64x128xf32, #tpu.memory_space<vmem>> -> memref<64x128xf32, #tpu.memory_space<vmem>>
          %dma_wait3A_151 = arith.constant 0 : i32
          %dma_wait3A_152 = arith.constant 0 : i32
          %dma_wait3A_153 = tpu.memref_slice %arg2[%dma_wait3A_151, %dma_wait3A_152] : memref<10000x128xf32, #tpu.memory_space<hbm>> -> memref<64x128xf32, #tpu.memory_space<hbm>>
          tpu.wait_dma2 semaphore(%arg12 : memref<!tpu.dma_semaphore, #tpu.memory_space<semaphore_mem>>) src(%dma_wait3A_153 : memref<64x128xf32, #tpu.memory_space<hbm>>) dst(%dma_wait3A_150 : memref<64x128xf32, #tpu.memory_space<vmem>>)
          %dma_start3A_154 = arith.constant 0 : i32
          %dma_start3A_155 = arith.constant 0 : i32
          %dma_start3A_156 = tpu.memref_slice %arg10[%rem3A_138, %dma_start3A_154, %dma_start3A_155] : memref<5x64x128xf32, #tpu.memory_space<vmem>> -> memref<1x64x128xf32, #tpu.memory_space<vmem>>
          %dma_start3A_157 = tpu.memref_squeeze %dma_start3A_156 : memref<1x64x128xf32, #tpu.memory_space<vmem>> -> memref<64x128xf32, #tpu.memory_space<vmem>>
          %dma_start3A_158 = arith.constant 0 : i32
          %dma_start3A_159 = tpu.memref_slice %arg9[%rem3A_114, %scan3A_132, %dma_start3A_158] : memref<2x32x64xi32, #tpu.memory_space<vmem>> -> memref<1x1x64xi32, #tpu.memory_space<vmem>>
          %dma_start3A_160 = tpu.memref_squeeze %dma_start3A_159 : memref<1x1x64xi32, #tpu.memory_space<vmem>> -> memref<64xi32, #tpu.memory_space<vmem>>
          %dma_start3A_161 = arith.constant 0 : i32
          %dma_start3A_162 = arith.constant 0 : i32
          %dma_start3A_163 = tpu.memref_slice %arg11[%dma_start3A_161, %dma_start3A_162] : memref<10008x128xf32, #tpu.memory_space<vmem_shared>> -> memref<10008x128xf32, #tpu.memory_space<vmem_shared>>
          tpu.enqueue_indirect_dma source(%dma_start3A_157 : memref<64x128xf32, #tpu.memory_space<vmem>>) target(%dma_start3A_163 : memref<10008x128xf32, #tpu.memory_space<vmem_shared>>) offsets(%dma_start3A_160 : memref<64xi32, #tpu.memory_space<vmem>>) semaphore(%arg13 : memref<!tpu.dma_semaphore, #tpu.memory_space<semaphore_mem>>) {add = true}
          %ge3A = arith.constant 2 : i32
          %ge3A_164 = arith.cmpi sge, %add3A_136, %ge3A : i32
          %convert_element_type3A_165 = arith.extui %ge3A_164 : i1 to i32
          %cond3A_166 = arith.constant 0 : i32
          %cond3A_167 = arith.cmpi ne, %convert_element_type3A_165, %cond3A_166 : i32
          scf.if %cond3A_167 {
            %dma_wait3A_185 = arith.constant 0 : i32
            %dma_wait3A_186 = arith.constant 0 : i32
            %dma_wait3A_187 = arith.constant 0 : i32
            %dma_wait3A_188 = tpu.memref_slice %arg10[%dma_wait3A_185, %dma_wait3A_186, %dma_wait3A_187] : memref<5x64x128xf32, #tpu.memory_space<vmem>> -> memref<1x64x128xf32, #tpu.memory_space<vmem>>
            %dma_wait3A_189 = tpu.memref_squeeze %dma_wait3A_188 : memref<1x64x128xf32, #tpu.memory_space<vmem>> -> memref<64x128xf32, #tpu.memory_space<vmem>>
            %dma_wait3A_190 = arith.constant 0 : i32
            %dma_wait3A_191 = arith.constant 0 : i32
            %dma_wait3A_192 = tpu.memref_slice %arg2[%dma_wait3A_190, %dma_wait3A_191] : memref<10000x128xf32, #tpu.memory_space<hbm>> -> memref<64x128xf32, #tpu.memory_space<hbm>>
            %dma_wait3A_193 = arith.constant 0 : i32
            %dma_wait3A_194 = arith.constant 0 : i32
            %dma_wait3A_195 = tpu.memref_slice %arg10[%dma_wait3A_185, %dma_wait3A_193, %dma_wait3A_194] : memref<5x64x128xf32, #tpu.memory_space<vmem>> -> memref<1x64x128xf32, #tpu.memory_space<vmem>>
            %dma_wait3A_196 = tpu.memref_squeeze %dma_wait3A_195 : memref<1x64x128xf32, #tpu.memory_space<vmem>> -> memref<64x128xf32, #tpu.memory_space<vmem>>
            %dma_wait3A_197 = arith.constant 0 : i32
            %dma_wait3A_198 = arith.constant 0 : i32
            %dma_wait3A_199 = tpu.memref_slice %arg2[%dma_wait3A_197, %dma_wait3A_198] : memref<10000x128xf32, #tpu.memory_space<hbm>> -> memref<64x128xf32, #tpu.memory_space<hbm>>
            tpu.wait_dma2 semaphore(%arg13 : memref<!tpu.dma_semaphore, #tpu.memory_space<semaphore_mem>>) src(%dma_wait3A_199 : memref<64x128xf32, #tpu.memory_space<hbm>>) dst(%dma_wait3A_196 : memref<64x128xf32, #tpu.memory_space<vmem>>)
          } else {
          }
          %eq3A_168 = arith.constant 29 : i32
          %eq3A_169 = arith.cmpi eq, %scan3A_132, %eq3A_168 : i32
          %add3A_170 = arith.constant 1 : i32
          %add3A_171 = arith.addi %scan3A_112, %add3A_170 : i32
          %lt3A_172 = arith.constant 10 : i32
          %lt3A_173 = arith.cmpi slt, %add3A_171, %lt3A_172 : i32
          %and3A = arith.andi %eq3A_169, %lt3A_173 : i1
          %convert_element_type3A_174 = arith.extui %and3A : i1 to i32
          %cond3A_175 = arith.constant 0 : i32
          %cond3A_176 = arith.cmpi ne, %convert_element_type3A_174, %cond3A_175 : i32
          scf.if %cond3A_176 {
            %dma_wait3A_185 = arith.constant 0 : i32
            %dma_wait3A_186 = arith.constant 0 : i32
            %dma_wait3A_187 = arith.constant 0 : i32
            %dma_wait3A_188 = tpu.memref_slice %arg8[%dma_wait3A_185, %dma_wait3A_186, %dma_wait3A_187] : memref<2x32x64xi32, #tpu.memory_space<vmem>> -> memref<1x32x64xi32, #tpu.memory_space<vmem>>
            %dma_wait3A_189 = tpu.memref_squeeze %dma_wait3A_188 : memref<1x32x64xi32, #tpu.memory_space<vmem>> -> memref<32x64xi32, #tpu.memory_space<vmem>>
            %dma_wait3A_190 = arith.constant 0 : i32
            %dma_wait3A_191 = arith.constant 0 : i32
            %dma_wait3A_192 = tpu.memref_slice %arg4[%dma_wait3A_190, %dma_wait3A_191] : memref<5120x64xi32, #tpu.memory_space<hbm>> -> memref<32x64xi32, #tpu.memory_space<hbm>>
            %dma_wait3A_193 = arith.constant 0 : i32
            %dma_wait3A_194 = arith.constant 0 : i32
            %dma_wait3A_195 = tpu.memref_slice %arg8[%dma_wait3A_185, %dma_wait3A_193, %dma_wait3A_194] : memref<2x32x64xi32, #tpu.memory_space<vmem>> -> memref<1x32x64xi32, #tpu.memory_space<vmem>>
            %dma_wait3A_196 = tpu.memref_squeeze %dma_wait3A_195 : memref<1x32x64xi32, #tpu.memory_space<vmem>> -> memref<32x64xi32, #tpu.memory_space<vmem>>
            %dma_wait3A_197 = arith.constant 0 : i32
            %dma_wait3A_198 = arith.constant 0 : i32
            %dma_wait3A_199 = tpu.memref_slice %arg4[%dma_wait3A_197, %dma_wait3A_198] : memref<5120x64xi32, #tpu.memory_space<hbm>> -> memref<32x64xi32, #tpu.memory_space<hbm>>
            tpu.wait_dma2 semaphore(%arg14 : memref<!tpu.dma_semaphore, #tpu.memory_space<semaphore_mem>>) src(%dma_wait3A_199 : memref<32x64xi32, #tpu.memory_space<hbm>>) dst(%dma_wait3A_196 : memref<32x64xi32, #tpu.memory_space<vmem>>)
            %dma_wait3A_200 = arith.constant 0 : i32
            %dma_wait3A_201 = arith.constant 0 : i32
            %dma_wait3A_202 = arith.constant 0 : i32
            %dma_wait3A_203 = tpu.memref_slice %arg8[%dma_wait3A_200, %dma_wait3A_201, %dma_wait3A_202] : memref<2x32x64xi32, #tpu.memory_space<vmem>> -> memref<1x32x64xi32, #tpu.memory_space<vmem>>
            %dma_wait3A_204 = tpu.memref_squeeze %dma_wait3A_203 : memref<1x32x64xi32, #tpu.memory_space<vmem>> -> memref<32x64xi32, #tpu.memory_space<vmem>>
            %dma_wait3A_205 = arith.constant 0 : i32
            %dma_wait3A_206 = arith.constant 0 : i32
            %dma_wait3A_207 = tpu.memref_slice %arg4[%dma_wait3A_205, %dma_wait3A_206] : memref<5120x64xi32, #tpu.memory_space<hbm>> -> memref<32x64xi32, #tpu.memory_space<hbm>>
            %dma_wait3A_208 = arith.constant 0 : i32
            %dma_wait3A_209 = arith.constant 0 : i32
            %dma_wait3A_210 = tpu.memref_slice %arg8[%dma_wait3A_200, %dma_wait3A_208, %dma_wait3A_209] : memref<2x32x64xi32, #tpu.memory_space<vmem>> -> memref<1x32x64xi32, #tpu.memory_space<vmem>>
            %dma_wait3A_211 = tpu.memref_squeeze %dma_wait3A_210 : memref<1x32x64xi32, #tpu.memory_space<vmem>> -> memref<32x64xi32, #tpu.memory_space<vmem>>
            %dma_wait3A_212 = arith.constant 0 : i32
            %dma_wait3A_213 = arith.constant 0 : i32
            %dma_wait3A_214 = tpu.memref_slice %arg4[%dma_wait3A_212, %dma_wait3A_213] : memref<5120x64xi32, #tpu.memory_space<hbm>> -> memref<32x64xi32, #tpu.memory_space<hbm>>
            tpu.wait_dma2 semaphore(%arg14 : memref<!tpu.dma_semaphore, #tpu.memory_space<semaphore_mem>>) src(%dma_wait3A_214 : memref<32x64xi32, #tpu.memory_space<hbm>>) dst(%dma_wait3A_211 : memref<32x64xi32, #tpu.memory_space<vmem>>)
          } else {
          }
          %add3A_177 = arith.constant 3 : i32
          %add3A_178 = arith.addi %add3A_136, %add3A_177 : i32
          %lt3A_179 = arith.constant 320 : i32
          %lt3A_180 = arith.cmpi slt, %add3A_178, %lt3A_179 : i32
          %convert_element_type3A_181 = arith.extui %lt3A_180 : i1 to i32
          %cond3A_182 = arith.constant 0 : i32
          %cond3A_183 = arith.cmpi ne, %convert_element_type3A_181, %cond3A_182 : i32
          scf.if %cond3A_183 {
            %add3A_185 = arith.constant 3 : i32
            %add3A_186 = arith.addi %add3A_136, %add3A_185 : i32
            %rem3A_187 = arith.constant 5 : i32
            %rem3A_188 = arith.remsi %add3A_186, %rem3A_187 : i32
            %lt3A_189 = arith.constant 29 : i32
            %lt3A_190 = arith.cmpi slt, %scan3A_132, %lt3A_189 : i32
            %convert_element_type3A_191 = arith.extui %lt3A_190 : i1 to i32
            %cond3A_192 = arith.constant 0 : i32
            %cond3A_193 = arith.cmpi ne, %convert_element_type3A_191, %cond3A_192 : i32
            scf.if %cond3A_193 {
              %add3A_199 = arith.constant 3 : i32
              %add3A_200 = arith.addi %scan3A_132, %add3A_199 : i32
              %dma_start3A_201 = arith.constant 0 : i32
              %dma_start3A_202 = arith.constant 0 : i32
              %dma_start3A_203 = tpu.memref_slice %arg10[%rem3A_188, %dma_start3A_201, %dma_start3A_202] : memref<5x64x128xf32, #tpu.memory_space<vmem>> -> memref<1x64x128xf32, #tpu.memory_space<vmem>>
              %dma_start3A_204 = tpu.memref_squeeze %dma_start3A_203 : memref<1x64x128xf32, #tpu.memory_space<vmem>> -> memref<64x128xf32, #tpu.memory_space<vmem>>
              %dma_start3A_205 = arith.constant 0 : i32
              %dma_start3A_206 = tpu.memref_slice %arg8[%rem3A_114, %add3A_200, %dma_start3A_205] : memref<2x32x64xi32, #tpu.memory_space<vmem>> -> memref<1x1x64xi32, #tpu.memory_space<vmem>>
              %dma_start3A_207 = tpu.memref_squeeze %dma_start3A_206 : memref<1x1x64xi32, #tpu.memory_space<vmem>> -> memref<64xi32, #tpu.memory_space<vmem>>
              %dma_start3A_208 = arith.constant 0 : i32
              %dma_start3A_209 = arith.constant 0 : i32
              %dma_start3A_210 = tpu.memref_slice %arg2[%dma_start3A_208, %dma_start3A_209] : memref<10000x128xf32, #tpu.memory_space<hbm>> -> memref<10000x128xf32, #tpu.memory_space<hbm>>
              tpu.enqueue_indirect_dma source(%dma_start3A_210 : memref<10000x128xf32, #tpu.memory_space<hbm>>) target(%dma_start3A_204 : memref<64x128xf32, #tpu.memory_space<vmem>>) offsets(%dma_start3A_207 : memref<64xi32, #tpu.memory_space<vmem>>) semaphore(%arg12 : memref<!tpu.dma_semaphore, #tpu.memory_space<semaphore_mem>>)
            } else {
            }
            %ge3A_194 = arith.constant 29 : i32
            %ge3A_195 = arith.cmpi sge, %scan3A_132, %ge3A_194 : i32
            %convert_element_type3A_196 = arith.extui %ge3A_195 : i1 to i32
            %cond3A_197 = arith.constant 0 : i32
            %cond3A_198 = arith.cmpi ne, %convert_element_type3A_196, %cond3A_197 : i32
            scf.if %cond3A_198 {
              %add3A_199 = arith.constant 3 : i32
              %add3A_200 = arith.addi %scan3A_132, %add3A_199 : i32
              %sub3A = arith.constant 32 : i32
              %sub3A_201 = arith.subi %add3A_200, %sub3A : i32
              %dma_start3A_202 = arith.constant 0 : i32
              %dma_start3A_203 = arith.constant 0 : i32
              %dma_start3A_204 = tpu.memref_slice %arg10[%rem3A_188, %dma_start3A_202, %dma_start3A_203] : memref<5x64x128xf32, #tpu.memory_space<vmem>> -> memref<1x64x128xf32, #tpu.memory_space<vmem>>
              %dma_start3A_205 = tpu.memref_squeeze %dma_start3A_204 : memref<1x64x128xf32, #tpu.memory_space<vmem>> -> memref<64x128xf32, #tpu.memory_space<vmem>>
              %dma_start3A_206 = arith.constant 0 : i32
              %dma_start3A_207 = tpu.memref_slice %arg8[%rem3A_117, %sub3A_201, %dma_start3A_206] : memref<2x32x64xi32, #tpu.memory_space<vmem>> -> memref<1x1x64xi32, #tpu.memory_space<vmem>>
              %dma_start3A_208 = tpu.memref_squeeze %dma_start3A_207 : memref<1x1x64xi32, #tpu.memory_space<vmem>> -> memref<64xi32, #tpu.memory_space<vmem>>
              %dma_start3A_209 = arith.constant 0 : i32
              %dma_start3A_210 = arith.constant 0 : i32
              %dma_start3A_211 = tpu.memref_slice %arg2[%dma_start3A_209, %dma_start3A_210] : memref<10000x128xf32, #tpu.memory_space<hbm>> -> memref<10000x128xf32, #tpu.memory_space<hbm>>
              tpu.enqueue_indirect_dma source(%dma_start3A_211 : memref<10000x128xf32, #tpu.memory_space<hbm>>) target(%dma_start3A_205 : memref<64x128xf32, #tpu.memory_space<vmem>>) offsets(%dma_start3A_208 : memref<64xi32, #tpu.memory_space<vmem>>) semaphore(%arg12 : memref<!tpu.dma_semaphore, #tpu.memory_space<semaphore_mem>>)
            } else {
            }
          } else {
          }
          %scan3A_184 = arith.constant 0 : i32
          scf.yield %scan3A_184 : i32
        }
        %scan3A_130 = arith.constant 32 : i32
        %scan3A_131 = arith.constant 0 : i32
        scf.yield %scan3A_131 : i32
      }
      %scan3A_77 = arith.constant 10 : i32
      %dma_wait3A = arith.constant 0 : i32
      %dma_wait3A_78 = arith.constant 0 : i32
      %dma_wait3A_79 = arith.constant 0 : i32
      %dma_wait3A_80 = tpu.memref_slice %arg10[%dma_wait3A, %dma_wait3A_78, %dma_wait3A_79] : memref<5x64x128xf32, #tpu.memory_space<vmem>> -> memref<1x64x128xf32, #tpu.memory_space<vmem>>
      %dma_wait3A_81 = tpu.memref_squeeze %dma_wait3A_80 : memref<1x64x128xf32, #tpu.memory_space<vmem>> -> memref<64x128xf32, #tpu.memory_space<vmem>>
      %dma_wait3A_82 = arith.constant 0 : i32
      %dma_wait3A_83 = arith.constant 0 : i32
      %dma_wait3A_84 = tpu.memref_slice %arg2[%dma_wait3A_82, %dma_wait3A_83] : memref<10000x128xf32, #tpu.memory_space<hbm>> -> memref<64x128xf32, #tpu.memory_space<hbm>>
      %dma_wait3A_85 = arith.constant 0 : i32
      %dma_wait3A_86 = arith.constant 0 : i32
      %dma_wait3A_87 = tpu.memref_slice %arg10[%dma_wait3A, %dma_wait3A_85, %dma_wait3A_86] : memref<5x64x128xf32, #tpu.memory_space<vmem>> -> memref<1x64x128xf32, #tpu.memory_space<vmem>>
      %dma_wait3A_88 = tpu.memref_squeeze %dma_wait3A_87 : memref<1x64x128xf32, #tpu.memory_space<vmem>> -> memref<64x128xf32, #tpu.memory_space<vmem>>
      %dma_wait3A_89 = arith.constant 0 : i32
      %dma_wait3A_90 = arith.constant 0 : i32
      %dma_wait3A_91 = tpu.memref_slice %arg2[%dma_wait3A_89, %dma_wait3A_90] : memref<10000x128xf32, #tpu.memory_space<hbm>> -> memref<64x128xf32, #tpu.memory_space<hbm>>
      tpu.wait_dma2 semaphore(%arg13 : memref<!tpu.dma_semaphore, #tpu.memory_space<semaphore_mem>>) src(%dma_wait3A_91 : memref<64x128xf32, #tpu.memory_space<hbm>>) dst(%dma_wait3A_88 : memref<64x128xf32, #tpu.memory_space<vmem>>)
      %dma_wait3A_92 = arith.constant 0 : i32
      %dma_wait3A_93 = arith.constant 0 : i32
      %dma_wait3A_94 = arith.constant 0 : i32
      %dma_wait3A_95 = tpu.memref_slice %arg10[%dma_wait3A_92, %dma_wait3A_93, %dma_wait3A_94] : memref<5x64x128xf32, #tpu.memory_space<vmem>> -> memref<1x64x128xf32, #tpu.memory_space<vmem>>
      %dma_wait3A_96 = tpu.memref_squeeze %dma_wait3A_95 : memref<1x64x128xf32, #tpu.memory_space<vmem>> -> memref<64x128xf32, #tpu.memory_space<vmem>>
      %dma_wait3A_97 = arith.constant 0 : i32
      %dma_wait3A_98 = arith.constant 0 : i32
      %dma_wait3A_99 = tpu.memref_slice %arg2[%dma_wait3A_97, %dma_wait3A_98] : memref<10000x128xf32, #tpu.memory_space<hbm>> -> memref<64x128xf32, #tpu.memory_space<hbm>>
      %dma_wait3A_100 = arith.constant 0 : i32
      %dma_wait3A_101 = arith.constant 0 : i32
      %dma_wait3A_102 = tpu.memref_slice %arg10[%dma_wait3A_92, %dma_wait3A_100, %dma_wait3A_101] : memref<5x64x128xf32, #tpu.memory_space<vmem>> -> memref<1x64x128xf32, #tpu.memory_space<vmem>>
      %dma_wait3A_103 = tpu.memref_squeeze %dma_wait3A_102 : memref<1x64x128xf32, #tpu.memory_space<vmem>> -> memref<64x128xf32, #tpu.memory_space<vmem>>
      %dma_wait3A_104 = arith.constant 0 : i32
      %dma_wait3A_105 = arith.constant 0 : i32
      %dma_wait3A_106 = tpu.memref_slice %arg2[%dma_wait3A_104, %dma_wait3A_105] : memref<10000x128xf32, #tpu.memory_space<hbm>> -> memref<64x128xf32, #tpu.memory_space<hbm>>
      tpu.wait_dma2 semaphore(%arg13 : memref<!tpu.dma_semaphore, #tpu.memory_space<semaphore_mem>>) src(%dma_wait3A_106 : memref<64x128xf32, #tpu.memory_space<hbm>>) dst(%dma_wait3A_103 : memref<64x128xf32, #tpu.memory_space<vmem>>)
      %barrier3A_107 = arith.constant 0 : index
      tpu.barrier barrier_id(%barrier3A_107)
      "tpu.region"() ({
        %run_scoped3A_112 = tpu.sem_alloc : memref<!tpu.dma_semaphore, #tpu.memory_space<semaphore_mem>>
        %dma_start3A_113 = arith.constant 0 : i32
        %dma_start3A_114 = tpu.memref_slice %arg6[%mul3A_1, %dma_start3A_113] : memref<10000x128xf32, #tpu.memory_space<hbm>> -> memref<624x128xf32, #tpu.memory_space<hbm>>
        %dma_start3A_115 = arith.constant 0 : i32
        %dma_start3A_116 = tpu.memref_slice %arg11[%mul3A_1, %dma_start3A_115] : memref<10008x128xf32, #tpu.memory_space<vmem_shared>> -> memref<624x128xf32, #tpu.memory_space<vmem_shared>>
        tpu.enqueue_dma source(%dma_start3A_116 : memref<624x128xf32, #tpu.memory_space<vmem_shared>>) target(%dma_start3A_114 : memref<624x128xf32, #tpu.memory_space<hbm>>) target_semaphore(%run_scoped3A_112 : memref<!tpu.dma_semaphore, #tpu.memory_space<semaphore_mem>>)
        %dma_wait3A_117 = arith.constant 0 : i32
        %dma_wait3A_118 = tpu.memref_slice %arg6[%mul3A_1, %dma_wait3A_117] : memref<10000x128xf32, #tpu.memory_space<hbm>> -> memref<624x128xf32, #tpu.memory_space<hbm>>
        %dma_wait3A_119 = arith.constant 0 : i32
        %dma_wait3A_120 = tpu.memref_slice %arg11[%mul3A_1, %dma_wait3A_119] : memref<10008x128xf32, #tpu.memory_space<vmem_shared>> -> memref<624x128xf32, #tpu.memory_space<vmem_shared>>
        tpu.wait_dma2 semaphore(%run_scoped3A_112 : memref<!tpu.dma_semaphore, #tpu.memory_space<semaphore_mem>>) src(%dma_wait3A_120 : memref<624x128xf32, #tpu.memory_space<vmem_shared>>) dst(%dma_wait3A_118 : memref<624x128xf32, #tpu.memory_space<hbm>>)
        tpu.yield
      }) : () -> ()
      %convert_element_type3A_108 = arith.extui %eq3A_0 : i1 to i32
      %cond3A_109 = arith.constant 0 : i32
      %cond3A_110 = arith.cmpi ne, %convert_element_type3A_108, %cond3A_109 : i32
      scf.if %cond3A_110 {
        "tpu.region"() ({
          %run_scoped3A_112 = tpu.sem_alloc : memref<!tpu.dma_semaphore, #tpu.memory_space<semaphore_mem>>
          %dma_start3A_113 = arith.constant 9984 : i32
          %dma_start3A_114 = arith.constant 0 : i32
          %dma_start3A_115 = tpu.memref_slice %arg6[%dma_start3A_113, %dma_start3A_114] : memref<10000x128xf32, #tpu.memory_space<hbm>> -> memref<16x128xf32, #tpu.memory_space<hbm>>
          %dma_start3A_116 = arith.constant 9984 : i32
          %dma_start3A_117 = arith.constant 0 : i32
          %dma_start3A_118 = tpu.memref_slice %arg11[%dma_start3A_116, %dma_start3A_117] : memref<10008x128xf32, #tpu.memory_space<vmem_shared>> -> memref<16x128xf32, #tpu.memory_space<vmem_shared>>
          tpu.enqueue_dma source(%dma_start3A_118 : memref<16x128xf32, #tpu.memory_space<vmem_shared>>) target(%dma_start3A_115 : memref<16x128xf32, #tpu.memory_space<hbm>>) target_semaphore(%run_scoped3A_112 : memref<!tpu.dma_semaphore, #tpu.memory_space<semaphore_mem>>)
          %dma_wait3A_119 = arith.constant 9984 : i32
          %dma_wait3A_120 = arith.constant 0 : i32
          %dma_wait3A_121 = tpu.memref_slice %arg6[%dma_wait3A_119, %dma_wait3A_120] : memref<10000x128xf32, #tpu.memory_space<hbm>> -> memref<16x128xf32, #tpu.memory_space<hbm>>
          %dma_wait3A_122 = arith.constant 9984 : i32
          %dma_wait3A_123 = arith.constant 0 : i32
          %dma_wait3A_124 = tpu.memref_slice %arg11[%dma_wait3A_122, %dma_wait3A_123] : memref<10008x128xf32, #tpu.memory_space<vmem_shared>> -> memref<16x128xf32, #tpu.memory_space<vmem_shared>>
          tpu.wait_dma2 semaphore(%run_scoped3A_112 : memref<!tpu.dma_semaphore, #tpu.memory_space<semaphore_mem>>) src(%dma_wait3A_124 : memref<16x128xf32, #tpu.memory_space<vmem_shared>>) dst(%dma_wait3A_121 : memref<16x128xf32, #tpu.memory_space<hbm>>)
          tpu.yield
        }) : () -> ()
      } else {
      }
      %barrier3A_111 = arith.constant 0 : index
      tpu.barrier barrier_id(%barrier3A_111)
    } else {
    }
    %eq3A_7 = arith.constant 1 : i32
    %eq3A_8 = arith.cmpi eq, %arg0, %eq3A_7 : i32
    %convert_element_type3A_9 = arith.extui %eq3A_8 : i1 to i32
    %cond3A_10 = arith.constant 0 : i32
    %cond3A_11 = arith.cmpi ne, %convert_element_type3A_9, %cond3A_10 : i32
    scf.if %cond3A_11 {
      %broadcast_in_dim3A = arith.constant 0.000000e+00 : f32
      %broadcast_in_dim3A_12 = vector.broadcast %broadcast_in_dim3A : f32 to vector<16xf32>
      %scan3A = arith.constant 0 : i32
      %scan3A_13 = arith.constant 0 : i32
      %scan3A_14 = arith.constant 0 : i32
      %scan3A_15 = arith.constant 52 : i32
      %scan3A_16 = arith.addi %scan3A_14, %scan3A_15 : i32
      %scan3A_17 = arith.constant 1 : i32
      %scan3A_18 = scf.for %scan3A_112 = %scan3A_14 to %scan3A_16 step %scan3A_17 iter_args(%scan3A_113 = %scan3A_13) -> (i32)  : i32 {
        %scan3A_114 = arith.constant 0 : i32
        %scan3A_115 = arith.constant 0 : i32
        %scan3A_116 = arith.constant 8 : i32
        %scan3A_117 = arith.addi %scan3A_115, %scan3A_116 : i32
        %scan3A_118 = arith.constant 1 : i32
        %scan3A_119 = scf.for %scan3A_121 = %scan3A_115 to %scan3A_117 step %scan3A_118 iter_args(%scan3A_122 = %scan3A_114) -> (i32)  : i32 {
          %mul3A_123 = arith.constant 16 : i32
          %mul3A_124 = arith.muli %scan3A_121, %mul3A_123 : i32
          %swap3A = arith.constant 0 : i32
          %swap3A_125 = arith.constant 0 : i32
          %swap3A_126 = tpu.memref_slice %arg10[%scan3A, %swap3A, %swap3A_125] : memref<5x64x128xf32, #tpu.memory_space<vmem>> -> memref<1x64x128xf32, #tpu.memory_space<vmem>>
          %swap3A_127 = tpu.memref_squeeze %swap3A_126 : memref<1x64x128xf32, #tpu.memory_space<vmem>> -> memref<64x128xf32, #tpu.memory_space<vmem>>
          %swap3A_128 = arith.index_cast %scan3A_112 : i32 to index
          %swap3A_129 = arith.index_cast %mul3A_124 : i32 to index
          %swap3A_130 = tpu.vector_load %swap3A_127[%swap3A_128, %swap3A_129] {strides = array<i32>} : memref<64x128xf32, #tpu.memory_space<vmem>>, vector<1x16xf32>,
          %swap3A_131 = vector.shape_cast %swap3A_130 : vector<1x16xf32> to vector<16xf32>
          %swap3A_132 = vector.shape_cast %broadcast_in_dim3A_12 : vector<16xf32> to vector<1x16xf32>
          tpu.vector_store %swap3A_127[%swap3A_128, %swap3A_129], %swap3A_132 {strides = array<i32>} : memref<64x128xf32, #tpu.memory_space<vmem>>, vector<1x16xf32>,
          %scan3A_133 = arith.constant 0 : i32
          scf.yield %scan3A_133 : i32
        }
        %scan3A_120 = arith.constant 8 : i32
        scf.yield %scan3A_119 : i32
      }
      %scan3A_19 = arith.constant 52 : i32
      %scan3A_20 = arith.constant 0 : i32
      %scan3A_21 = arith.constant 0 : i32
      %scan3A_22 = arith.constant 0 : i32
      %scan3A_23 = arith.constant 12 : i32
      %scan3A_24 = arith.addi %scan3A_22, %scan3A_23 : i32
      %scan3A_25 = arith.constant 1 : i32
      %scan3A_26 = scf.for %scan3A_112 = %scan3A_22 to %scan3A_24 step %scan3A_25 iter_args(%scan3A_113 = %scan3A_21) -> (i32)  : i32 {
        %mul3A_114 = arith.constant 52 : i32
        %mul3A_115 = arith.muli %scan3A_112, %mul3A_114 : i32
        %add3A = arith.addi %mul3A_1, %mul3A_115 : i32
        "tpu.region"() ({
          %run_scoped3A_117 = tpu.sem_alloc : memref<!tpu.dma_semaphore, #tpu.memory_space<semaphore_mem>>
          %dma_start3A_118 = arith.constant 0 : i32
          %dma_start3A_119 = arith.constant 0 : i32
          %dma_start3A_120 = tpu.memref_slice %arg10[%scan3A_20, %dma_start3A_118, %dma_start3A_119] : memref<5x64x128xf32, #tpu.memory_space<vmem>> -> memref<1x64x128xf32, #tpu.memory_space<vmem>>
          %dma_start3A_121 = tpu.memref_squeeze %dma_start3A_120 : memref<1x64x128xf32, #tpu.memory_space<vmem>> -> memref<64x128xf32, #tpu.memory_space<vmem>>
          %dma_start3A_122 = arith.constant 0 : i32
          %dma_start3A_123 = arith.constant 0 : i32
          %dma_start3A_124 = tpu.memref_slice %dma_start3A_121[%dma_start3A_122, %dma_start3A_123] : memref<64x128xf32, #tpu.memory_space<vmem>> -> memref<52x128xf32, #tpu.memory_space<vmem>>
          %dma_start3A_125 = arith.constant 0 : i32
          %dma_start3A_126 = tpu.memref_slice %arg11[%add3A, %dma_start3A_125] : memref<10008x128xf32, #tpu.memory_space<vmem_shared>> -> memref<52x128xf32, #tpu.memory_space<vmem_shared>>
          %dma_start3A_127 = arith.constant 0 : i32
          %dma_start3A_128 = tpu.memref_slice %arg11[%add3A, %dma_start3A_127] : memref<10008x128xf32, #tpu.memory_space<vmem_shared>> -> memref<52x128xf32, #tpu.memory_space<vmem_shared>>
          %dma_start3A_129 = arith.constant 0 : i32
          %dma_start3A_130 = arith.constant 0 : i32
          %dma_start3A_131 = tpu.memref_slice %arg10[%scan3A_20, %dma_start3A_129, %dma_start3A_130] : memref<5x64x128xf32, #tpu.memory_space<vmem>> -> memref<1x64x128xf32, #tpu.memory_space<vmem>>
          %dma_start3A_132 = tpu.memref_squeeze %dma_start3A_131 : memref<1x64x128xf32, #tpu.memory_space<vmem>> -> memref<64x128xf32, #tpu.memory_space<vmem>>
          %dma_start3A_133 = arith.constant 0 : i32
          %dma_start3A_134 = arith.constant 0 : i32
          %dma_start3A_135 = tpu.memref_slice %dma_start3A_132[%dma_start3A_133, %dma_start3A_134] : memref<64x128xf32, #tpu.memory_space<vmem>> -> memref<52x128xf32, #tpu.memory_space<vmem>>
          tpu.enqueue_dma source(%dma_start3A_135 : memref<52x128xf32, #tpu.memory_space<vmem>>) target(%dma_start3A_128 : memref<52x128xf32, #tpu.memory_space<vmem_shared>>) target_semaphore(%run_scoped3A_117 : memref<!tpu.dma_semaphore, #tpu.memory_space<semaphore_mem>>)
          %dma_wait3A_136 = arith.constant 0 : i32
          %dma_wait3A_137 = arith.constant 0 : i32
          %dma_wait3A_138 = tpu.memref_slice %arg10[%scan3A_20, %dma_wait3A_136, %dma_wait3A_137] : memref<5x64x128xf32, #tpu.memory_space<vmem>> -> memref<1x64x128xf32, #tpu.memory_space<vmem>>
          %dma_wait3A_139 = tpu.memref_squeeze %dma_wait3A_138 : memref<1x64x128xf32, #tpu.memory_space<vmem>> -> memref<64x128xf32, #tpu.memory_space<vmem>>
          %dma_wait3A_140 = arith.constant 0 : i32
          %dma_wait3A_141 = arith.constant 0 : i32
          %dma_wait3A_142 = tpu.memref_slice %dma_wait3A_139[%dma_wait3A_140, %dma_wait3A_141] : memref<64x128xf32, #tpu.memory_space<vmem>> -> memref<52x128xf32, #tpu.memory_space<vmem>>
          %dma_wait3A_143 = arith.constant 0 : i32
          %dma_wait3A_144 = tpu.memref_slice %arg11[%add3A, %dma_wait3A_143] : memref<10008x128xf32, #tpu.memory_space<vmem_shared>> -> memref<52x128xf32, #tpu.memory_space<vmem_shared>>
          %dma_wait3A_145 = arith.constant 0 : i32
          %dma_wait3A_146 = tpu.memref_slice %arg11[%add3A, %dma_wait3A_145] : memref<10008x128xf32, #tpu.memory_space<vmem_shared>> -> memref<52x128xf32, #tpu.memory_space<vmem_shared>>
          %dma_wait3A_147 = arith.constant 0 : i32
          %dma_wait3A_148 = arith.constant 0 : i32
          %dma_wait3A_149 = tpu.memref_slice %arg10[%scan3A_20, %dma_wait3A_147, %dma_wait3A_148] : memref<5x64x128xf32, #tpu.memory_space<vmem>> -> memref<1x64x128xf32, #tpu.memory_space<vmem>>
          %dma_wait3A_150 = tpu.memref_squeeze %dma_wait3A_149 : memref<1x64x128xf32, #tpu.memory_space<vmem>> -> memref<64x128xf32, #tpu.memory_space<vmem>>
          %dma_wait3A_151 = arith.constant 0 : i32
          %dma_wait3A_152 = arith.constant 0 : i32
          %dma_wait3A_153 = tpu.memref_slice %dma_wait3A_150[%dma_wait3A_151, %dma_wait3A_152] : memref<64x128xf32, #tpu.memory_space<vmem>> -> memref<52x128xf32, #tpu.memory_space<vmem>>
          tpu.wait_dma2 semaphore(%run_scoped3A_117 : memref<!tpu.dma_semaphore, #tpu.memory_space<semaphore_mem>>) src(%dma_wait3A_153 : memref<52x128xf32, #tpu.memory_space<vmem>>) dst(%dma_wait3A_146 : memref<52x128xf32, #tpu.memory_space<vmem_shared>>)
          tpu.yield
        }) : () -> ()
        %scan3A_116 = arith.constant 0 : i32
        scf.yield %scan3A_116 : i32
      }
      %scan3A_27 = arith.constant 12 : i32
      %convert_element_type3A_28 = arith.extui %eq3A_0 : i1 to i32
      %cond3A_29 = arith.constant 0 : i32
      %cond3A_30 = arith.constant 0 : i32
      %cond3A_31 = arith.cmpi ne, %convert_element_type3A_28, %cond3A_30 : i32
      scf.if %cond3A_31 {
        "tpu.region"() ({
          %run_scoped3A_112 = tpu.sem_alloc : memref<!tpu.dma_semaphore, #tpu.memory_space<semaphore_mem>>
          %dma_start3A_113 = arith.constant 0 : i32
          %dma_start3A_114 = arith.constant 0 : i32
          %dma_start3A_115 = tpu.memref_slice %arg10[%cond3A_29, %dma_start3A_113, %dma_start3A_114] : memref<5x64x128xf32, #tpu.memory_space<vmem>> -> memref<1x64x128xf32, #tpu.memory_space<vmem>>
          %dma_start3A_116 = tpu.memref_squeeze %dma_start3A_115 : memref<1x64x128xf32, #tpu.memory_space<vmem>> -> memref<64x128xf32, #tpu.memory_space<vmem>>
          %dma_start3A_117 = arith.constant 0 : i32
          %dma_start3A_118 = arith.constant 0 : i32
          %dma_start3A_119 = tpu.memref_slice %dma_start3A_116[%dma_start3A_117, %dma_start3A_118] : memref<64x128xf32, #tpu.memory_space<vmem>> -> memref<16x128xf32, #tpu.memory_space<vmem>>
          %dma_start3A_120 = arith.constant 9984 : i32
          %dma_start3A_121 = arith.constant 0 : i32
          %dma_start3A_122 = tpu.memref_slice %arg11[%dma_start3A_120, %dma_start3A_121] : memref<10008x128xf32, #tpu.memory_space<vmem_shared>> -> memref<16x128xf32, #tpu.memory_space<vmem_shared>>
          %dma_start3A_123 = arith.constant 9984 : i32
          %dma_start3A_124 = arith.constant 0 : i32
          %dma_start3A_125 = tpu.memref_slice %arg11[%dma_start3A_123, %dma_start3A_124] : memref<10008x128xf32, #tpu.memory_space<vmem_shared>> -> memref<16x128xf32, #tpu.memory_space<vmem_shared>>
          %dma_start3A_126 = arith.constant 0 : i32
          %dma_start3A_127 = arith.constant 0 : i32
          %dma_start3A_128 = tpu.memref_slice %arg10[%cond3A_29, %dma_start3A_126, %dma_start3A_127] : memref<5x64x128xf32, #tpu.memory_space<vmem>> -> memref<1x64x128xf32, #tpu.memory_space<vmem>>
          %dma_start3A_129 = tpu.memref_squeeze %dma_start3A_128 : memref<1x64x128xf32, #tpu.memory_space<vmem>> -> memref<64x128xf32, #tpu.memory_space<vmem>>
          %dma_start3A_130 = arith.constant 0 : i32
          %dma_start3A_131 = arith.constant 0 : i32
          %dma_start3A_132 = tpu.memref_slice %dma_start3A_129[%dma_start3A_130, %dma_start3A_131] : memref<64x128xf32, #tpu.memory_space<vmem>> -> memref<16x128xf32, #tpu.memory_space<vmem>>
          tpu.enqueue_dma source(%dma_start3A_132 : memref<16x128xf32, #tpu.memory_space<vmem>>) target(%dma_start3A_125 : memref<16x128xf32, #tpu.memory_space<vmem_shared>>) target_semaphore(%run_scoped3A_112 : memref<!tpu.dma_semaphore, #tpu.memory_space<semaphore_mem>>)
          %dma_wait3A_133 = arith.constant 0 : i32
          %dma_wait3A_134 = arith.constant 0 : i32
          %dma_wait3A_135 = tpu.memref_slice %arg10[%cond3A_29, %dma_wait3A_133, %dma_wait3A_134] : memref<5x64x128xf32, #tpu.memory_space<vmem>> -> memref<1x64x128xf32, #tpu.memory_space<vmem>>
          %dma_wait3A_136 = tpu.memref_squeeze %dma_wait3A_135 : memref<1x64x128xf32, #tpu.memory_space<vmem>> -> memref<64x128xf32, #tpu.memory_space<vmem>>
          %dma_wait3A_137 = arith.constant 0 : i32
          %dma_wait3A_138 = arith.constant 0 : i32
          %dma_wait3A_139 = tpu.memref_slice %dma_wait3A_136[%dma_wait3A_137, %dma_wait3A_138] : memref<64x128xf32, #tpu.memory_space<vmem>> -> memref<16x128xf32, #tpu.memory_space<vmem>>
          %dma_wait3A_140 = arith.constant 9984 : i32
          %dma_wait3A_141 = arith.constant 0 : i32
          %dma_wait3A_142 = tpu.memref_slice %arg11[%dma_wait3A_140, %dma_wait3A_141] : memref<10008x128xf32, #tpu.memory_space<vmem_shared>> -> memref<16x128xf32, #tpu.memory_space<vmem_shared>>
          %dma_wait3A_143 = arith.constant 9984 : i32
          %dma_wait3A_144 = arith.constant 0 : i32
          %dma_wait3A_145 = tpu.memref_slice %arg11[%dma_wait3A_143, %dma_wait3A_144] : memref<10008x128xf32, #tpu.memory_space<vmem_shared>> -> memref<16x128xf32, #tpu.memory_space<vmem_shared>>
          %dma_wait3A_146 = arith.constant 0 : i32
          %dma_wait3A_147 = arith.constant 0 : i32
          %dma_wait3A_148 = tpu.memref_slice %arg10[%cond3A_29, %dma_wait3A_146, %dma_wait3A_147] : memref<5x64x128xf32, #tpu.memory_space<vmem>> -> memref<1x64x128xf32, #tpu.memory_space<vmem>>
          %dma_wait3A_149 = tpu.memref_squeeze %dma_wait3A_148 : memref<1x64x128xf32, #tpu.memory_space<vmem>> -> memref<64x128xf32, #tpu.memory_space<vmem>>
          %dma_wait3A_150 = arith.constant 0 : i32
          %dma_wait3A_151 = arith.constant 0 : i32
          %dma_wait3A_152 = tpu.memref_slice %dma_wait3A_149[%dma_wait3A_150, %dma_wait3A_151] : memref<64x128xf32, #tpu.memory_space<vmem>> -> memref<16x128xf32, #tpu.memory_space<vmem>>
          tpu.wait_dma2 semaphore(%run_scoped3A_112 : memref<!tpu.dma_semaphore, #tpu.memory_space<semaphore_mem>>) src(%dma_wait3A_152 : memref<16x128xf32, #tpu.memory_space<vmem>>) dst(%dma_wait3A_145 : memref<16x128xf32, #tpu.memory_space<vmem_shared>>)
          tpu.yield
        }) : () -> ()
      } else {
      }
      %barrier3A = arith.constant 0 : index
      tpu.barrier barrier_id(%barrier3A)
      %run_scoped3A = arith.constant 0 : i32
      "tpu.region"() ({
        %run_scoped3A_112 = tpu.sem_alloc : memref<!tpu.dma_semaphore, #tpu.memory_space<semaphore_mem>>
        %dma_start3A_113 = arith.constant 0 : i32
        %dma_start3A_114 = arith.constant 0 : i32
        %dma_start3A_115 = tpu.memref_slice %arg8[%run_scoped3A, %dma_start3A_113, %dma_start3A_114] : memref<2x32x64xi32, #tpu.memory_space<vmem>> -> memref<1x32x64xi32, #tpu.memory_space<vmem>>
        %dma_start3A_116 = tpu.memref_squeeze %dma_start3A_115 : memref<1x32x64xi32, #tpu.memory_space<vmem>> -> memref<32x64xi32, #tpu.memory_space<vmem>>
        %dma_start3A_117 = arith.constant 0 : i32
        %dma_start3A_118 = tpu.memref_slice %arg4[%mul3A_3, %dma_start3A_117] : memref<5120x64xi32, #tpu.memory_space<hbm>> -> memref<32x64xi32, #tpu.memory_space<hbm>>
        %dma_start3A_119 = arith.constant 0 : i32
        %dma_start3A_120 = arith.constant 0 : i32
        %dma_start3A_121 = tpu.memref_slice %arg8[%run_scoped3A, %dma_start3A_119, %dma_start3A_120] : memref<2x32x64xi32, #tpu.memory_space<vmem>> -> memref<1x32x64xi32, #tpu.memory_space<vmem>>
        %dma_start3A_122 = tpu.memref_squeeze %dma_start3A_121 : memref<1x32x64xi32, #tpu.memory_space<vmem>> -> memref<32x64xi32, #tpu.memory_space<vmem>>
        %dma_start3A_123 = arith.constant 0 : i32
        %dma_start3A_124 = tpu.memref_slice %arg4[%mul3A_3, %dma_start3A_123] : memref<5120x64xi32, #tpu.memory_space<hbm>> -> memref<32x64xi32, #tpu.memory_space<hbm>>
        tpu.enqueue_dma source(%dma_start3A_124 : memref<32x64xi32, #tpu.memory_space<hbm>>) target(%dma_start3A_122 : memref<32x64xi32, #tpu.memory_space<vmem>>) target_semaphore(%run_scoped3A_112 : memref<!tpu.dma_semaphore, #tpu.memory_space<semaphore_mem>>)
        %dma_wait3A_125 = arith.constant 0 : i32
        %dma_wait3A_126 = arith.constant 0 : i32
        %dma_wait3A_127 = tpu.memref_slice %arg8[%run_scoped3A, %dma_wait3A_125, %dma_wait3A_126] : memref<2x32x64xi32, #tpu.memory_space<vmem>> -> memref<1x32x64xi32, #tpu.memory_space<vmem>>
        %dma_wait3A_128 = tpu.memref_squeeze %dma_wait3A_127 : memref<1x32x64xi32, #tpu.memory_space<vmem>> -> memref<32x64xi32, #tpu.memory_space<vmem>>
        %dma_wait3A_129 = arith.constant 0 : i32
        %dma_wait3A_130 = tpu.memref_slice %arg4[%mul3A_3, %dma_wait3A_129] : memref<5120x64xi32, #tpu.memory_space<hbm>> -> memref<32x64xi32, #tpu.memory_space<hbm>>
        %dma_wait3A_131 = arith.constant 0 : i32
        %dma_wait3A_132 = arith.constant 0 : i32
        %dma_wait3A_133 = tpu.memref_slice %arg8[%run_scoped3A, %dma_wait3A_131, %dma_wait3A_132] : memref<2x32x64xi32, #tpu.memory_space<vmem>> -> memref<1x32x64xi32, #tpu.memory_space<vmem>>
        %dma_wait3A_134 = tpu.memref_squeeze %dma_wait3A_133 : memref<1x32x64xi32, #tpu.memory_space<vmem>> -> memref<32x64xi32, #tpu.memory_space<vmem>>
        %dma_wait3A_135 = arith.constant 0 : i32
        %dma_wait3A_136 = tpu.memref_slice %arg4[%mul3A_3, %dma_wait3A_135] : memref<5120x64xi32, #tpu.memory_space<hbm>> -> memref<32x64xi32, #tpu.memory_space<hbm>>
        tpu.wait_dma2 semaphore(%run_scoped3A_112 : memref<!tpu.dma_semaphore, #tpu.memory_space<semaphore_mem>>) src(%dma_wait3A_136 : memref<32x64xi32, #tpu.memory_space<hbm>>) dst(%dma_wait3A_134 : memref<32x64xi32, #tpu.memory_space<vmem>>)
        tpu.yield
      }) : () -> ()
      %run_scoped3A_32 = arith.constant 0 : i32
      "tpu.region"() ({
        %run_scoped3A_112 = tpu.sem_alloc : memref<!tpu.dma_semaphore, #tpu.memory_space<semaphore_mem>>
        %dma_start3A_113 = arith.constant 0 : i32
        %dma_start3A_114 = arith.constant 0 : i32
        %dma_start3A_115 = tpu.memref_slice %arg9[%run_scoped3A_32, %dma_start3A_113, %dma_start3A_114] : memref<2x32x64xi32, #tpu.memory_space<vmem>> -> memref<1x32x64xi32, #tpu.memory_space<vmem>>
        %dma_start3A_116 = tpu.memref_squeeze %dma_start3A_115 : memref<1x32x64xi32, #tpu.memory_space<vmem>> -> memref<32x64xi32, #tpu.memory_space<vmem>>
        %dma_start3A_117 = arith.constant 0 : i32
        %dma_start3A_118 = tpu.memref_slice %arg5[%mul3A_3, %dma_start3A_117] : memref<5120x64xi32, #tpu.memory_space<hbm>> -> memref<32x64xi32, #tpu.memory_space<hbm>>
        %dma_start3A_119 = arith.constant 0 : i32
        %dma_start3A_120 = arith.constant 0 : i32
        %dma_start3A_121 = tpu.memref_slice %arg9[%run_scoped3A_32, %dma_start3A_119, %dma_start3A_120] : memref<2x32x64xi32, #tpu.memory_space<vmem>> -> memref<1x32x64xi32, #tpu.memory_space<vmem>>
        %dma_start3A_122 = tpu.memref_squeeze %dma_start3A_121 : memref<1x32x64xi32, #tpu.memory_space<vmem>> -> memref<32x64xi32, #tpu.memory_space<vmem>>
        %dma_start3A_123 = arith.constant 0 : i32
        %dma_start3A_124 = tpu.memref_slice %arg5[%mul3A_3, %dma_start3A_123] : memref<5120x64xi32, #tpu.memory_space<hbm>> -> memref<32x64xi32, #tpu.memory_space<hbm>>
        tpu.enqueue_dma source(%dma_start3A_124 : memref<32x64xi32, #tpu.memory_space<hbm>>) target(%dma_start3A_122 : memref<32x64xi32, #tpu.memory_space<vmem>>) target_semaphore(%run_scoped3A_112 : memref<!tpu.dma_semaphore, #tpu.memory_space<semaphore_mem>>)
        %dma_wait3A_125 = arith.constant 0 : i32
        %dma_wait3A_126 = arith.constant 0 : i32
        %dma_wait3A_127 = tpu.memref_slice %arg9[%run_scoped3A_32, %dma_wait3A_125, %dma_wait3A_126] : memref<2x32x64xi32, #tpu.memory_space<vmem>> -> memref<1x32x64xi32, #tpu.memory_space<vmem>>
        %dma_wait3A_128 = tpu.memref_squeeze %dma_wait3A_127 : memref<1x32x64xi32, #tpu.memory_space<vmem>> -> memref<32x64xi32, #tpu.memory_space<vmem>>
        %dma_wait3A_129 = arith.constant 0 : i32
        %dma_wait3A_130 = tpu.memref_slice %arg5[%mul3A_3, %dma_wait3A_129] : memref<5120x64xi32, #tpu.memory_space<hbm>> -> memref<32x64xi32, #tpu.memory_space<hbm>>
        %dma_wait3A_131 = arith.constant 0 : i32
        %dma_wait3A_132 = arith.constant 0 : i32
        %dma_wait3A_133 = tpu.memref_slice %arg9[%run_scoped3A_32, %dma_wait3A_131, %dma_wait3A_132] : memref<2x32x64xi32, #tpu.memory_space<vmem>> -> memref<1x32x64xi32, #tpu.memory_space<vmem>>
        %dma_wait3A_134 = tpu.memref_squeeze %dma_wait3A_133 : memref<1x32x64xi32, #tpu.memory_space<vmem>> -> memref<32x64xi32, #tpu.memory_space<vmem>>
        %dma_wait3A_135 = arith.constant 0 : i32
        %dma_wait3A_136 = tpu.memref_slice %arg5[%mul3A_3, %dma_wait3A_135] : memref<5120x64xi32, #tpu.memory_space<hbm>> -> memref<32x64xi32, #tpu.memory_space<hbm>>
        tpu.wait_dma2 semaphore(%run_scoped3A_112 : memref<!tpu.dma_semaphore, #tpu.memory_space<semaphore_mem>>) src(%dma_wait3A_136 : memref<32x64xi32, #tpu.memory_space<hbm>>) dst(%dma_wait3A_134 : memref<32x64xi32, #tpu.memory_space<vmem>>)
        tpu.yield
      }) : () -> ()
      %dma_start3A = arith.constant 0 : i32
      %dma_start3A_33 = arith.constant 0 : i32
      %dma_start3A_34 = arith.constant 0 : i32
      %dma_start3A_35 = arith.constant 0 : i32
      %dma_start3A_36 = arith.constant 0 : i32
      %dma_start3A_37 = tpu.memref_slice %arg10[%dma_start3A_34, %dma_start3A_35, %dma_start3A_36] : memref<5x64x128xf32, #tpu.memory_space<vmem>> -> memref<1x64x128xf32, #tpu.memory_space<vmem>>
      %dma_start3A_38 = tpu.memref_squeeze %dma_start3A_37 : memref<1x64x128xf32, #tpu.memory_space<vmem>> -> memref<64x128xf32, #tpu.memory_space<vmem>>
      %dma_start3A_39 = arith.constant 0 : i32
      %dma_start3A_40 = tpu.memref_slice %arg8[%dma_start3A, %dma_start3A_33, %dma_start3A_39] : memref<2x32x64xi32, #tpu.memory_space<vmem>> -> memref<1x1x64xi32, #tpu.memory_space<vmem>>
      %dma_start3A_41 = tpu.memref_squeeze %dma_start3A_40 : memref<1x1x64xi32, #tpu.memory_space<vmem>> -> memref<64xi32, #tpu.memory_space<vmem>>
      %dma_start3A_42 = arith.constant 0 : i32
      %dma_start3A_43 = arith.constant 0 : i32
      %dma_start3A_44 = tpu.memref_slice %arg3[%dma_start3A_42, %dma_start3A_43] : memref<10000x128xf32, #tpu.memory_space<hbm>> -> memref<10000x128xf32, #tpu.memory_space<hbm>>
      tpu.enqueue_indirect_dma source(%dma_start3A_44 : memref<10000x128xf32, #tpu.memory_space<hbm>>) target(%dma_start3A_38 : memref<64x128xf32, #tpu.memory_space<vmem>>) offsets(%dma_start3A_41 : memref<64xi32, #tpu.memory_space<vmem>>) semaphore(%arg12 : memref<!tpu.dma_semaphore, #tpu.memory_space<semaphore_mem>>)
      %dma_start3A_45 = arith.constant 0 : i32
      %dma_start3A_46 = arith.constant 1 : i32
      %dma_start3A_47 = arith.constant 1 : i32
      %dma_start3A_48 = arith.constant 0 : i32
      %dma_start3A_49 = arith.constant 0 : i32
      %dma_start3A_50 = tpu.memref_slice %arg10[%dma_start3A_47, %dma_start3A_48, %dma_start3A_49] : memref<5x64x128xf32, #tpu.memory_space<vmem>> -> memref<1x64x128xf32, #tpu.memory_space<vmem>>
      %dma_start3A_51 = tpu.memref_squeeze %dma_start3A_50 : memref<1x64x128xf32, #tpu.memory_space<vmem>> -> memref<64x128xf32, #tpu.memory_space<vmem>>
      %dma_start3A_52 = arith.constant 0 : i32
      %dma_start3A_53 = tpu.memref_slice %arg8[%dma_start3A_45, %dma_start3A_46, %dma_start3A_52] : memref<2x32x64xi32, #tpu.memory_space<vmem>> -> memref<1x1x64xi32, #tpu.memory_space<vmem>>
      %dma_start3A_54 = tpu.memref_squeeze %dma_start3A_53 : memref<1x1x64xi32, #tpu.memory_space<vmem>> -> memref<64xi32, #tpu.memory_space<vmem>>
      %dma_start3A_55 = arith.constant 0 : i32
      %dma_start3A_56 = arith.constant 0 : i32
      %dma_start3A_57 = tpu.memref_slice %arg3[%dma_start3A_55, %dma_start3A_56] : memref<10000x128xf32, #tpu.memory_space<hbm>> -> memref<10000x128xf32, #tpu.memory_space<hbm>>
      tpu.enqueue_indirect_dma source(%dma_start3A_57 : memref<10000x128xf32, #tpu.memory_space<hbm>>) target(%dma_start3A_51 : memref<64x128xf32, #tpu.memory_space<vmem>>) offsets(%dma_start3A_54 : memref<64xi32, #tpu.memory_space<vmem>>) semaphore(%arg12 : memref<!tpu.dma_semaphore, #tpu.memory_space<semaphore_mem>>)
      %dma_start3A_58 = arith.constant 0 : i32
      %dma_start3A_59 = arith.constant 2 : i32
      %dma_start3A_60 = arith.constant 2 : i32
      %dma_start3A_61 = arith.constant 0 : i32
      %dma_start3A_62 = arith.constant 0 : i32
      %dma_start3A_63 = tpu.memref_slice %arg10[%dma_start3A_60, %dma_start3A_61, %dma_start3A_62] : memref<5x64x128xf32, #tpu.memory_space<vmem>> -> memref<1x64x128xf32, #tpu.memory_space<vmem>>
      %dma_start3A_64 = tpu.memref_squeeze %dma_start3A_63 : memref<1x64x128xf32, #tpu.memory_space<vmem>> -> memref<64x128xf32, #tpu.memory_space<vmem>>
      %dma_start3A_65 = arith.constant 0 : i32
      %dma_start3A_66 = tpu.memref_slice %arg8[%dma_start3A_58, %dma_start3A_59, %dma_start3A_65] : memref<2x32x64xi32, #tpu.memory_space<vmem>> -> memref<1x1x64xi32, #tpu.memory_space<vmem>>
      %dma_start3A_67 = tpu.memref_squeeze %dma_start3A_66 : memref<1x1x64xi32, #tpu.memory_space<vmem>> -> memref<64xi32, #tpu.memory_space<vmem>>
      %dma_start3A_68 = arith.constant 0 : i32
      %dma_start3A_69 = arith.constant 0 : i32
      %dma_start3A_70 = tpu.memref_slice %arg3[%dma_start3A_68, %dma_start3A_69] : memref<10000x128xf32, #tpu.memory_space<hbm>> -> memref<10000x128xf32, #tpu.memory_space<hbm>>
      tpu.enqueue_indirect_dma source(%dma_start3A_70 : memref<10000x128xf32, #tpu.memory_space<hbm>>) target(%dma_start3A_64 : memref<64x128xf32, #tpu.memory_space<vmem>>) offsets(%dma_start3A_67 : memref<64xi32, #tpu.memory_space<vmem>>) semaphore(%arg12 : memref<!tpu.dma_semaphore, #tpu.memory_space<semaphore_mem>>)
      %scan3A_71 = arith.constant 0 : i32
      %scan3A_72 = arith.constant 0 : i32
      %scan3A_73 = arith.constant 10 : i32
      %scan3A_74 = arith.addi %scan3A_72, %scan3A_73 : i32
      %scan3A_75 = arith.constant 1 : i32
      %scan3A_76 = scf.for %scan3A_112 = %scan3A_72 to %scan3A_74 step %scan3A_75 iter_args(%scan3A_113 = %scan3A_71) -> (i32)  : i32 {
        %rem3A = arith.constant 2 : i32
        %rem3A_114 = arith.remsi %scan3A_112, %rem3A : i32
        %add3A = arith.constant 1 : i32
        %add3A_115 = arith.addi %scan3A_112, %add3A : i32
        %rem3A_116 = arith.constant 2 : i32
        %rem3A_117 = arith.remsi %add3A_115, %rem3A_116 : i32
        %add3A_118 = arith.constant 1 : i32
        %add3A_119 = arith.addi %scan3A_112, %add3A_118 : i32
        %lt3A = arith.constant 10 : i32
        %lt3A_120 = arith.cmpi slt, %add3A_119, %lt3A : i32
        %convert_element_type3A_121 = arith.extui %lt3A_120 : i1 to i32
        %cond3A_122 = arith.constant 0 : i32
        %cond3A_123 = arith.cmpi ne, %convert_element_type3A_121, %cond3A_122 : i32
        scf.if %cond3A_123 {
          %add3A_132 = arith.constant 1 : i32
          %add3A_133 = arith.addi %scan3A_112, %add3A_132 : i32
          %mul3A_134 = arith.constant 32 : i32
          %mul3A_135 = arith.muli %add3A_133, %mul3A_134 : i32
          %add3A_136 = arith.addi %mul3A_3, %mul3A_135 : i32
          %dma_start3A_137 = arith.constant 0 : i32
          %dma_start3A_138 = arith.constant 0 : i32
          %dma_start3A_139 = tpu.memref_slice %arg8[%rem3A_117, %dma_start3A_137, %dma_start3A_138] : memref<2x32x64xi32, #tpu.memory_space<vmem>> -> memref<1x32x64xi32, #tpu.memory_space<vmem>>
          %dma_start3A_140 = tpu.memref_squeeze %dma_start3A_139 : memref<1x32x64xi32, #tpu.memory_space<vmem>> -> memref<32x64xi32, #tpu.memory_space<vmem>>
          %dma_start3A_141 = arith.constant 0 : i32
          %dma_start3A_142 = tpu.memref_slice %arg4[%add3A_136, %dma_start3A_141] : memref<5120x64xi32, #tpu.memory_space<hbm>> -> memref<32x64xi32, #tpu.memory_space<hbm>>
          %dma_start3A_143 = arith.constant 0 : i32
          %dma_start3A_144 = arith.constant 0 : i32
          %dma_start3A_145 = tpu.memref_slice %arg8[%rem3A_117, %dma_start3A_143, %dma_start3A_144] : memref<2x32x64xi32, #tpu.memory_space<vmem>> -> memref<1x32x64xi32, #tpu.memory_space<vmem>>
          %dma_start3A_146 = tpu.memref_squeeze %dma_start3A_145 : memref<1x32x64xi32, #tpu.memory_space<vmem>> -> memref<32x64xi32, #tpu.memory_space<vmem>>
          %dma_start3A_147 = arith.constant 0 : i32
          %dma_start3A_148 = tpu.memref_slice %arg4[%add3A_136, %dma_start3A_147] : memref<5120x64xi32, #tpu.memory_space<hbm>> -> memref<32x64xi32, #tpu.memory_space<hbm>>
          tpu.enqueue_dma source(%dma_start3A_148 : memref<32x64xi32, #tpu.memory_space<hbm>>) target(%dma_start3A_146 : memref<32x64xi32, #tpu.memory_space<vmem>>) target_semaphore(%arg14 : memref<!tpu.dma_semaphore, #tpu.memory_space<semaphore_mem>>)
          %dma_start3A_149 = arith.constant 0 : i32
          %dma_start3A_150 = arith.constant 0 : i32
          %dma_start3A_151 = tpu.memref_slice %arg9[%rem3A_117, %dma_start3A_149, %dma_start3A_150] : memref<2x32x64xi32, #tpu.memory_space<vmem>> -> memref<1x32x64xi32, #tpu.memory_space<vmem>>
          %dma_start3A_152 = tpu.memref_squeeze %dma_start3A_151 : memref<1x32x64xi32, #tpu.memory_space<vmem>> -> memref<32x64xi32, #tpu.memory_space<vmem>>
          %dma_start3A_153 = arith.constant 0 : i32
          %dma_start3A_154 = tpu.memref_slice %arg5[%add3A_136, %dma_start3A_153] : memref<5120x64xi32, #tpu.memory_space<hbm>> -> memref<32x64xi32, #tpu.memory_space<hbm>>
          %dma_start3A_155 = arith.constant 0 : i32
          %dma_start3A_156 = arith.constant 0 : i32
          %dma_start3A_157 = tpu.memref_slice %arg9[%rem3A_117, %dma_start3A_155, %dma_start3A_156] : memref<2x32x64xi32, #tpu.memory_space<vmem>> -> memref<1x32x64xi32, #tpu.memory_space<vmem>>
          %dma_start3A_158 = tpu.memref_squeeze %dma_start3A_157 : memref<1x32x64xi32, #tpu.memory_space<vmem>> -> memref<32x64xi32, #tpu.memory_space<vmem>>
          %dma_start3A_159 = arith.constant 0 : i32
          %dma_start3A_160 = tpu.memref_slice %arg5[%add3A_136, %dma_start3A_159] : memref<5120x64xi32, #tpu.memory_space<hbm>> -> memref<32x64xi32, #tpu.memory_space<hbm>>
          tpu.enqueue_dma source(%dma_start3A_160 : memref<32x64xi32, #tpu.memory_space<hbm>>) target(%dma_start3A_158 : memref<32x64xi32, #tpu.memory_space<vmem>>) target_semaphore(%arg14 : memref<!tpu.dma_semaphore, #tpu.memory_space<semaphore_mem>>)
        } else {
        }
        %scan3A_124 = arith.constant 0 : i32
        %scan3A_125 = arith.constant 0 : i32
        %scan3A_126 = arith.constant 32 : i32
        %scan3A_127 = arith.addi %scan3A_125, %scan3A_126 : i32
        %scan3A_128 = arith.constant 1 : i32
        %scan3A_129 = scf.for %scan3A_132 = %scan3A_125 to %scan3A_127 step %scan3A_128 iter_args(%scan3A_133 = %scan3A_124) -> (i32)  : i32 {
          %mul3A_134 = arith.constant 32 : i32
          %mul3A_135 = arith.muli %scan3A_112, %mul3A_134 : i32
          %add3A_136 = arith.addi %mul3A_135, %scan3A_132 : i32
          %rem3A_137 = arith.constant 5 : i32
          %rem3A_138 = arith.remsi %add3A_136, %rem3A_137 : i32
          %dma_wait3A_139 = arith.constant 0 : i32
          %dma_wait3A_140 = arith.constant 0 : i32
          %dma_wait3A_141 = arith.constant 0 : i32
          %dma_wait3A_142 = tpu.memref_slice %arg10[%dma_wait3A_139, %dma_wait3A_140, %dma_wait3A_141] : memref<5x64x128xf32, #tpu.memory_space<vmem>> -> memref<1x64x128xf32, #tpu.memory_space<vmem>>
          %dma_wait3A_143 = tpu.memref_squeeze %dma_wait3A_142 : memref<1x64x128xf32, #tpu.memory_space<vmem>> -> memref<64x128xf32, #tpu.memory_space<vmem>>
          %dma_wait3A_144 = arith.constant 0 : i32
          %dma_wait3A_145 = arith.constant 0 : i32
          %dma_wait3A_146 = tpu.memref_slice %arg3[%dma_wait3A_144, %dma_wait3A_145] : memref<10000x128xf32, #tpu.memory_space<hbm>> -> memref<64x128xf32, #tpu.memory_space<hbm>>
          %dma_wait3A_147 = arith.constant 0 : i32
          %dma_wait3A_148 = arith.constant 0 : i32
          %dma_wait3A_149 = tpu.memref_slice %arg10[%dma_wait3A_139, %dma_wait3A_147, %dma_wait3A_148] : memref<5x64x128xf32, #tpu.memory_space<vmem>> -> memref<1x64x128xf32, #tpu.memory_space<vmem>>
          %dma_wait3A_150 = tpu.memref_squeeze %dma_wait3A_149 : memref<1x64x128xf32, #tpu.memory_space<vmem>> -> memref<64x128xf32, #tpu.memory_space<vmem>>
          %dma_wait3A_151 = arith.constant 0 : i32
          %dma_wait3A_152 = arith.constant 0 : i32
          %dma_wait3A_153 = tpu.memref_slice %arg3[%dma_wait3A_151, %dma_wait3A_152] : memref<10000x128xf32, #tpu.memory_space<hbm>> -> memref<64x128xf32, #tpu.memory_space<hbm>>
          tpu.wait_dma2 semaphore(%arg12 : memref<!tpu.dma_semaphore, #tpu.memory_space<semaphore_mem>>) src(%dma_wait3A_153 : memref<64x128xf32, #tpu.memory_space<hbm>>) dst(%dma_wait3A_150 : memref<64x128xf32, #tpu.memory_space<vmem>>)
          %dma_start3A_154 = arith.constant 0 : i32
          %dma_start3A_155 = arith.constant 0 : i32
          %dma_start3A_156 = tpu.memref_slice %arg10[%rem3A_138, %dma_start3A_154, %dma_start3A_155] : memref<5x64x128xf32, #tpu.memory_space<vmem>> -> memref<1x64x128xf32, #tpu.memory_space<vmem>>
          %dma_start3A_157 = tpu.memref_squeeze %dma_start3A_156 : memref<1x64x128xf32, #tpu.memory_space<vmem>> -> memref<64x128xf32, #tpu.memory_space<vmem>>
          %dma_start3A_158 = arith.constant 0 : i32
          %dma_start3A_159 = tpu.memref_slice %arg9[%rem3A_114, %scan3A_132, %dma_start3A_158] : memref<2x32x64xi32, #tpu.memory_space<vmem>> -> memref<1x1x64xi32, #tpu.memory_space<vmem>>
          %dma_start3A_160 = tpu.memref_squeeze %dma_start3A_159 : memref<1x1x64xi32, #tpu.memory_space<vmem>> -> memref<64xi32, #tpu.memory_space<vmem>>
          %dma_start3A_161 = arith.constant 0 : i32
          %dma_start3A_162 = arith.constant 0 : i32
          %dma_start3A_163 = tpu.memref_slice %arg11[%dma_start3A_161, %dma_start3A_162] : memref<10008x128xf32, #tpu.memory_space<vmem_shared>> -> memref<10008x128xf32, #tpu.memory_space<vmem_shared>>
          tpu.enqueue_indirect_dma source(%dma_start3A_157 : memref<64x128xf32, #tpu.memory_space<vmem>>) target(%dma_start3A_163 : memref<10008x128xf32, #tpu.memory_space<vmem_shared>>) offsets(%dma_start3A_160 : memref<64xi32, #tpu.memory_space<vmem>>) semaphore(%arg13 : memref<!tpu.dma_semaphore, #tpu.memory_space<semaphore_mem>>) {add = true}
          %ge3A = arith.constant 2 : i32
          %ge3A_164 = arith.cmpi sge, %add3A_136, %ge3A : i32
          %convert_element_type3A_165 = arith.extui %ge3A_164 : i1 to i32
          %cond3A_166 = arith.constant 0 : i32
          %cond3A_167 = arith.cmpi ne, %convert_element_type3A_165, %cond3A_166 : i32
          scf.if %cond3A_167 {
            %dma_wait3A_185 = arith.constant 0 : i32
            %dma_wait3A_186 = arith.constant 0 : i32
            %dma_wait3A_187 = arith.constant 0 : i32
            %dma_wait3A_188 = tpu.memref_slice %arg10[%dma_wait3A_185, %dma_wait3A_186, %dma_wait3A_187] : memref<5x64x128xf32, #tpu.memory_space<vmem>> -> memref<1x64x128xf32, #tpu.memory_space<vmem>>
            %dma_wait3A_189 = tpu.memref_squeeze %dma_wait3A_188 : memref<1x64x128xf32, #tpu.memory_space<vmem>> -> memref<64x128xf32, #tpu.memory_space<vmem>>
            %dma_wait3A_190 = arith.constant 0 : i32
            %dma_wait3A_191 = arith.constant 0 : i32
            %dma_wait3A_192 = tpu.memref_slice %arg3[%dma_wait3A_190, %dma_wait3A_191] : memref<10000x128xf32, #tpu.memory_space<hbm>> -> memref<64x128xf32, #tpu.memory_space<hbm>>
            %dma_wait3A_193 = arith.constant 0 : i32
            %dma_wait3A_194 = arith.constant 0 : i32
            %dma_wait3A_195 = tpu.memref_slice %arg10[%dma_wait3A_185, %dma_wait3A_193, %dma_wait3A_194] : memref<5x64x128xf32, #tpu.memory_space<vmem>> -> memref<1x64x128xf32, #tpu.memory_space<vmem>>
            %dma_wait3A_196 = tpu.memref_squeeze %dma_wait3A_195 : memref<1x64x128xf32, #tpu.memory_space<vmem>> -> memref<64x128xf32, #tpu.memory_space<vmem>>
            %dma_wait3A_197 = arith.constant 0 : i32
            %dma_wait3A_198 = arith.constant 0 : i32
            %dma_wait3A_199 = tpu.memref_slice %arg3[%dma_wait3A_197, %dma_wait3A_198] : memref<10000x128xf32, #tpu.memory_space<hbm>> -> memref<64x128xf32, #tpu.memory_space<hbm>>
            tpu.wait_dma2 semaphore(%arg13 : memref<!tpu.dma_semaphore, #tpu.memory_space<semaphore_mem>>) src(%dma_wait3A_199 : memref<64x128xf32, #tpu.memory_space<hbm>>) dst(%dma_wait3A_196 : memref<64x128xf32, #tpu.memory_space<vmem>>)
          } else {
          }
          %eq3A_168 = arith.constant 29 : i32
          %eq3A_169 = arith.cmpi eq, %scan3A_132, %eq3A_168 : i32
          %add3A_170 = arith.constant 1 : i32
          %add3A_171 = arith.addi %scan3A_112, %add3A_170 : i32
          %lt3A_172 = arith.constant 10 : i32
          %lt3A_173 = arith.cmpi slt, %add3A_171, %lt3A_172 : i32
          %and3A = arith.andi %eq3A_169, %lt3A_173 : i1
          %convert_element_type3A_174 = arith.extui %and3A : i1 to i32
          %cond3A_175 = arith.constant 0 : i32
          %cond3A_176 = arith.cmpi ne, %convert_element_type3A_174, %cond3A_175 : i32
          scf.if %cond3A_176 {
            %dma_wait3A_185 = arith.constant 0 : i32
            %dma_wait3A_186 = arith.constant 0 : i32
            %dma_wait3A_187 = arith.constant 0 : i32
            %dma_wait3A_188 = tpu.memref_slice %arg8[%dma_wait3A_185, %dma_wait3A_186, %dma_wait3A_187] : memref<2x32x64xi32, #tpu.memory_space<vmem>> -> memref<1x32x64xi32, #tpu.memory_space<vmem>>
            %dma_wait3A_189 = tpu.memref_squeeze %dma_wait3A_188 : memref<1x32x64xi32, #tpu.memory_space<vmem>> -> memref<32x64xi32, #tpu.memory_space<vmem>>
            %dma_wait3A_190 = arith.constant 0 : i32
            %dma_wait3A_191 = arith.constant 0 : i32
            %dma_wait3A_192 = tpu.memref_slice %arg4[%dma_wait3A_190, %dma_wait3A_191] : memref<5120x64xi32, #tpu.memory_space<hbm>> -> memref<32x64xi32, #tpu.memory_space<hbm>>
            %dma_wait3A_193 = arith.constant 0 : i32
            %dma_wait3A_194 = arith.constant 0 : i32
            %dma_wait3A_195 = tpu.memref_slice %arg8[%dma_wait3A_185, %dma_wait3A_193, %dma_wait3A_194] : memref<2x32x64xi32, #tpu.memory_space<vmem>> -> memref<1x32x64xi32, #tpu.memory_space<vmem>>
            %dma_wait3A_196 = tpu.memref_squeeze %dma_wait3A_195 : memref<1x32x64xi32, #tpu.memory_space<vmem>> -> memref<32x64xi32, #tpu.memory_space<vmem>>
            %dma_wait3A_197 = arith.constant 0 : i32
            %dma_wait3A_198 = arith.constant 0 : i32
            %dma_wait3A_199 = tpu.memref_slice %arg4[%dma_wait3A_197, %dma_wait3A_198] : memref<5120x64xi32, #tpu.memory_space<hbm>> -> memref<32x64xi32, #tpu.memory_space<hbm>>
            tpu.wait_dma2 semaphore(%arg14 : memref<!tpu.dma_semaphore, #tpu.memory_space<semaphore_mem>>) src(%dma_wait3A_199 : memref<32x64xi32, #tpu.memory_space<hbm>>) dst(%dma_wait3A_196 : memref<32x64xi32, #tpu.memory_space<vmem>>)
            %dma_wait3A_200 = arith.constant 0 : i32
            %dma_wait3A_201 = arith.constant 0 : i32
            %dma_wait3A_202 = arith.constant 0 : i32
            %dma_wait3A_203 = tpu.memref_slice %arg8[%dma_wait3A_200, %dma_wait3A_201, %dma_wait3A_202] : memref<2x32x64xi32, #tpu.memory_space<vmem>> -> memref<1x32x64xi32, #tpu.memory_space<vmem>>
            %dma_wait3A_204 = tpu.memref_squeeze %dma_wait3A_203 : memref<1x32x64xi32, #tpu.memory_space<vmem>> -> memref<32x64xi32, #tpu.memory_space<vmem>>
            %dma_wait3A_205 = arith.constant 0 : i32
            %dma_wait3A_206 = arith.constant 0 : i32
            %dma_wait3A_207 = tpu.memref_slice %arg4[%dma_wait3A_205, %dma_wait3A_206] : memref<5120x64xi32, #tpu.memory_space<hbm>> -> memref<32x64xi32, #tpu.memory_space<hbm>>
            %dma_wait3A_208 = arith.constant 0 : i32
            %dma_wait3A_209 = arith.constant 0 : i32
            %dma_wait3A_210 = tpu.memref_slice %arg8[%dma_wait3A_200, %dma_wait3A_208, %dma_wait3A_209] : memref<2x32x64xi32, #tpu.memory_space<vmem>> -> memref<1x32x64xi32, #tpu.memory_space<vmem>>
            %dma_wait3A_211 = tpu.memref_squeeze %dma_wait3A_210 : memref<1x32x64xi32, #tpu.memory_space<vmem>> -> memref<32x64xi32, #tpu.memory_space<vmem>>
            %dma_wait3A_212 = arith.constant 0 : i32
            %dma_wait3A_213 = arith.constant 0 : i32
            %dma_wait3A_214 = tpu.memref_slice %arg4[%dma_wait3A_212, %dma_wait3A_213] : memref<5120x64xi32, #tpu.memory_space<hbm>> -> memref<32x64xi32, #tpu.memory_space<hbm>>
            tpu.wait_dma2 semaphore(%arg14 : memref<!tpu.dma_semaphore, #tpu.memory_space<semaphore_mem>>) src(%dma_wait3A_214 : memref<32x64xi32, #tpu.memory_space<hbm>>) dst(%dma_wait3A_211 : memref<32x64xi32, #tpu.memory_space<vmem>>)
          } else {
          }
          %add3A_177 = arith.constant 3 : i32
          %add3A_178 = arith.addi %add3A_136, %add3A_177 : i32
          %lt3A_179 = arith.constant 320 : i32
          %lt3A_180 = arith.cmpi slt, %add3A_178, %lt3A_179 : i32
          %convert_element_type3A_181 = arith.extui %lt3A_180 : i1 to i32
          %cond3A_182 = arith.constant 0 : i32
          %cond3A_183 = arith.cmpi ne, %convert_element_type3A_181, %cond3A_182 : i32
          scf.if %cond3A_183 {
            %add3A_185 = arith.constant 3 : i32
            %add3A_186 = arith.addi %add3A_136, %add3A_185 : i32
            %rem3A_187 = arith.constant 5 : i32
            %rem3A_188 = arith.remsi %add3A_186, %rem3A_187 : i32
            %lt3A_189 = arith.constant 29 : i32
            %lt3A_190 = arith.cmpi slt, %scan3A_132, %lt3A_189 : i32
            %convert_element_type3A_191 = arith.extui %lt3A_190 : i1 to i32
            %cond3A_192 = arith.constant 0 : i32
            %cond3A_193 = arith.cmpi ne, %convert_element_type3A_191, %cond3A_192 : i32
            scf.if %cond3A_193 {
              %add3A_199 = arith.constant 3 : i32
              %add3A_200 = arith.addi %scan3A_132, %add3A_199 : i32
              %dma_start3A_201 = arith.constant 0 : i32
              %dma_start3A_202 = arith.constant 0 : i32
              %dma_start3A_203 = tpu.memref_slice %arg10[%rem3A_188, %dma_start3A_201, %dma_start3A_202] : memref<5x64x128xf32, #tpu.memory_space<vmem>> -> memref<1x64x128xf32, #tpu.memory_space<vmem>>
              %dma_start3A_204 = tpu.memref_squeeze %dma_start3A_203 : memref<1x64x128xf32, #tpu.memory_space<vmem>> -> memref<64x128xf32, #tpu.memory_space<vmem>>
              %dma_start3A_205 = arith.constant 0 : i32
              %dma_start3A_206 = tpu.memref_slice %arg8[%rem3A_114, %add3A_200, %dma_start3A_205] : memref<2x32x64xi32, #tpu.memory_space<vmem>> -> memref<1x1x64xi32, #tpu.memory_space<vmem>>
              %dma_start3A_207 = tpu.memref_squeeze %dma_start3A_206 : memref<1x1x64xi32, #tpu.memory_space<vmem>> -> memref<64xi32, #tpu.memory_space<vmem>>
              %dma_start3A_208 = arith.constant 0 : i32
              %dma_start3A_209 = arith.constant 0 : i32
              %dma_start3A_210 = tpu.memref_slice %arg3[%dma_start3A_208, %dma_start3A_209] : memref<10000x128xf32, #tpu.memory_space<hbm>> -> memref<10000x128xf32, #tpu.memory_space<hbm>>
              tpu.enqueue_indirect_dma source(%dma_start3A_210 : memref<10000x128xf32, #tpu.memory_space<hbm>>) target(%dma_start3A_204 : memref<64x128xf32, #tpu.memory_space<vmem>>) offsets(%dma_start3A_207 : memref<64xi32, #tpu.memory_space<vmem>>) semaphore(%arg12 : memref<!tpu.dma_semaphore, #tpu.memory_space<semaphore_mem>>)
            } else {
            }
            %ge3A_194 = arith.constant 29 : i32
            %ge3A_195 = arith.cmpi sge, %scan3A_132, %ge3A_194 : i32
            %convert_element_type3A_196 = arith.extui %ge3A_195 : i1 to i32
            %cond3A_197 = arith.constant 0 : i32
            %cond3A_198 = arith.cmpi ne, %convert_element_type3A_196, %cond3A_197 : i32
            scf.if %cond3A_198 {
              %add3A_199 = arith.constant 3 : i32
              %add3A_200 = arith.addi %scan3A_132, %add3A_199 : i32
              %sub3A = arith.constant 32 : i32
              %sub3A_201 = arith.subi %add3A_200, %sub3A : i32
              %dma_start3A_202 = arith.constant 0 : i32
              %dma_start3A_203 = arith.constant 0 : i32
              %dma_start3A_204 = tpu.memref_slice %arg10[%rem3A_188, %dma_start3A_202, %dma_start3A_203] : memref<5x64x128xf32, #tpu.memory_space<vmem>> -> memref<1x64x128xf32, #tpu.memory_space<vmem>>
              %dma_start3A_205 = tpu.memref_squeeze %dma_start3A_204 : memref<1x64x128xf32, #tpu.memory_space<vmem>> -> memref<64x128xf32, #tpu.memory_space<vmem>>
              %dma_start3A_206 = arith.constant 0 : i32
              %dma_start3A_207 = tpu.memref_slice %arg8[%rem3A_117, %sub3A_201, %dma_start3A_206] : memref<2x32x64xi32, #tpu.memory_space<vmem>> -> memref<1x1x64xi32, #tpu.memory_space<vmem>>
              %dma_start3A_208 = tpu.memref_squeeze %dma_start3A_207 : memref<1x1x64xi32, #tpu.memory_space<vmem>> -> memref<64xi32, #tpu.memory_space<vmem>>
              %dma_start3A_209 = arith.constant 0 : i32
              %dma_start3A_210 = arith.constant 0 : i32
              %dma_start3A_211 = tpu.memref_slice %arg3[%dma_start3A_209, %dma_start3A_210] : memref<10000x128xf32, #tpu.memory_space<hbm>> -> memref<10000x128xf32, #tpu.memory_space<hbm>>
              tpu.enqueue_indirect_dma source(%dma_start3A_211 : memref<10000x128xf32, #tpu.memory_space<hbm>>) target(%dma_start3A_205 : memref<64x128xf32, #tpu.memory_space<vmem>>) offsets(%dma_start3A_208 : memref<64xi32, #tpu.memory_space<vmem>>) semaphore(%arg12 : memref<!tpu.dma_semaphore, #tpu.memory_space<semaphore_mem>>)
            } else {
            }
          } else {
          }
          %scan3A_184 = arith.constant 0 : i32
          scf.yield %scan3A_184 : i32
        }
        %scan3A_130 = arith.constant 32 : i32
        %scan3A_131 = arith.constant 0 : i32
        scf.yield %scan3A_131 : i32
      }
      %scan3A_77 = arith.constant 10 : i32
      %dma_wait3A = arith.constant 0 : i32
      %dma_wait3A_78 = arith.constant 0 : i32
      %dma_wait3A_79 = arith.constant 0 : i32
      %dma_wait3A_80 = tpu.memref_slice %arg10[%dma_wait3A, %dma_wait3A_78, %dma_wait3A_79] : memref<5x64x128xf32, #tpu.memory_space<vmem>> -> memref<1x64x128xf32, #tpu.memory_space<vmem>>
      %dma_wait3A_81 = tpu.memref_squeeze %dma_wait3A_80 : memref<1x64x128xf32, #tpu.memory_space<vmem>> -> memref<64x128xf32, #tpu.memory_space<vmem>>
      %dma_wait3A_82 = arith.constant 0 : i32
      %dma_wait3A_83 = arith.constant 0 : i32
      %dma_wait3A_84 = tpu.memref_slice %arg3[%dma_wait3A_82, %dma_wait3A_83] : memref<10000x128xf32, #tpu.memory_space<hbm>> -> memref<64x128xf32, #tpu.memory_space<hbm>>
      %dma_wait3A_85 = arith.constant 0 : i32
      %dma_wait3A_86 = arith.constant 0 : i32
      %dma_wait3A_87 = tpu.memref_slice %arg10[%dma_wait3A, %dma_wait3A_85, %dma_wait3A_86] : memref<5x64x128xf32, #tpu.memory_space<vmem>> -> memref<1x64x128xf32, #tpu.memory_space<vmem>>
      %dma_wait3A_88 = tpu.memref_squeeze %dma_wait3A_87 : memref<1x64x128xf32, #tpu.memory_space<vmem>> -> memref<64x128xf32, #tpu.memory_space<vmem>>
      %dma_wait3A_89 = arith.constant 0 : i32
      %dma_wait3A_90 = arith.constant 0 : i32
      %dma_wait3A_91 = tpu.memref_slice %arg3[%dma_wait3A_89, %dma_wait3A_90] : memref<10000x128xf32, #tpu.memory_space<hbm>> -> memref<64x128xf32, #tpu.memory_space<hbm>>
      tpu.wait_dma2 semaphore(%arg13 : memref<!tpu.dma_semaphore, #tpu.memory_space<semaphore_mem>>) src(%dma_wait3A_91 : memref<64x128xf32, #tpu.memory_space<hbm>>) dst(%dma_wait3A_88 : memref<64x128xf32, #tpu.memory_space<vmem>>)
      %dma_wait3A_92 = arith.constant 0 : i32
      %dma_wait3A_93 = arith.constant 0 : i32
      %dma_wait3A_94 = arith.constant 0 : i32
      %dma_wait3A_95 = tpu.memref_slice %arg10[%dma_wait3A_92, %dma_wait3A_93, %dma_wait3A_94] : memref<5x64x128xf32, #tpu.memory_space<vmem>> -> memref<1x64x128xf32, #tpu.memory_space<vmem>>
      %dma_wait3A_96 = tpu.memref_squeeze %dma_wait3A_95 : memref<1x64x128xf32, #tpu.memory_space<vmem>> -> memref<64x128xf32, #tpu.memory_space<vmem>>
      %dma_wait3A_97 = arith.constant 0 : i32
      %dma_wait3A_98 = arith.constant 0 : i32
      %dma_wait3A_99 = tpu.memref_slice %arg3[%dma_wait3A_97, %dma_wait3A_98] : memref<10000x128xf32, #tpu.memory_space<hbm>> -> memref<64x128xf32, #tpu.memory_space<hbm>>
      %dma_wait3A_100 = arith.constant 0 : i32
      %dma_wait3A_101 = arith.constant 0 : i32
      %dma_wait3A_102 = tpu.memref_slice %arg10[%dma_wait3A_92, %dma_wait3A_100, %dma_wait3A_101] : memref<5x64x128xf32, #tpu.memory_space<vmem>> -> memref<1x64x128xf32, #tpu.memory_space<vmem>>
      %dma_wait3A_103 = tpu.memref_squeeze %dma_wait3A_102 : memref<1x64x128xf32, #tpu.memory_space<vmem>> -> memref<64x128xf32, #tpu.memory_space<vmem>>
      %dma_wait3A_104 = arith.constant 0 : i32
      %dma_wait3A_105 = arith.constant 0 : i32
      %dma_wait3A_106 = tpu.memref_slice %arg3[%dma_wait3A_104, %dma_wait3A_105] : memref<10000x128xf32, #tpu.memory_space<hbm>> -> memref<64x128xf32, #tpu.memory_space<hbm>>
      tpu.wait_dma2 semaphore(%arg13 : memref<!tpu.dma_semaphore, #tpu.memory_space<semaphore_mem>>) src(%dma_wait3A_106 : memref<64x128xf32, #tpu.memory_space<hbm>>) dst(%dma_wait3A_103 : memref<64x128xf32, #tpu.memory_space<vmem>>)
      %barrier3A_107 = arith.constant 0 : index
      tpu.barrier barrier_id(%barrier3A_107)
      "tpu.region"() ({
        %run_scoped3A_112 = tpu.sem_alloc : memref<!tpu.dma_semaphore, #tpu.memory_space<semaphore_mem>>
        %dma_start3A_113 = arith.constant 0 : i32
        %dma_start3A_114 = tpu.memref_slice %arg7[%mul3A_1, %dma_start3A_113] : memref<10000x128xf32, #tpu.memory_space<hbm>> -> memref<624x128xf32, #tpu.memory_space<hbm>>
        %dma_start3A_115 = arith.constant 0 : i32
        %dma_start3A_116 = tpu.memref_slice %arg11[%mul3A_1, %dma_start3A_115] : memref<10008x128xf32, #tpu.memory_space<vmem_shared>> -> memref<624x128xf32, #tpu.memory_space<vmem_shared>>
        tpu.enqueue_dma source(%dma_start3A_116 : memref<624x128xf32, #tpu.memory_space<vmem_shared>>) target(%dma_start3A_114 : memref<624x128xf32, #tpu.memory_space<hbm>>) target_semaphore(%run_scoped3A_112 : memref<!tpu.dma_semaphore, #tpu.memory_space<semaphore_mem>>)
        %dma_wait3A_117 = arith.constant 0 : i32
        %dma_wait3A_118 = tpu.memref_slice %arg7[%mul3A_1, %dma_wait3A_117] : memref<10000x128xf32, #tpu.memory_space<hbm>> -> memref<624x128xf32, #tpu.memory_space<hbm>>
        %dma_wait3A_119 = arith.constant 0 : i32
        %dma_wait3A_120 = tpu.memref_slice %arg11[%mul3A_1, %dma_wait3A_119] : memref<10008x128xf32, #tpu.memory_space<vmem_shared>> -> memref<624x128xf32, #tpu.memory_space<vmem_shared>>
        tpu.wait_dma2 semaphore(%run_scoped3A_112 : memref<!tpu.dma_semaphore, #tpu.memory_space<semaphore_mem>>) src(%dma_wait3A_120 : memref<624x128xf32, #tpu.memory_space<vmem_shared>>) dst(%dma_wait3A_118 : memref<624x128xf32, #tpu.memory_space<hbm>>)
        tpu.yield
      }) : () -> ()
      %convert_element_type3A_108 = arith.extui %eq3A_0 : i1 to i32
      %cond3A_109 = arith.constant 0 : i32
      %cond3A_110 = arith.cmpi ne, %convert_element_type3A_108, %cond3A_109 : i32
      scf.if %cond3A_110 {
        "tpu.region"() ({
          %run_scoped3A_112 = tpu.sem_alloc : memref<!tpu.dma_semaphore, #tpu.memory_space<semaphore_mem>>
          %dma_start3A_113 = arith.constant 9984 : i32
          %dma_start3A_114 = arith.constant 0 : i32
          %dma_start3A_115 = tpu.memref_slice %arg7[%dma_start3A_113, %dma_start3A_114] : memref<10000x128xf32, #tpu.memory_space<hbm>> -> memref<16x128xf32, #tpu.memory_space<hbm>>
          %dma_start3A_116 = arith.constant 9984 : i32
          %dma_start3A_117 = arith.constant 0 : i32
          %dma_start3A_118 = tpu.memref_slice %arg11[%dma_start3A_116, %dma_start3A_117] : memref<10008x128xf32, #tpu.memory_space<vmem_shared>> -> memref<16x128xf32, #tpu.memory_space<vmem_shared>>
          tpu.enqueue_dma source(%dma_start3A_118 : memref<16x128xf32, #tpu.memory_space<vmem_shared>>) target(%dma_start3A_115 : memref<16x128xf32, #tpu.memory_space<hbm>>) target_semaphore(%run_scoped3A_112 : memref<!tpu.dma_semaphore, #tpu.memory_space<semaphore_mem>>)
          %dma_wait3A_119 = arith.constant 9984 : i32
          %dma_wait3A_120 = arith.constant 0 : i32
          %dma_wait3A_121 = tpu.memref_slice %arg7[%dma_wait3A_119, %dma_wait3A_120] : memref<10000x128xf32, #tpu.memory_space<hbm>> -> memref<16x128xf32, #tpu.memory_space<hbm>>
          %dma_wait3A_122 = arith.constant 9984 : i32
          %dma_wait3A_123 = arith.constant 0 : i32
          %dma_wait3A_124 = tpu.memref_slice %arg11[%dma_wait3A_122, %dma_wait3A_123] : memref<10008x128xf32, #tpu.memory_space<vmem_shared>> -> memref<16x128xf32, #tpu.memory_space<vmem_shared>>
          tpu.wait_dma2 semaphore(%run_scoped3A_112 : memref<!tpu.dma_semaphore, #tpu.memory_space<semaphore_mem>>) src(%dma_wait3A_124 : memref<16x128xf32, #tpu.memory_space<vmem_shared>>) dst(%dma_wait3A_121 : memref<16x128xf32, #tpu.memory_space<hbm>>)
          tpu.yield
        }) : () -> ()
      } else {
      }
      %barrier3A_111 = arith.constant 0 : index
      tpu.barrier barrier_id(%barrier3A_111)
    } else {
    }
    return
  }
}

module attributes {stable_mosaic.version = 14 : i64} {
  func.func @_tc_enc_body(%arg0: i32, %arg1: memref<1000x128xf32, #tpu.memory_space<vmem>>, %arg2: memref<128x256xf32, #tpu.memory_space<vmem>>, %arg3: memref<1x256xf32, #tpu.memory_space<vmem>>, %arg4: memref<256x256xf32, #tpu.memory_space<vmem>>, %arg5: memref<1x256xf32, #tpu.memory_space<vmem>>, %arg6: memref<1000x128xf32, #tpu.memory_space<vmem>>, %arg7: memref<1000x128xf32, #tpu.memory_space<vmem>>) attributes {dimension_semantics = [#tpu.dimension_semantics<arbitrary>], iteration_bounds = array<i64: 10>, scalar_prefetch = 0 : i64, scratch_operands = 0 : i64, tpu.core_type = #tpu.core_type<tc>, window_params = [{transform_indices = @transform_0, window_bounds = array<i64: 1000, 128>}, {pipeline_mode = #tpu.pipeline_mode<synchronous>, transform_indices = @transform_1, window_bounds = array<i64: 128, 256>}, {pipeline_mode = #tpu.pipeline_mode<synchronous>, transform_indices = @transform_2, window_bounds = array<i64: 1, 256>}, {pipeline_mode = #tpu.pipeline_mode<synchronous>, transform_indices = @transform_3, window_bounds = array<i64: 256, 256>}, {pipeline_mode = #tpu.pipeline_mode<synchronous>, transform_indices = @transform_4, window_bounds = array<i64: 1, 256>}, {transform_indices = @transform_5, window_bounds = array<i64: 1000, 128>}, {transform_indices = @transform_6, window_bounds = array<i64: 1000, 128>}]} {
    %get3A = arith.constant 0 : index
    %get3A_0 = arith.constant 0 : index
    %get3A_1 = vector.load %arg1[%get3A, %get3A_0] : memref<1000x128xf32, #tpu.memory_space<vmem>>, vector<1000x128xf32>
    %get3A_2 = arith.constant 0 : index
    %get3A_3 = arith.constant 0 : index
    %get3A_4 = vector.load %arg2[%get3A_2, %get3A_3] : memref<128x256xf32, #tpu.memory_space<vmem>>, vector<128x256xf32>
    %dot_general3A = arith.constant dense<0.000000e+00> : vector<1000x256xf32>
    %dot_general3A_5 = tpu.matmul %get3A_1, %get3A_4, %dot_general3A {dimension_numbers = #tpu.dot_dimension_numbers<[1], [0], [0], [1], [0, 0, 1, 1], [], []>, precision = #tpu.contract_precision<fp32>, transpose_lhs_hint = false} : vector<1000x128xf32>, vector<128x256xf32>, vector<1000x256xf32> -> vector<1000x256xf32>
    %get3A_6 = arith.constant 0 : index
    %get3A_7 = arith.constant 0 : index
    %get3A_8 = vector.load %arg3[%get3A_6, %get3A_7] : memref<1x256xf32, #tpu.memory_space<vmem>>, vector<1x256xf32>
    %add3A = vector.broadcast %get3A_8 : vector<1x256xf32> to vector<1000x256xf32>
    %add3A_9 = arith.addf %dot_general3A_5, %add3A : vector<1000x256xf32>
    %get3A_10 = arith.constant 0 : index
    %get3A_11 = arith.constant 0 : index
    %get3A_12 = vector.load %arg4[%get3A_10, %get3A_11] : memref<256x256xf32, #tpu.memory_space<vmem>>, vector<256x256xf32>
    %dot_general3A_13 = arith.constant dense<0.000000e+00> : vector<1000x256xf32>
    %dot_general3A_14 = tpu.matmul %add3A_9, %get3A_12, %dot_general3A_13 {dimension_numbers = #tpu.dot_dimension_numbers<[1], [0], [0], [1], [0, 0, 1, 1], [], []>, precision = #tpu.contract_precision<fp32>, transpose_lhs_hint = false} : vector<1000x256xf32>, vector<256x256xf32>, vector<1000x256xf32> -> vector<1000x256xf32>
    %get3A_15 = arith.constant 0 : index
    %get3A_16 = arith.constant 0 : index
    %get3A_17 = vector.load %arg5[%get3A_15, %get3A_16] : memref<1x256xf32, #tpu.memory_space<vmem>>, vector<1x256xf32>
    %add3A_18 = vector.broadcast %get3A_17 : vector<1x256xf32> to vector<1000x256xf32>
    %add3A_19 = arith.addf %dot_general3A_14, %add3A_18 : vector<1000x256xf32>
    %max3A = arith.constant 0.000000e+00 : f32
    %max3A_20 = vector.broadcast %max3A : f32 to vector<1000x256xf32>
    %max3A_21 = arith.maximumf %add3A_19, %max3A_20 : vector<1000x256xf32>
    %slice3A = vector.extract_strided_slice %max3A_21 {offsets = [0, 0], sizes = [1000, 128], strides = [1, 1]} : vector<1000x256xf32> to vector<1000x128xf32>
    %swap3A = arith.constant 0 : index
    %swap3A_22 = arith.constant 0 : index
    %swap3A_23 = vector.load %arg6[%swap3A, %swap3A_22] : memref<1000x128xf32, #tpu.memory_space<vmem>>, vector<1000x128xf32>
    tpu.vector_store %arg6[%swap3A, %swap3A_22], %slice3A {strides = array<i32>} : memref<1000x128xf32, #tpu.memory_space<vmem>>, vector<1000x128xf32>,
    %slice3A_24 = vector.extract_strided_slice %max3A_21 {offsets = [0, 128], sizes = [1000, 128], strides = [1, 1]} : vector<1000x256xf32> to vector<1000x128xf32>
    %swap3A_25 = arith.constant 0 : index
    %swap3A_26 = arith.constant 0 : index
    %swap3A_27 = vector.load %arg7[%swap3A_25, %swap3A_26] : memref<1000x128xf32, #tpu.memory_space<vmem>>, vector<1000x128xf32>
    tpu.vector_store %arg7[%swap3A_25, %swap3A_26], %slice3A_24 {strides = array<i32>} : memref<1000x128xf32, #tpu.memory_space<vmem>>, vector<1000x128xf32>,
    return
  }
  func.func @transform_0(%arg0: i32) -> (i32, i32) {
    %c0_i32 = arith.constant 0 : i32
    %c0_i32_0 = arith.constant 0 : i32
    return %arg0, %c0_i32 : i32, i32
  }
  func.func @transform_1(%arg0: i32) -> (i32, i32) {
    %c0_i32 = arith.constant 0 : i32
    %c0_i32_0 = arith.constant 0 : i32
    %c0_i32_1 = arith.constant 0 : i32
    return %c0_i32, %c0_i32_0 : i32, i32
  }
  func.func @transform_2(%arg0: i32) -> (i32, i32) {
    %c0_i32 = arith.constant 0 : i32
    %c0_i32_0 = arith.constant 0 : i32
    %c0_i32_1 = arith.constant 0 : i32
    return %c0_i32, %c0_i32_0 : i32, i32
  }
  func.func @transform_3(%arg0: i32) -> (i32, i32) {
    %c0_i32 = arith.constant 0 : i32
    %c0_i32_0 = arith.constant 0 : i32
    %c0_i32_1 = arith.constant 0 : i32
    return %c0_i32, %c0_i32_0 : i32, i32
  }
  func.func @transform_4(%arg0: i32) -> (i32, i32) {
    %c0_i32 = arith.constant 0 : i32
    %c0_i32_0 = arith.constant 0 : i32
    %c0_i32_1 = arith.constant 0 : i32
    return %c0_i32, %c0_i32_0 : i32, i32
  }
  func.func @transform_5(%arg0: i32) -> (i32, i32) {
    %c0_i32 = arith.constant 0 : i32
    %c0_i32_0 = arith.constant 0 : i32
    return %arg0, %c0_i32 : i32, i32
  }
  func.func @transform_6(%arg0: i32) -> (i32, i32) {
    %c0_i32 = arith.constant 0 : i32
    %c0_i32_0 = arith.constant 0 : i32
    return %arg0, %c0_i32 : i32, i32
  }
}

module attributes {stable_mosaic.version = 14 : i64} {
  func.func @_tc_mid_body(%arg0: i32, %arg1: memref<1000x128xf32, #tpu.memory_space<vmem>>, %arg2: memref<1000x128xf32, #tpu.memory_space<vmem>>, %arg3: memref<1000x16xf32, #tpu.memory_space<vmem>>, %arg4: memref<1000x16xf32, #tpu.memory_space<vmem>>, %arg5: memref<256x256xf32, #tpu.memory_space<vmem>>, %arg6: memref<1x256xf32, #tpu.memory_space<vmem>>, %arg7: memref<256x256xf32, #tpu.memory_space<vmem>>, %arg8: memref<1x256xf32, #tpu.memory_space<vmem>>, %arg9: memref<1000x128xf32, #tpu.memory_space<vmem>>, %arg10: memref<1000x128xf32, #tpu.memory_space<vmem>>) attributes {dimension_semantics = [#tpu.dimension_semantics<arbitrary>], iteration_bounds = array<i64: 10>, scalar_prefetch = 0 : i64, scratch_operands = 0 : i64, tpu.core_type = #tpu.core_type<tc>, window_params = [{transform_indices = @transform_0, window_bounds = array<i64: 1000, 128>}, {transform_indices = @transform_1, window_bounds = array<i64: 1000, 128>}, {transform_indices = @transform_2, window_bounds = array<i64: 1000, 16>}, {transform_indices = @transform_3, window_bounds = array<i64: 1000, 16>}, {pipeline_mode = #tpu.pipeline_mode<synchronous>, transform_indices = @transform_4, window_bounds = array<i64: 256, 256>}, {pipeline_mode = #tpu.pipeline_mode<synchronous>, transform_indices = @transform_5, window_bounds = array<i64: 1, 256>}, {pipeline_mode = #tpu.pipeline_mode<synchronous>, transform_indices = @transform_6, window_bounds = array<i64: 256, 256>}, {pipeline_mode = #tpu.pipeline_mode<synchronous>, transform_indices = @transform_7, window_bounds = array<i64: 1, 256>}, {transform_indices = @transform_8, window_bounds = array<i64: 1000, 128>}, {transform_indices = @transform_9, window_bounds = array<i64: 1000, 128>}]} {
    %get3A = arith.constant 0 : index
    %get3A_0 = arith.constant 0 : index
    %get3A_1 = vector.load %arg3[%get3A, %get3A_0] : memref<1000x16xf32, #tpu.memory_space<vmem>>, vector<1000x1xf32>
    %get3A_2 = arith.constant 0 : index
    %get3A_3 = arith.constant 0 : index
    %get3A_4 = vector.load %arg4[%get3A_2, %get3A_3] : memref<1000x16xf32, #tpu.memory_space<vmem>>, vector<1000x1xf32>
    %add3A = arith.addf %get3A_1, %get3A_4 : vector<1000x1xf32>
    %max3A = arith.constant 1.000000e+00 : f32
    %max3A_5 = vector.broadcast %max3A : f32 to vector<1000x1xf32>
    %max3A_6 = arith.maximumf %add3A, %max3A_5 : vector<1000x1xf32>
    %div3A = arith.constant 1.000000e+00 : f32
    %div3A_7 = vector.broadcast %div3A : f32 to vector<1000x1xf32>
    %div3A_8 = arith.divf %div3A_7, %max3A_6 : vector<1000x1xf32>
    %get3A_9 = arith.constant 0 : index
    %get3A_10 = arith.constant 0 : index
    %get3A_11 = vector.load %arg6[%get3A_9, %get3A_10] : memref<1x256xf32, #tpu.memory_space<vmem>>, vector<1x256xf32>
    %get3A_12 = arith.constant 0 : index
    %get3A_13 = arith.constant 0 : index
    %get3A_14 = vector.load %arg1[%get3A_12, %get3A_13] : memref<1000x128xf32, #tpu.memory_space<vmem>>, vector<1000x128xf32>
    %mul3A = vector.broadcast %div3A_8 : vector<1000x1xf32> to vector<1000x128xf32>
    %mul3A_15 = arith.mulf %get3A_14, %mul3A : vector<1000x128xf32>
    %get3A_16 = arith.constant 0 : index
    %get3A_17 = arith.constant 0 : index
    %get3A_18 = vector.load %arg5[%get3A_16, %get3A_17] : memref<256x256xf32, #tpu.memory_space<vmem>>, vector<128x256xf32>
    %dot_general3A = arith.constant dense<0.000000e+00> : vector<1000x256xf32>
    %dot_general3A_19 = tpu.matmul %mul3A_15, %get3A_18, %dot_general3A {dimension_numbers = #tpu.dot_dimension_numbers<[1], [0], [0], [1], [0, 0, 1, 1], [], []>, precision = #tpu.contract_precision<fp32>, transpose_lhs_hint = false} : vector<1000x128xf32>, vector<128x256xf32>, vector<1000x256xf32> -> vector<1000x256xf32>
    %add3A_20 = vector.broadcast %get3A_11 : vector<1x256xf32> to vector<1000x256xf32>
    %add3A_21 = arith.addf %add3A_20, %dot_general3A_19 : vector<1000x256xf32>
    %get3A_22 = arith.constant 0 : index
    %get3A_23 = arith.constant 0 : index
    %get3A_24 = vector.load %arg2[%get3A_22, %get3A_23] : memref<1000x128xf32, #tpu.memory_space<vmem>>, vector<1000x128xf32>
    %mul3A_25 = vector.broadcast %div3A_8 : vector<1000x1xf32> to vector<1000x128xf32>
    %mul3A_26 = arith.mulf %get3A_24, %mul3A_25 : vector<1000x128xf32>
    %get3A_27 = arith.constant 128 : index
    %get3A_28 = arith.constant 0 : index
    %get3A_29 = vector.load %arg5[%get3A_27, %get3A_28] : memref<256x256xf32, #tpu.memory_space<vmem>>, vector<128x256xf32>
    %dot_general3A_30 = arith.constant dense<0.000000e+00> : vector<1000x256xf32>
    %dot_general3A_31 = tpu.matmul %mul3A_26, %get3A_29, %dot_general3A_30 {dimension_numbers = #tpu.dot_dimension_numbers<[1], [0], [0], [1], [0, 0, 1, 1], [], []>, precision = #tpu.contract_precision<fp32>, transpose_lhs_hint = false} : vector<1000x128xf32>, vector<128x256xf32>, vector<1000x256xf32> -> vector<1000x256xf32>
    %add3A_32 = arith.addf %add3A_21, %dot_general3A_31 : vector<1000x256xf32>
    %get3A_33 = arith.constant 0 : index
    %get3A_34 = arith.constant 0 : index
    %get3A_35 = vector.load %arg7[%get3A_33, %get3A_34] : memref<256x256xf32, #tpu.memory_space<vmem>>, vector<256x256xf32>
    %dot_general3A_36 = arith.constant dense<0.000000e+00> : vector<1000x256xf32>
    %dot_general3A_37 = tpu.matmul %add3A_32, %get3A_35, %dot_general3A_36 {dimension_numbers = #tpu.dot_dimension_numbers<[1], [0], [0], [1], [0, 0, 1, 1], [], []>, precision = #tpu.contract_precision<fp32>, transpose_lhs_hint = false} : vector<1000x256xf32>, vector<256x256xf32>, vector<1000x256xf32> -> vector<1000x256xf32>
    %get3A_38 = arith.constant 0 : index
    %get3A_39 = arith.constant 0 : index
    %get3A_40 = vector.load %arg8[%get3A_38, %get3A_39] : memref<1x256xf32, #tpu.memory_space<vmem>>, vector<1x256xf32>
    %add3A_41 = vector.broadcast %get3A_40 : vector<1x256xf32> to vector<1000x256xf32>
    %add3A_42 = arith.addf %dot_general3A_37, %add3A_41 : vector<1000x256xf32>
    %max3A_43 = arith.constant 0.000000e+00 : f32
    %max3A_44 = vector.broadcast %max3A_43 : f32 to vector<1000x256xf32>
    %max3A_45 = arith.maximumf %add3A_42, %max3A_44 : vector<1000x256xf32>
    %slice3A = vector.extract_strided_slice %max3A_45 {offsets = [0, 0], sizes = [1000, 128], strides = [1, 1]} : vector<1000x256xf32> to vector<1000x128xf32>
    %swap3A = arith.constant 0 : index
    %swap3A_46 = arith.constant 0 : index
    %swap3A_47 = vector.load %arg9[%swap3A, %swap3A_46] : memref<1000x128xf32, #tpu.memory_space<vmem>>, vector<1000x128xf32>
    tpu.vector_store %arg9[%swap3A, %swap3A_46], %slice3A {strides = array<i32>} : memref<1000x128xf32, #tpu.memory_space<vmem>>, vector<1000x128xf32>,
    %slice3A_48 = vector.extract_strided_slice %max3A_45 {offsets = [0, 128], sizes = [1000, 128], strides = [1, 1]} : vector<1000x256xf32> to vector<1000x128xf32>
    %swap3A_49 = arith.constant 0 : index
    %swap3A_50 = arith.constant 0 : index
    %swap3A_51 = vector.load %arg10[%swap3A_49, %swap3A_50] : memref<1000x128xf32, #tpu.memory_space<vmem>>, vector<1000x128xf32>
    tpu.vector_store %arg10[%swap3A_49, %swap3A_50], %slice3A_48 {strides = array<i32>} : memref<1000x128xf32, #tpu.memory_space<vmem>>, vector<1000x128xf32>,
    return
  }
  func.func @transform_0(%arg0: i32) -> (i32, i32) {
    %c0_i32 = arith.constant 0 : i32
    %c0_i32_0 = arith.constant 0 : i32
    return %arg0, %c0_i32 : i32, i32
  }
  func.func @transform_1(%arg0: i32) -> (i32, i32) {
    %c0_i32 = arith.constant 0 : i32
    %c0_i32_0 = arith.constant 0 : i32
    return %arg0, %c0_i32 : i32, i32
  }
  func.func @transform_2(%arg0: i32) -> (i32, i32) {
    %c0_i32 = arith.constant 0 : i32
    %c0_i32_0 = arith.constant 0 : i32
    return %arg0, %c0_i32 : i32, i32
  }
  func.func @transform_3(%arg0: i32) -> (i32, i32) {
    %c0_i32 = arith.constant 0 : i32
    %c0_i32_0 = arith.constant 0 : i32
    return %arg0, %c0_i32 : i32, i32
  }
  func.func @transform_4(%arg0: i32) -> (i32, i32) {
    %c0_i32 = arith.constant 0 : i32
    %c0_i32_0 = arith.constant 0 : i32
    %c0_i32_1 = arith.constant 0 : i32
    return %c0_i32, %c0_i32_0 : i32, i32
  }
  func.func @transform_5(%arg0: i32) -> (i32, i32) {
    %c0_i32 = arith.constant 0 : i32
    %c0_i32_0 = arith.constant 0 : i32
    %c0_i32_1 = arith.constant 0 : i32
    return %c0_i32, %c0_i32_0 : i32, i32
  }
  func.func @transform_6(%arg0: i32) -> (i32, i32) {
    %c0_i32 = arith.constant 0 : i32
    %c0_i32_0 = arith.constant 0 : i32
    %c0_i32_1 = arith.constant 0 : i32
    return %c0_i32, %c0_i32_0 : i32, i32
  }
  func.func @transform_7(%arg0: i32) -> (i32, i32) {
    %c0_i32 = arith.constant 0 : i32
    %c0_i32_0 = arith.constant 0 : i32
    %c0_i32_1 = arith.constant 0 : i32
    return %c0_i32, %c0_i32_0 : i32, i32
  }
  func.func @transform_8(%arg0: i32) -> (i32, i32) {
    %c0_i32 = arith.constant 0 : i32
    %c0_i32_0 = arith.constant 0 : i32
    return %arg0, %c0_i32 : i32, i32
  }
  func.func @transform_9(%arg0: i32) -> (i32, i32) {
    %c0_i32 = arith.constant 0 : i32
    %c0_i32_0 = arith.constant 0 : i32
    return %arg0, %c0_i32 : i32, i32
  }
}

module attributes {stable_mosaic.version = 14 : i64} {
  func.func @_tc_dec_body(%arg0: i32, %arg1: memref<1000x128xf32, #tpu.memory_space<vmem>>, %arg2: memref<1000x128xf32, #tpu.memory_space<vmem>>, %arg3: memref<1000x16xf32, #tpu.memory_space<vmem>>, %arg4: memref<1000x16xf32, #tpu.memory_space<vmem>>, %arg5: memref<256x256xf32, #tpu.memory_space<vmem>>, %arg6: memref<1x256xf32, #tpu.memory_space<vmem>>, %arg7: memref<256x128xf32, #tpu.memory_space<vmem>>, %arg8: memref<1x128xf32, #tpu.memory_space<vmem>>, %arg9: memref<1000x128xf32, #tpu.memory_space<vmem>>) attributes {dimension_semantics = [#tpu.dimension_semantics<arbitrary>], iteration_bounds = array<i64: 10>, scalar_prefetch = 0 : i64, scratch_operands = 0 : i64, tpu.core_type = #tpu.core_type<tc>, window_params = [{transform_indices = @transform_0, window_bounds = array<i64: 1000, 128>}, {transform_indices = @transform_1, window_bounds = array<i64: 1000, 128>}, {transform_indices = @transform_2, window_bounds = array<i64: 1000, 16>}, {transform_indices = @transform_3, window_bounds = array<i64: 1000, 16>}, {pipeline_mode = #tpu.pipeline_mode<synchronous>, transform_indices = @transform_4, window_bounds = array<i64: 256, 256>}, {pipeline_mode = #tpu.pipeline_mode<synchronous>, transform_indices = @transform_5, window_bounds = array<i64: 1, 256>}, {pipeline_mode = #tpu.pipeline_mode<synchronous>, transform_indices = @transform_6, window_bounds = array<i64: 256, 128>}, {pipeline_mode = #tpu.pipeline_mode<synchronous>, transform_indices = @transform_7, window_bounds = array<i64: 1, 128>}, {transform_indices = @transform_8, window_bounds = array<i64: 1000, 128>}]} {
    %get3A = arith.constant 0 : index
    %get3A_0 = arith.constant 0 : index
    %get3A_1 = vector.load %arg3[%get3A, %get3A_0] : memref<1000x16xf32, #tpu.memory_space<vmem>>, vector<1000x1xf32>
    %get3A_2 = arith.constant 0 : index
    %get3A_3 = arith.constant 0 : index
    %get3A_4 = vector.load %arg4[%get3A_2, %get3A_3] : memref<1000x16xf32, #tpu.memory_space<vmem>>, vector<1000x1xf32>
    %add3A = arith.addf %get3A_1, %get3A_4 : vector<1000x1xf32>
    %max3A = arith.constant 1.000000e+00 : f32
    %max3A_5 = vector.broadcast %max3A : f32 to vector<1000x1xf32>
    %max3A_6 = arith.maximumf %add3A, %max3A_5 : vector<1000x1xf32>
    %div3A = arith.constant 1.000000e+00 : f32
    %div3A_7 = vector.broadcast %div3A : f32 to vector<1000x1xf32>
    %div3A_8 = arith.divf %div3A_7, %max3A_6 : vector<1000x1xf32>
    %get3A_9 = arith.constant 0 : index
    %get3A_10 = arith.constant 0 : index
    %get3A_11 = vector.load %arg6[%get3A_9, %get3A_10] : memref<1x256xf32, #tpu.memory_space<vmem>>, vector<1x256xf32>
    %get3A_12 = arith.constant 0 : index
    %get3A_13 = arith.constant 0 : index
    %get3A_14 = vector.load %arg1[%get3A_12, %get3A_13] : memref<1000x128xf32, #tpu.memory_space<vmem>>, vector<1000x128xf32>
    %mul3A = vector.broadcast %div3A_8 : vector<1000x1xf32> to vector<1000x128xf32>
    %mul3A_15 = arith.mulf %get3A_14, %mul3A : vector<1000x128xf32>
    %get3A_16 = arith.constant 0 : index
    %get3A_17 = arith.constant 0 : index
    %get3A_18 = vector.load %arg5[%get3A_16, %get3A_17] : memref<256x256xf32, #tpu.memory_space<vmem>>, vector<128x256xf32>
    %dot_general3A = arith.constant dense<0.000000e+00> : vector<1000x256xf32>
    %dot_general3A_19 = tpu.matmul %mul3A_15, %get3A_18, %dot_general3A {dimension_numbers = #tpu.dot_dimension_numbers<[1], [0], [0], [1], [0, 0, 1, 1], [], []>, precision = #tpu.contract_precision<fp32>, transpose_lhs_hint = false} : vector<1000x128xf32>, vector<128x256xf32>, vector<1000x256xf32> -> vector<1000x256xf32>
    %add3A_20 = vector.broadcast %get3A_11 : vector<1x256xf32> to vector<1000x256xf32>
    %add3A_21 = arith.addf %add3A_20, %dot_general3A_19 : vector<1000x256xf32>
    %get3A_22 = arith.constant 0 : index
    %get3A_23 = arith.constant 0 : index
    %get3A_24 = vector.load %arg2[%get3A_22, %get3A_23] : memref<1000x128xf32, #tpu.memory_space<vmem>>, vector<1000x128xf32>
    %mul3A_25 = vector.broadcast %div3A_8 : vector<1000x1xf32> to vector<1000x128xf32>
    %mul3A_26 = arith.mulf %get3A_24, %mul3A_25 : vector<1000x128xf32>
    %get3A_27 = arith.constant 128 : index
    %get3A_28 = arith.constant 0 : index
    %get3A_29 = vector.load %arg5[%get3A_27, %get3A_28] : memref<256x256xf32, #tpu.memory_space<vmem>>, vector<128x256xf32>
    %dot_general3A_30 = arith.constant dense<0.000000e+00> : vector<1000x256xf32>
    %dot_general3A_31 = tpu.matmul %mul3A_26, %get3A_29, %dot_general3A_30 {dimension_numbers = #tpu.dot_dimension_numbers<[1], [0], [0], [1], [0, 0, 1, 1], [], []>, precision = #tpu.contract_precision<fp32>, transpose_lhs_hint = false} : vector<1000x128xf32>, vector<128x256xf32>, vector<1000x256xf32> -> vector<1000x256xf32>
    %add3A_32 = arith.addf %add3A_21, %dot_general3A_31 : vector<1000x256xf32>
    %get3A_33 = arith.constant 0 : index
    %get3A_34 = arith.constant 0 : index
    %get3A_35 = vector.load %arg7[%get3A_33, %get3A_34] : memref<256x128xf32, #tpu.memory_space<vmem>>, vector<256x128xf32>
    %dot_general3A_36 = arith.constant dense<0.000000e+00> : vector<1000x128xf32>
    %dot_general3A_37 = tpu.matmul %add3A_32, %get3A_35, %dot_general3A_36 {dimension_numbers = #tpu.dot_dimension_numbers<[1], [0], [0], [1], [0, 0, 1, 1], [], []>, precision = #tpu.contract_precision<fp32>, transpose_lhs_hint = false} : vector<1000x256xf32>, vector<256x128xf32>, vector<1000x128xf32> -> vector<1000x128xf32>
    %get3A_38 = arith.constant 0 : index
    %get3A_39 = arith.constant 0 : index
    %get3A_40 = vector.load %arg8[%get3A_38, %get3A_39] : memref<1x128xf32, #tpu.memory_space<vmem>>, vector<1x128xf32>
    %add3A_41 = vector.broadcast %get3A_40 : vector<1x128xf32> to vector<1000x128xf32>
    %add3A_42 = arith.addf %dot_general3A_37, %add3A_41 : vector<1000x128xf32>
    %swap3A = arith.constant 0 : index
    %swap3A_43 = arith.constant 0 : index
    %swap3A_44 = vector.load %arg9[%swap3A, %swap3A_43] : memref<1000x128xf32, #tpu.memory_space<vmem>>, vector<1000x128xf32>
    tpu.vector_store %arg9[%swap3A, %swap3A_43], %add3A_42 {strides = array<i32>} : memref<1000x128xf32, #tpu.memory_space<vmem>>, vector<1000x128xf32>,
    return
  }
  func.func @transform_0(%arg0: i32) -> (i32, i32) {
    %c0_i32 = arith.constant 0 : i32
    %c0_i32_0 = arith.constant 0 : i32
    return %arg0, %c0_i32 : i32, i32
  }
  func.func @transform_1(%arg0: i32) -> (i32, i32) {
    %c0_i32 = arith.constant 0 : i32
    %c0_i32_0 = arith.constant 0 : i32
    return %arg0, %c0_i32 : i32, i32
  }
  func.func @transform_2(%arg0: i32) -> (i32, i32) {
    %c0_i32 = arith.constant 0 : i32
    %c0_i32_0 = arith.constant 0 : i32
    return %arg0, %c0_i32 : i32, i32
  }
  func.func @transform_3(%arg0: i32) -> (i32, i32) {
    %c0_i32 = arith.constant 0 : i32
    %c0_i32_0 = arith.constant 0 : i32
    return %arg0, %c0_i32 : i32, i32
  }
  func.func @transform_4(%arg0: i32) -> (i32, i32) {
    %c0_i32 = arith.constant 0 : i32
    %c0_i32_0 = arith.constant 0 : i32
    %c0_i32_1 = arith.constant 0 : i32
    return %c0_i32, %c0_i32_0 : i32, i32
  }
  func.func @transform_5(%arg0: i32) -> (i32, i32) {
    %c0_i32 = arith.constant 0 : i32
    %c0_i32_0 = arith.constant 0 : i32
    %c0_i32_1 = arith.constant 0 : i32
    return %c0_i32, %c0_i32_0 : i32, i32
  }
  func.func @transform_6(%arg0: i32) -> (i32, i32) {
    %c0_i32 = arith.constant 0 : i32
    %c0_i32_0 = arith.constant 0 : i32
    %c0_i32_1 = arith.constant 0 : i32
    return %c0_i32, %c0_i32_0 : i32, i32
  }
  func.func @transform_7(%arg0: i32) -> (i32, i32) {
    %c0_i32 = arith.constant 0 : i32
    %c0_i32_0 = arith.constant 0 : i32
    %c0_i32_1 = arith.constant 0 : i32
    return %c0_i32, %c0_i32_0 : i32, i32
  }
  func.func @transform_8(%arg0: i32) -> (i32, i32) {
    %c0_i32 = arith.constant 0 : i32
    %c0_i32_0 = arith.constant 0 : i32
    return %arg0, %c0_i32 : i32, i32
  }
}

</mosaic_0001>

<sc_bundles>
// kernel: kernel.11.cloned.1.call-start
scs
__scs_entry_jumppad:
0x0: {  	(pc) =	sbr.rel $0x88, $3  }
0x1: {  	(tag) =	ssettag $0x0;
	lr =	simm.s32 $0x1  }
0x2: {  	[smem:$0x3F97] =	sst lr;
	_ =	strace $0xD0000000  }
0x3: {  	_ = 	snop  }
0x4: {  	_ = 	snop  }
0x5: {  	_ = 	snop  }
0x6: {  	_ = 	snop  }
0x7: {  	_ = 	snop  }
__scs_overlays_trampoline_lowered:
0x8: {  	[smem:$0x3FA6] =	sst s0  }
0x9: {  	[smem:$0x3FA7] =	sst s1  }
0xa: {  	[smem:$0x3FA8] =	sst s2  }
0xb: {  	[smem:$0x3FA9] =	sst s3  }
0xc: {  	[smem:$0x3FAA] =	sst s4  }
0xd: {  	[smem:$0x3FAB] =	sst s5  }
0xe: {  	[smem:$0x3FAC] =	sst s6  }
0xf: {  	[smem:$0x3FAD] =	sst s7  }
0x10: {  	[smem:$0x3FAE] =	sst s8  }
0x11: {  	[smem:$0x3FAF] =	sst s9;
	s0 =	simm.s32 @!p0 $0x0  }
0x12: {  	s1 =	sld [smem:$0x3F95];
	s0 =	simm.s32 @p0 $0x1  }
0x13: {  	[smem:$0x3FB0] =	sst s0;
	s0 =	simm.s32 @!p1 $0x0  }
0x14: {  	s2 =	sld [smem:$0x3F94];
	s0 =	simm.s32 @p1 $0x1  }
0x15: {  	[smem:$0x3FB1] =	sst s0;
	s0 =	simm.s32 @!p2 $0x0  }
0x16: {  	s3 =	sld [smem:$0x3FDB];
	s0 =	simm.s32 @p2 $0x1  }
0x17: {  	s4 =	simm.s32 $0x1BF5;
	[smem:$0x3FB3] =	sst s0  }
0x18: {  	s0 =	sld [smem:$0x3F96];
	_ =	swait.ge [sflag:s4], $0x0  }
0x19: {  	s7 =	sld [smem:$0x3F97]  }
0x1a: {  	s8 =	sadd.s32 $0xFFFFE003, lr  }
0x1b: {  	s9 =	sadd.s32 $0xFFFFFEF7, lr;
	s5 =	simm.s32 $0xFFFFFFFF;
	p2 =	slt.u32 s8, $0xFFFFF086  }
0x1c: {  	p1 =	slt.u32 s9, $0xF7A;
	s5 =	simm.s32 @!p2 $0x0  }
0x1d: {  	s5 =	simm.s32 @p1 $0x1;
	p0 =	seq.s32 s7, s2  }
0x1e: {  	s7 =	smul.u32 @!p0 $0xF7A, s2;
	p2 =	seq.s32 @!p0 s5, $0x0  }
0x1f: {  	s9 =	smul.u32 $0xF7A, s1;
	s8 =	simm.s32 @!p0 $0x1BF5;
	p2 =	por !p2, p0  }
0x20: {  	[sflag:s8] =	ssyncset.s32 @!p0 $0xFFFFF086;
	s6 =	sadd.s32 @!p0 s3, s7;
	s7 =	simm.s32 @!p0 $0x108  }
0x21: {  	s3 =	sadd.s32 s3, s9;
	s6 =	sadd.s32 @!p0 $0x88, s6;
	s7 =	simm.s32 @p2 $0x1082  }
0x22: {  	[simem:s7], [sflag:s8] =	dma.local @!p0 [hbm:s6], $0xF7A  }
0x23: {  	s9 =	sor.u32 $0xD0000000, s2;
	s6 =	simm.s32 $0x108;
	_ =	swait.ge @!p0 [sflag:s8], $0x0  }
0x24: {  	s3 =	sadd.s32 $0x88, s3;
	s6 =	simm.s32 @!p1 $0x1082;
	[sflag:s4] =	ssyncset.s32 $0xFFFFF086  }
0x25: {  	[simem:s6], [sflag:s4] =	dma.local [hbm:s3], $0xF7A  }
0x26: {  	[smem:$0x3F97] =	sst s1;
	(tag) =	ssettag s2;
	_ =	strace s9  }
0x27: {  	s1 =	sld [smem:$0x3FA7]  }
0x28: {  	s2 =	sld [smem:$0x3FA8]  }
0x29: {  	s4 =	sld [smem:$0x3FAA]  }
0x2a: {  	p0 =	seq.s32 s5, $0x0;
	s5 =	sld [smem:$0x3FAB]  }
0x2b: {  	s6 =	sld [smem:$0x3FAC]  }
0x2c: {  	s7 =	sld [smem:$0x3FAD]  }
0x2d: {  	s3 =	simm.s32 $0x108;
	s8 =	sld [smem:$0x3FAE]  }
0x2e: {  	s3 =	simm.s32 @!p0 $0x1082;
	s9 =	sld [smem:$0x3FAF]  }
0x2f: {  	lr =	sadd.s32 s0, s3;
	s0 =	sld [smem:$0x3FA6]  }
0x30: {  	s3 =	sld [smem:$0x3FA9]  }
0x31: {  	[smem:$0x3FB2] =	sst s10  }
0x32: {  	s10 =	sld [smem:$0x3FB0];
	_ =	sdelay $0x3  }
0x33: {  	p0 =	seq.s32 s10, $0x1;
	s10 =	sld [smem:$0x3FB2];
	_ =	sdelay $0x3  }
0x34: {  	[smem:$0x3FB2] =	sst s10  }
0x35: {  	s10 =	sld [smem:$0x3FB1];
	_ =	sdelay $0x3  }
0x36: {  	p1 =	seq.s32 s10, $0x1;
	s10 =	sld [smem:$0x3FB2];
	_ =	sdelay $0x3  }
0x37: {  	[smem:$0x3FB2] =	sst s10  }
0x38: {  	s10 =	sld [smem:$0x3FB3]  }
0x39: {  	_ = 	snop;
	(pc) =	sbr.ind lr, $3  }
0x3a: {  	_ = 	snop  }
0x3b: {  	_ = 	snop  }
0x3c: {  	p2 =	seq.s32 s10, $0x1;
	s10 =	sld [smem:$0x3FB2]  }
0x3d: {  	_ =	shalt  }
0x3e: {  	_ =	shalt  }
0x3f: {  	_ =	shalt  }
0x40: {  	_ =	shalt  }
0x41: {  	_ =	shalt  }
0x42: {  	_ =	shalt  }
0x43: {  	_ =	shalt  }
0x44: {  	_ =	shalt  }
0x45: {  	_ =	shalt  }
0x46: {  	_ =	shalt  }
0x47: {  	_ =	shalt  }
0x48: {  	_ =	shalt  }
0x49: {  	_ =	shalt  }
0x4a: {  	_ =	shalt  }
0x4b: {  	_ =	shalt  }
0x4c: {  	_ =	shalt  }
0x4d: {  	_ =	shalt  }
0x4e: {  	_ =	shalt  }
0x4f: {  	_ =	shalt  }
0x50: {  	_ =	shalt  }
0x51: {  	_ =	shalt  }
0x52: {  	_ =	shalt  }
0x53: {  	_ =	shalt  }
0x54: {  	_ =	shalt  }
0x55: {  	_ =	shalt  }
0x56: {  	_ =	shalt  }
0x57: {  	_ =	shalt  }
0x58: {  	_ =	shalt  }
0x59: {  	_ =	shalt  }
0x5a: {  	_ =	shalt  }
0x5b: {  	_ =	shalt  }
0x5c: {  	_ =	shalt  }
0x5d: {  	_ =	shalt  }
0x5e: {  	_ =	shalt  }
0x5f: {  	_ =	shalt  }
0x60: {  	_ =	shalt  }
0x61: {  	_ =	shalt  }
0x62: {  	_ =	shalt  }
0x63: {  	_ =	shalt  }
0x64: {  	_ =	shalt  }
0x65: {  	_ =	shalt  }
0x66: {  	_ =	shalt  }
0x67: {  	_ =	shalt  }
0x68: {  	_ =	shalt  }
0x69: {  	_ =	shalt  }
0x6a: {  	_ =	shalt  }
0x6b: {  	_ =	shalt  }
0x6c: {  	_ =	shalt  }
0x6d: {  	_ =	shalt  }
0x6e: {  	_ =	shalt  }
0x6f: {  	_ =	shalt  }
0x70: {  	_ =	shalt  }
0x71: {  	_ =	shalt  }
0x72: {  	_ =	shalt  }
0x73: {  	_ =	shalt  }
0x74: {  	_ =	shalt  }
0x75: {  	_ =	shalt  }
0x76: {  	_ =	shalt  }
0x77: {  	_ =	shalt  }
0x78: {  	_ =	shalt  }
0x79: {  	_ =	shalt  }
0x7a: {  	_ =	shalt  }
0x7b: {  	_ =	shalt  }
0x7c: {  	_ =	shalt  }
0x7d: {  	_ =	shalt  }
0x7e: {  	_ =	shalt  }
0x7f: {  	_ =	shalt  }
0x80: {  	_ =	shalt  }
0x81: {  	_ =	shalt  }
0x82: {  	_ =	shalt  }
0x83: {  	_ =	shalt  }
0x84: {  	_ =	shalt  }
0x85: {  	_ =	shalt  }
0x86: {  	_ =	shalt  }
0x87: {  	_ =	shalt  }
.Lfunc_end0:
.L_simem_size_0:
called_computation.1_lowered:
.L_overlay_start_0:
0x88: {  	s2 =	sld [smem:$0x3FD9]  }
0x89: {  	s3 =	sld [smem:$0x3FFE];
	_ =	sdelay $0x1  }
0x8a: {  	s1 =	srdreg.scid  }
0x8b: {  	s0 =	sand.u32 $0x1, s1  }
0x8c: {  	s17 =	sshll.u32 s0, $0xA;
	s2 =	sadd.s32 s3, s2  }
0x8d: {  	s2 =	sadd.s32 s2, s17  }
0x8e: {  	[smem:$0x3FBE] =	sst s2  }
0x8f: {  	_ = 	snop  }
0x90: {  	s18 =	sld [smem:$0x3FD0];
	(tm) =	ssettm $0x1  }
0x91: {  	s19 =	sld [smem:$0x3FFB];
	_ =	sdelay $0x3  }
0x92: {  	_ =	strace s19  }
0x93: {  	s2 =	sld [smem:$0x3FFC];
	_ =	sdelay $0x3  }
0x94: {  	_ =	strace s2  }
0x95: {  	s2 =	sld [smem:$0x3FFD];
	_ =	sdelay $0x3  }
0x96: {  	_ =	strace s2  }
0x97: {  	_ =	strace $0x8FFFFFFF  }
0x98: {  	s20 =	sld [smem:$0x3FDB];
	_ =	sdelay $0x1  }
0x99: {  	s4 =	simm.s32 $_scs_section_size  }
0x9a: {  	s5 =	simm.s32 $_size__tile_overlayer_lowered;
	s6 =	simm.s32 $_tile_overlayer_lowered  }
0x9b: {  	s7 =	simm.s32 $0x1BFF;
	s21 =	sshll.u32 s6, $0x1;
	s4 =	sadd.s32 s4, s20  }
0x9c: {  	s22 =	simm.s32 $0x0;
	s5 =	sshll.u32 s5, $0x1;
	s6 =	sadd.s32 s21, s4  }
0x9d: {  	[timem:s22], [sflag:s7] =	dma.local [hbm:s6], s5  }
0x9e: {  	_ =	swait.ge [sflag:s7], s5  }
0x9f: {  	s5 =	ssub.s32 $0x0, s5;
	[sflag:s7] =	ssyncset.done $0x0  }
0xa0: {  	[sflag:s7] =	ssyncadd.s32 s5;
	_ =	sdelay $0x1  }
0xa1: {  	s23 =	simm.s32 $0x1B8B  }
0xa2: {  	_ =	swait.ge [sflag:s23], $0x1  }
0xa3: {  	[sflag:s23] =	ssyncset.done $0x0  }
0xa4: {  	[sflag:s23] =	ssyncadd.s32 $0xFFFFFFFF  }
0xa5: {  	s5 =	sld [smem:$0x0]  }
0xa6: {  	s6 =	sand.u32 $0xFFFFFFFE, s1  }
0xa7: {  	p0 =	sne.s32 s1, s6  }
0xa8: {  	s6 =	sshll.u32 @p0 s6, $0xE  }
0xa9: {  	s6 =	sadd.s32 @p0 $0x11B8D, s6;
	s7 =	sshll.u32 @p0 s5, $0x11  }
0xaa: {  	s6 =	sor.u32 @p0 s7, s6  }
0xab: {  	[sflag:s6] =	ssyncadd.remote.s32 @p0 $0x1;
	_ =	sdelay $0x1  }
0xac: {  	s6 =	simm.s32 @p0 $0x1B8D  }
0xad: {  	_ =	swait.eq @p0 [sflag:s6], $0x1  }
0xae: {  	[sflag:s6] =	ssyncadd.s32 @p0 $0xFFFFFFFF  }
0xaf: {  	s7 =	sshll.u32 @!p0 s1, $0xE  }
0xb0: {  	s7 =	sor.u32 @!p0 $0x4000, s7;
	s6 =	simm.s32 @!p0 $0x1B8D  }
0xb1: {  	s5 =	sshll.u32 @!p0 s5, $0x11;
	s7 =	sadd.s32 @!p0 $0x11B8D, s7;
	_ =	swait.eq @!p0 [sflag:s6], $0x1  }
0xb2: {  	s5 =	sor.u32 @!p0 s5, s7;
	[sflag:s6] =	ssyncadd.s32 @!p0 $0xFFFFFFFF  }
0xb3: {  	s25 =	simm.s32 $0x1B8E;
	s24 =	sld [smem:$0x3FFE];
	[sflag:s5] =	ssyncadd.remote.s32 @!p0 $0x1  }
0xb4: {  	s26 =	simm.s32 $execute0_lowered;
	[smem:$0x3FD2] =	sst s25  }
0xb5: {  	s6 =	sshll.u32 s26, $0x1;
	_ =	strace $0x80000049;
	[dreg:$0x1] =	wrdreg $0xFFFFFFFF  }
0xb6: {  	s28 =	simm.s32 $_size_execute0_lowered;
	s4 =	sadd.s32 s4, s6;
	[dreg:$0x0] =	wrdreg $0x0  }
0xb7: {  	s6 =	sshll.u32 s28, $0x1;
	[dreg:$0x2] =	wrdreg s4  }
0xb8: {  	[dreg:$0x3] =	wrdreg s6  }
0xb9: {  	[dreg:$0x4] =	wrdreg $0xC0  }
0xba: {  	_ =	task [dreg:s22], $0x5FFFF  }
0xbb: {  	[dreg:$0x1] =	wrdreg $0xFFFFFFFF  }
0xbc: {  	[dreg:$0x0] =	wrdreg $0x60  }
0xbd: {  	[dreg:$0x2] =	wrdreg s18  }
0xbe: {  	[dreg:$0x3] =	wrdreg s24  }
0xbf: {  	[dreg:$0x4] =	wrdreg $0xC0000  }
0xc0: {  	[dreg:$0x5] =	wrdreg $0xA  }
0xc1: {  	_ =	task.clear_ibuf [dreg:s22], $0x6FFFF;
	_ =	strace $0x90000049  }
0xc2: {  	s29 =	simm.s32 $0xA;
	_ =	strace $0x8000004B  }
0xc3: {  	_ =	swait.ge [sflag:s29], $0x1  }
0xc4: {  	[sflag:s29] =	ssyncadd.s32 $0xFFFFFFFF  }
0xc5: {  	_ =	strace $0x9000004B  }
0xc6: {  	_ =	sfence  }
0xc7: {  	s30 =	sld [smem:$0x0];
	_ =	sdelay $0x2  }
0xc8: {  	s31 =	sshll.u32 s1, $0xD;
	s1 =	sshrl.u32 s1, $0x2  }
0xc9: {  	s4 =	sand.u32 $0x4000, s31;
	s1 =	sadd.s32 s1, s30  }
0xca: {  	s0 =	sor.u32 s4, s0;
	s1 =	sshll.u32 s1, $0x11  }
0xcb: {  	s0 =	sor.u32 s1, s0  }
0xcc: {  	s0 =	sadd.s32 $0x8F2B, s0  }
0xcd: {  	[sflag:s0] =	ssyncadd.remote.s32 $0x1  }
0xce: {  	_ =	sfence.sel $0xFFFF  }
0xcf: {  	[dreg:$0x0] =	wrdreg $0xFFFFFFFF;
	(pc) =	sbr.abs _section_cstart, $3  }
0xd0: {  	[dreg:$0x1] =	wrdreg $0xFFFFFFFF  }
0xd1: {  	_ =	task.clear_ibuf [dreg:s22], $0x2FFFF;
	_ =	strace $0x9FFFFFFF  }
0xd2: {  	(tm) =	ssettm $0x7FFFFFFF  }
0xd3: {  	_ =	shalt  }
tec
execute0_lowered:
.L_overlay_start_1:
0x0: {  	(tag) =	ssettag $0x1  }
0x1: {  	s1 =	rddreg [dreg:$0x0]  }
0x2: {  	s0 =	rddreg [dreg:$0x1]  }
0x3: {  	s2 =	rddreg [dreg:$0x2]  }
0x4: {  	s3 =	simm.s32 $0x0;
	s4 =	srdreg.scid;
	s12 =	stileid.u32  }
0x5: {  	s31 =	simm.s32 $0x2000;
	[smem:$0x7FF] =	sst s3;
	s5 =	sadd.s32 $0x22E00, s0  }
0x6: {  	s6 =	sadd.s32 $0x18E00, s0;
	s4 =	sand.u32 $0x1, s4;
	s11 =	smul.u32 $0xA00, s12  }
0x7: {  	s7 =	sadd.s32 $0x4E00, s0;
	s14 =	sadd.s32 $0x4A000, s0;
	s25 =	smul.u32 $0x13800, s12  }
0x8: {  	s15 =	sadd.s32 $0x71200, s0;
	s10 =	sadd.s32 $0x138000, s2;
	s26 =	smul.u32 $0x4E000, s12  }
0x9: {  	_ =	strace $0x8000004A;
	s8 =	ssub.s32 $0x2, s4;
	[dreg:$0x4] =	wrdreg s14  }
0xa: {  	p0 =	seq.s32 s4, $0x1;
	[dreg:$0x5] =	wrdreg s15;
	s28 =	sadd.s32 s6, s11  }
0xb: {  	s13 =	sadd.s32 s7, s11;
	s16 =	sshrl.u32 s25, $0x3;
	[dreg:$0x6] =	wrdreg s28  }
0xc: {  	s9 =	sshrl.u32 s8, $0x1;
	[dreg:$0x7] =	wrdreg s13;
	s17 =	sadd.s32 s14, s16  }
0xd: {  	s24 =	ssub.s32 s8, s9;
	s8 =	sadd.s32 s25, s2;
	[dreg:$0x8] =	wrdreg s17  }
0xe: {  	s4 =	sshrl.u32 s26, $0x2;
	s18 =	sadd.s32 s15, s16;
	[dreg:$0x9] =	wrdreg s8  }
0xf: {  	[dreg:$0xa] =	wrdreg s18;
	s17 =	sadd.s32 s4, s2;
	s0 =	smax.u32 s24, $0x1  }
0x10: {  	p1 =	seq.s32 s12, $0xF;
	[dreg:$0xb] =	wrdreg s0;
	s19 =	sadd.s32 $0x1A00, s17  }
0x11: {  	p2 =	sne.s32 s12, $0xF;
	s20 =	sadd.s32 $0x3400, s17;
	[dreg:$0xc] =	wrdreg s19  }
0x12: {  	s13 =	smul.u32 $0x5000, s12;
	s21 =	sadd.s32 $0x4E00, s17;
	[dreg:$0xd] =	wrdreg s20  }
0x13: {  	s16 =	simm.s32 $0x40;
	s22 =	sadd.s32 $0x6800, s17;
	[dreg:$0xe] =	wrdreg s21  }
0x14: {  	s14 =	simm.s32 $0x1;
	s23 =	sadd.s32 $0x8200, s17;
	[dreg:$0xf] =	wrdreg s22  }
.Ltmp0:
0x15: {  	s24 =	sadd.s32 $0x9C00, s17;
	[dreg:$0x10] =	wrdreg s23;
	(pc) =	sbr.rel .LBB2_1-.Ltmp0, $4  }
0x16: {  	s9 =	simm.s32 $0x3;
	s25 =	sadd.s32 $0xB600, s17;
	[dreg:$0x11] =	wrdreg s24  }
0x17: {  	s8 =	simm.s32 $0x2;
	s26 =	sadd.s32 $0xD000, s17;
	[dreg:$0x12] =	wrdreg s25  }
0x18: {  	s28 =	sadd.s32 $0xEA00, s17;
	s29 =	sadd.s32 $0x10400, s17;
	[dreg:$0x13] =	wrdreg s26  }
0x19: {  	v0 =	vimm.f32 $0.0e+00;
	s30 =	sadd.s32 $0x11E00, s17;
	s0 =	simm.s32 $0x4;
	[dreg:$0x14] =	wrdreg s28  }
.LBB2_30:
0x1a: {  	s11 =	sadd.s32 $0x27000, s11;
	s12 =	sshrl.u32 s10, $0x3  }
0x1b: {  	[hbm:s11], [sflag:s4] =	dma.local [spmem:s12], $0x100  }
0x1c: {  	_ =	swait.ge [sflag:s0], $0x100  }
0x1d: {  	[sflag:s0] =	ssyncset.done $0x0  }
0x1e: {  	[sflag:s0] =	ssyncadd.s32 $0xFFFFFF00  }
.LBB2_31:
0x1f: {  	s3 =	sadd.s32 $0x1, s3;
	s4 =	rddreg [dreg:$0xb]  }
0x20: {  	p3 =	sne.s32 s3, s4  }
.Ltmp1:
0x21: {  	_ = 	snop;
	(pc) =	sbr.rel @!p3 .LBB2_32-.Ltmp1, $2  }
0x22: {  	_ =	sdelay $0x1  }
0x23: {  	[bflag:$0x0] =	sbarrier.arrive $0xFFFF;
	_ =	sdelay $0x1  }
.LBB2_1:
.Ltmp2:
0x24: {  	(pc) =	sbr.rel @!p0 .LBB2_2-.Ltmp2, $3  }
0x25: {  	_ =	sdelay $0x1  }
0x26: {  	s11 =	simm.s32 $0x1C0  }
0x27: {  	s4 =	sshra.s32 s11, $0x2;
	s11 =	sadd.s32 $0x200, s11  }
.LBB2_16:
0x28: {  	p3 =	seq.s32 s11, $0x67C0;
	[tilespmem:s4+$0x2000] =	vst v0  }
0x29: {  	[tilespmem:s4+$0x1F90] =	vst v0  }
0x2a: {  	[tilespmem:s4+$0x1FA0] =	vst v0  }
.Ltmp3:
0x2b: {  	[tilespmem:s4+$0x1FB0] =	vst v0;
	(pc) =	sbr.rel @!p3 .LBB2_16-.Ltmp3, $4  }
0x2c: {  	[tilespmem:s4+$0x1FC0] =	vst v0  }
0x2d: {  	[tilespmem:s4+$0x1FD0] =	vst v0  }
0x2e: {  	[tilespmem:s4+$0x1FE0] =	vst v0  }
0x2f: {  	[tilespmem:s4+$0x1FF0] =	vst v0;
	s4 =	sshra.s32 s11, $0x2;
	s11 =	sadd.s32 $0x200, s11  }
0x30: {  	[tilespmem:s4+$0x2000] =	vst v0  }
0x31: {  	[tilespmem:s4+$0x1F90] =	vst v0  }
0x32: {  	[tilespmem:s4+$0x1FA0] =	vst v0  }
0x33: {  	[tilespmem:s4+$0x1FB0] =	vst v0  }
0x34: {  	[tilespmem:s4+$0x1FC0] =	vst v0  }
0x35: {  	[tilespmem:s4+$0x1FD0] =	vst v0  }
0x36: {  	[tilespmem:s4+$0x1FE0] =	vst v0  }
0x37: {  	[tilespmem:s4+$0x1FF0] =	vst v0  }
0x38: {  	[spmem:s17] =	stream.linear.scatter [tilespmem:s31], [sflag:$0x4], $0x1A00, $0x38;
	[tilespmem:$0x1F8C0] =	vst v63  }
0x39: {  	_ =	swait.ge [sflag:s0], $0x1A00  }
0x3a: {  	[sflag:s0] =	ssyncset.done $0x0  }
0x3b: {  	s12 =	rddreg [dreg:$0xc];
	[sflag:s0] =	ssyncadd.s32 $0xFFFFE600  }
0x3c: {  	[spmem:s12] =	stream.linear.scatter [tilespmem:s31], [sflag:$0x4], $0x1A00, $0x38;
	[tilespmem:$0x1F8C0] =	vst v63  }
0x3d: {  	_ =	swait.ge [sflag:s0], $0x1A00  }
0x3e: {  	[sflag:s0] =	ssyncset.done $0x0  }
0x3f: {  	s15 =	rddreg [dreg:$0xd];
	[sflag:s0] =	ssyncadd.s32 $0xFFFFE600  }
0x40: {  	[spmem:s15] =	stream.linear.scatter [tilespmem:s31], [sflag:$0x4], $0x1A00, $0x38;
	[tilespmem:$0x1F8C0] =	vst v63  }
0x41: {  	_ =	swait.ge [sflag:s0], $0x1A00  }
0x42: {  	[sflag:s0] =	ssyncset.done $0x0  }
0x43: {  	s18 =	rddreg [dreg:$0xe];
	[sflag:s0] =	ssyncadd.s32 $0xFFFFE600  }
0x44: {  	[spmem:s18] =	stream.linear.scatter [tilespmem:s31], [sflag:$0x4], $0x1A00, $0x38;
	[tilespmem:$0x1F8C0] =	vst v63  }
0x45: {  	_ =	swait.ge [sflag:s0], $0x1A00  }
0x46: {  	[sflag:s0] =	ssyncset.done $0x0  }
0x47: {  	s19 =	rddreg [dreg:$0xf];
	[sflag:s0] =	ssyncadd.s32 $0xFFFFE600  }
0x48: {  	[spmem:s19] =	stream.linear.scatter [tilespmem:s31], [sflag:$0x4], $0x1A00, $0x38;
	[tilespmem:$0x1F8C0] =	vst v63  }
0x49: {  	_ =	swait.ge [sflag:s0], $0x1A00  }
0x4a: {  	[sflag:s0] =	ssyncset.done $0x0  }
0x4b: {  	s20 =	rddreg [dreg:$0x10];
	[sflag:s0] =	ssyncadd.s32 $0xFFFFE600  }
0x4c: {  	[spmem:s20] =	stream.linear.scatter [tilespmem:s31], [sflag:$0x4], $0x1A00, $0x38;
	[tilespmem:$0x1F8C0] =	vst v63  }
0x4d: {  	_ =	swait.ge [sflag:s0], $0x1A00  }
0x4e: {  	[sflag:s0] =	ssyncset.done $0x0  }
0x4f: {  	s21 =	rddreg [dreg:$0x11];
	[sflag:s0] =	ssyncadd.s32 $0xFFFFE600  }
0x50: {  	[spmem:s21] =	stream.linear.scatter [tilespmem:s31], [sflag:$0x4], $0x1A00, $0x38;
	[tilespmem:$0x1F8C0] =	vst v63  }
0x51: {  	_ =	swait.ge [sflag:s0], $0x1A00  }
0x52: {  	[sflag:s0] =	ssyncset.done $0x0  }
0x53: {  	s22 =	rddreg [dreg:$0x12];
	[sflag:s0] =	ssyncadd.s32 $0xFFFFE600  }
0x54: {  	[spmem:s22] =	stream.linear.scatter [tilespmem:s31], [sflag:$0x4], $0x1A00, $0x38;
	[tilespmem:$0x1F8C0] =	vst v63  }
0x55: {  	_ =	swait.ge [sflag:s0], $0x1A00  }
0x56: {  	[sflag:s0] =	ssyncset.done $0x0  }
0x57: {  	s23 =	rddreg [dreg:$0x13];
	[sflag:s0] =	ssyncadd.s32 $0xFFFFE600  }
0x58: {  	[spmem:s23] =	stream.linear.scatter [tilespmem:s31], [sflag:$0x4], $0x1A00, $0x38;
	[tilespmem:$0x1F8C0] =	vst v63  }
0x59: {  	_ =	swait.ge [sflag:s0], $0x1A00  }
0x5a: {  	[sflag:s0] =	ssyncset.done $0x0  }
0x5b: {  	s24 =	rddreg [dreg:$0x14];
	[sflag:s0] =	ssyncadd.s32 $0xFFFFE600  }
0x5c: {  	[spmem:s24] =	stream.linear.scatter [tilespmem:s31], [sflag:$0x4], $0x1A00, $0x38;
	[tilespmem:$0x1F8C0] =	vst v63  }
0x5d: {  	_ =	swait.ge [sflag:s0], $0x1A00  }
0x5e: {  	[sflag:s0] =	ssyncset.done $0x0  }
0x5f: {  	[sflag:s0] =	ssyncadd.s32 $0xFFFFE600  }
0x60: {  	[spmem:s29] =	stream.linear.scatter [tilespmem:s31], [sflag:$0x4], $0x1A00, $0x38;
	[tilespmem:$0x1F8C0] =	vst v63  }
0x61: {  	_ =	swait.ge [sflag:s0], $0x1A00  }
0x62: {  	[sflag:s0] =	ssyncset.done $0x0  }
0x63: {  	[sflag:s0] =	ssyncadd.s32 $0xFFFFE600  }
0x64: {  	[spmem:s30] =	stream.linear.scatter [tilespmem:s31], [sflag:$0x4], $0x1A00, $0x38;
	[tilespmem:$0x1F8C0] =	vst v63  }
0x65: {  	_ =	swait.ge [sflag:s0], $0x1A00  }
0x66: {  	[sflag:s0] =	ssyncset.done $0x0  }
0x67: {  	s4 =	simm.s32 @p1 $0x2000;
	[sflag:s0] =	ssyncadd.s32 $0xFFFFE600  }
0x68: {  	[spmem:s10] =	stream.linear.scatter @p1 [tilespmem:s4], [sflag:$0x4], $0x800, $0x38;
	[tilespmem:$0x1F8C0] =	vst v63  }
0x69: {  	s4 =	simm.s32 @p1 $0x4  }
0x6a: {  	_ =	swait.ge @p1 [sflag:s4], $0x800  }
0x6b: {  	[sflag:s4] =	ssyncset.done @p1 $0x0  }
0x6c: {  	[sflag:s4] =	ssyncadd.s32 @p1 $0xFFFFF800  }
0x6d: {  	[bflag:$0x0] =	sbarrier.arrive $0xFFFF  }
0x6e: {  	s4 =	simm.s32 $0x0;
	s11 =	rddreg [dreg:$0x6]  }
0x6f: {  	[tilespmem:s4], [sflag:$0x4] =	stream.linear.gather [hbm4b:s11+s4], $0x800, $0x38;
	[tilespmem:$0x1F8C0] =	vst v63  }
0x70: {  	_ =	swait.ge [sflag:s0], $0x800  }
0x71: {  	[sflag:s0] =	ssyncset.done $0x0  }
0x72: {  	s12 =	simm.s32 $0x1000;
	s25 =	rddreg [dreg:$0x7];
	[sflag:s0] =	ssyncadd.s32 $0xFFFFF800  }
0x73: {  	[tilespmem:s12], [sflag:$0x4] =	stream.linear.gather [hbm4b:s25+s4], $0x800, $0x38;
	[tilespmem:$0x1F8C0] =	vst v63  }
0x74: {  	_ =	swait.ge [sflag:s0], $0x800  }
0x75: {  	[sflag:s0] =	ssyncset.done $0x0  }
0x76: {  	s11 =	simm.s32 $0x2000;
	[sflag:s0] =	ssyncadd.s32 $0xFFFFF800  }
0x77: {  	[tilespmem:s11], [sflag:$0x1] =	stream.indirect.gather [hbm4b:s5+s16], $0x80, s4, s16, $0xb8;
	[tilespmem:$0x1F8C0] =	vst v63  }
.Ltmp4:
0x78: {  	_ = 	snop;
	(pc) =	sbr.rel .LBB2_19-.Ltmp4, $4  }
0x79: {  	s26 =	simm.s32 $0x4000;
	s28 =	simm.s32 $0x80  }
0x7a: {  	[tilespmem:s26], [sflag:$0x1] =	stream.indirect.gather [hbm4b:s5+s16], $0x80, s16, s16, $0xb8;
	[tilespmem:$0x1F8C0] =	vst v63  }
0x7b: {  	p3 =	por $0x0, $0x0;
	s15 =	simm.s32 $0x6000;
	s12 =	simm.s32 $0x0  }
0x7c: {  	[tilespmem:s15], [sflag:$0x1] =	stream.indirect.gather [hbm4b:s5+s16], $0x80, s28, s16, $0xb8;
	[tilespmem:$0x1F8C0] =	vst v63  }
.LBB2_2:
0x7d: {  	p3 =	seq.s32 s11, $0x67C0;
	[tilespmem:s4+$0x2000] =	vst v0  }
0x7e: {  	[tilespmem:s4+$0x1F90] =	vst v0  }
0x7f: {  	[tilespmem:s4+$0x1FA0] =	vst v0  }
.Ltmp5:
0x80: {  	[tilespmem:s4+$0x1FB0] =	vst v0;
	(pc) =	sbr.rel @!p3 .LBB2_2-.Ltmp5, $4  }
0x81: {  	[tilespmem:s4+$0x1FC0] =	vst v0  }
0x82: {  	[tilespmem:s4+$0x1FD0] =	vst v0  }
0x83: {  	[tilespmem:s4+$0x1FE0] =	vst v0  }
0x84: {  	[tilespmem:s4+$0x1FF0] =	vst v0;
	s4 =	sshra.s32 s11, $0x2;
	s11 =	sadd.s32 $0x200, s11  }
0x85: {  	[tilespmem:s4+$0x2000] =	vst v0  }
0x86: {  	[tilespmem:s4+$0x1F90] =	vst v0  }
0x87: {  	[tilespmem:s4+$0x1FA0] =	vst v0  }
0x88: {  	[tilespmem:s4+$0x1FB0] =	vst v0  }
0x89: {  	[tilespmem:s4+$0x1FC0] =	vst v0  }
0x8a: {  	[tilespmem:s4+$0x1FD0] =	vst v0  }
0x8b: {  	[tilespmem:s4+$0x1FE0] =	vst v0  }
0x8c: {  	[tilespmem:s4+$0x1FF0] =	vst v0  }
0x8d: {  	[spmem:s17] =	stream.linear.scatter [tilespmem:s31], [sflag:$0x4], $0x1A00, $0x38;
	[tilespmem:$0x1F8C0] =	vst v63  }
0x8e: {  	_ =	swait.ge [sflag:s0], $0x1A00  }
0x8f: {  	[sflag:s0] =	ssyncset.done $0x0  }
0x90: {  	s28 =	rddreg [dreg:$0xc];
	[sflag:s0] =	ssyncadd.s32 $0xFFFFE600  }
0x91: {  	[spmem:s28] =	stream.linear.scatter [tilespmem:s31], [sflag:$0x4], $0x1A00, $0x38;
	[tilespmem:$0x1F8C0] =	vst v63  }
0x92: {  	_ =	swait.ge [sflag:s0], $0x1A00  }
0x93: {  	[sflag:s0] =	ssyncset.done $0x0  }
0x94: {  	s11 =	rddreg [dreg:$0xd];
	[sflag:s0] =	ssyncadd.s32 $0xFFFFE600  }
0x95: {  	[spmem:s11] =	stream.linear.scatter [tilespmem:s31], [sflag:$0x4], $0x1A00, $0x38;
	[tilespmem:$0x1F8C0] =	vst v63  }
0x96: {  	_ =	swait.ge [sflag:s0], $0x1A00  }
0x97: {  	[sflag:s0] =	ssyncset.done $0x0  }
0x98: {  	s12 =	rddreg [dreg:$0xe];
	[sflag:s0] =	ssyncadd.s32 $0xFFFFE600  }
0x99: {  	[spmem:s12] =	stream.linear.scatter [tilespmem:s31], [sflag:$0x4], $0x1A00, $0x38;
	[tilespmem:$0x1F8C0] =	vst v63  }
0x9a: {  	_ =	swait.ge [sflag:s0], $0x1A00  }
0x9b: {  	[sflag:s0] =	ssyncset.done $0x0  }
0x9c: {  	s15 =	rddreg [dreg:$0xf];
	[sflag:s0] =	ssyncadd.s32 $0xFFFFE600  }
0x9d: {  	[spmem:s15] =	stream.linear.scatter [tilespmem:s31], [sflag:$0x4], $0x1A00, $0x38;
	[tilespmem:$0x1F8C0] =	vst v63  }
0x9e: {  	_ =	swait.ge [sflag:s0], $0x1A00  }
0x9f: {  	[sflag:s0] =	ssyncset.done $0x0  }
0xa0: {  	s18 =	rddreg [dreg:$0x10];
	[sflag:s0] =	ssyncadd.s32 $0xFFFFE600  }
0xa1: {  	[spmem:s18] =	stream.linear.scatter [tilespmem:s31], [sflag:$0x4], $0x1A00, $0x38;
	[tilespmem:$0x1F8C0] =	vst v63  }
0xa2: {  	_ =	swait.ge [sflag:s0], $0x1A00  }
0xa3: {  	[sflag:s0] =	ssyncset.done $0x0  }
0xa4: {  	s19 =	rddreg [dreg:$0x11];
	[sflag:s0] =	ssyncadd.s32 $0xFFFFE600  }
0xa5: {  	[spmem:s19] =	stream.linear.scatter [tilespmem:s31], [sflag:$0x4], $0x1A00, $0x38;
	[tilespmem:$0x1F8C0] =	vst v63  }
0xa6: {  	_ =	swait.ge [sflag:s0], $0x1A00  }
0xa7: {  	[sflag:s0] =	ssyncset.done $0x0  }
0xa8: {  	s20 =	rddreg [dreg:$0x12];
	[sflag:s0] =	ssyncadd.s32 $0xFFFFE600  }
0xa9: {  	[spmem:s20] =	stream.linear.scatter [tilespmem:s31], [sflag:$0x4], $0x1A00, $0x38;
	[tilespmem:$0x1F8C0] =	vst v63  }
0xaa: {  	_ =	swait.ge [sflag:s0], $0x1A00  }
0xab: {  	[sflag:s0] =	ssyncset.done $0x0  }
0xac: {  	s21 =	rddreg [dreg:$0x13];
	[sflag:s0] =	ssyncadd.s32 $0xFFFFE600  }
0xad: {  	[spmem:s21] =	stream.linear.scatter [tilespmem:s31], [sflag:$0x4], $0x1A00, $0x38;
	[tilespmem:$0x1F8C0] =	vst v63  }
0xae: {  	_ =	swait.ge [sflag:s0], $0x1A00  }
0xaf: {  	[sflag:s0] =	ssyncset.done $0x0  }
0xb0: {  	s22 =	rddreg [dreg:$0x14];
	[sflag:s0] =	ssyncadd.s32 $0xFFFFE600  }
0xb1: {  	[spmem:s22] =	stream.linear.scatter [tilespmem:s31], [sflag:$0x4], $0x1A00, $0x38;
	[tilespmem:$0x1F8C0] =	vst v63  }
0xb2: {  	_ =	swait.ge [sflag:s0], $0x1A00  }
0xb3: {  	[sflag:s0] =	ssyncset.done $0x0  }
0xb4: {  	[sflag:s0] =	ssyncadd.s32 $0xFFFFE600  }
0xb5: {  	[spmem:s29] =	stream.linear.scatter [tilespmem:s31], [sflag:$0x4], $0x1A00, $0x38;
	[tilespmem:$0x1F8C0] =	vst v63  }
0xb6: {  	_ =	swait.ge [sflag:s0], $0x1A00  }
0xb7: {  	[sflag:s0] =	ssyncset.done $0x0  }
0xb8: {  	[sflag:s0] =	ssyncadd.s32 $0xFFFFE600  }
0xb9: {  	[spmem:s30] =	stream.linear.scatter [tilespmem:s31], [sflag:$0x4], $0x1A00, $0x38;
	[tilespmem:$0x1F8C0] =	vst v63  }
0xba: {  	_ =	swait.ge [sflag:s0], $0x1A00  }
0xbb: {  	[sflag:s0] =	ssyncset.done $0x0  }
0xbc: {  	s4 =	simm.s32 @p1 $0x2000;
	[sflag:s0] =	ssyncadd.s32 $0xFFFFE600  }
0xbd: {  	[spmem:s10] =	stream.linear.scatter @p1 [tilespmem:s4], [sflag:$0x4], $0x800, $0x38;
	[tilespmem:$0x1F8C0] =	vst v63  }
0xbe: {  	s4 =	simm.s32 @p1 $0x4  }
0xbf: {  	_ =	swait.ge @p1 [sflag:s4], $0x800  }
0xc0: {  	[sflag:s4] =	ssyncset.done @p1 $0x0  }
0xc1: {  	[sflag:s4] =	ssyncadd.s32 @p1 $0xFFFFF800  }
0xc2: {  	[bflag:$0x0] =	sbarrier.arrive $0xFFFF  }
0xc3: {  	s20 =	simm.s32 $0x0;
	s23 =	rddreg [dreg:$0x6]  }
0xc4: {  	[tilespmem:s20], [sflag:$0x4] =	stream.linear.gather [hbm4b:s23+s20], $0x800, $0x38;
	[tilespmem:$0x1F8C0] =	vst v63  }
0xc5: {  	_ =	swait.ge [sflag:s0], $0x800  }
0xc6: {  	[sflag:s0] =	ssyncset.done $0x0  }
0xc7: {  	s11 =	simm.s32 $0x1000;
	s24 =	rddreg [dreg:$0x7];
	[sflag:s0] =	ssyncadd.s32 $0xFFFFF800  }
0xc8: {  	[tilespmem:s11], [sflag:$0x4] =	stream.linear.gather [hbm4b:s24+s20], $0x800, $0x38;
	[tilespmem:$0x1F8C0] =	vst v63  }
0xc9: {  	_ =	swait.ge [sflag:s0], $0x800  }
0xca: {  	[sflag:s0] =	ssyncset.done $0x0  }
0xcb: {  	s21 =	simm.s32 $0x2000;
	[sflag:s0] =	ssyncadd.s32 $0xFFFFF800  }
0xcc: {  	[tilespmem:s21], [sflag:$0x1] =	stream.indirect.gather [hbm4b:s1+s16], $0x80, s20, s16, $0xb8;
	[tilespmem:$0x1F8C0] =	vst v63  }
.Ltmp6:
0xcd: {  	_ = 	snop;
	(pc) =	sbr.rel .LBB2_5-.Ltmp6, $4  }
0xce: {  	s25 =	simm.s32 $0x4000;
	s26 =	simm.s32 $0x80  }
0xcf: {  	[tilespmem:s25], [sflag:$0x1] =	stream.indirect.gather [hbm4b:s1+s16], $0x80, s16, s16, $0xb8;
	[tilespmem:$0x1F8C0] =	vst v63  }
0xd0: {  	p3 =	por $0x0, $0x0;
	s28 =	simm.s32 $0x6000;
	s12 =	simm.s32 $0x0  }
0xd1: {  	[tilespmem:s28], [sflag:$0x1] =	stream.indirect.gather [hbm4b:s1+s16], $0x80, s26, s16, $0xb8;
	[tilespmem:$0x1F8C0] =	vst v63  }
.LBB2_18:
0xd2: {  	p4 =	seq.s32 s12, $0xA  }
.Ltmp7:
0xd3: {  	_ = 	snop;
	(pc) =	sbr.rel @p4 .LBB2_29-.Ltmp7, $2  }
0xd4: {  	_ =	sdelay $0x2  }
0xd5: {  	p3 =	por !p3, !p3;
	s4 =	sadd.s32 $0x20, s4;
	s11 =	sadd.s32 $0x40000, s11  }
.LBB2_19:
0xd6: {  	s15 =	smov.u32 s12;
	s12 =	sadd.s32 $0x1, s12;
	s19 =	simm.s32 $0x1  }
0xd7: {  	p4 =	seq.s32 s15, $0x9;
	s20 =	sand.u32 $0x1, s12;
	s19 =	simm.s32 @!p3 $0x0  }
0xd8: {  	s28 =	sshll.u32 s15, $0xB;
	s18 =	sshll.u32 @!p4 s12, $0xB;
	s21 =	sshll.u32 @!p4 s20, $0xB  }
0xd9: {  	s23 =	simm.s32 @!p4 $0x0;
	s26 =	sshll.u32 s19, $0xB;
	s18 =	sadd.s32 @!p4 s13, s18  }
0xda: {  	s19 =	sshll.u32 s20, $0xB;
	s20 =	smov.u32 s4;
	s18 =	sshrl.u32 @!p4 s18, $0x3  }
.Ltmp8:
0xdb: {  	s15 =	sor.u32 $0x1000, s26;
	s22 =	sadd.s32 @!p4 s6, s18;
	(pc) =	sbr.rel .LBB2_20-.Ltmp8, $4  }
0xdc: {  	[tilespmem:s21], [sflag:$0x3] =	stream.linear.gather @!p4 [hbm4b:s22+s23], $0x800, $0x38;
	[tilespmem:$0x1F8C0] =	vst v63  }
0xdd: {  	s18 =	sadd.s32 @!p4 s7, s18;
	s21 =	sor.u32 @!p4 $0x1000, s21;
	s22 =	simm.s32 $0x0  }
0xde: {  	[tilespmem:s21], [sflag:$0x3] =	stream.linear.gather @!p4 [hbm4b:s18+s23], $0x800, $0x38;
	[tilespmem:$0x1F8C0] =	vst v63  }
0xdf: {  	s18 =	sand.u32 $0x800, s28;
	s21 =	smov.u32 s11;
	s23 =	simm.s32 $0x0  }
.LBB2_21:
0xe0: {  	s26 =	sadd.s32 $0x3, s25;
	s28 =	simm.s32 $0x300;
	s25 =	smov.u32 s18  }
.LBB2_27:
0xe1: {  	s26 =	sshll.u32 s26, $0xD;
	s28 =	sshra.s32 s28, $0x2  }
0xe2: {  	s26 =	sand.u32 $0x3FFFE000, s26;
	s25 =	sadd.s32 s28, s25  }
0xe3: {  	s26 =	sadd.s32 $0x2000, s26;
	s24 =	sadd.s32 s24, s25  }
0xe4: {  	[tilespmem:s26], [sflag:$0x1] =	stream.indirect.gather [hbm4b:s5+s16], $0x80, s24, s16, $0xb8;
	[tilespmem:$0x1F8C0] =	vst v63  }
.LBB2_28:
0xe5: {  	s23 =	sadd.s32 $0x1, s23  }
0xe6: {  	p5 =	seq.s32 s23, $0x20  }
.Ltmp9:
0xe7: {  	_ = 	snop;
	(pc) =	sbr.rel @p5 .LBB2_18-.Ltmp9, $2  }
0xe8: {  	_ =	sdelay $0x2  }
0xe9: {  	s22 =	sadd.s32 $0x100, s22;
	s21 =	sadd.s32 $0x2000, s21;
	s20 =	sadd.s32 $0x1, s20  }
.LBB2_20:
0xea: {  	s24 =	smulhi.u32 $0xCCCCCCCD, s20;
	_ =	sdelay $0x1  }
0xeb: {  	s25 =	sadd.s32 s23, s4;
	s24 =	sshrl.u32 s24, $0x2  }
0xec: {  	p5 =	sgt.u32 s25, $0x1;
	s24 =	smul.u32 $0xFFFD8000, s24  }
.Ltmp10:
0xed: {  	_ = 	snop;
	(pc) =	sbr.rel @!p5 .LBB2_21-.Ltmp10, $4  }
0xee: {  	_ =	swait.ge [sflag:s14], $0x2000;
	s24 =	sshra.s32 s24, $0x2  }
0xef: {  	[sflag:s14] =	ssyncset.done $0x0;
	s26 =	sadd.s32 s24, s21;
	s24 =	sshra.s32 s22, $0x2  }
0xf0: {  	[sflag:s14] =	ssyncadd.s32 $0xFFFFE000;
	s28 =	sadd.s32 s24, s15  }
0xf1: {  	[spmem:s2] =	stream.indirect.scatter.add.f32 [tilespmem:s26], [sflag:$0x2], $0x80, s28, s16, $0xb8;
	[tilespmem:$0x1F8C0] =	vst v63  }
0xf2: {  	p5 =	seq.s32 @!p4 s23, $0x1D  }
0xf3: {  	p5 =	por p4, !p5  }
.Ltmp11:
0xf4: {  	_ = 	snop;
	(pc) =	sbr.rel @p5 .LBB2_23-.Ltmp11, $4  }
0xf5: {  	_ = 	snop  }
0xf6: {  	_ =	swait.ge [sflag:s8], $0x2000  }
0xf7: {  	[sflag:s8] =	ssyncset.done $0x0  }
0xf8: {  	[sflag:s8] =	ssyncadd.s32 $0xFFFFE000  }
0xf9: {  	_ =	swait.ge [sflag:s9], $0x800;
	p5 =	sgt.u32 s25, $0x13C  }
.Ltmp12:
0xfa: {  	[sflag:s9] =	ssyncset.done $0x0;
	(pc) =	sbr.rel @p5 .LBB2_28-.Ltmp12, $4  }
0xfb: {  	[sflag:s9] =	ssyncadd.s32 $0xFFFFF800  }
0xfc: {  	_ =	swait.ge [sflag:s9], $0x800  }
0xfd: {  	[sflag:s9] =	ssyncset.done $0x0  }
0xfe: {  	[sflag:s9] =	ssyncadd.s32 $0xFFFFF800  }
0xff: {  	s25 =	sadd.s32 $0x3, s25  }
0x100: {  	s26 =	sand.u32 $0xFFFF, s25  }
0x101: {  	s26 =	smul.u32 $0xCCCD, s26;
	_ =	sdelay $0x1  }
.Ltmp13:
0x102: {  	s26 =	sshrl.u32 s26, $0x12;
	(pc) =	sbr.rel .LBB2_27-.Ltmp13, $3  }
0x103: {  	s26 =	smul.u32 $0x5, s26;
	_ =	sdelay $0x1  }
0x104: {  	s25 =	ssub.s32 s25, s26  }
0x105: {  	s28 =	simm.s32 $0xFFFFE300;
	s26 =	sand.u32 $0xFFFF, s25;
	s25 =	smov.u32 s19  }
.LBB2_23:
0x106: {  	p5 =	slt.u32 s25, $0x13D  }
.Ltmp14:
0x107: {  	_ = 	snop;
	(pc) =	sbr.rel @!p5 .LBB2_28-.Ltmp14, $1  }
0x108: {  	_ =	sdelay $0x3  }
0x109: {  	s25 =	sadd.s32 $0x3, s25  }
0x10a: {  	s26 =	sand.u32 $0xFFFF, s25  }
0x10b: {  	s26 =	smul.u32 $0xCCCD, s26;
	_ =	sdelay $0x1  }
.Ltmp15:
0x10c: {  	s26 =	sshrl.u32 s26, $0x12;
	(pc) =	sbr.rel .LBB2_27-.Ltmp15, $4  }
0x10d: {  	s26 =	smul.u32 $0x5, s26  }
0x10e: {  	p5 =	slt.u32 s23, $0x1D  }
0x10f: {  	s28 =	simm.s32 $0x300;
	s26 =	ssub.s32 s25, s26;
	s25 =	smov.u32 s19  }
0x110: {  	s28 =	simm.s32 @!p5 $0xFFFFE300;
	s26 =	sand.u32 $0xFFFF, s26;
	s25 =	smov.u32 @p5 s18  }
.LBB2_4:
0x111: {  	p4 =	seq.s32 s12, $0xA  }
.Ltmp16:
0x112: {  	_ = 	snop;
	(pc) =	sbr.rel @p4 .LBB2_15-.Ltmp16, $2  }
0x113: {  	_ =	sdelay $0x2  }
0x114: {  	p3 =	por !p3, !p3;
	s20 =	sadd.s32 $0x20, s20;
	s21 =	sadd.s32 $0x40000, s21  }
.LBB2_5:
0x115: {  	s4 =	smov.u32 s12  }
0x116: {  	s12 =	sadd.s32 $0x1, s12;
	p4 =	seq.s32 s4, $0x9  }
0x117: {  	s11 =	sshll.u32 @!p4 s12, $0xB  }
0x118: {  	s15 =	simm.s32 $0x1;
	s11 =	sadd.s32 @!p4 s13, s11  }
0x119: {  	s19 =	sand.u32 $0x1, s12;
	s15 =	simm.s32 @!p3 $0x0;
	s11 =	sshrl.u32 @!p4 s11, $0x3  }
0x11a: {  	s18 =	sshll.u32 @!p4 s19, $0xB;
	s23 =	simm.s32 @!p4 $0x0;
	s22 =	sadd.s32 @!p4 s6, s11  }
0x11b: {  	[tilespmem:s18], [sflag:$0x3] =	stream.linear.gather @!p4 [hbm4b:s22+s23], $0x800, $0x38;
	[tilespmem:$0x1F8C0] =	vst v63  }
.Ltmp17:
0x11c: {  	s4 =	sshll.u32 s4, $0xB;
	s28 =	sshll.u32 s15, $0xB;
	(pc) =	sbr.rel .LBB2_6-.Ltmp17, $4  }
0x11d: {  	s19 =	sshll.u32 s19, $0xB;
	s11 =	sadd.s32 @!p4 s7, s11;
	s18 =	sor.u32 @!p4 $0x1000, s18  }
0x11e: {  	[tilespmem:s18], [sflag:$0x3] =	stream.linear.gather @!p4 [hbm4b:s11+s23], $0x800, $0x38;
	[tilespmem:$0x1F8C0] =	vst v63  }
0x11f: {  	s15 =	sor.u32 $0x1000, s28;
	s22 =	simm.s32 $0x0;
	s18 =	sand.u32 $0x800, s4  }
0x120: {  	s4 =	smov.u32 s20;
	s11 =	smov.u32 s21;
	s23 =	simm.s32 $0x0  }
.LBB2_7:
0x121: {  	s26 =	sadd.s32 $0x3, s25;
	s28 =	simm.s32 $0x300;
	s25 =	smov.u32 s18  }
.LBB2_13:
0x122: {  	s26 =	sshll.u32 s26, $0xD;
	s28 =	sshra.s32 s28, $0x2  }
0x123: {  	s26 =	sand.u32 $0x3FFFE000, s26;
	s25 =	sadd.s32 s28, s25  }
0x124: {  	s26 =	sadd.s32 $0x2000, s26;
	s24 =	sadd.s32 s24, s25  }
0x125: {  	[tilespmem:s26], [sflag:$0x1] =	stream.indirect.gather [hbm4b:s1+s16], $0x80, s24, s16, $0xb8;
	[tilespmem:$0x1F8C0] =	vst v63  }
.LBB2_14:
0x126: {  	s23 =	sadd.s32 $0x1, s23  }
0x127: {  	p5 =	seq.s32 s23, $0x20  }
.Ltmp18:
0x128: {  	_ = 	snop;
	(pc) =	sbr.rel @p5 .LBB2_4-.Ltmp18, $2  }
0x129: {  	_ =	sdelay $0x2  }
0x12a: {  	s22 =	sadd.s32 $0x100, s22;
	s11 =	sadd.s32 $0x2000, s11;
	s4 =	sadd.s32 $0x1, s4  }
.LBB2_6:
0x12b: {  	s24 =	smulhi.u32 $0xCCCCCCCD, s4;
	_ =	sdelay $0x1  }
0x12c: {  	s25 =	sadd.s32 s23, s20;
	s24 =	sshrl.u32 s24, $0x2  }
0x12d: {  	p5 =	sgt.u32 s25, $0x1;
	s24 =	smul.u32 $0xFFFD8000, s24  }
.Ltmp19:
0x12e: {  	_ = 	snop;
	(pc) =	sbr.rel @!p5 .LBB2_7-.Ltmp19, $4  }
0x12f: {  	_ =	swait.ge [sflag:s14], $0x2000;
	s24 =	sshra.s32 s24, $0x2  }
0x130: {  	[sflag:s14] =	ssyncset.done $0x0;
	s26 =	sadd.s32 s24, s11;
	s24 =	sshra.s32 s22, $0x2  }
0x131: {  	[sflag:s14] =	ssyncadd.s32 $0xFFFFE000;
	s28 =	sadd.s32 s24, s15  }
0x132: {  	[spmem:s2] =	stream.indirect.scatter.add.f32 [tilespmem:s26], [sflag:$0x2], $0x80, s28, s16, $0xb8;
	[tilespmem:$0x1F8C0] =	vst v63  }
0x133: {  	p5 =	seq.s32 @!p4 s23, $0x1D  }
0x134: {  	p5 =	por p4, !p5  }
.Ltmp20:
0x135: {  	_ = 	snop;
	(pc) =	sbr.rel @p5 .LBB2_9-.Ltmp20, $4  }
0x136: {  	_ = 	snop  }
0x137: {  	_ =	swait.ge [sflag:s8], $0x2000  }
0x138: {  	[sflag:s8] =	ssyncset.done $0x0  }
0x139: {  	[sflag:s8] =	ssyncadd.s32 $0xFFFFE000  }
0x13a: {  	_ =	swait.ge [sflag:s9], $0x800;
	p5 =	sgt.u32 s25, $0x13C  }
.Ltmp21:
0x13b: {  	[sflag:s9] =	ssyncset.done $0x0;
	(pc) =	sbr.rel @p5 .LBB2_14-.Ltmp21, $4  }
0x13c: {  	[sflag:s9] =	ssyncadd.s32 $0xFFFFF800  }
0x13d: {  	_ =	swait.ge [sflag:s9], $0x800  }
0x13e: {  	[sflag:s9] =	ssyncset.done $0x0  }
0x13f: {  	[sflag:s9] =	ssyncadd.s32 $0xFFFFF800  }
0x140: {  	s25 =	sadd.s32 $0x3, s25  }
0x141: {  	s26 =	sand.u32 $0xFFFF, s25  }
0x142: {  	s26 =	smul.u32 $0xCCCD, s26;
	_ =	sdelay $0x1  }
.Ltmp22:
0x143: {  	s26 =	sshrl.u32 s26, $0x12;
	(pc) =	sbr.rel .LBB2_13-.Ltmp22, $3  }
0x144: {  	s26 =	smul.u32 $0x5, s26;
	_ =	sdelay $0x1  }
0x145: {  	s25 =	ssub.s32 s25, s26  }
0x146: {  	s28 =	simm.s32 $0xFFFFE300;
	s26 =	sand.u32 $0xFFFF, s25;
	s25 =	smov.u32 s19  }
.LBB2_9:
0x147: {  	p5 =	slt.u32 s25, $0x13D  }
.Ltmp23:
0x148: {  	_ = 	snop;
	(pc) =	sbr.rel @!p5 .LBB2_14-.Ltmp23, $1  }
0x149: {  	_ =	sdelay $0x3  }
0x14a: {  	s25 =	sadd.s32 $0x3, s25  }
0x14b: {  	s26 =	sand.u32 $0xFFFF, s25  }
0x14c: {  	s26 =	smul.u32 $0xCCCD, s26;
	_ =	sdelay $0x1  }
.Ltmp24:
0x14d: {  	s26 =	sshrl.u32 s26, $0x12;
	(pc) =	sbr.rel .LBB2_13-.Ltmp24, $4  }
0x14e: {  	s26 =	smul.u32 $0x5, s26  }
0x14f: {  	p5 =	slt.u32 s23, $0x1D  }
0x150: {  	s28 =	simm.s32 $0x300;
	s26 =	ssub.s32 s25, s26;
	s25 =	smov.u32 s19  }
0x151: {  	s28 =	simm.s32 @!p5 $0xFFFFE300;
	s26 =	sand.u32 $0xFFFF, s26;
	s25 =	smov.u32 @p5 s18  }
.LBB2_29:
0x152: {  	_ =	swait.ge [sflag:s8], $0x2000  }
0x153: {  	[sflag:s8] =	ssyncset.done $0x0  }
0x154: {  	[sflag:s8] =	ssyncadd.s32 $0xFFFFE000  }
0x155: {  	_ =	swait.ge [sflag:s8], $0x2000  }
0x156: {  	[sflag:s8] =	ssyncset.done $0x0  }
0x157: {  	[sflag:s8] =	ssyncadd.s32 $0xFFFFE000  }
0x158: {  	s4 =	stileid.u32;
	[bflag:$0x0] =	sbarrier.arrive $0xFFFF  }
0x159: {  	s4 =	sshll.u32 s4, $0x6;
	s11 =	rddreg [dreg:$0x9]  }
0x15a: {  	s4 =	sor.u32 $0x1C04, s4;
	s12 =	rddreg [dreg:$0xa];
	s11 =	sshrl.u32 s11, $0x3  }
0x15b: {  	[hbm:s12], [sflag:s4] =	dma.local [spmem:s11], $0x2700  }
.Ltmp25:
0x15c: {  	_ = 	snop;
	(pc) =	sbr.rel @p2 .LBB2_31-.Ltmp25, $4  }
.Ltmp26:
0x15d: {  	_ = 	snop;
	(pc) =	sbr.rel @!p2 .LBB2_30-.Ltmp26, $4  }
0x15e: {  	_ =	swait.ge [sflag:s0], $0x2700  }
0x15f: {  	[sflag:s0] =	ssyncset.done $0x0  }
0x160: {  	s11 =	rddreg [dreg:$0x5];
	[sflag:s0] =	ssyncadd.s32 $0xFFFFD900  }
0x161: {  	_ = 	snop  }
.LBB2_15:
0x162: {  	_ =	swait.ge [sflag:s8], $0x2000  }
0x163: {  	[sflag:s8] =	ssyncset.done $0x0  }
0x164: {  	[sflag:s8] =	ssyncadd.s32 $0xFFFFE000  }
0x165: {  	_ =	swait.ge [sflag:s8], $0x2000  }
0x166: {  	[sflag:s8] =	ssyncset.done $0x0  }
0x167: {  	[sflag:s8] =	ssyncadd.s32 $0xFFFFE000  }
0x168: {  	s4 =	stileid.u32;
	[bflag:$0x0] =	sbarrier.arrive $0xFFFF  }
0x169: {  	s4 =	sshll.u32 s4, $0x6;
	s11 =	rddreg [dreg:$0x9]  }
0x16a: {  	s4 =	sor.u32 $0x1C04, s4;
	s12 =	rddreg [dreg:$0x8];
	s11 =	sshrl.u32 s11, $0x3  }
0x16b: {  	[hbm:s12], [sflag:s4] =	dma.local [spmem:s11], $0x2700  }
.Ltmp27:
0x16c: {  	_ = 	snop;
	(pc) =	sbr.rel @p1 .LBB2_30-.Ltmp27, $4  }
.Ltmp28:
0x16d: {  	_ = 	snop;
	(pc) =	sbr.rel @!p1 .LBB2_31-.Ltmp28, $4  }
0x16e: {  	_ =	swait.ge [sflag:s0], $0x2700  }
0x16f: {  	[sflag:s0] =	ssyncset.done $0x0  }
0x170: {  	s11 =	rddreg [dreg:$0x4];
	[sflag:s0] =	ssyncadd.s32 $0xFFFFD900  }
0x171: {  	_ = 	snop  }
.LBB2_32:
0x172: {  	_ =	sfence.sel $0x180000  }
0x173: {  	[bflag:$0x0] =	sbarrier.arrive $0xFFFF  }
0x174: {  	_ =	strace $0x9000004A  }
0x175: {  	s0 =	stileid.u32;
	[bflag:$0x2] =	sbarrier.arrive $0xFFFF  }
0x176: {  	p0 =	sne.s32 s0, $0x0;
	s0 =	rddreg [dreg:$0x3]  }
0x177: {  	s0 =	sadd.s32 @!p0 $0x100000, s0  }
0x178: {  	[sflag:s0] =	ssyncadd.tile.s32 @!p0 $0x1;
	_ =	shalt  }
.Lfunc_end2:
_tile_overlayer_lowered:
.L_overlay_start_2:
0x179: {  	(tag) =	ssettag $0x2  }
0x17a: {  	s0 =	rddreg [dreg:$0x0];
	s2 =	stileid.u32  }
0x17b: {  	s1 =	rddreg [dreg:$0x1];
	p0 =	sne.s32 s2, $0x0  }
0x17c: {  	s3 =	rddreg [dreg:$0x2];
	[bflag:$0x3] =	sbarrier.arrive $0xFFFF;
	s2 =	simm.s32 @!p0 $0x1C04  }
0x17d: {  	[timem:s3], [sflag:s2] =	dma.local @!p0 [hbm:s0], s1  }
0x17e: {  	s0 =	simm.s32 @!p0 $0x4  }
0x17f: {  	_ =	swait.ge @!p0 [sflag:s0], s1  }
0x180: {  	s1 =	ssub.s32 @!p0 $0x0, s1;
	[sflag:s0] =	ssyncset.done @!p0 $0x0  }
0x181: {  	[sflag:s0] =	ssyncadd.s32 @!p0 s1  }
0x182: {  	[bflag:$0x3] =	sbarrier.arrive $0xFFFF  }
0x183: {  	_ =	shalt  }

// kernel: kernel.14.cloned.1.call-start
scs
__scs_entry_jumppad:
0x0: {  	(pc) =	sbr.rel $0x88, $3  }
0x1: {  	(tag) =	ssettag $0x0;
	lr =	simm.s32 $0x1  }
0x2: {  	[smem:$0x3F97] =	sst lr;
	_ =	strace $0xD0000000  }
0x3: {  	_ = 	snop  }
0x4: {  	_ = 	snop  }
0x5: {  	_ = 	snop  }
0x6: {  	_ = 	snop  }
0x7: {  	_ = 	snop  }
__scs_overlays_trampoline_lowered:
0x8: {  	[smem:$0x3FA6] =	sst s0  }
0x9: {  	[smem:$0x3FA7] =	sst s1  }
0xa: {  	[smem:$0x3FA8] =	sst s2  }
0xb: {  	[smem:$0x3FA9] =	sst s3  }
0xc: {  	[smem:$0x3FAA] =	sst s4  }
0xd: {  	[smem:$0x3FAB] =	sst s5  }
0xe: {  	[smem:$0x3FAC] =	sst s6  }
0xf: {  	[smem:$0x3FAD] =	sst s7  }
0x10: {  	[smem:$0x3FAE] =	sst s8  }
0x11: {  	[smem:$0x3FAF] =	sst s9;
	s0 =	simm.s32 @!p0 $0x0  }
0x12: {  	s1 =	sld [smem:$0x3F95];
	s0 =	simm.s32 @p0 $0x1  }
0x13: {  	[smem:$0x3FB0] =	sst s0;
	s0 =	simm.s32 @!p1 $0x0  }
0x14: {  	s2 =	sld [smem:$0x3F94];
	s0 =	simm.s32 @p1 $0x1  }
0x15: {  	[smem:$0x3FB1] =	sst s0;
	s0 =	simm.s32 @!p2 $0x0  }
0x16: {  	s3 =	sld [smem:$0x3FDB];
	s0 =	simm.s32 @p2 $0x1  }
0x17: {  	s4 =	simm.s32 $0x1BF5;
	[smem:$0x3FB3] =	sst s0  }
0x18: {  	s0 =	sld [smem:$0x3F96];
	_ =	swait.ge [sflag:s4], $0x0  }
0x19: {  	s7 =	sld [smem:$0x3F97]  }
0x1a: {  	s8 =	sadd.s32 $0xFFFFE003, lr  }
0x1b: {  	s9 =	sadd.s32 $0xFFFFFEF7, lr;
	s5 =	simm.s32 $0xFFFFFFFF;
	p2 =	slt.u32 s8, $0xFFFFF086  }
0x1c: {  	p1 =	slt.u32 s9, $0xF7A;
	s5 =	simm.s32 @!p2 $0x0  }
0x1d: {  	s5 =	simm.s32 @p1 $0x1;
	p0 =	seq.s32 s7, s2  }
0x1e: {  	s7 =	smul.u32 @!p0 $0xF7A, s2;
	p2 =	seq.s32 @!p0 s5, $0x0  }
0x1f: {  	s9 =	smul.u32 $0xF7A, s1;
	s8 =	simm.s32 @!p0 $0x1BF5;
	p2 =	por !p2, p0  }
0x20: {  	[sflag:s8] =	ssyncset.s32 @!p0 $0xFFFFF086;
	s6 =	sadd.s32 @!p0 s3, s7;
	s7 =	simm.s32 @!p0 $0x108  }
0x21: {  	s3 =	sadd.s32 s3, s9;
	s6 =	sadd.s32 @!p0 $0x88, s6;
	s7 =	simm.s32 @p2 $0x1082  }
0x22: {  	[simem:s7], [sflag:s8] =	dma.local @!p0 [hbm:s6], $0xF7A  }
0x23: {  	s9 =	sor.u32 $0xD0000000, s2;
	s6 =	simm.s32 $0x108;
	_ =	swait.ge @!p0 [sflag:s8], $0x0  }
0x24: {  	s3 =	sadd.s32 $0x88, s3;
	s6 =	simm.s32 @!p1 $0x1082;
	[sflag:s4] =	ssyncset.s32 $0xFFFFF086  }
0x25: {  	[simem:s6], [sflag:s4] =	dma.local [hbm:s3], $0xF7A  }
0x26: {  	[smem:$0x3F97] =	sst s1;
	(tag) =	ssettag s2;
	_ =	strace s9  }
0x27: {  	s1 =	sld [smem:$0x3FA7]  }
0x28: {  	s2 =	sld [smem:$0x3FA8]  }
0x29: {  	s4 =	sld [smem:$0x3FAA]  }
0x2a: {  	p0 =	seq.s32 s5, $0x0;
	s5 =	sld [smem:$0x3FAB]  }
0x2b: {  	s6 =	sld [smem:$0x3FAC]  }
0x2c: {  	s7 =	sld [smem:$0x3FAD]  }
0x2d: {  	s3 =	simm.s32 $0x108;
	s8 =	sld [smem:$0x3FAE]  }
0x2e: {  	s3 =	simm.s32 @!p0 $0x1082;
	s9 =	sld [smem:$0x3FAF]  }
0x2f: {  	lr =	sadd.s32 s0, s3;
	s0 =	sld [smem:$0x3FA6]  }
0x30: {  	s3 =	sld [smem:$0x3FA9]  }
0x31: {  	[smem:$0x3FB2] =	sst s10  }
0x32: {  	s10 =	sld [smem:$0x3FB0];
	_ =	sdelay $0x3  }
0x33: {  	p0 =	seq.s32 s10, $0x1;
	s10 =	sld [smem:$0x3FB2];
	_ =	sdelay $0x3  }
0x34: {  	[smem:$0x3FB2] =	sst s10  }
0x35: {  	s10 =	sld [smem:$0x3FB1];
	_ =	sdelay $0x3  }
0x36: {  	p1 =	seq.s32 s10, $0x1;
	s10 =	sld [smem:$0x3FB2];
	_ =	sdelay $0x3  }
0x37: {  	[smem:$0x3FB2] =	sst s10  }
0x38: {  	s10 =	sld [smem:$0x3FB3]  }
0x39: {  	_ = 	snop;
	(pc) =	sbr.ind lr, $3  }
0x3a: {  	_ = 	snop  }
0x3b: {  	_ = 	snop  }
0x3c: {  	p2 =	seq.s32 s10, $0x1;
	s10 =	sld [smem:$0x3FB2]  }
0x3d: {  	_ =	shalt  }
0x3e: {  	_ =	shalt  }
0x3f: {  	_ =	shalt  }
0x40: {  	_ =	shalt  }
0x41: {  	_ =	shalt  }
0x42: {  	_ =	shalt  }
0x43: {  	_ =	shalt  }
0x44: {  	_ =	shalt  }
0x45: {  	_ =	shalt  }
0x46: {  	_ =	shalt  }
0x47: {  	_ =	shalt  }
0x48: {  	_ =	shalt  }
0x49: {  	_ =	shalt  }
0x4a: {  	_ =	shalt  }
0x4b: {  	_ =	shalt  }
0x4c: {  	_ =	shalt  }
0x4d: {  	_ =	shalt  }
0x4e: {  	_ =	shalt  }
0x4f: {  	_ =	shalt  }
0x50: {  	_ =	shalt  }
0x51: {  	_ =	shalt  }
0x52: {  	_ =	shalt  }
0x53: {  	_ =	shalt  }
0x54: {  	_ =	shalt  }
0x55: {  	_ =	shalt  }
0x56: {  	_ =	shalt  }
0x57: {  	_ =	shalt  }
0x58: {  	_ =	shalt  }
0x59: {  	_ =	shalt  }
0x5a: {  	_ =	shalt  }
0x5b: {  	_ =	shalt  }
0x5c: {  	_ =	shalt  }
0x5d: {  	_ =	shalt  }
0x5e: {  	_ =	shalt  }
0x5f: {  	_ =	shalt  }
0x60: {  	_ =	shalt  }
0x61: {  	_ =	shalt  }
0x62: {  	_ =	shalt  }
0x63: {  	_ =	shalt  }
0x64: {  	_ =	shalt  }
0x65: {  	_ =	shalt  }
0x66: {  	_ =	shalt  }
0x67: {  	_ =	shalt  }
0x68: {  	_ =	shalt  }
0x69: {  	_ =	shalt  }
0x6a: {  	_ =	shalt  }
0x6b: {  	_ =	shalt  }
0x6c: {  	_ =	shalt  }
0x6d: {  	_ =	shalt  }
0x6e: {  	_ =	shalt  }
0x6f: {  	_ =	shalt  }
0x70: {  	_ =	shalt  }
0x71: {  	_ =	shalt  }
0x72: {  	_ =	shalt  }
0x73: {  	_ =	shalt  }
0x74: {  	_ =	shalt  }
0x75: {  	_ =	shalt  }
0x76: {  	_ =	shalt  }
0x77: {  	_ =	shalt  }
0x78: {  	_ =	shalt  }
0x79: {  	_ =	shalt  }
0x7a: {  	_ =	shalt  }
0x7b: {  	_ =	shalt  }
0x7c: {  	_ =	shalt  }
0x7d: {  	_ =	shalt  }
0x7e: {  	_ =	shalt  }
0x7f: {  	_ =	shalt  }
0x80: {  	_ =	shalt  }
0x81: {  	_ =	shalt  }
0x82: {  	_ =	shalt  }
0x83: {  	_ =	shalt  }
0x84: {  	_ =	shalt  }
0x85: {  	_ =	shalt  }
0x86: {  	_ =	shalt  }
0x87: {  	_ =	shalt  }
.Lfunc_end0:
.L_simem_size_0:
called_computation.2_lowered:
.L_overlay_start_0:
0x88: {  	s2 =	sld [smem:$0x3FD9]  }
0x89: {  	s3 =	sld [smem:$0x3FFE];
	_ =	sdelay $0x1  }
0x8a: {  	s1 =	srdreg.scid  }
0x8b: {  	s0 =	sand.u32 $0x1, s1  }
0x8c: {  	s17 =	sshll.u32 s0, $0xA;
	s2 =	sadd.s32 s3, s2  }
0x8d: {  	s2 =	sadd.s32 s2, s17  }
0x8e: {  	[smem:$0x3FBE] =	sst s2  }
0x8f: {  	_ = 	snop  }
0x90: {  	s2 =	sld [smem:$0x3FD0];
	(tm) =	ssettm $0x1  }
0x91: {  	s18 =	sld [smem:$0x3FFB];
	_ =	sdelay $0x3  }
0x92: {  	_ =	strace s18  }
0x93: {  	s3 =	sld [smem:$0x3FFC];
	_ =	sdelay $0x3  }
0x94: {  	_ =	strace s3  }
0x95: {  	s3 =	sld [smem:$0x3FFD];
	_ =	sdelay $0x3  }
0x96: {  	_ =	strace s3  }
0x97: {  	_ =	strace $0x8FFFFFFF  }
0x98: {  	s19 =	sld [smem:$0x3FDB];
	_ =	sdelay $0x1  }
0x99: {  	s4 =	simm.s32 $_scs_section_size  }
0x9a: {  	s5 =	simm.s32 $_size__tile_overlayer_lowered;
	s6 =	simm.s32 $_tile_overlayer_lowered  }
0x9b: {  	s22 =	simm.s32 $0x1BFF;
	s21 =	sshll.u32 s6, $0x1;
	s3 =	sadd.s32 s4, s19  }
0x9c: {  	s7 =	simm.s32 $0x0;
	s20 =	sshll.u32 s5, $0x1;
	s5 =	sadd.s32 s21, s3  }
0x9d: {  	[timem:s7], [sflag:s22] =	dma.local [hbm:s5], s20  }
0x9e: {  	_ =	swait.ge [sflag:s22], s20  }
0x9f: {  	s4 =	ssub.s32 $0x0, s20;
	[sflag:s22] =	ssyncset.done $0x0  }
0xa0: {  	[sflag:s22] =	ssyncadd.s32 s4;
	_ =	sdelay $0x1  }
0xa1: {  	s23 =	simm.s32 $0x1B8B  }
0xa2: {  	_ =	swait.ge [sflag:s23], $0x1  }
0xa3: {  	[sflag:s23] =	ssyncset.done $0x0  }
0xa4: {  	s25 =	simm.s32 $0x1B8E;
	s24 =	sld [smem:$0x3FFE];
	[sflag:s23] =	ssyncadd.s32 $0xFFFFFFFF  }
0xa5: {  	s26 =	simm.s32 $execute0_lowered;
	[smem:$0x3FD2] =	sst s25  }
0xa6: {  	s5 =	sshll.u32 s26, $0x1;
	_ =	strace $0x8000004C;
	[dreg:$0x1] =	wrdreg $0xFFFFFFFF  }
0xa7: {  	s28 =	simm.s32 $_size_execute0_lowered;
	s3 =	sadd.s32 s3, s5;
	[dreg:$0x0] =	wrdreg $0x0  }
0xa8: {  	s5 =	sshll.u32 s28, $0x1;
	[dreg:$0x2] =	wrdreg s3  }
0xa9: {  	[dreg:$0x3] =	wrdreg s5  }
0xaa: {  	[dreg:$0x4] =	wrdreg $0xC0  }
0xab: {  	_ =	task [dreg:s7], $0x5FFFF  }
0xac: {  	[dreg:$0x1] =	wrdreg $0xFFFFFFFF  }
0xad: {  	[dreg:$0x0] =	wrdreg $0x60  }
0xae: {  	[dreg:$0x2] =	wrdreg s2  }
0xaf: {  	[dreg:$0x3] =	wrdreg s24  }
0xb0: {  	[dreg:$0x4] =	wrdreg $0xC0000  }
0xb1: {  	[dreg:$0x5] =	wrdreg $0x9  }
0xb2: {  	_ =	task.clear_ibuf [dreg:s7], $0x6FFFF;
	_ =	strace $0x9000004C  }
0xb3: {  	s29 =	simm.s32 $0x9;
	_ =	strace $0x8000004E  }
0xb4: {  	_ =	swait.ge [sflag:s29], $0x1  }
0xb5: {  	[sflag:s29] =	ssyncadd.s32 $0xFFFFFFFF  }
0xb6: {  	_ =	strace $0x9000004E  }
0xb7: {  	_ =	sfence  }
0xb8: {  	s30 =	sld [smem:$0x0];
	_ =	sdelay $0x2  }
0xb9: {  	s31 =	sshll.u32 s1, $0xD;
	s1 =	sshrl.u32 s1, $0x2  }
0xba: {  	s3 =	sand.u32 $0x4000, s31;
	s1 =	sadd.s32 s1, s30  }
0xbb: {  	s0 =	sor.u32 s3, s0;
	s1 =	sshll.u32 s1, $0x11  }
0xbc: {  	s0 =	sor.u32 s1, s0  }
0xbd: {  	s0 =	sadd.s32 $0x8F2B, s0  }
0xbe: {  	[sflag:s0] =	ssyncadd.remote.s32 $0x1  }
0xbf: {  	_ =	sfence.sel $0xFFFF  }
0xc0: {  	[dreg:$0x0] =	wrdreg $0xFFFFFFFF;
	(pc) =	sbr.abs _section_cstart, $3  }
0xc1: {  	[dreg:$0x1] =	wrdreg $0xFFFFFFFF  }
0xc2: {  	_ =	task.clear_ibuf [dreg:s7], $0x2FFFF;
	_ =	strace $0x9FFFFFFF  }
0xc3: {  	(tm) =	ssettm $0x7FFFFFFF  }
tec
execute0_lowered:
.L_overlay_start_1:
0x0: {  	(tag) =	ssettag $0x1  }
0x1: {  	s1 =	rddreg [dreg:$0x0]  }
0x2: {  	s0 =	rddreg [dreg:$0x1]  }
0x3: {  	s2 =	rddreg [dreg:$0x2]  }
0x4: {  	s3 =	simm.s32 $0x0;
	s4 =	srdreg.scid;
	s12 =	stileid.u32  }
0x5: {  	s31 =	simm.s32 $0x2000;
	[smem:$0x7FF] =	sst s3;
	s5 =	sadd.s32 $0x22E00, s0  }
0x6: {  	s6 =	sadd.s32 $0x18E00, s0;
	s4 =	sand.u32 $0x1, s4;
	s11 =	smul.u32 $0xA00, s12  }
0x7: {  	s7 =	sadd.s32 $0x4E00, s0;
	s14 =	sadd.s32 $0x4A000, s0;
	s25 =	smul.u32 $0x13800, s12  }
0x8: {  	s15 =	sadd.s32 $0x71200, s0;
	s10 =	sadd.s32 $0x138000, s2;
	s26 =	smul.u32 $0x4E000, s12  }
0x9: {  	_ =	strace $0x8000004D;
	s8 =	ssub.s32 $0x2, s4;
	[dreg:$0x4] =	wrdreg s14  }
0xa: {  	p0 =	seq.s32 s4, $0x1;
	[dreg:$0x5] =	wrdreg s15;
	s28 =	sadd.s32 s6, s11  }
0xb: {  	s13 =	sadd.s32 s7, s11;
	s16 =	sshrl.u32 s25, $0x3;
	[dreg:$0x6] =	wrdreg s28  }
0xc: {  	s9 =	sshrl.u32 s8, $0x1;
	[dreg:$0x7] =	wrdreg s13;
	s17 =	sadd.s32 s14, s16  }
0xd: {  	s24 =	ssub.s32 s8, s9;
	s8 =	sadd.s32 s25, s2;
	[dreg:$0x8] =	wrdreg s17  }
0xe: {  	s4 =	sshrl.u32 s26, $0x2;
	s18 =	sadd.s32 s15, s16;
	[dreg:$0x9] =	wrdreg s8  }
0xf: {  	[dreg:$0xa] =	wrdreg s18;
	s17 =	sadd.s32 s4, s2;
	s0 =	smax.u32 s24, $0x1  }
0x10: {  	p1 =	seq.s32 s12, $0xF;
	[dreg:$0xb] =	wrdreg s0;
	s19 =	sadd.s32 $0x1A00, s17  }
0x11: {  	p2 =	sne.s32 s12, $0xF;
	s20 =	sadd.s32 $0x3400, s17;
	[dreg:$0xc] =	wrdreg s19  }
0x12: {  	s13 =	smul.u32 $0x5000, s12;
	s21 =	sadd.s32 $0x4E00, s17;
	[dreg:$0xd] =	wrdreg s20  }
0x13: {  	s16 =	simm.s32 $0x40;
	s22 =	sadd.s32 $0x6800, s17;
	[dreg:$0xe] =	wrdreg s21  }
0x14: {  	s14 =	simm.s32 $0x1;
	s23 =	sadd.s32 $0x8200, s17;
	[dreg:$0xf] =	wrdreg s22  }
.Ltmp0:
0x15: {  	s24 =	sadd.s32 $0x9C00, s17;
	[dreg:$0x10] =	wrdreg s23;
	(pc) =	sbr.rel .LBB2_1-.Ltmp0, $4  }
0x16: {  	s9 =	simm.s32 $0x3;
	s25 =	sadd.s32 $0xB600, s17;
	[dreg:$0x11] =	wrdreg s24  }
0x17: {  	s8 =	simm.s32 $0x2;
	s26 =	sadd.s32 $0xD000, s17;
	[dreg:$0x12] =	wrdreg s25  }
0x18: {  	s28 =	sadd.s32 $0xEA00, s17;
	s29 =	sadd.s32 $0x10400, s17;
	[dreg:$0x13] =	wrdreg s26  }
0x19: {  	v0 =	vimm.f32 $0.0e+00;
	s30 =	sadd.s32 $0x11E00, s17;
	s0 =	simm.s32 $0x4;
	[dreg:$0x14] =	wrdreg s28  }
.LBB2_30:
0x1a: {  	s11 =	sadd.s32 $0x27000, s11;
	s12 =	sshrl.u32 s10, $0x3  }
0x1b: {  	[hbm:s11], [sflag:s4] =	dma.local [spmem:s12], $0x100  }
0x1c: {  	_ =	swait.ge [sflag:s0], $0x100  }
0x1d: {  	[sflag:s0] =	ssyncset.done $0x0  }
0x1e: {  	[sflag:s0] =	ssyncadd.s32 $0xFFFFFF00  }
.LBB2_31:
0x1f: {  	s3 =	sadd.s32 $0x1, s3;
	s4 =	rddreg [dreg:$0xb]  }
0x20: {  	p3 =	sne.s32 s3, s4  }
.Ltmp1:
0x21: {  	_ = 	snop;
	(pc) =	sbr.rel @!p3 .LBB2_32-.Ltmp1, $2  }
0x22: {  	_ =	sdelay $0x1  }
0x23: {  	[bflag:$0x0] =	sbarrier.arrive $0xFFFF;
	_ =	sdelay $0x1  }
.LBB2_1:
.Ltmp2:
0x24: {  	(pc) =	sbr.rel @!p0 .LBB2_2-.Ltmp2, $3  }
0x25: {  	_ =	sdelay $0x1  }
0x26: {  	s11 =	simm.s32 $0x1C0  }
0x27: {  	s4 =	sshra.s32 s11, $0x2;
	s11 =	sadd.s32 $0x200, s11  }
.LBB2_16:
0x28: {  	p3 =	seq.s32 s11, $0x67C0;
	[tilespmem:s4+$0x2000] =	vst v0  }
0x29: {  	[tilespmem:s4+$0x1F90] =	vst v0  }
0x2a: {  	[tilespmem:s4+$0x1FA0] =	vst v0  }
.Ltmp3:
0x2b: {  	[tilespmem:s4+$0x1FB0] =	vst v0;
	(pc) =	sbr.rel @!p3 .LBB2_16-.Ltmp3, $4  }
0x2c: {  	[tilespmem:s4+$0x1FC0] =	vst v0  }
0x2d: {  	[tilespmem:s4+$0x1FD0] =	vst v0  }
0x2e: {  	[tilespmem:s4+$0x1FE0] =	vst v0  }
0x2f: {  	[tilespmem:s4+$0x1FF0] =	vst v0;
	s4 =	sshra.s32 s11, $0x2;
	s11 =	sadd.s32 $0x200, s11  }
0x30: {  	[tilespmem:s4+$0x2000] =	vst v0  }
0x31: {  	[tilespmem:s4+$0x1F90] =	vst v0  }
0x32: {  	[tilespmem:s4+$0x1FA0] =	vst v0  }
0x33: {  	[tilespmem:s4+$0x1FB0] =	vst v0  }
0x34: {  	[tilespmem:s4+$0x1FC0] =	vst v0  }
0x35: {  	[tilespmem:s4+$0x1FD0] =	vst v0  }
0x36: {  	[tilespmem:s4+$0x1FE0] =	vst v0  }
0x37: {  	[tilespmem:s4+$0x1FF0] =	vst v0  }
0x38: {  	[spmem:s17] =	stream.linear.scatter [tilespmem:s31], [sflag:$0x4], $0x1A00, $0x38;
	[tilespmem:$0x1F8C0] =	vst v63  }
0x39: {  	_ =	swait.ge [sflag:s0], $0x1A00  }
0x3a: {  	[sflag:s0] =	ssyncset.done $0x0  }
0x3b: {  	s12 =	rddreg [dreg:$0xc];
	[sflag:s0] =	ssyncadd.s32 $0xFFFFE600  }
0x3c: {  	[spmem:s12] =	stream.linear.scatter [tilespmem:s31], [sflag:$0x4], $0x1A00, $0x38;
	[tilespmem:$0x1F8C0] =	vst v63  }
0x3d: {  	_ =	swait.ge [sflag:s0], $0x1A00  }
0x3e: {  	[sflag:s0] =	ssyncset.done $0x0  }
0x3f: {  	s15 =	rddreg [dreg:$0xd];
	[sflag:s0] =	ssyncadd.s32 $0xFFFFE600  }
0x40: {  	[spmem:s15] =	stream.linear.scatter [tilespmem:s31], [sflag:$0x4], $0x1A00, $0x38;
	[tilespmem:$0x1F8C0] =	vst v63  }
0x41: {  	_ =	swait.ge [sflag:s0], $0x1A00  }
0x42: {  	[sflag:s0] =	ssyncset.done $0x0  }
0x43: {  	s18 =	rddreg [dreg:$0xe];
	[sflag:s0] =	ssyncadd.s32 $0xFFFFE600  }
0x44: {  	[spmem:s18] =	stream.linear.scatter [tilespmem:s31], [sflag:$0x4], $0x1A00, $0x38;
	[tilespmem:$0x1F8C0] =	vst v63  }
0x45: {  	_ =	swait.ge [sflag:s0], $0x1A00  }
0x46: {  	[sflag:s0] =	ssyncset.done $0x0  }
0x47: {  	s19 =	rddreg [dreg:$0xf];
	[sflag:s0] =	ssyncadd.s32 $0xFFFFE600  }
0x48: {  	[spmem:s19] =	stream.linear.scatter [tilespmem:s31], [sflag:$0x4], $0x1A00, $0x38;
	[tilespmem:$0x1F8C0] =	vst v63  }
0x49: {  	_ =	swait.ge [sflag:s0], $0x1A00  }
0x4a: {  	[sflag:s0] =	ssyncset.done $0x0  }
0x4b: {  	s20 =	rddreg [dreg:$0x10];
	[sflag:s0] =	ssyncadd.s32 $0xFFFFE600  }
0x4c: {  	[spmem:s20] =	stream.linear.scatter [tilespmem:s31], [sflag:$0x4], $0x1A00, $0x38;
	[tilespmem:$0x1F8C0] =	vst v63  }
0x4d: {  	_ =	swait.ge [sflag:s0], $0x1A00  }
0x4e: {  	[sflag:s0] =	ssyncset.done $0x0  }
0x4f: {  	s21 =	rddreg [dreg:$0x11];
	[sflag:s0] =	ssyncadd.s32 $0xFFFFE600  }
0x50: {  	[spmem:s21] =	stream.linear.scatter [tilespmem:s31], [sflag:$0x4], $0x1A00, $0x38;
	[tilespmem:$0x1F8C0] =	vst v63  }
0x51: {  	_ =	swait.ge [sflag:s0], $0x1A00  }
0x52: {  	[sflag:s0] =	ssyncset.done $0x0  }
0x53: {  	s22 =	rddreg [dreg:$0x12];
	[sflag:s0] =	ssyncadd.s32 $0xFFFFE600  }
0x54: {  	[spmem:s22] =	stream.linear.scatter [tilespmem:s31], [sflag:$0x4], $0x1A00, $0x38;
	[tilespmem:$0x1F8C0] =	vst v63  }
0x55: {  	_ =	swait.ge [sflag:s0], $0x1A00  }
0x56: {  	[sflag:s0] =	ssyncset.done $0x0  }
0x57: {  	s23 =	rddreg [dreg:$0x13];
	[sflag:s0] =	ssyncadd.s32 $0xFFFFE600  }
0x58: {  	[spmem:s23] =	stream.linear.scatter [tilespmem:s31], [sflag:$0x4], $0x1A00, $0x38;
	[tilespmem:$0x1F8C0] =	vst v63  }
0x59: {  	_ =	swait.ge [sflag:s0], $0x1A00  }
0x5a: {  	[sflag:s0] =	ssyncset.done $0x0  }
0x5b: {  	s24 =	rddreg [dreg:$0x14];
	[sflag:s0] =	ssyncadd.s32 $0xFFFFE600  }
0x5c: {  	[spmem:s24] =	stream.linear.scatter [tilespmem:s31], [sflag:$0x4], $0x1A00, $0x38;
	[tilespmem:$0x1F8C0] =	vst v63  }
0x5d: {  	_ =	swait.ge [sflag:s0], $0x1A00  }
0x5e: {  	[sflag:s0] =	ssyncset.done $0x0  }
0x5f: {  	[sflag:s0] =	ssyncadd.s32 $0xFFFFE600  }
0x60: {  	[spmem:s29] =	stream.linear.scatter [tilespmem:s31], [sflag:$0x4], $0x1A00, $0x38;
	[tilespmem:$0x1F8C0] =	vst v63  }
0x61: {  	_ =	swait.ge [sflag:s0], $0x1A00  }
0x62: {  	[sflag:s0] =	ssyncset.done $0x0  }
0x63: {  	[sflag:s0] =	ssyncadd.s32 $0xFFFFE600  }
0x64: {  	[spmem:s30] =	stream.linear.scatter [tilespmem:s31], [sflag:$0x4], $0x1A00, $0x38;
	[tilespmem:$0x1F8C0] =	vst v63  }
0x65: {  	_ =	swait.ge [sflag:s0], $0x1A00  }
0x66: {  	[sflag:s0] =	ssyncset.done $0x0  }
0x67: {  	s4 =	simm.s32 @p1 $0x2000;
	[sflag:s0] =	ssyncadd.s32 $0xFFFFE600  }
0x68: {  	[spmem:s10] =	stream.linear.scatter @p1 [tilespmem:s4], [sflag:$0x4], $0x800, $0x38;
	[tilespmem:$0x1F8C0] =	vst v63  }
0x69: {  	s4 =	simm.s32 @p1 $0x4  }
0x6a: {  	_ =	swait.ge @p1 [sflag:s4], $0x800  }
0x6b: {  	[sflag:s4] =	ssyncset.done @p1 $0x0  }
0x6c: {  	[sflag:s4] =	ssyncadd.s32 @p1 $0xFFFFF800  }
0x6d: {  	[bflag:$0x0] =	sbarrier.arrive $0xFFFF  }
0x6e: {  	s4 =	simm.s32 $0x0;
	s11 =	rddreg [dreg:$0x6]  }
0x6f: {  	[tilespmem:s4], [sflag:$0x4] =	stream.linear.gather [hbm4b:s11+s4], $0x800, $0x38;
	[tilespmem:$0x1F8C0] =	vst v63  }
0x70: {  	_ =	swait.ge [sflag:s0], $0x800  }
0x71: {  	[sflag:s0] =	ssyncset.done $0x0  }
0x72: {  	s12 =	simm.s32 $0x1000;
	s25 =	rddreg [dreg:$0x7];
	[sflag:s0] =	ssyncadd.s32 $0xFFFFF800  }
0x73: {  	[tilespmem:s12], [sflag:$0x4] =	stream.linear.gather [hbm4b:s25+s4], $0x800, $0x38;
	[tilespmem:$0x1F8C0] =	vst v63  }
0x74: {  	_ =	swait.ge [sflag:s0], $0x800  }
0x75: {  	[sflag:s0] =	ssyncset.done $0x0  }
0x76: {  	s11 =	simm.s32 $0x2000;
	[sflag:s0] =	ssyncadd.s32 $0xFFFFF800  }
0x77: {  	[tilespmem:s11], [sflag:$0x1] =	stream.indirect.gather [hbm4b:s5+s16], $0x80, s4, s16, $0xb8;
	[tilespmem:$0x1F8C0] =	vst v63  }
.Ltmp4:
0x78: {  	_ = 	snop;
	(pc) =	sbr.rel .LBB2_19-.Ltmp4, $4  }
0x79: {  	s26 =	simm.s32 $0x4000;
	s28 =	simm.s32 $0x80  }
0x7a: {  	[tilespmem:s26], [sflag:$0x1] =	stream.indirect.gather [hbm4b:s5+s16], $0x80, s16, s16, $0xb8;
	[tilespmem:$0x1F8C0] =	vst v63  }
0x7b: {  	p3 =	por $0x0, $0x0;
	s15 =	simm.s32 $0x6000;
	s12 =	simm.s32 $0x0  }
0x7c: {  	[tilespmem:s15], [sflag:$0x1] =	stream.indirect.gather [hbm4b:s5+s16], $0x80, s28, s16, $0xb8;
	[tilespmem:$0x1F8C0] =	vst v63  }
.LBB2_2:
0x7d: {  	p3 =	seq.s32 s11, $0x67C0;
	[tilespmem:s4+$0x2000] =	vst v0  }
0x7e: {  	[tilespmem:s4+$0x1F90] =	vst v0  }
0x7f: {  	[tilespmem:s4+$0x1FA0] =	vst v0  }
.Ltmp5:
0x80: {  	[tilespmem:s4+$0x1FB0] =	vst v0;
	(pc) =	sbr.rel @!p3 .LBB2_2-.Ltmp5, $4  }
0x81: {  	[tilespmem:s4+$0x1FC0] =	vst v0  }
0x82: {  	[tilespmem:s4+$0x1FD0] =	vst v0  }
0x83: {  	[tilespmem:s4+$0x1FE0] =	vst v0  }
0x84: {  	[tilespmem:s4+$0x1FF0] =	vst v0;
	s4 =	sshra.s32 s11, $0x2;
	s11 =	sadd.s32 $0x200, s11  }
0x85: {  	[tilespmem:s4+$0x2000] =	vst v0  }
0x86: {  	[tilespmem:s4+$0x1F90] =	vst v0  }
0x87: {  	[tilespmem:s4+$0x1FA0] =	vst v0  }
0x88: {  	[tilespmem:s4+$0x1FB0] =	vst v0  }
0x89: {  	[tilespmem:s4+$0x1FC0] =	vst v0  }
0x8a: {  	[tilespmem:s4+$0x1FD0] =	vst v0  }
0x8b: {  	[tilespmem:s4+$0x1FE0] =	vst v0  }
0x8c: {  	[tilespmem:s4+$0x1FF0] =	vst v0  }
0x8d: {  	[spmem:s17] =	stream.linear.scatter [tilespmem:s31], [sflag:$0x4], $0x1A00, $0x38;
	[tilespmem:$0x1F8C0] =	vst v63  }
0x8e: {  	_ =	swait.ge [sflag:s0], $0x1A00  }
0x8f: {  	[sflag:s0] =	ssyncset.done $0x0  }
0x90: {  	s28 =	rddreg [dreg:$0xc];
	[sflag:s0] =	ssyncadd.s32 $0xFFFFE600  }
0x91: {  	[spmem:s28] =	stream.linear.scatter [tilespmem:s31], [sflag:$0x4], $0x1A00, $0x38;
	[tilespmem:$0x1F8C0] =	vst v63  }
0x92: {  	_ =	swait.ge [sflag:s0], $0x1A00  }
0x93: {  	[sflag:s0] =	ssyncset.done $0x0  }
0x94: {  	s11 =	rddreg [dreg:$0xd];
	[sflag:s0] =	ssyncadd.s32 $0xFFFFE600  }
0x95: {  	[spmem:s11] =	stream.linear.scatter [tilespmem:s31], [sflag:$0x4], $0x1A00, $0x38;
	[tilespmem:$0x1F8C0] =	vst v63  }
0x96: {  	_ =	swait.ge [sflag:s0], $0x1A00  }
0x97: {  	[sflag:s0] =	ssyncset.done $0x0  }
0x98: {  	s12 =	rddreg [dreg:$0xe];
	[sflag:s0] =	ssyncadd.s32 $0xFFFFE600  }
0x99: {  	[spmem:s12] =	stream.linear.scatter [tilespmem:s31], [sflag:$0x4], $0x1A00, $0x38;
	[tilespmem:$0x1F8C0] =	vst v63  }
0x9a: {  	_ =	swait.ge [sflag:s0], $0x1A00  }
0x9b: {  	[sflag:s0] =	ssyncset.done $0x0  }
0x9c: {  	s15 =	rddreg [dreg:$0xf];
	[sflag:s0] =	ssyncadd.s32 $0xFFFFE600  }
0x9d: {  	[spmem:s15] =	stream.linear.scatter [tilespmem:s31], [sflag:$0x4], $0x1A00, $0x38;
	[tilespmem:$0x1F8C0] =	vst v63  }
0x9e: {  	_ =	swait.ge [sflag:s0], $0x1A00  }
0x9f: {  	[sflag:s0] =	ssyncset.done $0x0  }
0xa0: {  	s18 =	rddreg [dreg:$0x10];
	[sflag:s0] =	ssyncadd.s32 $0xFFFFE600  }
0xa1: {  	[spmem:s18] =	stream.linear.scatter [tilespmem:s31], [sflag:$0x4], $0x1A00, $0x38;
	[tilespmem:$0x1F8C0] =	vst v63  }
0xa2: {  	_ =	swait.ge [sflag:s0], $0x1A00  }
0xa3: {  	[sflag:s0] =	ssyncset.done $0x0  }
0xa4: {  	s19 =	rddreg [dreg:$0x11];
	[sflag:s0] =	ssyncadd.s32 $0xFFFFE600  }
0xa5: {  	[spmem:s19] =	stream.linear.scatter [tilespmem:s31], [sflag:$0x4], $0x1A00, $0x38;
	[tilespmem:$0x1F8C0] =	vst v63  }
0xa6: {  	_ =	swait.ge [sflag:s0], $0x1A00  }
0xa7: {  	[sflag:s0] =	ssyncset.done $0x0  }
0xa8: {  	s20 =	rddreg [dreg:$0x12];
	[sflag:s0] =	ssyncadd.s32 $0xFFFFE600  }
0xa9: {  	[spmem:s20] =	stream.linear.scatter [tilespmem:s31], [sflag:$0x4], $0x1A00, $0x38;
	[tilespmem:$0x1F8C0] =	vst v63  }
0xaa: {  	_ =	swait.ge [sflag:s0], $0x1A00  }
0xab: {  	[sflag:s0] =	ssyncset.done $0x0  }
0xac: {  	s21 =	rddreg [dreg:$0x13];
	[sflag:s0] =	ssyncadd.s32 $0xFFFFE600  }
0xad: {  	[spmem:s21] =	stream.linear.scatter [tilespmem:s31], [sflag:$0x4], $0x1A00, $0x38;
	[tilespmem:$0x1F8C0] =	vst v63  }
0xae: {  	_ =	swait.ge [sflag:s0], $0x1A00  }
0xaf: {  	[sflag:s0] =	ssyncset.done $0x0  }
0xb0: {  	s22 =	rddreg [dreg:$0x14];
	[sflag:s0] =	ssyncadd.s32 $0xFFFFE600  }
0xb1: {  	[spmem:s22] =	stream.linear.scatter [tilespmem:s31], [sflag:$0x4], $0x1A00, $0x38;
	[tilespmem:$0x1F8C0] =	vst v63  }
0xb2: {  	_ =	swait.ge [sflag:s0], $0x1A00  }
0xb3: {  	[sflag:s0] =	ssyncset.done $0x0  }
0xb4: {  	[sflag:s0] =	ssyncadd.s32 $0xFFFFE600  }
0xb5: {  	[spmem:s29] =	stream.linear.scatter [tilespmem:s31], [sflag:$0x4], $0x1A00, $0x38;
	[tilespmem:$0x1F8C0] =	vst v63  }
0xb6: {  	_ =	swait.ge [sflag:s0], $0x1A00  }
0xb7: {  	[sflag:s0] =	ssyncset.done $0x0  }
0xb8: {  	[sflag:s0] =	ssyncadd.s32 $0xFFFFE600  }
0xb9: {  	[spmem:s30] =	stream.linear.scatter [tilespmem:s31], [sflag:$0x4], $0x1A00, $0x38;
	[tilespmem:$0x1F8C0] =	vst v63  }
0xba: {  	_ =	swait.ge [sflag:s0], $0x1A00  }
0xbb: {  	[sflag:s0] =	ssyncset.done $0x0  }
0xbc: {  	s4 =	simm.s32 @p1 $0x2000;
	[sflag:s0] =	ssyncadd.s32 $0xFFFFE600  }
0xbd: {  	[spmem:s10] =	stream.linear.scatter @p1 [tilespmem:s4], [sflag:$0x4], $0x800, $0x38;
	[tilespmem:$0x1F8C0] =	vst v63  }
0xbe: {  	s4 =	simm.s32 @p1 $0x4  }
0xbf: {  	_ =	swait.ge @p1 [sflag:s4], $0x800  }
0xc0: {  	[sflag:s4] =	ssyncset.done @p1 $0x0  }
0xc1: {  	[sflag:s4] =	ssyncadd.s32 @p1 $0xFFFFF800  }
0xc2: {  	[bflag:$0x0] =	sbarrier.arrive $0xFFFF  }
0xc3: {  	s20 =	simm.s32 $0x0;
	s23 =	rddreg [dreg:$0x6]  }
0xc4: {  	[tilespmem:s20], [sflag:$0x4] =	stream.linear.gather [hbm4b:s23+s20], $0x800, $0x38;
	[tilespmem:$0x1F8C0] =	vst v63  }
0xc5: {  	_ =	swait.ge [sflag:s0], $0x800  }
0xc6: {  	[sflag:s0] =	ssyncset.done $0x0  }
0xc7: {  	s11 =	simm.s32 $0x1000;
	s24 =	rddreg [dreg:$0x7];
	[sflag:s0] =	ssyncadd.s32 $0xFFFFF800  }
0xc8: {  	[tilespmem:s11], [sflag:$0x4] =	stream.linear.gather [hbm4b:s24+s20], $0x800, $0x38;
	[tilespmem:$0x1F8C0] =	vst v63  }
0xc9: {  	_ =	swait.ge [sflag:s0], $0x800  }
0xca: {  	[sflag:s0] =	ssyncset.done $0x0  }
0xcb: {  	s21 =	simm.s32 $0x2000;
	[sflag:s0] =	ssyncadd.s32 $0xFFFFF800  }
0xcc: {  	[tilespmem:s21], [sflag:$0x1] =	stream.indirect.gather [hbm4b:s1+s16], $0x80, s20, s16, $0xb8;
	[tilespmem:$0x1F8C0] =	vst v63  }
.Ltmp6:
0xcd: {  	_ = 	snop;
	(pc) =	sbr.rel .LBB2_5-.Ltmp6, $4  }
0xce: {  	s25 =	simm.s32 $0x4000;
	s26 =	simm.s32 $0x80  }
0xcf: {  	[tilespmem:s25], [sflag:$0x1] =	stream.indirect.gather [hbm4b:s1+s16], $0x80, s16, s16, $0xb8;
	[tilespmem:$0x1F8C0] =	vst v63  }
0xd0: {  	p3 =	por $0x0, $0x0;
	s28 =	simm.s32 $0x6000;
	s12 =	simm.s32 $0x0  }
0xd1: {  	[tilespmem:s28], [sflag:$0x1] =	stream.indirect.gather [hbm4b:s1+s16], $0x80, s26, s16, $0xb8;
	[tilespmem:$0x1F8C0] =	vst v63  }
.LBB2_18:
0xd2: {  	p4 =	seq.s32 s12, $0xA  }
.Ltmp7:
0xd3: {  	_ = 	snop;
	(pc) =	sbr.rel @p4 .LBB2_29-.Ltmp7, $2  }
0xd4: {  	_ =	sdelay $0x2  }
0xd5: {  	p3 =	por !p3, !p3;
	s4 =	sadd.s32 $0x20, s4;
	s11 =	sadd.s32 $0x40000, s11  }
.LBB2_19:
0xd6: {  	s15 =	smov.u32 s12;
	s12 =	sadd.s32 $0x1, s12;
	s19 =	simm.s32 $0x1  }
0xd7: {  	p4 =	seq.s32 s15, $0x9;
	s20 =	sand.u32 $0x1, s12;
	s19 =	simm.s32 @!p3 $0x0  }
0xd8: {  	s28 =	sshll.u32 s15, $0xB;
	s18 =	sshll.u32 @!p4 s12, $0xB;
	s21 =	sshll.u32 @!p4 s20, $0xB  }
0xd9: {  	s23 =	simm.s32 @!p4 $0x0;
	s26 =	sshll.u32 s19, $0xB;
	s18 =	sadd.s32 @!p4 s13, s18  }
0xda: {  	s19 =	sshll.u32 s20, $0xB;
	s20 =	smov.u32 s4;
	s18 =	sshrl.u32 @!p4 s18, $0x3  }
.Ltmp8:
0xdb: {  	s15 =	sor.u32 $0x1000, s26;
	s22 =	sadd.s32 @!p4 s6, s18;
	(pc) =	sbr.rel .LBB2_20-.Ltmp8, $4  }
0xdc: {  	[tilespmem:s21], [sflag:$0x3] =	stream.linear.gather @!p4 [hbm4b:s22+s23], $0x800, $0x38;
	[tilespmem:$0x1F8C0] =	vst v63  }
0xdd: {  	s18 =	sadd.s32 @!p4 s7, s18;
	s21 =	sor.u32 @!p4 $0x1000, s21;
	s22 =	simm.s32 $0x0  }
0xde: {  	[tilespmem:s21], [sflag:$0x3] =	stream.linear.gather @!p4 [hbm4b:s18+s23], $0x800, $0x38;
	[tilespmem:$0x1F8C0] =	vst v63  }
0xdf: {  	s18 =	sand.u32 $0x800, s28;
	s21 =	smov.u32 s11;
	s23 =	simm.s32 $0x0  }
.LBB2_21:
0xe0: {  	s26 =	sadd.s32 $0x3, s25;
	s28 =	simm.s32 $0x300;
	s25 =	smov.u32 s18  }
.LBB2_27:
0xe1: {  	s26 =	sshll.u32 s26, $0xD;
	s28 =	sshra.s32 s28, $0x2  }
0xe2: {  	s26 =	sand.u32 $0x3FFFE000, s26;
	s25 =	sadd.s32 s28, s25  }
0xe3: {  	s26 =	sadd.s32 $0x2000, s26;
	s24 =	sadd.s32 s24, s25  }
0xe4: {  	[tilespmem:s26], [sflag:$0x1] =	stream.indirect.gather [hbm4b:s5+s16], $0x80, s24, s16, $0xb8;
	[tilespmem:$0x1F8C0] =	vst v63  }
.LBB2_28:
0xe5: {  	s23 =	sadd.s32 $0x1, s23  }
0xe6: {  	p5 =	seq.s32 s23, $0x20  }
.Ltmp9:
0xe7: {  	_ = 	snop;
	(pc) =	sbr.rel @p5 .LBB2_18-.Ltmp9, $2  }
0xe8: {  	_ =	sdelay $0x2  }
0xe9: {  	s22 =	sadd.s32 $0x100, s22;
	s21 =	sadd.s32 $0x2000, s21;
	s20 =	sadd.s32 $0x1, s20  }
.LBB2_20:
0xea: {  	s24 =	smulhi.u32 $0xCCCCCCCD, s20;
	_ =	sdelay $0x1  }
0xeb: {  	s25 =	sadd.s32 s23, s4;
	s24 =	sshrl.u32 s24, $0x2  }
0xec: {  	p5 =	sgt.u32 s25, $0x1;
	s24 =	smul.u32 $0xFFFD8000, s24  }
.Ltmp10:
0xed: {  	_ = 	snop;
	(pc) =	sbr.rel @!p5 .LBB2_21-.Ltmp10, $4  }
0xee: {  	_ =	swait.ge [sflag:s14], $0x2000;
	s24 =	sshra.s32 s24, $0x2  }
0xef: {  	[sflag:s14] =	ssyncset.done $0x0;
	s26 =	sadd.s32 s24, s21;
	s24 =	sshra.s32 s22, $0x2  }
0xf0: {  	[sflag:s14] =	ssyncadd.s32 $0xFFFFE000;
	s28 =	sadd.s32 s24, s15  }
0xf1: {  	[spmem:s2] =	stream.indirect.scatter.add.f32 [tilespmem:s26], [sflag:$0x2], $0x80, s28, s16, $0xb8;
	[tilespmem:$0x1F8C0] =	vst v63  }
0xf2: {  	p5 =	seq.s32 @!p4 s23, $0x1D  }
0xf3: {  	p5 =	por p4, !p5  }
.Ltmp11:
0xf4: {  	_ = 	snop;
	(pc) =	sbr.rel @p5 .LBB2_23-.Ltmp11, $4  }
0xf5: {  	_ = 	snop  }
0xf6: {  	_ =	swait.ge [sflag:s8], $0x2000  }
0xf7: {  	[sflag:s8] =	ssyncset.done $0x0  }
0xf8: {  	[sflag:s8] =	ssyncadd.s32 $0xFFFFE000  }
0xf9: {  	_ =	swait.ge [sflag:s9], $0x800;
	p5 =	sgt.u32 s25, $0x13C  }
.Ltmp12:
0xfa: {  	[sflag:s9] =	ssyncset.done $0x0;
	(pc) =	sbr.rel @p5 .LBB2_28-.Ltmp12, $4  }
0xfb: {  	[sflag:s9] =	ssyncadd.s32 $0xFFFFF800  }
0xfc: {  	_ =	swait.ge [sflag:s9], $0x800  }
0xfd: {  	[sflag:s9] =	ssyncset.done $0x0  }
0xfe: {  	[sflag:s9] =	ssyncadd.s32 $0xFFFFF800  }
0xff: {  	s25 =	sadd.s32 $0x3, s25  }
0x100: {  	s26 =	sand.u32 $0xFFFF, s25  }
0x101: {  	s26 =	smul.u32 $0xCCCD, s26;
	_ =	sdelay $0x1  }
.Ltmp13:
0x102: {  	s26 =	sshrl.u32 s26, $0x12;
	(pc) =	sbr.rel .LBB2_27-.Ltmp13, $3  }
0x103: {  	s26 =	smul.u32 $0x5, s26;
	_ =	sdelay $0x1  }
0x104: {  	s25 =	ssub.s32 s25, s26  }
0x105: {  	s28 =	simm.s32 $0xFFFFE300;
	s26 =	sand.u32 $0xFFFF, s25;
	s25 =	smov.u32 s19  }
.LBB2_23:
0x106: {  	p5 =	slt.u32 s25, $0x13D  }
.Ltmp14:
0x107: {  	_ = 	snop;
	(pc) =	sbr.rel @!p5 .LBB2_28-.Ltmp14, $1  }
0x108: {  	_ =	sdelay $0x3  }
0x109: {  	s25 =	sadd.s32 $0x3, s25  }
0x10a: {  	s26 =	sand.u32 $0xFFFF, s25  }
0x10b: {  	s26 =	smul.u32 $0xCCCD, s26;
	_ =	sdelay $0x1  }
.Ltmp15:
0x10c: {  	s26 =	sshrl.u32 s26, $0x12;
	(pc) =	sbr.rel .LBB2_27-.Ltmp15, $4  }
0x10d: {  	s26 =	smul.u32 $0x5, s26  }
0x10e: {  	p5 =	slt.u32 s23, $0x1D  }
0x10f: {  	s28 =	simm.s32 $0x300;
	s26 =	ssub.s32 s25, s26;
	s25 =	smov.u32 s19  }
0x110: {  	s28 =	simm.s32 @!p5 $0xFFFFE300;
	s26 =	sand.u32 $0xFFFF, s26;
	s25 =	smov.u32 @p5 s18  }
.LBB2_4:
0x111: {  	p4 =	seq.s32 s12, $0xA  }
.Ltmp16:
0x112: {  	_ = 	snop;
	(pc) =	sbr.rel @p4 .LBB2_15-.Ltmp16, $2  }
0x113: {  	_ =	sdelay $0x2  }
0x114: {  	p3 =	por !p3, !p3;
	s20 =	sadd.s32 $0x20, s20;
	s21 =	sadd.s32 $0x40000, s21  }
.LBB2_5:
0x115: {  	s4 =	smov.u32 s12  }
0x116: {  	s12 =	sadd.s32 $0x1, s12;
	p4 =	seq.s32 s4, $0x9  }
0x117: {  	s11 =	sshll.u32 @!p4 s12, $0xB  }
0x118: {  	s15 =	simm.s32 $0x1;
	s11 =	sadd.s32 @!p4 s13, s11  }
0x119: {  	s19 =	sand.u32 $0x1, s12;
	s15 =	simm.s32 @!p3 $0x0;
	s11 =	sshrl.u32 @!p4 s11, $0x3  }
0x11a: {  	s18 =	sshll.u32 @!p4 s19, $0xB;
	s23 =	simm.s32 @!p4 $0x0;
	s22 =	sadd.s32 @!p4 s6, s11  }
0x11b: {  	[tilespmem:s18], [sflag:$0x3] =	stream.linear.gather @!p4 [hbm4b:s22+s23], $0x800, $0x38;
	[tilespmem:$0x1F8C0] =	vst v63  }
.Ltmp17:
0x11c: {  	s4 =	sshll.u32 s4, $0xB;
	s28 =	sshll.u32 s15, $0xB;
	(pc) =	sbr.rel .LBB2_6-.Ltmp17, $4  }
0x11d: {  	s19 =	sshll.u32 s19, $0xB;
	s11 =	sadd.s32 @!p4 s7, s11;
	s18 =	sor.u32 @!p4 $0x1000, s18  }
0x11e: {  	[tilespmem:s18], [sflag:$0x3] =	stream.linear.gather @!p4 [hbm4b:s11+s23], $0x800, $0x38;
	[tilespmem:$0x1F8C0] =	vst v63  }
0x11f: {  	s15 =	sor.u32 $0x1000, s28;
	s22 =	simm.s32 $0x0;
	s18 =	sand.u32 $0x800, s4  }
0x120: {  	s4 =	smov.u32 s20;
	s11 =	smov.u32 s21;
	s23 =	simm.s32 $0x0  }
.LBB2_7:
0x121: {  	s26 =	sadd.s32 $0x3, s25;
	s28 =	simm.s32 $0x300;
	s25 =	smov.u32 s18  }
.LBB2_13:
0x122: {  	s26 =	sshll.u32 s26, $0xD;
	s28 =	sshra.s32 s28, $0x2  }
0x123: {  	s26 =	sand.u32 $0x3FFFE000, s26;
	s25 =	sadd.s32 s28, s25  }
0x124: {  	s26 =	sadd.s32 $0x2000, s26;
	s24 =	sadd.s32 s24, s25  }
0x125: {  	[tilespmem:s26], [sflag:$0x1] =	stream.indirect.gather [hbm4b:s1+s16], $0x80, s24, s16, $0xb8;
	[tilespmem:$0x1F8C0] =	vst v63  }
.LBB2_14:
0x126: {  	s23 =	sadd.s32 $0x1, s23  }
0x127: {  	p5 =	seq.s32 s23, $0x20  }
.Ltmp18:
0x128: {  	_ = 	snop;
	(pc) =	sbr.rel @p5 .LBB2_4-.Ltmp18, $2  }
0x129: {  	_ =	sdelay $0x2  }
0x12a: {  	s22 =	sadd.s32 $0x100, s22;
	s11 =	sadd.s32 $0x2000, s11;
	s4 =	sadd.s32 $0x1, s4  }
.LBB2_6:
0x12b: {  	s24 =	smulhi.u32 $0xCCCCCCCD, s4;
	_ =	sdelay $0x1  }
0x12c: {  	s25 =	sadd.s32 s23, s20;
	s24 =	sshrl.u32 s24, $0x2  }
0x12d: {  	p5 =	sgt.u32 s25, $0x1;
	s24 =	smul.u32 $0xFFFD8000, s24  }
.Ltmp19:
0x12e: {  	_ = 	snop;
	(pc) =	sbr.rel @!p5 .LBB2_7-.Ltmp19, $4  }
0x12f: {  	_ =	swait.ge [sflag:s14], $0x2000;
	s24 =	sshra.s32 s24, $0x2  }
0x130: {  	[sflag:s14] =	ssyncset.done $0x0;
	s26 =	sadd.s32 s24, s11;
	s24 =	sshra.s32 s22, $0x2  }
0x131: {  	[sflag:s14] =	ssyncadd.s32 $0xFFFFE000;
	s28 =	sadd.s32 s24, s15  }
0x132: {  	[spmem:s2] =	stream.indirect.scatter.add.f32 [tilespmem:s26], [sflag:$0x2], $0x80, s28, s16, $0xb8;
	[tilespmem:$0x1F8C0] =	vst v63  }
0x133: {  	p5 =	seq.s32 @!p4 s23, $0x1D  }
0x134: {  	p5 =	por p4, !p5  }
.Ltmp20:
0x135: {  	_ = 	snop;
	(pc) =	sbr.rel @p5 .LBB2_9-.Ltmp20, $4  }
0x136: {  	_ = 	snop  }
0x137: {  	_ =	swait.ge [sflag:s8], $0x2000  }
0x138: {  	[sflag:s8] =	ssyncset.done $0x0  }
0x139: {  	[sflag:s8] =	ssyncadd.s32 $0xFFFFE000  }
0x13a: {  	_ =	swait.ge [sflag:s9], $0x800;
	p5 =	sgt.u32 s25, $0x13C  }
.Ltmp21:
0x13b: {  	[sflag:s9] =	ssyncset.done $0x0;
	(pc) =	sbr.rel @p5 .LBB2_14-.Ltmp21, $4  }
0x13c: {  	[sflag:s9] =	ssyncadd.s32 $0xFFFFF800  }
0x13d: {  	_ =	swait.ge [sflag:s9], $0x800  }
0x13e: {  	[sflag:s9] =	ssyncset.done $0x0  }
0x13f: {  	[sflag:s9] =	ssyncadd.s32 $0xFFFFF800  }
0x140: {  	s25 =	sadd.s32 $0x3, s25  }
0x141: {  	s26 =	sand.u32 $0xFFFF, s25  }
0x142: {  	s26 =	smul.u32 $0xCCCD, s26;
	_ =	sdelay $0x1  }
.Ltmp22:
0x143: {  	s26 =	sshrl.u32 s26, $0x12;
	(pc) =	sbr.rel .LBB2_13-.Ltmp22, $3  }
0x144: {  	s26 =	smul.u32 $0x5, s26;
	_ =	sdelay $0x1  }
0x145: {  	s25 =	ssub.s32 s25, s26  }
0x146: {  	s28 =	simm.s32 $0xFFFFE300;
	s26 =	sand.u32 $0xFFFF, s25;
	s25 =	smov.u32 s19  }
.LBB2_9:
0x147: {  	p5 =	slt.u32 s25, $0x13D  }
.Ltmp23:
0x148: {  	_ = 	snop;
	(pc) =	sbr.rel @!p5 .LBB2_14-.Ltmp23, $1  }
0x149: {  	_ =	sdelay $0x3  }
0x14a: {  	s25 =	sadd.s32 $0x3, s25  }
0x14b: {  	s26 =	sand.u32 $0xFFFF, s25  }
0x14c: {  	s26 =	smul.u32 $0xCCCD, s26;
	_ =	sdelay $0x1  }
.Ltmp24:
0x14d: {  	s26 =	sshrl.u32 s26, $0x12;
	(pc) =	sbr.rel .LBB2_13-.Ltmp24, $4  }
0x14e: {  	s26 =	smul.u32 $0x5, s26  }
0x14f: {  	p5 =	slt.u32 s23, $0x1D  }
0x150: {  	s28 =	simm.s32 $0x300;
	s26 =	ssub.s32 s25, s26;
	s25 =	smov.u32 s19  }
0x151: {  	s28 =	simm.s32 @!p5 $0xFFFFE300;
	s26 =	sand.u32 $0xFFFF, s26;
	s25 =	smov.u32 @p5 s18  }
.LBB2_29:
0x152: {  	_ =	swait.ge [sflag:s8], $0x2000  }
0x153: {  	[sflag:s8] =	ssyncset.done $0x0  }
0x154: {  	[sflag:s8] =	ssyncadd.s32 $0xFFFFE000  }
0x155: {  	_ =	swait.ge [sflag:s8], $0x2000  }
0x156: {  	[sflag:s8] =	ssyncset.done $0x0  }
0x157: {  	[sflag:s8] =	ssyncadd.s32 $0xFFFFE000  }
0x158: {  	s4 =	stileid.u32;
	[bflag:$0x0] =	sbarrier.arrive $0xFFFF  }
0x159: {  	s4 =	sshll.u32 s4, $0x6;
	s11 =	rddreg [dreg:$0x9]  }
0x15a: {  	s4 =	sor.u32 $0x1C04, s4;
	s12 =	rddreg [dreg:$0xa];
	s11 =	sshrl.u32 s11, $0x3  }
0x15b: {  	[hbm:s12], [sflag:s4] =	dma.local [spmem:s11], $0x2700  }
.Ltmp25:
0x15c: {  	_ = 	snop;
	(pc) =	sbr.rel @p2 .LBB2_31-.Ltmp25, $4  }
.Ltmp26:
0x15d: {  	_ = 	snop;
	(pc) =	sbr.rel @!p2 .LBB2_30-.Ltmp26, $4  }
0x15e: {  	_ =	swait.ge [sflag:s0], $0x2700  }
0x15f: {  	[sflag:s0] =	ssyncset.done $0x0  }
0x160: {  	s11 =	rddreg [dreg:$0x5];
	[sflag:s0] =	ssyncadd.s32 $0xFFFFD900  }
0x161: {  	_ = 	snop  }
.LBB2_15:
0x162: {  	_ =	swait.ge [sflag:s8], $0x2000  }
0x163: {  	[sflag:s8] =	ssyncset.done $0x0  }
0x164: {  	[sflag:s8] =	ssyncadd.s32 $0xFFFFE000  }
0x165: {  	_ =	swait.ge [sflag:s8], $0x2000  }
0x166: {  	[sflag:s8] =	ssyncset.done $0x0  }
0x167: {  	[sflag:s8] =	ssyncadd.s32 $0xFFFFE000  }
0x168: {  	s4 =	stileid.u32;
	[bflag:$0x0] =	sbarrier.arrive $0xFFFF  }
0x169: {  	s4 =	sshll.u32 s4, $0x6;
	s11 =	rddreg [dreg:$0x9]  }
0x16a: {  	s4 =	sor.u32 $0x1C04, s4;
	s12 =	rddreg [dreg:$0x8];
	s11 =	sshrl.u32 s11, $0x3  }
0x16b: {  	[hbm:s12], [sflag:s4] =	dma.local [spmem:s11], $0x2700  }
.Ltmp27:
0x16c: {  	_ = 	snop;
	(pc) =	sbr.rel @p1 .LBB2_30-.Ltmp27, $4  }
.Ltmp28:
0x16d: {  	_ = 	snop;
	(pc) =	sbr.rel @!p1 .LBB2_31-.Ltmp28, $4  }
0x16e: {  	_ =	swait.ge [sflag:s0], $0x2700  }
0x16f: {  	[sflag:s0] =	ssyncset.done $0x0  }
0x170: {  	s11 =	rddreg [dreg:$0x4];
	[sflag:s0] =	ssyncadd.s32 $0xFFFFD900  }
0x171: {  	_ = 	snop  }
.LBB2_32:
0x172: {  	_ =	sfence.sel $0x180000  }
0x173: {  	[bflag:$0x0] =	sbarrier.arrive $0xFFFF  }
0x174: {  	_ =	strace $0x9000004D  }
0x175: {  	s0 =	stileid.u32;
	[bflag:$0x2] =	sbarrier.arrive $0xFFFF  }
0x176: {  	p0 =	sne.s32 s0, $0x0;
	s0 =	rddreg [dreg:$0x3]  }
0x177: {  	s0 =	sadd.s32 @!p0 $0x100000, s0  }
0x178: {  	[sflag:s0] =	ssyncadd.tile.s32 @!p0 $0x1;
	_ =	shalt  }
.Lfunc_end2:
_tile_overlayer_lowered:
.L_overlay_start_2:
0x179: {  	(tag) =	ssettag $0x2  }
0x17a: {  	s0 =	rddreg [dreg:$0x0];
	s2 =	stileid.u32  }
0x17b: {  	s1 =	rddreg [dreg:$0x1];
	p0 =	sne.s32 s2, $0x0  }
0x17c: {  	s3 =	rddreg [dreg:$0x2];
	[bflag:$0x3] =	sbarrier.arrive $0xFFFF;
	s2 =	simm.s32 @!p0 $0x1C04  }
0x17d: {  	[timem:s3], [sflag:s2] =	dma.local @!p0 [hbm:s0], s1  }
0x17e: {  	s0 =	simm.s32 @!p0 $0x4  }
0x17f: {  	_ =	swait.ge @!p0 [sflag:s0], s1  }
0x180: {  	s1 =	ssub.s32 @!p0 $0x0, s1;
	[sflag:s0] =	ssyncset.done @!p0 $0x0  }
0x181: {  	[sflag:s0] =	ssyncadd.s32 @!p0 s1  }
0x182: {  	[bflag:$0x3] =	sbarrier.arrive $0xFFFF  }
0x183: {  	_ =	shalt  }

// kernel: kernel.8.cloned.1.call-start
scs
__scs_entry_jumppad:
0x0: {  	(pc) =	sbr.rel $0x88, $3  }
0x1: {  	(tag) =	ssettag $0x0;
	lr =	simm.s32 $0x1  }
0x2: {  	[smem:$0x3F97] =	sst lr;
	_ =	strace $0xD0000000  }
0x3: {  	_ = 	snop  }
0x4: {  	_ = 	snop  }
0x5: {  	_ = 	snop  }
0x6: {  	_ = 	snop  }
0x7: {  	_ = 	snop  }
__scs_overlays_trampoline_lowered:
0x8: {  	[smem:$0x3FA6] =	sst s0  }
0x9: {  	[smem:$0x3FA7] =	sst s1  }
0xa: {  	[smem:$0x3FA8] =	sst s2  }
0xb: {  	[smem:$0x3FA9] =	sst s3  }
0xc: {  	[smem:$0x3FAA] =	sst s4  }
0xd: {  	[smem:$0x3FAB] =	sst s5  }
0xe: {  	[smem:$0x3FAC] =	sst s6  }
0xf: {  	[smem:$0x3FAD] =	sst s7  }
0x10: {  	[smem:$0x3FAE] =	sst s8  }
0x11: {  	[smem:$0x3FAF] =	sst s9;
	s0 =	simm.s32 @!p0 $0x0  }
0x12: {  	s1 =	sld [smem:$0x3F95];
	s0 =	simm.s32 @p0 $0x1  }
0x13: {  	[smem:$0x3FB0] =	sst s0;
	s0 =	simm.s32 @!p1 $0x0  }
0x14: {  	s2 =	sld [smem:$0x3F94];
	s0 =	simm.s32 @p1 $0x1  }
0x15: {  	[smem:$0x3FB1] =	sst s0;
	s0 =	simm.s32 @!p2 $0x0  }
0x16: {  	s3 =	sld [smem:$0x3FDB];
	s0 =	simm.s32 @p2 $0x1  }
0x17: {  	s4 =	simm.s32 $0x1BF5;
	[smem:$0x3FB3] =	sst s0  }
0x18: {  	s0 =	sld [smem:$0x3F96];
	_ =	swait.ge [sflag:s4], $0x0  }
0x19: {  	s7 =	sld [smem:$0x3F97]  }
0x1a: {  	s8 =	sadd.s32 $0xFFFFE003, lr  }
0x1b: {  	s9 =	sadd.s32 $0xFFFFFEF7, lr;
	s5 =	simm.s32 $0xFFFFFFFF;
	p2 =	slt.u32 s8, $0xFFFFF086  }
0x1c: {  	p1 =	slt.u32 s9, $0xF7A;
	s5 =	simm.s32 @!p2 $0x0  }
0x1d: {  	s5 =	simm.s32 @p1 $0x1;
	p0 =	seq.s32 s7, s2  }
0x1e: {  	s7 =	smul.u32 @!p0 $0xF7A, s2;
	p2 =	seq.s32 @!p0 s5, $0x0  }
0x1f: {  	s9 =	smul.u32 $0xF7A, s1;
	s8 =	simm.s32 @!p0 $0x1BF5;
	p2 =	por !p2, p0  }
0x20: {  	[sflag:s8] =	ssyncset.s32 @!p0 $0xFFFFF086;
	s6 =	sadd.s32 @!p0 s3, s7;
	s7 =	simm.s32 @!p0 $0x108  }
0x21: {  	s3 =	sadd.s32 s3, s9;
	s6 =	sadd.s32 @!p0 $0x88, s6;
	s7 =	simm.s32 @p2 $0x1082  }
0x22: {  	[simem:s7], [sflag:s8] =	dma.local @!p0 [hbm:s6], $0xF7A  }
0x23: {  	s9 =	sor.u32 $0xD0000000, s2;
	s6 =	simm.s32 $0x108;
	_ =	swait.ge @!p0 [sflag:s8], $0x0  }
0x24: {  	s3 =	sadd.s32 $0x88, s3;
	s6 =	simm.s32 @!p1 $0x1082;
	[sflag:s4] =	ssyncset.s32 $0xFFFFF086  }
0x25: {  	[simem:s6], [sflag:s4] =	dma.local [hbm:s3], $0xF7A  }
0x26: {  	[smem:$0x3F97] =	sst s1;
	(tag) =	ssettag s2;
	_ =	strace s9  }
0x27: {  	s1 =	sld [smem:$0x3FA7]  }
0x28: {  	s2 =	sld [smem:$0x3FA8]  }
0x29: {  	s4 =	sld [smem:$0x3FAA]  }
0x2a: {  	p0 =	seq.s32 s5, $0x0;
	s5 =	sld [smem:$0x3FAB]  }
0x2b: {  	s6 =	sld [smem:$0x3FAC]  }
0x2c: {  	s7 =	sld [smem:$0x3FAD]  }
0x2d: {  	s3 =	simm.s32 $0x108;
	s8 =	sld [smem:$0x3FAE]  }
0x2e: {  	s3 =	simm.s32 @!p0 $0x1082;
	s9 =	sld [smem:$0x3FAF]  }
0x2f: {  	lr =	sadd.s32 s0, s3;
	s0 =	sld [smem:$0x3FA6]  }
0x30: {  	s3 =	sld [smem:$0x3FA9]  }
0x31: {  	[smem:$0x3FB2] =	sst s10  }
0x32: {  	s10 =	sld [smem:$0x3FB0];
	_ =	sdelay $0x3  }
0x33: {  	p0 =	seq.s32 s10, $0x1;
	s10 =	sld [smem:$0x3FB2];
	_ =	sdelay $0x3  }
0x34: {  	[smem:$0x3FB2] =	sst s10  }
0x35: {  	s10 =	sld [smem:$0x3FB1];
	_ =	sdelay $0x3  }
0x36: {  	p1 =	seq.s32 s10, $0x1;
	s10 =	sld [smem:$0x3FB2];
	_ =	sdelay $0x3  }
0x37: {  	[smem:$0x3FB2] =	sst s10  }
0x38: {  	s10 =	sld [smem:$0x3FB3]  }
0x39: {  	_ = 	snop;
	(pc) =	sbr.ind lr, $3  }
0x3a: {  	_ = 	snop  }
0x3b: {  	_ = 	snop  }
0x3c: {  	p2 =	seq.s32 s10, $0x1;
	s10 =	sld [smem:$0x3FB2]  }
0x3d: {  	_ =	shalt  }
0x3e: {  	_ =	shalt  }
0x3f: {  	_ =	shalt  }
0x40: {  	_ =	shalt  }
0x41: {  	_ =	shalt  }
0x42: {  	_ =	shalt  }
0x43: {  	_ =	shalt  }
0x44: {  	_ =	shalt  }
0x45: {  	_ =	shalt  }
0x46: {  	_ =	shalt  }
0x47: {  	_ =	shalt  }
0x48: {  	_ =	shalt  }
0x49: {  	_ =	shalt  }
0x4a: {  	_ =	shalt  }
0x4b: {  	_ =	shalt  }
0x4c: {  	_ =	shalt  }
0x4d: {  	_ =	shalt  }
0x4e: {  	_ =	shalt  }
0x4f: {  	_ =	shalt  }
0x50: {  	_ =	shalt  }
0x51: {  	_ =	shalt  }
0x52: {  	_ =	shalt  }
0x53: {  	_ =	shalt  }
0x54: {  	_ =	shalt  }
0x55: {  	_ =	shalt  }
0x56: {  	_ =	shalt  }
0x57: {  	_ =	shalt  }
0x58: {  	_ =	shalt  }
0x59: {  	_ =	shalt  }
0x5a: {  	_ =	shalt  }
0x5b: {  	_ =	shalt  }
0x5c: {  	_ =	shalt  }
0x5d: {  	_ =	shalt  }
0x5e: {  	_ =	shalt  }
0x5f: {  	_ =	shalt  }
0x60: {  	_ =	shalt  }
0x61: {  	_ =	shalt  }
0x62: {  	_ =	shalt  }
0x63: {  	_ =	shalt  }
0x64: {  	_ =	shalt  }
0x65: {  	_ =	shalt  }
0x66: {  	_ =	shalt  }
0x67: {  	_ =	shalt  }
0x68: {  	_ =	shalt  }
0x69: {  	_ =	shalt  }
0x6a: {  	_ =	shalt  }
0x6b: {  	_ =	shalt  }
0x6c: {  	_ =	shalt  }
0x6d: {  	_ =	shalt  }
0x6e: {  	_ =	shalt  }
0x6f: {  	_ =	shalt  }
0x70: {  	_ =	shalt  }
0x71: {  	_ =	shalt  }
0x72: {  	_ =	shalt  }
0x73: {  	_ =	shalt  }
0x74: {  	_ =	shalt  }
0x75: {  	_ =	shalt  }
0x76: {  	_ =	shalt  }
0x77: {  	_ =	shalt  }
0x78: {  	_ =	shalt  }
0x79: {  	_ =	shalt  }
0x7a: {  	_ =	shalt  }
0x7b: {  	_ =	shalt  }
0x7c: {  	_ =	shalt  }
0x7d: {  	_ =	shalt  }
0x7e: {  	_ =	shalt  }
0x7f: {  	_ =	shalt  }
0x80: {  	_ =	shalt  }
0x81: {  	_ =	shalt  }
0x82: {  	_ =	shalt  }
0x83: {  	_ =	shalt  }
0x84: {  	_ =	shalt  }
0x85: {  	_ =	shalt  }
0x86: {  	_ =	shalt  }
0x87: {  	_ =	shalt  }
.Lfunc_end0:
.L_simem_size_0:
called_computation_lowered:
.L_overlay_start_0:
0x88: {  	s2 =	sld [smem:$0x3FD9]  }
0x89: {  	s3 =	sld [smem:$0x3FFE];
	_ =	sdelay $0x1  }
0x8a: {  	s1 =	srdreg.scid  }
0x8b: {  	s0 =	sand.u32 $0x1, s1  }
0x8c: {  	s16 =	sshll.u32 s0, $0xA;
	s2 =	sadd.s32 s3, s2  }
0x8d: {  	s2 =	sadd.s32 s2, s16  }
0x8e: {  	[smem:$0x3FBE] =	sst s2  }
0x8f: {  	_ = 	snop  }
0x90: {  	(tm) =	ssettm $0x1  }
0x91: {  	s17 =	sld [smem:$0x3FFB];
	_ =	sdelay $0x3  }
0x92: {  	_ =	strace s17  }
0x93: {  	s2 =	sld [smem:$0x3FFC];
	_ =	sdelay $0x3  }
0x94: {  	_ =	strace s2  }
0x95: {  	s2 =	sld [smem:$0x3FFD];
	_ =	sdelay $0x3  }
0x96: {  	_ =	strace s2  }
0x97: {  	_ =	strace $0x8FFFFFFF  }
0x98: {  	s18 =	sld [smem:$0x3FDB];
	_ =	sdelay $0x1  }
0x99: {  	s19 =	simm.s32 $_scs_section_size  }
0x9a: {  	s4 =	simm.s32 $_size__tile_overlayer_lowered;
	s5 =	simm.s32 $_tile_overlayer_lowered  }
0x9b: {  	s22 =	simm.s32 $0x1BFF;
	s21 =	sshll.u32 s5, $0x1;
	s2 =	sadd.s32 s19, s18  }
0x9c: {  	s6 =	simm.s32 $0x0;
	s20 =	sshll.u32 s4, $0x1;
	s4 =	sadd.s32 s21, s2  }
0x9d: {  	[timem:s6], [sflag:s22] =	dma.local [hbm:s4], s20  }
0x9e: {  	_ =	swait.ge [sflag:s22], s20  }
0x9f: {  	s3 =	ssub.s32 $0x0, s20;
	[sflag:s22] =	ssyncset.done $0x0  }
0xa0: {  	[sflag:s22] =	ssyncadd.s32 s3;
	_ =	sdelay $0x1  }
0xa1: {  	s23 =	simm.s32 $0x1B8B  }
0xa2: {  	_ =	swait.ge [sflag:s23], $0x1  }
0xa3: {  	[sflag:s23] =	ssyncset.done $0x0  }
0xa4: {  	s25 =	simm.s32 $0x1B8E;
	s24 =	sld [smem:$0x3FFE];
	[sflag:s23] =	ssyncadd.s32 $0xFFFFFFFF  }
0xa5: {  	s26 =	simm.s32 $execute0_lowered;
	[smem:$0x3FD2] =	sst s25  }
0xa6: {  	s4 =	sshll.u32 s26, $0x1;
	_ =	strace $0x80000046;
	[dreg:$0x1] =	wrdreg $0xFFFFFFFF  }
0xa7: {  	s28 =	simm.s32 $_size_execute0_lowered;
	s2 =	sadd.s32 s2, s4;
	[dreg:$0x0] =	wrdreg $0x0  }
0xa8: {  	s4 =	sshll.u32 s28, $0x1;
	[dreg:$0x2] =	wrdreg s2  }
0xa9: {  	[dreg:$0x3] =	wrdreg s4  }
0xaa: {  	[dreg:$0x4] =	wrdreg $0xC0  }
0xab: {  	_ =	task [dreg:s6], $0x5FFFF  }
0xac: {  	[dreg:$0x1] =	wrdreg $0xFFFFFFFF  }
0xad: {  	[dreg:$0x0] =	wrdreg $0x60  }
0xae: {  	[dreg:$0x2] =	wrdreg s24  }
0xaf: {  	[dreg:$0x3] =	wrdreg $0x33400  }
0xb0: {  	[dreg:$0x4] =	wrdreg $0x9  }
0xb1: {  	_ =	task.clear_ibuf [dreg:s6], $0x5FFFF;
	_ =	strace $0x90000046  }
0xb2: {  	s29 =	simm.s32 $0x9;
	_ =	strace $0x80000048  }
0xb3: {  	_ =	swait.ge [sflag:s29], $0x1  }
0xb4: {  	[sflag:s29] =	ssyncadd.s32 $0xFFFFFFFF  }
0xb5: {  	_ =	strace $0x90000048  }
0xb6: {  	_ =	sfence  }
0xb7: {  	s30 =	sld [smem:$0x0];
	_ =	sdelay $0x2  }
0xb8: {  	s31 =	sshll.u32 s1, $0xD;
	s1 =	sshrl.u32 s1, $0x2  }
0xb9: {  	s3 =	sand.u32 $0x4000, s31;
	s1 =	sadd.s32 s1, s30  }
0xba: {  	s0 =	sor.u32 s3, s0;
	s1 =	sshll.u32 s1, $0x11  }
0xbb: {  	s0 =	sor.u32 s1, s0  }
0xbc: {  	s0 =	sadd.s32 $0x8F2B, s0  }
0xbd: {  	[sflag:s0] =	ssyncadd.remote.s32 $0x1  }
0xbe: {  	_ =	sfence.sel $0xFFFF  }
0xbf: {  	[dreg:$0x0] =	wrdreg $0xFFFFFFFF;
	(pc) =	sbr.abs _section_cstart, $3  }
0xc0: {  	[dreg:$0x1] =	wrdreg $0xFFFFFFFF  }
0xc1: {  	_ =	task.clear_ibuf [dreg:s6], $0x2FFFF;
	_ =	strace $0x9FFFFFFF  }
0xc2: {  	(tm) =	ssettm $0x7FFFFFFF  }
0xc3: {  	_ =	shalt  }
tec
execute0_lowered:
.L_overlay_start_1:
0x0: {  	(tag) =	ssettag $0x1  }
0x1: {  	s0 =	rddreg [dreg:$0x0]  }
0x2: {  	s2 =	rddreg [dreg:$0x1];
	s1 =	stileid.u32;
	s5 =	simm.s32 $0x0  }
0x3: {  	s4 =	srdreg.scid;
	s28 =	simm.s32 $0x80;
	s29 =	simm.s32 $0x2800  }
0x4: {  	s30 =	simm.s32 $0x1;
	s31 =	simm.s32 $0x0;
	s3 =	smul.u32 $0x500, s1  }
0x5: {  	[smem:$0x7FF] =	sst s5;
	s6 =	sand.u32 $0x1, s4;
	s9 =	smul.u32 $0x2700, s1  }
0x6: {  	s4 =	sadd.s32 $0x13E00, s0;
	s5 =	sadd.s32 $0xEE00, s0;
	s10 =	smul.u32 $0x9C00, s1  }
0x7: {  	p1 =	sne.s32 s1, $0xF;
	p2 =	seq.s32 s1, $0xF;
	_ =	strace $0x80000047  }
0x8: {  	s7 =	ssub.s32 $0x2, s6;
	p0 =	seq.s32 s6, $0x1;
	s3 =	sadd.s32 s3, s0  }
0x9: {  	s8 =	sshrl.u32 s7, $0x1;
	s26 =	sshrl.u32 s9, $0x3;
	s11 =	sshrl.u32 s10, $0x2  }
0xa: {  	s9 =	sadd.s32 s9, s2;
	s24 =	ssub.s32 s7, s8;
	s25 =	sadd.s32 $0x4E00, s3  }
0xb: {  	s7 =	sadd.s32 $0x27000, s2;
	s8 =	sadd.s32 s4, s26;
	s10 =	sadd.s32 $0x9E00, s3  }
0xc: {  	s11 =	sadd.s32 s11, s2;
	s12 =	sadd.s32 s5, s26;
	s26 =	simm.s32 $0x3000  }
.Ltmp0:
0xd: {  	[dreg:$0x3] =	wrdreg s25;
	s13 =	smax.u32 s24, $0x1;
	(pc) =	sbr.rel .LBB2_1-.Ltmp0, $4  }
0xe: {  	s14 =	sadd.s32 $0x340, s11;
	s15 =	sadd.s32 $0x680, s11;
	s16 =	sadd.s32 $0x9C0, s11  }
0xf: {  	s17 =	sadd.s32 $0xD00, s11;
	s18 =	sadd.s32 $0x1040, s11;
	s19 =	sadd.s32 $0x1380, s11  }
0x10: {  	s20 =	sadd.s32 $0x16C0, s11;
	s21 =	sadd.s32 $0x1A00, s11;
	s22 =	sadd.s32 $0x1D40, s11  }
0x11: {  	v0 =	vimm.f32 $1.000000000e+00;
	v1 =	vimm.f32 $0.0e+00;
	s23 =	sadd.s32 $0x2080, s11;
	s24 =	sadd.s32 $0x23C0, s11;
	s25 =	simm.s32 $0x2  }
.LBB2_14:
0x12: {  	s3 =	sadd.s32 $0x4E00, s3;
	s6 =	sshrl.u32 s7, $0x3  }
0x13: {  	[hbm:s3], [sflag:s0] =	dma.local [spmem:s6], $0x20  }
0x14: {  	_ =	swait.ge [sflag:s25], $0x20  }
0x15: {  	[sflag:s25] =	ssyncset.done $0x0  }
0x16: {  	[sflag:s25] =	ssyncadd.s32 $0xFFFFFFE0  }
.LBB2_15:
0x17: {  	s31 =	sadd.s32 $0x1, s31  }
0x18: {  	p3 =	sne.s32 s31, s13  }
.Ltmp1:
0x19: {  	_ = 	snop;
	(pc) =	sbr.rel @!p3 .LBB2_16-.Ltmp1, $1  }
0x1a: {  	_ =	sdelay $0x3  }
.LBB2_1:
.Ltmp2:
0x1b: {  	(pc) =	sbr.rel @!p0 .LBB2_2-.Ltmp2, $2  }
0x1c: {  	_ =	sdelay $0x2  }
0x1d: {  	s0 =	simm.s32 $0x0;
	s3 =	simm.s32 $0x0  }
.LBB2_8:
0x1e: {  	p3 =	sne.s32 s3, $0x1FC0  }
.Ltmp3:
0x1f: {  	_ = 	snop;
	(pc) =	sbr.rel @p3 .LBB2_8-.Ltmp3, $3  }
0x20: {  	_ =	sdelay $0x1  }
0x21: {  	s0 =	sshra.s32 s3, $0x2  }
0x22: {  	s3 =	sadd.s32 $0x40, s3;
	[tilespmem:s0+$0x2800] =	vst v0  }
0x23: {  	s0 =	simm.s32 $0x40;
	s3 =	simm.s32 $0x0  }
.LBB2_10:
0x24: {  	p3 =	sne.s32 s0, $0xCC0;
	[tilespmem:s3+$0x3000] =	vst v1;
	s3 =	smov.u32 s0;
	s0 =	sadd.s32 $0x40, s0  }
.Ltmp4:
0x25: {  	(pc) =	sbr.rel @p3 .LBB2_10-.Ltmp4, $2  }
0x26: {  	_ =	sdelay $0x2  }
0x27: {  	s3 =	sshra.s32 s3, $0x2  }
0x28: {  	[tilespmem:s3+$0x3000] =	vst v1;
	s0 =	simm.s32 $0x0  }
0x29: {  	[tilespmem:s0], [sflag:$0x2] =	stream.linear.gather [hbm4b:s10+s0], $0x2800, $0x38;
	[tilespmem:$0x5A58] =	vst v63  }
0x2a: {  	_ =	swait.ge [sflag:s25], $0x2800  }
0x2b: {  	[sflag:s25] =	ssyncset.done $0x0  }
0x2c: {  	[sflag:s25] =	ssyncadd.s32 $0xFFFFD800  }
0x2d: {  	[spmem:s11] =	stream.linear.scatter [tilespmem:s26], [sflag:$0x2], $0x340, $0x38;
	[tilespmem:$0x5A58] =	vst v63  }
0x2e: {  	_ =	swait.ge [sflag:s25], $0x340  }
0x2f: {  	[sflag:s25] =	ssyncset.done $0x0  }
0x30: {  	[sflag:s25] =	ssyncadd.s32 $0xFFFFFCC0  }
0x31: {  	[spmem:s14] =	stream.linear.scatter [tilespmem:s26], [sflag:$0x2], $0x340, $0x38;
	[tilespmem:$0x5A58] =	vst v63  }
0x32: {  	_ =	swait.ge [sflag:s25], $0x340  }
0x33: {  	[sflag:s25] =	ssyncset.done $0x0  }
0x34: {  	[sflag:s25] =	ssyncadd.s32 $0xFFFFFCC0  }
0x35: {  	[spmem:s15] =	stream.linear.scatter [tilespmem:s26], [sflag:$0x2], $0x340, $0x38;
	[tilespmem:$0x5A58] =	vst v63  }
0x36: {  	_ =	swait.ge [sflag:s25], $0x340  }
0x37: {  	[sflag:s25] =	ssyncset.done $0x0  }
0x38: {  	[sflag:s25] =	ssyncadd.s32 $0xFFFFFCC0  }
0x39: {  	[spmem:s16] =	stream.linear.scatter [tilespmem:s26], [sflag:$0x2], $0x340, $0x38;
	[tilespmem:$0x5A58] =	vst v63  }
0x3a: {  	_ =	swait.ge [sflag:s25], $0x340  }
0x3b: {  	[sflag:s25] =	ssyncset.done $0x0  }
0x3c: {  	[sflag:s25] =	ssyncadd.s32 $0xFFFFFCC0  }
0x3d: {  	[spmem:s17] =	stream.linear.scatter [tilespmem:s26], [sflag:$0x2], $0x340, $0x38;
	[tilespmem:$0x5A58] =	vst v63  }
0x3e: {  	_ =	swait.ge [sflag:s25], $0x340  }
0x3f: {  	[sflag:s25] =	ssyncset.done $0x0  }
0x40: {  	[sflag:s25] =	ssyncadd.s32 $0xFFFFFCC0  }
0x41: {  	[spmem:s18] =	stream.linear.scatter [tilespmem:s26], [sflag:$0x2], $0x340, $0x38;
	[tilespmem:$0x5A58] =	vst v63  }
0x42: {  	_ =	swait.ge [sflag:s25], $0x340  }
0x43: {  	[sflag:s25] =	ssyncset.done $0x0  }
0x44: {  	[sflag:s25] =	ssyncadd.s32 $0xFFFFFCC0  }
0x45: {  	[spmem:s19] =	stream.linear.scatter [tilespmem:s26], [sflag:$0x2], $0x340, $0x38;
	[tilespmem:$0x5A58] =	vst v63  }
0x46: {  	_ =	swait.ge [sflag:s25], $0x340  }
0x47: {  	[sflag:s25] =	ssyncset.done $0x0  }
0x48: {  	[sflag:s25] =	ssyncadd.s32 $0xFFFFFCC0  }
0x49: {  	[spmem:s20] =	stream.linear.scatter [tilespmem:s26], [sflag:$0x2], $0x340, $0x38;
	[tilespmem:$0x5A58] =	vst v63  }
0x4a: {  	_ =	swait.ge [sflag:s25], $0x340  }
0x4b: {  	[sflag:s25] =	ssyncset.done $0x0  }
0x4c: {  	[sflag:s25] =	ssyncadd.s32 $0xFFFFFCC0  }
0x4d: {  	[spmem:s21] =	stream.linear.scatter [tilespmem:s26], [sflag:$0x2], $0x340, $0x38;
	[tilespmem:$0x5A58] =	vst v63  }
0x4e: {  	_ =	swait.ge [sflag:s25], $0x340  }
0x4f: {  	[sflag:s25] =	ssyncset.done $0x0  }
0x50: {  	[sflag:s25] =	ssyncadd.s32 $0xFFFFFCC0  }
0x51: {  	[spmem:s22] =	stream.linear.scatter [tilespmem:s26], [sflag:$0x2], $0x340, $0x38;
	[tilespmem:$0x5A58] =	vst v63  }
0x52: {  	_ =	swait.ge [sflag:s25], $0x340  }
0x53: {  	[sflag:s25] =	ssyncset.done $0x0  }
0x54: {  	[sflag:s25] =	ssyncadd.s32 $0xFFFFFCC0  }
0x55: {  	[spmem:s23] =	stream.linear.scatter [tilespmem:s26], [sflag:$0x2], $0x340, $0x38;
	[tilespmem:$0x5A58] =	vst v63  }
0x56: {  	_ =	swait.ge [sflag:s25], $0x340  }
0x57: {  	[sflag:s25] =	ssyncset.done $0x0  }
0x58: {  	[sflag:s25] =	ssyncadd.s32 $0xFFFFFCC0  }
0x59: {  	[spmem:s24] =	stream.linear.scatter [tilespmem:s26], [sflag:$0x2], $0x340, $0x38;
	[tilespmem:$0x5A58] =	vst v63  }
0x5a: {  	_ =	swait.ge [sflag:s25], $0x340  }
0x5b: {  	[sflag:s25] =	ssyncset.done $0x0  }
0x5c: {  	s0 =	simm.s32 @!p1 $0x3000;
	[sflag:s25] =	ssyncadd.s32 $0xFFFFFCC0  }
0x5d: {  	[spmem:s7] =	stream.linear.scatter @!p1 [tilespmem:s0], [sflag:$0x2], $0x100, $0x38;
	[tilespmem:$0x5A58] =	vst v63  }
0x5e: {  	s0 =	simm.s32 @!p1 $0x2  }
0x5f: {  	_ =	swait.ge @!p1 [sflag:s0], $0x100  }
0x60: {  	[sflag:s0] =	ssyncset.done @!p1 $0x0  }
0x61: {  	p3 =	por $0x1, $0x1;
	[sflag:s0] =	ssyncadd.s32 @!p1 $0xFFFFFF00  }
0x62: {  	s6 =	simm.s32 @!p3 $0x1;
	s0 =	simm.s32 $0x0;
	[bflag:$0x0] =	sbarrier.arrive $0xFFFF  }
0x63: {  	[spmem:s2] =	stream.indirect.scatter.add.f32 [tilespmem:s29], [sflag:$0x1], $0x10, s0, s28, $0xb8;
	[tilespmem:$0x5A58] =	vst v63  }
0x64: {  	_ =	swait.ge @!p3 [sflag:s6], $0x800  }
0x65: {  	s3 =	simm.s32 $0x1;
	[sflag:s6] =	ssyncset.done @!p3 $0x0  }
.LBB2_12:
0x66: {  	[sflag:s6] =	ssyncadd.s32 @!p3 $0xFFFFF800  }
0x67: {  	s0 =	sadd.s32 $0x80, s0;
	s6 =	smov.u32 s3;
	s3 =	sadd.s32 $0x1, s3  }
0x68: {  	p4 =	sne.s32 s3, $0x50  }
0x69: {  	[spmem:s2] =	stream.indirect.scatter.add.f32 [tilespmem:s29], [sflag:$0x1], $0x10, s0, s28, $0xb8;
	[tilespmem:$0x5A58] =	vst v63  }
.Ltmp5:
0x6a: {  	_ = 	snop;
	(pc) =	sbr.rel @p4 .LBB2_12-.Ltmp5, $4  }
0x6b: {  	p3 =	slt.u32 s6, $0x8  }
0x6c: {  	s6 =	simm.s32 @!p3 $0x1  }
0x6d: {  	_ =	swait.ge @!p3 [sflag:s6], $0x800  }
0x6e: {  	[sflag:s6] =	ssyncset.done @!p3 $0x0  }
0x6f: {  	[sflag:s6] =	ssyncadd.s32 @!p3 $0xFFFFF800  }
0x70: {  	_ =	swait.ge [sflag:s30], $0x800  }
0x71: {  	[sflag:s30] =	ssyncset.done $0x0  }
0x72: {  	[sflag:s30] =	ssyncadd.s32 $0xFFFFF800  }
0x73: {  	_ =	swait.ge [sflag:s30], $0x800  }
0x74: {  	[sflag:s30] =	ssyncset.done $0x0  }
0x75: {  	[sflag:s30] =	ssyncadd.s32 $0xFFFFF800  }
0x76: {  	_ =	swait.ge [sflag:s30], $0x800  }
0x77: {  	[sflag:s30] =	ssyncset.done $0x0  }
0x78: {  	[sflag:s30] =	ssyncadd.s32 $0xFFFFF800  }
0x79: {  	_ =	swait.ge [sflag:s30], $0x800  }
0x7a: {  	[sflag:s30] =	ssyncset.done $0x0  }
0x7b: {  	[sflag:s30] =	ssyncadd.s32 $0xFFFFF800  }
0x7c: {  	_ =	swait.ge [sflag:s30], $0x800  }
0x7d: {  	[sflag:s30] =	ssyncset.done $0x0  }
0x7e: {  	[sflag:s30] =	ssyncadd.s32 $0xFFFFF800  }
0x7f: {  	_ =	swait.ge [sflag:s30], $0x800  }
0x80: {  	[sflag:s30] =	ssyncset.done $0x0  }
0x81: {  	[sflag:s30] =	ssyncadd.s32 $0xFFFFF800  }
0x82: {  	_ =	swait.ge [sflag:s30], $0x800  }
0x83: {  	[sflag:s30] =	ssyncset.done $0x0  }
0x84: {  	[sflag:s30] =	ssyncadd.s32 $0xFFFFF800  }
0x85: {  	_ =	swait.ge [sflag:s30], $0x800  }
0x86: {  	[sflag:s30] =	ssyncset.done $0x0  }
0x87: {  	s0 =	sshll.u32 s1, $0x6;
	[sflag:s30] =	ssyncadd.s32 $0xFFFFF800  }
0x88: {  	s3 =	sshrl.u32 s9, $0x3;
	s0 =	sor.u32 $0x1C02, s0;
	[bflag:$0x0] =	sbarrier.arrive $0xFFFF  }
0x89: {  	[hbm:s12], [sflag:s0] =	dma.local [spmem:s3], $0x4E0  }
.Ltmp6:
0x8a: {  	_ = 	snop;
	(pc) =	sbr.rel @p1 .LBB2_15-.Ltmp6, $4  }
.Ltmp7:
0x8b: {  	_ = 	snop;
	(pc) =	sbr.rel @!p1 .LBB2_14-.Ltmp7, $4  }
0x8c: {  	_ =	swait.ge [sflag:s25], $0x4E0  }
0x8d: {  	[sflag:s25] =	ssyncset.done $0x0  }
0x8e: {  	s3 =	smov.u32 s5;
	[sflag:s25] =	ssyncadd.s32 $0xFFFFFB20  }
0x8f: {  	_ = 	snop  }
.LBB2_2:
0x90: {  	p3 =	sne.s32 s0, $0x1FC0  }
.Ltmp8:
0x91: {  	_ = 	snop;
	(pc) =	sbr.rel @p3 .LBB2_2-.Ltmp8, $3  }
0x92: {  	_ =	sdelay $0x1  }
0x93: {  	s3 =	sshra.s32 s0, $0x2  }
0x94: {  	s0 =	sadd.s32 $0x40, s0;
	[tilespmem:s3+$0x2800] =	vst v0  }
0x95: {  	s0 =	simm.s32 $0x40;
	s3 =	simm.s32 $0x0  }
.LBB2_4:
0x96: {  	p3 =	sne.s32 s0, $0xCC0;
	[tilespmem:s3+$0x3000] =	vst v1;
	s3 =	smov.u32 s0;
	s0 =	sadd.s32 $0x40, s0  }
.Ltmp9:
0x97: {  	(pc) =	sbr.rel @p3 .LBB2_4-.Ltmp9, $2  }
0x98: {  	_ =	sdelay $0x2  }
0x99: {  	s3 =	sshra.s32 s3, $0x2  }
0x9a: {  	[tilespmem:s3+$0x3000] =	vst v1;
	s0 =	simm.s32 $0x0;
	s6 =	rddreg [dreg:$0x3]  }
0x9b: {  	[tilespmem:s0], [sflag:$0x2] =	stream.linear.gather [hbm4b:s6+s0], $0x2800, $0x38;
	[tilespmem:$0x5A58] =	vst v63  }
0x9c: {  	_ =	swait.ge [sflag:s25], $0x2800  }
0x9d: {  	[sflag:s25] =	ssyncset.done $0x0  }
0x9e: {  	[sflag:s25] =	ssyncadd.s32 $0xFFFFD800  }
0x9f: {  	[spmem:s11] =	stream.linear.scatter [tilespmem:s26], [sflag:$0x2], $0x340, $0x38;
	[tilespmem:$0x5A58] =	vst v63  }
0xa0: {  	_ =	swait.ge [sflag:s25], $0x340  }
0xa1: {  	[sflag:s25] =	ssyncset.done $0x0  }
0xa2: {  	[sflag:s25] =	ssyncadd.s32 $0xFFFFFCC0  }
0xa3: {  	[spmem:s14] =	stream.linear.scatter [tilespmem:s26], [sflag:$0x2], $0x340, $0x38;
	[tilespmem:$0x5A58] =	vst v63  }
0xa4: {  	_ =	swait.ge [sflag:s25], $0x340  }
0xa5: {  	[sflag:s25] =	ssyncset.done $0x0  }
0xa6: {  	[sflag:s25] =	ssyncadd.s32 $0xFFFFFCC0  }
0xa7: {  	[spmem:s15] =	stream.linear.scatter [tilespmem:s26], [sflag:$0x2], $0x340, $0x38;
	[tilespmem:$0x5A58] =	vst v63  }
0xa8: {  	_ =	swait.ge [sflag:s25], $0x340  }
0xa9: {  	[sflag:s25] =	ssyncset.done $0x0  }
0xaa: {  	[sflag:s25] =	ssyncadd.s32 $0xFFFFFCC0  }
0xab: {  	[spmem:s16] =	stream.linear.scatter [tilespmem:s26], [sflag:$0x2], $0x340, $0x38;
	[tilespmem:$0x5A58] =	vst v63  }
0xac: {  	_ =	swait.ge [sflag:s25], $0x340  }
0xad: {  	[sflag:s25] =	ssyncset.done $0x0  }
0xae: {  	[sflag:s25] =	ssyncadd.s32 $0xFFFFFCC0  }
0xaf: {  	[spmem:s17] =	stream.linear.scatter [tilespmem:s26], [sflag:$0x2], $0x340, $0x38;
	[tilespmem:$0x5A58] =	vst v63  }
0xb0: {  	_ =	swait.ge [sflag:s25], $0x340  }
0xb1: {  	[sflag:s25] =	ssyncset.done $0x0  }
0xb2: {  	[sflag:s25] =	ssyncadd.s32 $0xFFFFFCC0  }
0xb3: {  	[spmem:s18] =	stream.linear.scatter [tilespmem:s26], [sflag:$0x2], $0x340, $0x38;
	[tilespmem:$0x5A58] =	vst v63  }
0xb4: {  	_ =	swait.ge [sflag:s25], $0x340  }
0xb5: {  	[sflag:s25] =	ssyncset.done $0x0  }
0xb6: {  	[sflag:s25] =	ssyncadd.s32 $0xFFFFFCC0  }
0xb7: {  	[spmem:s19] =	stream.linear.scatter [tilespmem:s26], [sflag:$0x2], $0x340, $0x38;
	[tilespmem:$0x5A58] =	vst v63  }
0xb8: {  	_ =	swait.ge [sflag:s25], $0x340  }
0xb9: {  	[sflag:s25] =	ssyncset.done $0x0  }
0xba: {  	[sflag:s25] =	ssyncadd.s32 $0xFFFFFCC0  }
0xbb: {  	[spmem:s20] =	stream.linear.scatter [tilespmem:s26], [sflag:$0x2], $0x340, $0x38;
	[tilespmem:$0x5A58] =	vst v63  }
0xbc: {  	_ =	swait.ge [sflag:s25], $0x340  }
0xbd: {  	[sflag:s25] =	ssyncset.done $0x0  }
0xbe: {  	[sflag:s25] =	ssyncadd.s32 $0xFFFFFCC0  }
0xbf: {  	[spmem:s21] =	stream.linear.scatter [tilespmem:s26], [sflag:$0x2], $0x340, $0x38;
	[tilespmem:$0x5A58] =	vst v63  }
0xc0: {  	_ =	swait.ge [sflag:s25], $0x340  }
0xc1: {  	[sflag:s25] =	ssyncset.done $0x0  }
0xc2: {  	[sflag:s25] =	ssyncadd.s32 $0xFFFFFCC0  }
0xc3: {  	[spmem:s22] =	stream.linear.scatter [tilespmem:s26], [sflag:$0x2], $0x340, $0x38;
	[tilespmem:$0x5A58] =	vst v63  }
0xc4: {  	_ =	swait.ge [sflag:s25], $0x340  }
0xc5: {  	[sflag:s25] =	ssyncset.done $0x0  }
0xc6: {  	[sflag:s25] =	ssyncadd.s32 $0xFFFFFCC0  }
0xc7: {  	[spmem:s23] =	stream.linear.scatter [tilespmem:s26], [sflag:$0x2], $0x340, $0x38;
	[tilespmem:$0x5A58] =	vst v63  }
0xc8: {  	_ =	swait.ge [sflag:s25], $0x340  }
0xc9: {  	[sflag:s25] =	ssyncset.done $0x0  }
0xca: {  	[sflag:s25] =	ssyncadd.s32 $0xFFFFFCC0  }
0xcb: {  	[spmem:s24] =	stream.linear.scatter [tilespmem:s26], [sflag:$0x2], $0x340, $0x38;
	[tilespmem:$0x5A58] =	vst v63  }
0xcc: {  	_ =	swait.ge [sflag:s25], $0x340  }
0xcd: {  	[sflag:s25] =	ssyncset.done $0x0  }
0xce: {  	s0 =	simm.s32 @!p1 $0x3000;
	[sflag:s25] =	ssyncadd.s32 $0xFFFFFCC0  }
0xcf: {  	[spmem:s7] =	stream.linear.scatter @!p1 [tilespmem:s0], [sflag:$0x2], $0x100, $0x38;
	[tilespmem:$0x5A58] =	vst v63  }
0xd0: {  	s0 =	simm.s32 @!p1 $0x2  }
0xd1: {  	_ =	swait.ge @!p1 [sflag:s0], $0x100  }
0xd2: {  	[sflag:s0] =	ssyncset.done @!p1 $0x0  }
0xd3: {  	p3 =	por $0x1, $0x1;
	[sflag:s0] =	ssyncadd.s32 @!p1 $0xFFFFFF00  }
0xd4: {  	s6 =	simm.s32 @!p3 $0x1;
	s0 =	simm.s32 $0x0;
	[bflag:$0x0] =	sbarrier.arrive $0xFFFF  }
0xd5: {  	[spmem:s2] =	stream.indirect.scatter.add.f32 [tilespmem:s29], [sflag:$0x1], $0x10, s0, s28, $0xb8;
	[tilespmem:$0x5A58] =	vst v63  }
0xd6: {  	_ =	swait.ge @!p3 [sflag:s6], $0x800  }
0xd7: {  	s3 =	simm.s32 $0x1;
	[sflag:s6] =	ssyncset.done @!p3 $0x0  }
.LBB2_6:
0xd8: {  	[sflag:s6] =	ssyncadd.s32 @!p3 $0xFFFFF800  }
0xd9: {  	s0 =	sadd.s32 $0x80, s0;
	s6 =	smov.u32 s3;
	s3 =	sadd.s32 $0x1, s3  }
0xda: {  	p4 =	sne.s32 s3, $0x50  }
0xdb: {  	[spmem:s2] =	stream.indirect.scatter.add.f32 [tilespmem:s29], [sflag:$0x1], $0x10, s0, s28, $0xb8;
	[tilespmem:$0x5A58] =	vst v63  }
.Ltmp10:
0xdc: {  	_ = 	snop;
	(pc) =	sbr.rel @p4 .LBB2_6-.Ltmp10, $4  }
0xdd: {  	p3 =	slt.u32 s6, $0x8  }
0xde: {  	s6 =	simm.s32 @!p3 $0x1  }
0xdf: {  	_ =	swait.ge @!p3 [sflag:s6], $0x800  }
0xe0: {  	[sflag:s6] =	ssyncset.done @!p3 $0x0  }
0xe1: {  	[sflag:s6] =	ssyncadd.s32 @!p3 $0xFFFFF800  }
0xe2: {  	_ =	swait.ge [sflag:s30], $0x800  }
0xe3: {  	[sflag:s30] =	ssyncset.done $0x0  }
0xe4: {  	[sflag:s30] =	ssyncadd.s32 $0xFFFFF800  }
0xe5: {  	_ =	swait.ge [sflag:s30], $0x800  }
0xe6: {  	[sflag:s30] =	ssyncset.done $0x0  }
0xe7: {  	[sflag:s30] =	ssyncadd.s32 $0xFFFFF800  }
0xe8: {  	_ =	swait.ge [sflag:s30], $0x800  }
0xe9: {  	[sflag:s30] =	ssyncset.done $0x0  }
0xea: {  	[sflag:s30] =	ssyncadd.s32 $0xFFFFF800  }
0xeb: {  	_ =	swait.ge [sflag:s30], $0x800  }
0xec: {  	[sflag:s30] =	ssyncset.done $0x0  }
0xed: {  	[sflag:s30] =	ssyncadd.s32 $0xFFFFF800  }
0xee: {  	_ =	swait.ge [sflag:s30], $0x800  }
0xef: {  	[sflag:s30] =	ssyncset.done $0x0  }
0xf0: {  	[sflag:s30] =	ssyncadd.s32 $0xFFFFF800  }
0xf1: {  	_ =	swait.ge [sflag:s30], $0x800  }
0xf2: {  	[sflag:s30] =	ssyncset.done $0x0  }
0xf3: {  	[sflag:s30] =	ssyncadd.s32 $0xFFFFF800  }
0xf4: {  	_ =	swait.ge [sflag:s30], $0x800  }
0xf5: {  	[sflag:s30] =	ssyncset.done $0x0  }
0xf6: {  	[sflag:s30] =	ssyncadd.s32 $0xFFFFF800  }
0xf7: {  	_ =	swait.ge [sflag:s30], $0x800  }
0xf8: {  	[sflag:s30] =	ssyncset.done $0x0  }
0xf9: {  	s0 =	sshll.u32 s1, $0x6;
	[sflag:s30] =	ssyncadd.s32 $0xFFFFF800  }
0xfa: {  	s3 =	sshrl.u32 s9, $0x3;
	s0 =	sor.u32 $0x1C02, s0;
	[bflag:$0x0] =	sbarrier.arrive $0xFFFF  }
0xfb: {  	[hbm:s8], [sflag:s0] =	dma.local [spmem:s3], $0x4E0  }
.Ltmp11:
0xfc: {  	_ = 	snop;
	(pc) =	sbr.rel @p2 .LBB2_14-.Ltmp11, $4  }
.Ltmp12:
0xfd: {  	_ = 	snop;
	(pc) =	sbr.rel @!p2 .LBB2_15-.Ltmp12, $4  }
0xfe: {  	_ =	swait.ge [sflag:s25], $0x4E0  }
0xff: {  	[sflag:s25] =	ssyncset.done $0x0  }
0x100: {  	s3 =	smov.u32 s4;
	[sflag:s25] =	ssyncadd.s32 $0xFFFFFB20  }
0x101: {  	_ = 	snop  }
.LBB2_16:
0x102: {  	_ =	sfence.sel $0x180000  }
0x103: {  	[bflag:$0x0] =	sbarrier.arrive $0xFFFF  }
0x104: {  	_ =	strace $0x90000047  }
0x105: {  	[bflag:$0x2] =	sbarrier.arrive $0xFFFF  }
0x106: {  	p0 =	sne.s32 s1, $0x0;
	s0 =	rddreg [dreg:$0x2]  }
0x107: {  	s0 =	sadd.s32 @!p0 $0x100000, s0  }
0x108: {  	[sflag:s0] =	ssyncadd.tile.s32 @!p0 $0x1;
	_ =	shalt  }
.Lfunc_end2:
_tile_overlayer_lowered:
.L_overlay_start_2:
0x109: {  	(tag) =	ssettag $0x2  }
0x10a: {  	s0 =	rddreg [dreg:$0x0];
	s2 =	stileid.u32  }
0x10b: {  	s1 =	rddreg [dreg:$0x1];
	p0 =	sne.s32 s2, $0x0  }
0x10c: {  	s3 =	rddreg [dreg:$0x2];
	[bflag:$0x3] =	sbarrier.arrive $0xFFFF;
	s2 =	simm.s32 @!p0 $0x1C02  }
0x10d: {  	[timem:s3], [sflag:s2] =	dma.local @!p0 [hbm:s0], s1  }
0x10e: {  	s0 =	simm.s32 @!p0 $0x2  }
0x10f: {  	_ =	swait.ge @!p0 [sflag:s0], s1  }
0x110: {  	s1 =	ssub.s32 @!p0 $0x0, s1;
	[sflag:s0] =	ssyncset.done @!p0 $0x0  }
0x111: {  	[sflag:s0] =	ssyncadd.s32 @!p0 s1  }
0x112: {  	[bflag:$0x3] =	sbarrier.arrive $0xFFFF  }
0x113: {  	_ =	shalt  }

</sc_bundles>
